<compile_context>
chip_gen: v7x
topology: tpu7x:2x2x1
jax: 0.10.2.dev20260603
libtpu: 0.0.44.dev20260713+nightly
codegen_flags: <defaults>
</compile_context>

<pallas_src>
import jax
import jax.numpy as jnp
from jax import lax
from jax.experimental import pallas as pl
from jax.experimental.pallas import tpu as pltpu
import jax.experimental.pallas.tpu_sc as plsc

MAXLEN = 200
EMBED = 64
NUM_CORES = 2
NUM_SUBCORES = 16
NUM_WORKERS = NUM_CORES * NUM_SUBCORES
LANES = 16
NSLOT = 5
BSLAB = 128


def _body(xt_ref, tok_ref, pos_ref, out_ref, idx_v, rows_v, outt_v, pos_v,
          gsem, osem, isem):
  wid = lax.axis_index("s") * NUM_CORES + lax.axis_index("c")
  n_chunks = MAXLEN

  def idx_start(tt):
    return pltpu.async_copy(
        xt_ref.at[tt, wid], idx_v.at[lax.rem(tt, 2)], isem.at[lax.rem(tt, 2)])

  def idx_wait(tt):
    pltpu.make_async_copy(
        xt_ref.at[tt, wid], idx_v.at[lax.rem(tt, 2)],
        isem.at[lax.rem(tt, 2)]).wait()

  def gather_start(c, s):
    pltpu.async_copy(
        tok_ref.at[idx_v.at[lax.rem(c // 8, 2), lax.rem(c, 8)]],
        rows_v.at[s], gsem.at[s])

  def gather_wait(c, s):
    pltpu.make_async_copy(
        tok_ref.at[idx_v.at[lax.rem(c // 8, 2), lax.rem(c, 8)]],
        rows_v.at[s], gsem.at[s]).wait()

  def out_start(c, s):
    return pltpu.async_copy(
        outt_v.at[s, :, :, pl.ds(0, BSLAB)], out_ref.at[c, :, wid],
        osem.at[s])

  def out_wait(c, s):
    pltpu.make_async_copy(
        outt_v.at[s, :, :, pl.ds(0, BSLAB)], out_ref.at[c, :, wid],
        osem.at[s]).wait()

  pltpu.sync_copy(pos_ref, pos_v)

  zi = jnp.zeros((LANES,), jnp.int32)
  dts, dis = [], []
  for g in range(EMBED // LANES):
    dg = lax.iota(jnp.int32, LANES) + g * LANES
    dts.append(dg // 8)
    dis.append(lax.rem(dg, 8))

  idx_start(0)
  idx_start(1)
  idx_wait(0)
  for s in range(2):
    gather_start(s, s)

  def outer(c4, carry):
    for s in range(NSLOT):
      c = c4 * NSLOT + s
      s2 = (s + 2) % NSLOT

      @pl.when((c + 2 < n_chunks) & (lax.rem(c + 2, 8) == 0))
      def _():
        idx_wait((c + 2) // 8)

      @pl.when(c + 2 < n_chunks)
      def _():
        gather_start(c + 2, s2)

      gather_wait(c, s)

      @pl.when(c >= NSLOT)
      def _():
        out_wait(c - NSLOT, s)

      rows_s = rows_v.at[s]
      outt_s = outt_v.at[s]
      pvecs = [pos_v[c, pl.ds(g * LANES, LANES)]
               for g in range(EMBED // LANES)]

      @plsc.parallel_loop(0, BSLAB, unroll=16)
      def _(j):
        col = j + zi
        for g in range(EMBED // LANES):
          v = rows_s[j, pl.ds(g * LANES, LANES)]
          plsc.store_scatter(outt_s, [dts[g], dis[g], col], v + pvecs[g])

      out_start(c, s)

      @pl.when((lax.rem(c, 8) == 7) & (c + 9 < n_chunks - 7))
      def _():
        idx_start((c + 1) // 8 + 1)
    return carry

  lax.fori_loop(0, n_chunks // NSLOT, outer, None)

  for s in range(NSLOT):
    out_wait(n_chunks - NSLOT + s, s)


def kernel(x, token_table, pos_table):
  batch, maxlen = x.shape
  xt4 = (jnp.transpose(x.astype(jnp.int32))
         .reshape(maxlen // 8, 8, batch // BSLAB, BSLAB)
         .transpose(0, 2, 1, 3))
  mesh = plsc.VectorSubcoreMesh(core_axis_name="c", subcore_axis_name="s")
  out5 = pl.kernel(
      _body,
      out_type=jax.ShapeDtypeStruct(
          (maxlen, EMBED // 8, batch // BSLAB, 8, BSLAB), jnp.float32),
      mesh=mesh,
      compiler_params=pltpu.CompilerParams(use_tc_tiling_on_sc=False, needs_layout_passes=False),
      scratch_types=[
          pltpu.VMEM((2, 8, BSLAB), jnp.int32),
          pltpu.VMEM((NSLOT, BSLAB, EMBED), jnp.float32),
          pltpu.VMEM((NSLOT, EMBED // 8, 8, BSLAB + 1), jnp.float32),
          pltpu.VMEM((MAXLEN, EMBED), jnp.float32),
          pltpu.SemaphoreType.DMA((NSLOT,)),
          pltpu.SemaphoreType.DMA((NSLOT,)),
          pltpu.SemaphoreType.DMA((2,)),
      ],
  )(xt4, token_table, pos_table)
  return jnp.transpose(out5, (2, 4, 0, 1, 3)).reshape(batch, maxlen, EMBED)

# --- scband reference (transcript-rebuilt; emitter-appended) ---
"""Pipeline reference for scband-token-and-position-embedding-57372173140536 (READ-ONLY COPY).

The authoritative reference and input builder live on the scoring server;
editing this copy changes nothing except your own understanding.
"""

import jax, jax.numpy as jnp
import numpy as np

MAXLEN = 200
VOCAB_SIZE = 100000
EMBED_DIM = 64
BATCH = 4096

def setup_inputs(seed: int = 0) -> dict:
    key = jax.random.key(seed)
    k1, k2, k3 = jax.random.split(key, 3)
    x = jax.random.randint(k1, (BATCH, MAXLEN), 0, VOCAB_SIZE, dtype=jnp.int64 if jax.config.jax_enable_x64 else jnp.int32)
    token_table = jax.random.normal(k2, (VOCAB_SIZE, EMBED_DIM), dtype=jnp.float32) * 0.05
    pos_table = jax.random.normal(k3, (MAXLEN, EMBED_DIM), dtype=jnp.float32) * 0.05
    return {"x": x, "token_table": token_table, "pos_table": pos_table}

def reference(x, token_table, pos_table):
    maxlen = x.shape[-1]
    positions = jnp.arange(0, maxlen)
    pos_embedded = jnp.take(pos_table, positions, axis=0)  # [maxlen, embed_dim]
    tok_embedded = jnp.take(token_table, x, axis=0)        # [batch, maxlen, embed_dim]
    return tok_embedded + pos_embedded

if __name__ == "__main__":
    import jax
    _d = setup_inputs()
    print(jax.jit(kernel)(*tuple(_d.values())))

</pallas_src>

<mosaic_0001>
#map = affine_map<(d0, d1) -> (0, 0, 0, 0)>
#map1 = affine_map<(d0, d1) -> (0, 0)>
#map2 = affine_map<(d0, d1) -> (0, 0, 0, 0, 0)>
module attributes {stable_mosaic.version = 14 : i64} {
  func.func @_body(%arg0: i32, %arg1: i32, %arg2: memref<25x32x8x128xi32, #tpu.memory_space<hbm>>, %arg3: memref<100000x64xf32, #tpu.memory_space<hbm>>, %arg4: memref<200x64xf32, #tpu.memory_space<hbm>>, %arg5: memref<200x8x32x8x128xf32, #tpu.memory_space<hbm>>, %arg6: memref<2x8x128xi32, #tpu.memory_space<vmem>>, %arg7: memref<5x128x64xf32, #tpu.memory_space<vmem>>, %arg8: memref<5x8x8x129xf32, #tpu.memory_space<vmem>>, %arg9: memref<200x64xf32, #tpu.memory_space<vmem>>, %arg10: memref<5x!tpu.dma_semaphore, #tpu.memory_space<semaphore_mem>>, %arg11: memref<5x!tpu.dma_semaphore, #tpu.memory_space<semaphore_mem>>, %arg12: memref<2x!tpu.dma_semaphore, #tpu.memory_space<semaphore_mem>>) attributes {dimension_semantics = [#tpu.dimension_semantics<core_parallel>, #tpu.dimension_semantics<subcore_parallel>], iteration_bounds = array<i64: 2, 16>, scalar_prefetch = 0 : i64, scratch_operands = 7 : i64, tpu.core_type = #tpu.core_type<sc_vector_subcore>, window_params = [{transform_indices = #map}, {transform_indices = #map1}, {transform_indices = #map1}, {transform_indices = #map2}]} {
    %mul3A = arith.constant 2 : i32
    %mul3A_0 = arith.muli %arg1, %mul3A : i32
    %add3A = arith.addi %mul3A_0, %arg0 : i32
    "tpu.region"() ({
      %run_scoped3A = tpu.sem_alloc : memref<!tpu.dma_semaphore, #tpu.memory_space<semaphore_mem>>
      tpu.enqueue_dma source(%arg4 : memref<200x64xf32, #tpu.memory_space<hbm>>) target(%arg9 : memref<200x64xf32, #tpu.memory_space<vmem>>) target_semaphore(%run_scoped3A : memref<!tpu.dma_semaphore, #tpu.memory_space<semaphore_mem>>)
      tpu.wait_dma2 semaphore(%run_scoped3A : memref<!tpu.dma_semaphore, #tpu.memory_space<semaphore_mem>>) src(%arg4 : memref<200x64xf32, #tpu.memory_space<hbm>>) dst(%arg9 : memref<200x64xf32, #tpu.memory_space<vmem>>)
      tpu.yield
    }) : () -> ()
    %broadcast_in_dim3A = arith.constant 0 : i32
    %broadcast_in_dim3A_1 = vector.broadcast %broadcast_in_dim3A : i32 to vector<16xi32>
    %iota3A = tpu.iota {dimensions = array<i32: 0>} : vector<16xi32>
    %add3A_2 = arith.constant 0 : i32
    %add3A_3 = vector.broadcast %add3A_2 : i32 to vector<16xi32>
    %add3A_4 = arith.addi %iota3A, %add3A_3 : vector<16xi32>
    %jit3A = arith.constant 8 : i32
    %div3A = vector.broadcast %jit3A : i32 to vector<16xi32>
    %div3A_5 = arith.divsi %add3A_4, %div3A : vector<16xi32>
    %sign3A = arith.constant 0 : i32
    %sign3A_6 = vector.broadcast %sign3A : i32 to vector<16xi32>
    %sign3A_7 = arith.cmpi sgt, %add3A_4, %sign3A_6 : vector<16xi32>
    %sign3A_8 = arith.extui %sign3A_7 : vector<16xi1> to vector<16xi32>
    %sign3A_9 = arith.constant 0 : i32
    %sign3A_10 = vector.broadcast %sign3A_9 : i32 to vector<16xi32>
    %sign3A_11 = arith.cmpi slt, %add3A_4, %sign3A_10 : vector<16xi32>
    %sign3A_12 = arith.extui %sign3A_11 : vector<16xi1> to vector<16xi32>
    %sign3A_13 = arith.subi %sign3A_8, %sign3A_12 : vector<16xi32>
    %sign3A_14 = arith.constant 0 : i32
    %sign3A_15 = arith.cmpi sgt, %jit3A, %sign3A_14 : i32
    %sign3A_16 = arith.extui %sign3A_15 : i1 to i32
    %sign3A_17 = arith.constant 0 : i32
    %sign3A_18 = arith.cmpi slt, %jit3A, %sign3A_17 : i32
    %sign3A_19 = arith.extui %sign3A_18 : i1 to i32
    %sign3A_20 = arith.subi %sign3A_16, %sign3A_19 : i32
    %ne3A = vector.broadcast %sign3A_20 : i32 to vector<16xi32>
    %ne3A_21 = arith.cmpi ne, %sign3A_13, %ne3A : vector<16xi32>
    %rem3A = vector.broadcast %jit3A : i32 to vector<16xi32>
    %rem3A_22 = arith.remsi %add3A_4, %rem3A : vector<16xi32>
    %ne3A_23 = arith.constant 0 : i32
    %ne3A_24 = vector.broadcast %ne3A_23 : i32 to vector<16xi32>
    %ne3A_25 = arith.cmpi ne, %rem3A_22, %ne3A_24 : vector<16xi32>
    %and3A = arith.andi %ne3A_21, %ne3A_25 : vector<16xi1>
    %sub3A = arith.constant 1 : i32
    %sub3A_26 = vector.broadcast %sub3A : i32 to vector<16xi32>
    %sub3A_27 = arith.subi %div3A_5, %sub3A_26 : vector<16xi32>
    %select_n3A = arith.select %and3A, %sub3A_27, %div3A_5 : vector<16xi1>, vector<16xi32>
    %rem3A_28 = arith.constant 8 : i32
    %rem3A_29 = vector.broadcast %rem3A_28 : i32 to vector<16xi32>
    %rem3A_30 = arith.remsi %add3A_4, %rem3A_29 : vector<16xi32>
    %iota3A_31 = tpu.iota {dimensions = array<i32: 0>} : vector<16xi32>
    %add3A_32 = arith.constant 16 : i32
    %add3A_33 = vector.broadcast %add3A_32 : i32 to vector<16xi32>
    %add3A_34 = arith.addi %iota3A_31, %add3A_33 : vector<16xi32>
    %jit3A_35 = arith.constant 8 : i32
    %div3A_36 = vector.broadcast %jit3A_35 : i32 to vector<16xi32>
    %div3A_37 = arith.divsi %add3A_34, %div3A_36 : vector<16xi32>
    %sign3A_38 = arith.constant 0 : i32
    %sign3A_39 = vector.broadcast %sign3A_38 : i32 to vector<16xi32>
    %sign3A_40 = arith.cmpi sgt, %add3A_34, %sign3A_39 : vector<16xi32>
    %sign3A_41 = arith.extui %sign3A_40 : vector<16xi1> to vector<16xi32>
    %sign3A_42 = arith.constant 0 : i32
    %sign3A_43 = vector.broadcast %sign3A_42 : i32 to vector<16xi32>
    %sign3A_44 = arith.cmpi slt, %add3A_34, %sign3A_43 : vector<16xi32>
    %sign3A_45 = arith.extui %sign3A_44 : vector<16xi1> to vector<16xi32>
    %sign3A_46 = arith.subi %sign3A_41, %sign3A_45 : vector<16xi32>
    %sign3A_47 = arith.constant 0 : i32
    %sign3A_48 = arith.cmpi sgt, %jit3A_35, %sign3A_47 : i32
    %sign3A_49 = arith.extui %sign3A_48 : i1 to i32
    %sign3A_50 = arith.constant 0 : i32
    %sign3A_51 = arith.cmpi slt, %jit3A_35, %sign3A_50 : i32
    %sign3A_52 = arith.extui %sign3A_51 : i1 to i32
    %sign3A_53 = arith.subi %sign3A_49, %sign3A_52 : i32
    %ne3A_54 = vector.broadcast %sign3A_53 : i32 to vector<16xi32>
    %ne3A_55 = arith.cmpi ne, %sign3A_46, %ne3A_54 : vector<16xi32>
    %rem3A_56 = vector.broadcast %jit3A_35 : i32 to vector<16xi32>
    %rem3A_57 = arith.remsi %add3A_34, %rem3A_56 : vector<16xi32>
    %ne3A_58 = arith.constant 0 : i32
    %ne3A_59 = vector.broadcast %ne3A_58 : i32 to vector<16xi32>
    %ne3A_60 = arith.cmpi ne, %rem3A_57, %ne3A_59 : vector<16xi32>
    %and3A_61 = arith.andi %ne3A_55, %ne3A_60 : vector<16xi1>
    %sub3A_62 = arith.constant 1 : i32
    %sub3A_63 = vector.broadcast %sub3A_62 : i32 to vector<16xi32>
    %sub3A_64 = arith.subi %div3A_37, %sub3A_63 : vector<16xi32>
    %select_n3A_65 = arith.select %and3A_61, %sub3A_64, %div3A_37 : vector<16xi1>, vector<16xi32>
    %rem3A_66 = arith.constant 8 : i32
    %rem3A_67 = vector.broadcast %rem3A_66 : i32 to vector<16xi32>
    %rem3A_68 = arith.remsi %add3A_34, %rem3A_67 : vector<16xi32>
    %iota3A_69 = tpu.iota {dimensions = array<i32: 0>} : vector<16xi32>
    %add3A_70 = arith.constant 32 : i32
    %add3A_71 = vector.broadcast %add3A_70 : i32 to vector<16xi32>
    %add3A_72 = arith.addi %iota3A_69, %add3A_71 : vector<16xi32>
    %jit3A_73 = arith.constant 8 : i32
    %div3A_74 = vector.broadcast %jit3A_73 : i32 to vector<16xi32>
    %div3A_75 = arith.divsi %add3A_72, %div3A_74 : vector<16xi32>
    %sign3A_76 = arith.constant 0 : i32
    %sign3A_77 = vector.broadcast %sign3A_76 : i32 to vector<16xi32>
    %sign3A_78 = arith.cmpi sgt, %add3A_72, %sign3A_77 : vector<16xi32>
    %sign3A_79 = arith.extui %sign3A_78 : vector<16xi1> to vector<16xi32>
    %sign3A_80 = arith.constant 0 : i32
    %sign3A_81 = vector.broadcast %sign3A_80 : i32 to vector<16xi32>
    %sign3A_82 = arith.cmpi slt, %add3A_72, %sign3A_81 : vector<16xi32>
    %sign3A_83 = arith.extui %sign3A_82 : vector<16xi1> to vector<16xi32>
    %sign3A_84 = arith.subi %sign3A_79, %sign3A_83 : vector<16xi32>
    %sign3A_85 = arith.constant 0 : i32
    %sign3A_86 = arith.cmpi sgt, %jit3A_73, %sign3A_85 : i32
    %sign3A_87 = arith.extui %sign3A_86 : i1 to i32
    %sign3A_88 = arith.constant 0 : i32
    %sign3A_89 = arith.cmpi slt, %jit3A_73, %sign3A_88 : i32
    %sign3A_90 = arith.extui %sign3A_89 : i1 to i32
    %sign3A_91 = arith.subi %sign3A_87, %sign3A_90 : i32
    %ne3A_92 = vector.broadcast %sign3A_91 : i32 to vector<16xi32>
    %ne3A_93 = arith.cmpi ne, %sign3A_84, %ne3A_92 : vector<16xi32>
    %rem3A_94 = vector.broadcast %jit3A_73 : i32 to vector<16xi32>
    %rem3A_95 = arith.remsi %add3A_72, %rem3A_94 : vector<16xi32>
    %ne3A_96 = arith.constant 0 : i32
    %ne3A_97 = vector.broadcast %ne3A_96 : i32 to vector<16xi32>
    %ne3A_98 = arith.cmpi ne, %rem3A_95, %ne3A_97 : vector<16xi32>
    %and3A_99 = arith.andi %ne3A_93, %ne3A_98 : vector<16xi1>
    %sub3A_100 = arith.constant 1 : i32
    %sub3A_101 = vector.broadcast %sub3A_100 : i32 to vector<16xi32>
    %sub3A_102 = arith.subi %div3A_75, %sub3A_101 : vector<16xi32>
    %select_n3A_103 = arith.select %and3A_99, %sub3A_102, %div3A_75 : vector<16xi1>, vector<16xi32>
    %rem3A_104 = arith.constant 8 : i32
    %rem3A_105 = vector.broadcast %rem3A_104 : i32 to vector<16xi32>
    %rem3A_106 = arith.remsi %add3A_72, %rem3A_105 : vector<16xi32>
    %iota3A_107 = tpu.iota {dimensions = array<i32: 0>} : vector<16xi32>
    %add3A_108 = arith.constant 48 : i32
    %add3A_109 = vector.broadcast %add3A_108 : i32 to vector<16xi32>
    %add3A_110 = arith.addi %iota3A_107, %add3A_109 : vector<16xi32>
    %jit3A_111 = arith.constant 8 : i32
    %div3A_112 = vector.broadcast %jit3A_111 : i32 to vector<16xi32>
    %div3A_113 = arith.divsi %add3A_110, %div3A_112 : vector<16xi32>
    %sign3A_114 = arith.constant 0 : i32
    %sign3A_115 = vector.broadcast %sign3A_114 : i32 to vector<16xi32>
    %sign3A_116 = arith.cmpi sgt, %add3A_110, %sign3A_115 : vector<16xi32>
    %sign3A_117 = arith.extui %sign3A_116 : vector<16xi1> to vector<16xi32>
    %sign3A_118 = arith.constant 0 : i32
    %sign3A_119 = vector.broadcast %sign3A_118 : i32 to vector<16xi32>
    %sign3A_120 = arith.cmpi slt, %add3A_110, %sign3A_119 : vector<16xi32>
    %sign3A_121 = arith.extui %sign3A_120 : vector<16xi1> to vector<16xi32>
    %sign3A_122 = arith.subi %sign3A_117, %sign3A_121 : vector<16xi32>
    %sign3A_123 = arith.constant 0 : i32
    %sign3A_124 = arith.cmpi sgt, %jit3A_111, %sign3A_123 : i32
    %sign3A_125 = arith.extui %sign3A_124 : i1 to i32
    %sign3A_126 = arith.constant 0 : i32
    %sign3A_127 = arith.cmpi slt, %jit3A_111, %sign3A_126 : i32
    %sign3A_128 = arith.extui %sign3A_127 : i1 to i32
    %sign3A_129 = arith.subi %sign3A_125, %sign3A_128 : i32
    %ne3A_130 = vector.broadcast %sign3A_129 : i32 to vector<16xi32>
    %ne3A_131 = arith.cmpi ne, %sign3A_122, %ne3A_130 : vector<16xi32>
    %rem3A_132 = vector.broadcast %jit3A_111 : i32 to vector<16xi32>
    %rem3A_133 = arith.remsi %add3A_110, %rem3A_132 : vector<16xi32>
    %ne3A_134 = arith.constant 0 : i32
    %ne3A_135 = vector.broadcast %ne3A_134 : i32 to vector<16xi32>
    %ne3A_136 = arith.cmpi ne, %rem3A_133, %ne3A_135 : vector<16xi32>
    %and3A_137 = arith.andi %ne3A_131, %ne3A_136 : vector<16xi1>
    %sub3A_138 = arith.constant 1 : i32
    %sub3A_139 = vector.broadcast %sub3A_138 : i32 to vector<16xi32>
    %sub3A_140 = arith.subi %div3A_113, %sub3A_139 : vector<16xi32>
    %select_n3A_141 = arith.select %and3A_137, %sub3A_140, %div3A_113 : vector<16xi1>, vector<16xi32>
    %rem3A_142 = arith.constant 8 : i32
    %rem3A_143 = vector.broadcast %rem3A_142 : i32 to vector<16xi32>
    %rem3A_144 = arith.remsi %add3A_110, %rem3A_143 : vector<16xi32>
    %rem3A_145 = arith.constant 0 : i32
    %rem3A_146 = arith.constant 2 : i32
    %rem3A_147 = arith.remsi %rem3A_145, %rem3A_146 : i32
    %rem3A_148 = arith.constant 0 : i32
    %rem3A_149 = arith.constant 2 : i32
    %rem3A_150 = arith.remsi %rem3A_148, %rem3A_149 : i32
    %dma_start3A = arith.constant 0 : i32
    %dma_start3A_151 = arith.constant 0 : i32
    %dma_start3A_152 = arith.constant 0 : i32
    %dma_start3A_153 = tpu.memref_slice %arg6[%rem3A_147, %dma_start3A_151, %dma_start3A_152] : memref<2x8x128xi32, #tpu.memory_space<vmem>> -> memref<1x8x128xi32, #tpu.memory_space<vmem>>
    %dma_start3A_154 = tpu.memref_squeeze %dma_start3A_153 : memref<1x8x128xi32, #tpu.memory_space<vmem>> -> memref<8x128xi32, #tpu.memory_space<vmem>>
    %dma_start3A_155 = arith.constant 0 : i32
    %dma_start3A_156 = arith.constant 0 : i32
    %dma_start3A_157 = tpu.memref_slice %arg2[%dma_start3A, %add3A, %dma_start3A_155, %dma_start3A_156] : memref<25x32x8x128xi32, #tpu.memory_space<hbm>> -> memref<1x1x8x128xi32, #tpu.memory_space<hbm>>
    %dma_start3A_158 = tpu.memref_squeeze %dma_start3A_157 : memref<1x1x8x128xi32, #tpu.memory_space<hbm>> -> memref<8x128xi32, #tpu.memory_space<hbm>>
    %dma_start3A_159 = tpu.memref_slice %arg12[%rem3A_150] : memref<2x!tpu.dma_semaphore, #tpu.memory_space<semaphore_mem>> -> memref<1x!tpu.dma_semaphore, #tpu.memory_space<semaphore_mem>>
    %dma_start3A_160 = tpu.memref_squeeze %dma_start3A_159 : memref<1x!tpu.dma_semaphore, #tpu.memory_space<semaphore_mem>> -> memref<!tpu.dma_semaphore, #tpu.memory_space<semaphore_mem>>
    %dma_start3A_161 = arith.constant 0 : i32
    %dma_start3A_162 = arith.constant 0 : i32
    %dma_start3A_163 = tpu.memref_slice %arg6[%rem3A_147, %dma_start3A_161, %dma_start3A_162] : memref<2x8x128xi32, #tpu.memory_space<vmem>> -> memref<1x8x128xi32, #tpu.memory_space<vmem>>
    %dma_start3A_164 = tpu.memref_squeeze %dma_start3A_163 : memref<1x8x128xi32, #tpu.memory_space<vmem>> -> memref<8x128xi32, #tpu.memory_space<vmem>>
    %dma_start3A_165 = arith.constant 0 : i32
    %dma_start3A_166 = arith.constant 0 : i32
    %dma_start3A_167 = tpu.memref_slice %arg2[%dma_start3A, %add3A, %dma_start3A_165, %dma_start3A_166] : memref<25x32x8x128xi32, #tpu.memory_space<hbm>> -> memref<1x1x8x128xi32, #tpu.memory_space<hbm>>
    %dma_start3A_168 = tpu.memref_squeeze %dma_start3A_167 : memref<1x1x8x128xi32, #tpu.memory_space<hbm>> -> memref<8x128xi32, #tpu.memory_space<hbm>>
    tpu.enqueue_dma source(%dma_start3A_168 : memref<8x128xi32, #tpu.memory_space<hbm>>) target(%dma_start3A_164 : memref<8x128xi32, #tpu.memory_space<vmem>>) target_semaphore(%dma_start3A_160 : memref<!tpu.dma_semaphore, #tpu.memory_space<semaphore_mem>>)
    %rem3A_169 = arith.constant 1 : i32
    %rem3A_170 = arith.constant 2 : i32
    %rem3A_171 = arith.remsi %rem3A_169, %rem3A_170 : i32
    %rem3A_172 = arith.constant 1 : i32
    %rem3A_173 = arith.constant 2 : i32
    %rem3A_174 = arith.remsi %rem3A_172, %rem3A_173 : i32
    %dma_start3A_175 = arith.constant 1 : i32
    %dma_start3A_176 = arith.constant 0 : i32
    %dma_start3A_177 = arith.constant 0 : i32
    %dma_start3A_178 = tpu.memref_slice %arg6[%rem3A_171, %dma_start3A_176, %dma_start3A_177] : memref<2x8x128xi32, #tpu.memory_space<vmem>> -> memref<1x8x128xi32, #tpu.memory_space<vmem>>
    %dma_start3A_179 = tpu.memref_squeeze %dma_start3A_178 : memref<1x8x128xi32, #tpu.memory_space<vmem>> -> memref<8x128xi32, #tpu.memory_space<vmem>>
    %dma_start3A_180 = arith.constant 0 : i32
    %dma_start3A_181 = arith.constant 0 : i32
    %dma_start3A_182 = tpu.memref_slice %arg2[%dma_start3A_175, %add3A, %dma_start3A_180, %dma_start3A_181] : memref<25x32x8x128xi32, #tpu.memory_space<hbm>> -> memref<1x1x8x128xi32, #tpu.memory_space<hbm>>
    %dma_start3A_183 = tpu.memref_squeeze %dma_start3A_182 : memref<1x1x8x128xi32, #tpu.memory_space<hbm>> -> memref<8x128xi32, #tpu.memory_space<hbm>>
    %dma_start3A_184 = tpu.memref_slice %arg12[%rem3A_174] : memref<2x!tpu.dma_semaphore, #tpu.memory_space<semaphore_mem>> -> memref<1x!tpu.dma_semaphore, #tpu.memory_space<semaphore_mem>>
    %dma_start3A_185 = tpu.memref_squeeze %dma_start3A_184 : memref<1x!tpu.dma_semaphore, #tpu.memory_space<semaphore_mem>> -> memref<!tpu.dma_semaphore, #tpu.memory_space<semaphore_mem>>
    %dma_start3A_186 = arith.constant 0 : i32
    %dma_start3A_187 = arith.constant 0 : i32
    %dma_start3A_188 = tpu.memref_slice %arg6[%rem3A_171, %dma_start3A_186, %dma_start3A_187] : memref<2x8x128xi32, #tpu.memory_space<vmem>> -> memref<1x8x128xi32, #tpu.memory_space<vmem>>
    %dma_start3A_189 = tpu.memref_squeeze %dma_start3A_188 : memref<1x8x128xi32, #tpu.memory_space<vmem>> -> memref<8x128xi32, #tpu.memory_space<vmem>>
    %dma_start3A_190 = arith.constant 0 : i32
    %dma_start3A_191 = arith.constant 0 : i32
    %dma_start3A_192 = tpu.memref_slice %arg2[%dma_start3A_175, %add3A, %dma_start3A_190, %dma_start3A_191] : memref<25x32x8x128xi32, #tpu.memory_space<hbm>> -> memref<1x1x8x128xi32, #tpu.memory_space<hbm>>
    %dma_start3A_193 = tpu.memref_squeeze %dma_start3A_192 : memref<1x1x8x128xi32, #tpu.memory_space<hbm>> -> memref<8x128xi32, #tpu.memory_space<hbm>>
    tpu.enqueue_dma source(%dma_start3A_193 : memref<8x128xi32, #tpu.memory_space<hbm>>) target(%dma_start3A_189 : memref<8x128xi32, #tpu.memory_space<vmem>>) target_semaphore(%dma_start3A_185 : memref<!tpu.dma_semaphore, #tpu.memory_space<semaphore_mem>>)
    %rem3A_194 = arith.constant 0 : i32
    %rem3A_195 = arith.constant 2 : i32
    %rem3A_196 = arith.remsi %rem3A_194, %rem3A_195 : i32
    %rem3A_197 = arith.constant 0 : i32
    %rem3A_198 = arith.constant 2 : i32
    %rem3A_199 = arith.remsi %rem3A_197, %rem3A_198 : i32
    %dma_wait3A = arith.constant 0 : i32
    %dma_wait3A_200 = arith.constant 0 : i32
    %dma_wait3A_201 = arith.constant 0 : i32
    %dma_wait3A_202 = tpu.memref_slice %arg6[%rem3A_196, %dma_wait3A_200, %dma_wait3A_201] : memref<2x8x128xi32, #tpu.memory_space<vmem>> -> memref<1x8x128xi32, #tpu.memory_space<vmem>>
    %dma_wait3A_203 = tpu.memref_squeeze %dma_wait3A_202 : memref<1x8x128xi32, #tpu.memory_space<vmem>> -> memref<8x128xi32, #tpu.memory_space<vmem>>
    %dma_wait3A_204 = arith.constant 0 : i32
    %dma_wait3A_205 = arith.constant 0 : i32
    %dma_wait3A_206 = tpu.memref_slice %arg2[%dma_wait3A, %add3A, %dma_wait3A_204, %dma_wait3A_205] : memref<25x32x8x128xi32, #tpu.memory_space<hbm>> -> memref<1x1x8x128xi32, #tpu.memory_space<hbm>>
    %dma_wait3A_207 = tpu.memref_squeeze %dma_wait3A_206 : memref<1x1x8x128xi32, #tpu.memory_space<hbm>> -> memref<8x128xi32, #tpu.memory_space<hbm>>
    %dma_wait3A_208 = tpu.memref_slice %arg12[%rem3A_199] : memref<2x!tpu.dma_semaphore, #tpu.memory_space<semaphore_mem>> -> memref<1x!tpu.dma_semaphore, #tpu.memory_space<semaphore_mem>>
    %dma_wait3A_209 = tpu.memref_squeeze %dma_wait3A_208 : memref<1x!tpu.dma_semaphore, #tpu.memory_space<semaphore_mem>> -> memref<!tpu.dma_semaphore, #tpu.memory_space<semaphore_mem>>
    %dma_wait3A_210 = arith.constant 0 : i32
    %dma_wait3A_211 = arith.constant 0 : i32
    %dma_wait3A_212 = tpu.memref_slice %arg6[%rem3A_196, %dma_wait3A_210, %dma_wait3A_211] : memref<2x8x128xi32, #tpu.memory_space<vmem>> -> memref<1x8x128xi32, #tpu.memory_space<vmem>>
    %dma_wait3A_213 = tpu.memref_squeeze %dma_wait3A_212 : memref<1x8x128xi32, #tpu.memory_space<vmem>> -> memref<8x128xi32, #tpu.memory_space<vmem>>
    %dma_wait3A_214 = arith.constant 0 : i32
    %dma_wait3A_215 = arith.constant 0 : i32
    %dma_wait3A_216 = tpu.memref_slice %arg2[%dma_wait3A, %add3A, %dma_wait3A_214, %dma_wait3A_215] : memref<25x32x8x128xi32, #tpu.memory_space<hbm>> -> memref<1x1x8x128xi32, #tpu.memory_space<hbm>>
    %dma_wait3A_217 = tpu.memref_squeeze %dma_wait3A_216 : memref<1x1x8x128xi32, #tpu.memory_space<hbm>> -> memref<8x128xi32, #tpu.memory_space<hbm>>
    tpu.wait_dma2 semaphore(%dma_wait3A_209 : memref<!tpu.dma_semaphore, #tpu.memory_space<semaphore_mem>>) src(%dma_wait3A_217 : memref<8x128xi32, #tpu.memory_space<hbm>>) dst(%dma_wait3A_213 : memref<8x128xi32, #tpu.memory_space<vmem>>)
    %rem3A_218 = arith.constant 0 : i32
    %rem3A_219 = arith.constant 2 : i32
    %rem3A_220 = arith.remsi %rem3A_218, %rem3A_219 : i32
    %rem3A_221 = arith.constant 0 : i32
    %rem3A_222 = arith.constant 8 : i32
    %rem3A_223 = arith.remsi %rem3A_221, %rem3A_222 : i32
    %dma_start3A_224 = arith.constant 0 : i32
    %dma_start3A_225 = arith.constant 0 : i32
    %dma_start3A_226 = arith.constant 0 : i32
    %dma_start3A_227 = arith.constant 0 : i32
    %dma_start3A_228 = tpu.memref_slice %arg7[%dma_start3A_224, %dma_start3A_226, %dma_start3A_227] : memref<5x128x64xf32, #tpu.memory_space<vmem>> -> memref<1x128x64xf32, #tpu.memory_space<vmem>>
    %dma_start3A_229 = tpu.memref_squeeze %dma_start3A_228 : memref<1x128x64xf32, #tpu.memory_space<vmem>> -> memref<128x64xf32, #tpu.memory_space<vmem>>
    %dma_start3A_230 = arith.constant 0 : i32
    %dma_start3A_231 = tpu.memref_slice %arg6[%rem3A_220, %rem3A_223, %dma_start3A_230] : memref<2x8x128xi32, #tpu.memory_space<vmem>> -> memref<1x1x128xi32, #tpu.memory_space<vmem>>
    %dma_start3A_232 = tpu.memref_squeeze %dma_start3A_231 : memref<1x1x128xi32, #tpu.memory_space<vmem>> -> memref<128xi32, #tpu.memory_space<vmem>>
    %dma_start3A_233 = arith.constant 0 : i32
    %dma_start3A_234 = arith.constant 0 : i32
    %dma_start3A_235 = tpu.memref_slice %arg3[%dma_start3A_233, %dma_start3A_234] : memref<100000x64xf32, #tpu.memory_space<hbm>> -> memref<100000x64xf32, #tpu.memory_space<hbm>>
    %dma_start3A_236 = tpu.memref_slice %arg10[%dma_start3A_225] : memref<5x!tpu.dma_semaphore, #tpu.memory_space<semaphore_mem>> -> memref<1x!tpu.dma_semaphore, #tpu.memory_space<semaphore_mem>>
    %dma_start3A_237 = tpu.memref_squeeze %dma_start3A_236 : memref<1x!tpu.dma_semaphore, #tpu.memory_space<semaphore_mem>> -> memref<!tpu.dma_semaphore, #tpu.memory_space<semaphore_mem>>
    tpu.enqueue_indirect_dma source(%dma_start3A_235 : memref<100000x64xf32, #tpu.memory_space<hbm>>) target(%dma_start3A_229 : memref<128x64xf32, #tpu.memory_space<vmem>>) offsets(%dma_start3A_232 : memref<128xi32, #tpu.memory_space<vmem>>) semaphore(%dma_start3A_237 : memref<!tpu.dma_semaphore, #tpu.memory_space<semaphore_mem>>)
    %rem3A_238 = arith.constant 0 : i32
    %rem3A_239 = arith.constant 2 : i32
    %rem3A_240 = arith.remsi %rem3A_238, %rem3A_239 : i32
    %rem3A_241 = arith.constant 1 : i32
    %rem3A_242 = arith.constant 8 : i32
    %rem3A_243 = arith.remsi %rem3A_241, %rem3A_242 : i32
    %dma_start3A_244 = arith.constant 1 : i32
    %dma_start3A_245 = arith.constant 1 : i32
    %dma_start3A_246 = arith.constant 0 : i32
    %dma_start3A_247 = arith.constant 0 : i32
    %dma_start3A_248 = tpu.memref_slice %arg7[%dma_start3A_244, %dma_start3A_246, %dma_start3A_247] : memref<5x128x64xf32, #tpu.memory_space<vmem>> -> memref<1x128x64xf32, #tpu.memory_space<vmem>>
    %dma_start3A_249 = tpu.memref_squeeze %dma_start3A_248 : memref<1x128x64xf32, #tpu.memory_space<vmem>> -> memref<128x64xf32, #tpu.memory_space<vmem>>
    %dma_start3A_250 = arith.constant 0 : i32
    %dma_start3A_251 = tpu.memref_slice %arg6[%rem3A_240, %rem3A_243, %dma_start3A_250] : memref<2x8x128xi32, #tpu.memory_space<vmem>> -> memref<1x1x128xi32, #tpu.memory_space<vmem>>
    %dma_start3A_252 = tpu.memref_squeeze %dma_start3A_251 : memref<1x1x128xi32, #tpu.memory_space<vmem>> -> memref<128xi32, #tpu.memory_space<vmem>>
    %dma_start3A_253 = arith.constant 0 : i32
    %dma_start3A_254 = arith.constant 0 : i32
    %dma_start3A_255 = tpu.memref_slice %arg3[%dma_start3A_253, %dma_start3A_254] : memref<100000x64xf32, #tpu.memory_space<hbm>> -> memref<100000x64xf32, #tpu.memory_space<hbm>>
    %dma_start3A_256 = tpu.memref_slice %arg10[%dma_start3A_245] : memref<5x!tpu.dma_semaphore, #tpu.memory_space<semaphore_mem>> -> memref<1x!tpu.dma_semaphore, #tpu.memory_space<semaphore_mem>>
    %dma_start3A_257 = tpu.memref_squeeze %dma_start3A_256 : memref<1x!tpu.dma_semaphore, #tpu.memory_space<semaphore_mem>> -> memref<!tpu.dma_semaphore, #tpu.memory_space<semaphore_mem>>
    tpu.enqueue_indirect_dma source(%dma_start3A_255 : memref<100000x64xf32, #tpu.memory_space<hbm>>) target(%dma_start3A_249 : memref<128x64xf32, #tpu.memory_space<vmem>>) offsets(%dma_start3A_252 : memref<128xi32, #tpu.memory_space<vmem>>) semaphore(%dma_start3A_257 : memref<!tpu.dma_semaphore, #tpu.memory_space<semaphore_mem>>)
    %scan3A = arith.constant 0 : i32
    %scan3A_258 = arith.constant 40 : i32
    %scan3A_259 = arith.addi %scan3A, %scan3A_258 : i32
    %scan3A_260 = arith.constant 1 : i32
    scf.for %scan3A_387 = %scan3A to %scan3A_259 step %scan3A_260  : i32 {
      %mul3A_388 = arith.constant 5 : i32
      %mul3A_389 = arith.muli %scan3A_387, %mul3A_388 : i32
      %add3A_390 = arith.constant 0 : i32
      %add3A_391 = arith.addi %mul3A_389, %add3A_390 : i32
      %add3A_392 = arith.constant 2 : i32
      %add3A_393 = arith.addi %add3A_391, %add3A_392 : i32
      %lt3A = arith.constant 200 : i32
      %lt3A_394 = arith.cmpi slt, %add3A_393, %lt3A : i32
      %add3A_395 = arith.constant 2 : i32
      %add3A_396 = arith.addi %add3A_391, %add3A_395 : i32
      %rem3A_397 = arith.constant 8 : i32
      %rem3A_398 = arith.remsi %add3A_396, %rem3A_397 : i32
      %eq3A = arith.constant 0 : i32
      %eq3A_399 = arith.cmpi eq, %rem3A_398, %eq3A : i32
      %and3A_400 = arith.andi %lt3A_394, %eq3A_399 : i1
      %convert_element_type3A = arith.extui %and3A_400 : i1 to i32
      %cond3A = arith.constant 0 : i32
      %cond3A_401 = arith.cmpi ne, %convert_element_type3A, %cond3A : i32
      scf.if %cond3A_401 {
        %add3A_1006 = arith.constant 2 : i32
        %add3A_1007 = arith.addi %add3A_391, %add3A_1006 : i32
        %jit3A_1008 = arith.constant 8 : i32
        %div3A_1009 = arith.divsi %add3A_1007, %jit3A_1008 : i32
        %sign3A_1010 = arith.constant 0 : i32
        %sign3A_1011 = arith.cmpi sgt, %add3A_1007, %sign3A_1010 : i32
        %sign3A_1012 = arith.extui %sign3A_1011 : i1 to i32
        %sign3A_1013 = arith.constant 0 : i32
        %sign3A_1014 = arith.cmpi slt, %add3A_1007, %sign3A_1013 : i32
        %sign3A_1015 = arith.extui %sign3A_1014 : i1 to i32
        %sign3A_1016 = arith.subi %sign3A_1012, %sign3A_1015 : i32
        %sign3A_1017 = arith.constant 0 : i32
        %sign3A_1018 = arith.cmpi sgt, %jit3A_1008, %sign3A_1017 : i32
        %sign3A_1019 = arith.extui %sign3A_1018 : i1 to i32
        %sign3A_1020 = arith.constant 0 : i32
        %sign3A_1021 = arith.cmpi slt, %jit3A_1008, %sign3A_1020 : i32
        %sign3A_1022 = arith.extui %sign3A_1021 : i1 to i32
        %sign3A_1023 = arith.subi %sign3A_1019, %sign3A_1022 : i32
        %ne3A_1024 = arith.cmpi ne, %sign3A_1016, %sign3A_1023 : i32
        %rem3A_1025 = arith.remsi %add3A_1007, %jit3A_1008 : i32
        %ne3A_1026 = arith.constant 0 : i32
        %ne3A_1027 = arith.cmpi ne, %rem3A_1025, %ne3A_1026 : i32
        %and3A_1028 = arith.andi %ne3A_1024, %ne3A_1027 : i1
        %sub3A_1029 = arith.constant 1 : i32
        %sub3A_1030 = arith.subi %div3A_1009, %sub3A_1029 : i32
        %select_n3A_1031 = arith.select %and3A_1028, %sub3A_1030, %div3A_1009 : i32
        %rem3A_1032 = arith.constant 2 : i32
        %rem3A_1033 = arith.remsi %select_n3A_1031, %rem3A_1032 : i32
        %rem3A_1034 = arith.constant 2 : i32
        %rem3A_1035 = arith.remsi %select_n3A_1031, %rem3A_1034 : i32
        %dma_wait3A_1036 = arith.constant 0 : i32
        %dma_wait3A_1037 = arith.constant 0 : i32
        %dma_wait3A_1038 = tpu.memref_slice %arg6[%rem3A_1033, %dma_wait3A_1036, %dma_wait3A_1037] : memref<2x8x128xi32, #tpu.memory_space<vmem>> -> memref<1x8x128xi32, #tpu.memory_space<vmem>>
        %dma_wait3A_1039 = tpu.memref_squeeze %dma_wait3A_1038 : memref<1x8x128xi32, #tpu.memory_space<vmem>> -> memref<8x128xi32, #tpu.memory_space<vmem>>
        %dma_wait3A_1040 = arith.constant 0 : i32
        %dma_wait3A_1041 = arith.constant 0 : i32
        %dma_wait3A_1042 = tpu.memref_slice %arg2[%select_n3A_1031, %add3A, %dma_wait3A_1040, %dma_wait3A_1041] : memref<25x32x8x128xi32, #tpu.memory_space<hbm>> -> memref<1x1x8x128xi32, #tpu.memory_space<hbm>>
        %dma_wait3A_1043 = tpu.memref_squeeze %dma_wait3A_1042 : memref<1x1x8x128xi32, #tpu.memory_space<hbm>> -> memref<8x128xi32, #tpu.memory_space<hbm>>
        %dma_wait3A_1044 = tpu.memref_slice %arg12[%rem3A_1035] : memref<2x!tpu.dma_semaphore, #tpu.memory_space<semaphore_mem>> -> memref<1x!tpu.dma_semaphore, #tpu.memory_space<semaphore_mem>>
        %dma_wait3A_1045 = tpu.memref_squeeze %dma_wait3A_1044 : memref<1x!tpu.dma_semaphore, #tpu.memory_space<semaphore_mem>> -> memref<!tpu.dma_semaphore, #tpu.memory_space<semaphore_mem>>
        %dma_wait3A_1046 = arith.constant 0 : i32
        %dma_wait3A_1047 = arith.constant 0 : i32
        %dma_wait3A_1048 = tpu.memref_slice %arg6[%rem3A_1033, %dma_wait3A_1046, %dma_wait3A_1047] : memref<2x8x128xi32, #tpu.memory_space<vmem>> -> memref<1x8x128xi32, #tpu.memory_space<vmem>>
        %dma_wait3A_1049 = tpu.memref_squeeze %dma_wait3A_1048 : memref<1x8x128xi32, #tpu.memory_space<vmem>> -> memref<8x128xi32, #tpu.memory_space<vmem>>
        %dma_wait3A_1050 = arith.constant 0 : i32
        %dma_wait3A_1051 = arith.constant 0 : i32
        %dma_wait3A_1052 = tpu.memref_slice %arg2[%select_n3A_1031, %add3A, %dma_wait3A_1050, %dma_wait3A_1051] : memref<25x32x8x128xi32, #tpu.memory_space<hbm>> -> memref<1x1x8x128xi32, #tpu.memory_space<hbm>>
        %dma_wait3A_1053 = tpu.memref_squeeze %dma_wait3A_1052 : memref<1x1x8x128xi32, #tpu.memory_space<hbm>> -> memref<8x128xi32, #tpu.memory_space<hbm>>
        tpu.wait_dma2 semaphore(%dma_wait3A_1045 : memref<!tpu.dma_semaphore, #tpu.memory_space<semaphore_mem>>) src(%dma_wait3A_1053 : memref<8x128xi32, #tpu.memory_space<hbm>>) dst(%dma_wait3A_1049 : memref<8x128xi32, #tpu.memory_space<vmem>>)
      } else {
      }
      %add3A_402 = arith.constant 2 : i32
      %add3A_403 = arith.addi %add3A_391, %add3A_402 : i32
      %lt3A_404 = arith.constant 200 : i32
      %lt3A_405 = arith.cmpi slt, %add3A_403, %lt3A_404 : i32
      %convert_element_type3A_406 = arith.extui %lt3A_405 : i1 to i32
      %cond3A_407 = arith.constant 0 : i32
      %cond3A_408 = arith.cmpi ne, %convert_element_type3A_406, %cond3A_407 : i32
      scf.if %cond3A_408 {
        %add3A_1006 = arith.constant 2 : i32
        %add3A_1007 = arith.addi %add3A_391, %add3A_1006 : i32
        %jit3A_1008 = arith.constant 8 : i32
        %div3A_1009 = arith.divsi %add3A_1007, %jit3A_1008 : i32
        %sign3A_1010 = arith.constant 0 : i32
        %sign3A_1011 = arith.cmpi sgt, %add3A_1007, %sign3A_1010 : i32
        %sign3A_1012 = arith.extui %sign3A_1011 : i1 to i32
        %sign3A_1013 = arith.constant 0 : i32
        %sign3A_1014 = arith.cmpi slt, %add3A_1007, %sign3A_1013 : i32
        %sign3A_1015 = arith.extui %sign3A_1014 : i1 to i32
        %sign3A_1016 = arith.subi %sign3A_1012, %sign3A_1015 : i32
        %sign3A_1017 = arith.constant 0 : i32
        %sign3A_1018 = arith.cmpi sgt, %jit3A_1008, %sign3A_1017 : i32
        %sign3A_1019 = arith.extui %sign3A_1018 : i1 to i32
        %sign3A_1020 = arith.constant 0 : i32
        %sign3A_1021 = arith.cmpi slt, %jit3A_1008, %sign3A_1020 : i32
        %sign3A_1022 = arith.extui %sign3A_1021 : i1 to i32
        %sign3A_1023 = arith.subi %sign3A_1019, %sign3A_1022 : i32
        %ne3A_1024 = arith.cmpi ne, %sign3A_1016, %sign3A_1023 : i32
        %rem3A_1025 = arith.remsi %add3A_1007, %jit3A_1008 : i32
        %ne3A_1026 = arith.constant 0 : i32
        %ne3A_1027 = arith.cmpi ne, %rem3A_1025, %ne3A_1026 : i32
        %and3A_1028 = arith.andi %ne3A_1024, %ne3A_1027 : i1
        %sub3A_1029 = arith.constant 1 : i32
        %sub3A_1030 = arith.subi %div3A_1009, %sub3A_1029 : i32
        %select_n3A_1031 = arith.select %and3A_1028, %sub3A_1030, %div3A_1009 : i32
        %rem3A_1032 = arith.constant 2 : i32
        %rem3A_1033 = arith.remsi %select_n3A_1031, %rem3A_1032 : i32
        %rem3A_1034 = arith.constant 8 : i32
        %rem3A_1035 = arith.remsi %add3A_1007, %rem3A_1034 : i32
        %dma_start3A_1036 = arith.constant 2 : i32
        %dma_start3A_1037 = arith.constant 2 : i32
        %dma_start3A_1038 = arith.constant 0 : i32
        %dma_start3A_1039 = arith.constant 0 : i32
        %dma_start3A_1040 = tpu.memref_slice %arg7[%dma_start3A_1036, %dma_start3A_1038, %dma_start3A_1039] : memref<5x128x64xf32, #tpu.memory_space<vmem>> -> memref<1x128x64xf32, #tpu.memory_space<vmem>>
        %dma_start3A_1041 = tpu.memref_squeeze %dma_start3A_1040 : memref<1x128x64xf32, #tpu.memory_space<vmem>> -> memref<128x64xf32, #tpu.memory_space<vmem>>
        %dma_start3A_1042 = arith.constant 0 : i32
        %dma_start3A_1043 = tpu.memref_slice %arg6[%rem3A_1033, %rem3A_1035, %dma_start3A_1042] : memref<2x8x128xi32, #tpu.memory_space<vmem>> -> memref<1x1x128xi32, #tpu.memory_space<vmem>>
        %dma_start3A_1044 = tpu.memref_squeeze %dma_start3A_1043 : memref<1x1x128xi32, #tpu.memory_space<vmem>> -> memref<128xi32, #tpu.memory_space<vmem>>
        %dma_start3A_1045 = arith.constant 0 : i32
        %dma_start3A_1046 = arith.constant 0 : i32
        %dma_start3A_1047 = tpu.memref_slice %arg3[%dma_start3A_1045, %dma_start3A_1046] : memref<100000x64xf32, #tpu.memory_space<hbm>> -> memref<100000x64xf32, #tpu.memory_space<hbm>>
        %dma_start3A_1048 = tpu.memref_slice %arg10[%dma_start3A_1037] : memref<5x!tpu.dma_semaphore, #tpu.memory_space<semaphore_mem>> -> memref<1x!tpu.dma_semaphore, #tpu.memory_space<semaphore_mem>>
        %dma_start3A_1049 = tpu.memref_squeeze %dma_start3A_1048 : memref<1x!tpu.dma_semaphore, #tpu.memory_space<semaphore_mem>> -> memref<!tpu.dma_semaphore, #tpu.memory_space<semaphore_mem>>
        tpu.enqueue_indirect_dma source(%dma_start3A_1047 : memref<100000x64xf32, #tpu.memory_space<hbm>>) target(%dma_start3A_1041 : memref<128x64xf32, #tpu.memory_space<vmem>>) offsets(%dma_start3A_1044 : memref<128xi32, #tpu.memory_space<vmem>>) semaphore(%dma_start3A_1049 : memref<!tpu.dma_semaphore, #tpu.memory_space<semaphore_mem>>)
      } else {
      }
      %jit3A_409 = arith.constant 8 : i32
      %div3A_410 = arith.divsi %add3A_391, %jit3A_409 : i32
      %sign3A_411 = arith.constant 0 : i32
      %sign3A_412 = arith.cmpi sgt, %add3A_391, %sign3A_411 : i32
      %sign3A_413 = arith.extui %sign3A_412 : i1 to i32
      %sign3A_414 = arith.constant 0 : i32
      %sign3A_415 = arith.cmpi slt, %add3A_391, %sign3A_414 : i32
      %sign3A_416 = arith.extui %sign3A_415 : i1 to i32
      %sign3A_417 = arith.subi %sign3A_413, %sign3A_416 : i32
      %sign3A_418 = arith.constant 0 : i32
      %sign3A_419 = arith.cmpi sgt, %jit3A_409, %sign3A_418 : i32
      %sign3A_420 = arith.extui %sign3A_419 : i1 to i32
      %sign3A_421 = arith.constant 0 : i32
      %sign3A_422 = arith.cmpi slt, %jit3A_409, %sign3A_421 : i32
      %sign3A_423 = arith.extui %sign3A_422 : i1 to i32
      %sign3A_424 = arith.subi %sign3A_420, %sign3A_423 : i32
      %ne3A_425 = arith.cmpi ne, %sign3A_417, %sign3A_424 : i32
      %rem3A_426 = arith.remsi %add3A_391, %jit3A_409 : i32
      %ne3A_427 = arith.constant 0 : i32
      %ne3A_428 = arith.cmpi ne, %rem3A_426, %ne3A_427 : i32
      %and3A_429 = arith.andi %ne3A_425, %ne3A_428 : i1
      %sub3A_430 = arith.constant 1 : i32
      %sub3A_431 = arith.subi %div3A_410, %sub3A_430 : i32
      %select_n3A_432 = arith.select %and3A_429, %sub3A_431, %div3A_410 : i32
      %rem3A_433 = arith.constant 2 : i32
      %rem3A_434 = arith.remsi %select_n3A_432, %rem3A_433 : i32
      %rem3A_435 = arith.constant 8 : i32
      %rem3A_436 = arith.remsi %add3A_391, %rem3A_435 : i32
      %dma_wait3A_437 = arith.constant 0 : i32
      %dma_wait3A_438 = arith.constant 0 : i32
      %dma_wait3A_439 = arith.constant 0 : i32
      %dma_wait3A_440 = arith.constant 0 : i32
      %dma_wait3A_441 = tpu.memref_slice %arg7[%dma_wait3A_437, %dma_wait3A_439, %dma_wait3A_440] : memref<5x128x64xf32, #tpu.memory_space<vmem>> -> memref<1x128x64xf32, #tpu.memory_space<vmem>>
      %dma_wait3A_442 = tpu.memref_squeeze %dma_wait3A_441 : memref<1x128x64xf32, #tpu.memory_space<vmem>> -> memref<128x64xf32, #tpu.memory_space<vmem>>
      %dma_wait3A_443 = arith.constant 0 : i32
      %dma_wait3A_444 = tpu.memref_slice %arg6[%rem3A_434, %rem3A_436, %dma_wait3A_443] : memref<2x8x128xi32, #tpu.memory_space<vmem>> -> memref<1x1x128xi32, #tpu.memory_space<vmem>>
      %dma_wait3A_445 = tpu.memref_squeeze %dma_wait3A_444 : memref<1x1x128xi32, #tpu.memory_space<vmem>> -> memref<128xi32, #tpu.memory_space<vmem>>
      %dma_wait3A_446 = arith.constant 0 : i32
      %dma_wait3A_447 = arith.constant 0 : i32
      %dma_wait3A_448 = tpu.memref_slice %arg3[%dma_wait3A_446, %dma_wait3A_447] : memref<100000x64xf32, #tpu.memory_space<hbm>> -> memref<100000x64xf32, #tpu.memory_space<hbm>>
      %dma_wait3A_449 = tpu.memref_slice %arg10[%dma_wait3A_438] : memref<5x!tpu.dma_semaphore, #tpu.memory_space<semaphore_mem>> -> memref<1x!tpu.dma_semaphore, #tpu.memory_space<semaphore_mem>>
      %dma_wait3A_450 = tpu.memref_squeeze %dma_wait3A_449 : memref<1x!tpu.dma_semaphore, #tpu.memory_space<semaphore_mem>> -> memref<!tpu.dma_semaphore, #tpu.memory_space<semaphore_mem>>
      tpu.wait_indirect_dma semaphore(%dma_wait3A_450 : memref<!tpu.dma_semaphore, #tpu.memory_space<semaphore_mem>>) src(%dma_wait3A_448 : memref<100000x64xf32, #tpu.memory_space<hbm>>) dst(%dma_wait3A_442 : memref<128x64xf32, #tpu.memory_space<vmem>>)
      %ge3A = arith.constant 5 : i32
      %ge3A_451 = arith.cmpi sge, %add3A_391, %ge3A : i32
      %convert_element_type3A_452 = arith.extui %ge3A_451 : i1 to i32
      %cond3A_453 = arith.constant 0 : i32
      %cond3A_454 = arith.cmpi ne, %convert_element_type3A_452, %cond3A_453 : i32
      scf.if %cond3A_454 {
        %sub3A_1006 = arith.constant 5 : i32
        %sub3A_1007 = arith.subi %add3A_391, %sub3A_1006 : i32
        %dma_wait3A_1008 = arith.constant 0 : i32
        %dma_wait3A_1009 = arith.constant 0 : i32
        %dma_wait3A_1010 = arith.constant 0 : i32
        %dma_wait3A_1011 = arith.constant 0 : i32
        %dma_wait3A_1012 = arith.constant 0 : i32
        %dma_wait3A_1013 = tpu.memref_slice %arg8[%dma_wait3A_1008, %dma_wait3A_1010, %dma_wait3A_1011, %dma_wait3A_1012] : memref<5x8x8x129xf32, #tpu.memory_space<vmem>> -> memref<1x8x8x128xf32, #tpu.memory_space<vmem>>
        %dma_wait3A_1014 = tpu.memref_squeeze %dma_wait3A_1013 : memref<1x8x8x128xf32, #tpu.memory_space<vmem>> -> memref<8x8x128xf32, #tpu.memory_space<vmem>>
        %dma_wait3A_1015 = arith.constant 0 : i32
        %dma_wait3A_1016 = arith.constant 0 : i32
        %dma_wait3A_1017 = arith.constant 0 : i32
        %dma_wait3A_1018 = tpu.memref_slice %arg5[%sub3A_1007, %dma_wait3A_1015, %add3A, %dma_wait3A_1016, %dma_wait3A_1017] : memref<200x8x32x8x128xf32, #tpu.memory_space<hbm>> -> memref<1x8x1x8x128xf32, #tpu.memory_space<hbm>>
        %dma_wait3A_1019 = tpu.memref_squeeze %dma_wait3A_1018 : memref<1x8x1x8x128xf32, #tpu.memory_space<hbm>> -> memref<8x8x128xf32, #tpu.memory_space<hbm>>
        %dma_wait3A_1020 = tpu.memref_slice %arg11[%dma_wait3A_1009] : memref<5x!tpu.dma_semaphore, #tpu.memory_space<semaphore_mem>> -> memref<1x!tpu.dma_semaphore, #tpu.memory_space<semaphore_mem>>
        %dma_wait3A_1021 = tpu.memref_squeeze %dma_wait3A_1020 : memref<1x!tpu.dma_semaphore, #tpu.memory_space<semaphore_mem>> -> memref<!tpu.dma_semaphore, #tpu.memory_space<semaphore_mem>>
        %dma_wait3A_1022 = arith.constant 0 : i32
        %dma_wait3A_1023 = arith.constant 0 : i32
        %dma_wait3A_1024 = arith.constant 0 : i32
        %dma_wait3A_1025 = tpu.memref_slice %arg5[%sub3A_1007, %dma_wait3A_1022, %add3A, %dma_wait3A_1023, %dma_wait3A_1024] : memref<200x8x32x8x128xf32, #tpu.memory_space<hbm>> -> memref<1x8x1x8x128xf32, #tpu.memory_space<hbm>>
        %dma_wait3A_1026 = tpu.memref_squeeze %dma_wait3A_1025 : memref<1x8x1x8x128xf32, #tpu.memory_space<hbm>> -> memref<8x8x128xf32, #tpu.memory_space<hbm>>
        %dma_wait3A_1027 = arith.constant 0 : i32
        %dma_wait3A_1028 = arith.constant 0 : i32
        %dma_wait3A_1029 = arith.constant 0 : i32
        %dma_wait3A_1030 = tpu.memref_slice %arg8[%dma_wait3A_1008, %dma_wait3A_1027, %dma_wait3A_1028, %dma_wait3A_1029] : memref<5x8x8x129xf32, #tpu.memory_space<vmem>> -> memref<1x8x8x128xf32, #tpu.memory_space<vmem>>
        %dma_wait3A_1031 = tpu.memref_squeeze %dma_wait3A_1030 : memref<1x8x8x128xf32, #tpu.memory_space<vmem>> -> memref<8x8x128xf32, #tpu.memory_space<vmem>>
        tpu.wait_dma2 semaphore(%dma_wait3A_1021 : memref<!tpu.dma_semaphore, #tpu.memory_space<semaphore_mem>>) src(%dma_wait3A_1031 : memref<8x8x128xf32, #tpu.memory_space<vmem>>) dst(%dma_wait3A_1026 : memref<8x8x128xf32, #tpu.memory_space<hbm>>)
      } else {
      }
      %get3A = arith.index_cast %add3A_391 : i32 to index
      %get3A_455 = arith.constant 0 : index
      %get3A_456 = tpu.vector_load %arg9[%get3A, %get3A_455] {strides = array<i32>} : memref<200x64xf32, #tpu.memory_space<vmem>>, vector<16xf32>,
      %get3A_457 = arith.index_cast %add3A_391 : i32 to index
      %get3A_458 = arith.constant 16 : index
      %get3A_459 = tpu.vector_load %arg9[%get3A_457, %get3A_458] {strides = array<i32>} : memref<200x64xf32, #tpu.memory_space<vmem>>, vector<16xf32>,
      %get3A_460 = arith.index_cast %add3A_391 : i32 to index
      %get3A_461 = arith.constant 32 : index
      %get3A_462 = tpu.vector_load %arg9[%get3A_460, %get3A_461] {strides = array<i32>} : memref<200x64xf32, #tpu.memory_space<vmem>>, vector<16xf32>,
      %get3A_463 = arith.index_cast %add3A_391 : i32 to index
      %get3A_464 = arith.constant 48 : index
      %get3A_465 = tpu.vector_load %arg9[%get3A_463, %get3A_464] {strides = array<i32>} : memref<200x64xf32, #tpu.memory_space<vmem>>, vector<16xf32>,
      %parallel_loop3A = arith.constant 0 : i32
      %parallel_loop3A_466 = arith.constant 128 : i32
      %parallel_loop3A_467 = arith.constant 1 : i32
      %parallel_loop3A_468 = arith.constant 0 : i32
      %parallel_loop3A_469 = arith.constant 0 : i32
      scf.for %parallel_loop3A_1006 = %parallel_loop3A to %parallel_loop3A_466 step %parallel_loop3A_467  : i32 {
        %parallel_loop3A_1007 = vector.broadcast %parallel_loop3A_1006 : i32 to vector<16xi32>
        %parallel_loop3A_1008 = arith.addi %parallel_loop3A_1007, %broadcast_in_dim3A_1 : vector<16xi32>
        %parallel_loop3A_1009 = arith.constant 0 : i32
        %parallel_loop3A_1010 = arith.constant 0 : i32
        %parallel_loop3A_1011 = tpu.memref_slice %arg7[%parallel_loop3A_468, %parallel_loop3A_1009, %parallel_loop3A_1010] : memref<5x128x64xf32, #tpu.memory_space<vmem>> -> memref<1x128x64xf32, #tpu.memory_space<vmem>>
        %parallel_loop3A_1012 = tpu.memref_squeeze %parallel_loop3A_1011 : memref<1x128x64xf32, #tpu.memory_space<vmem>> -> memref<128x64xf32, #tpu.memory_space<vmem>>
        %parallel_loop3A_1013 = arith.index_cast %parallel_loop3A_1006 : i32 to index
        %parallel_loop3A_1014 = arith.constant 0 : index
        %parallel_loop3A_1015 = tpu.vector_load %parallel_loop3A_1012[%parallel_loop3A_1013, %parallel_loop3A_1014] {strides = array<i32>} : memref<128x64xf32, #tpu.memory_space<vmem>>, vector<16xf32>,
        %parallel_loop3A_1016 = arith.addf %parallel_loop3A_1015, %get3A_456 : vector<16xf32>
        %parallel_loop3A_1017 = arith.constant 0 : i32
        %parallel_loop3A_1018 = arith.constant 0 : i32
        %parallel_loop3A_1019 = arith.constant 0 : i32
        %parallel_loop3A_1020 = tpu.memref_slice %arg8[%parallel_loop3A_469, %parallel_loop3A_1017, %parallel_loop3A_1018, %parallel_loop3A_1019] : memref<5x8x8x129xf32, #tpu.memory_space<vmem>> -> memref<1x8x8x129xf32, #tpu.memory_space<vmem>>
        %parallel_loop3A_1021 = tpu.memref_squeeze %parallel_loop3A_1020 : memref<1x8x8x129xf32, #tpu.memory_space<vmem>> -> memref<8x8x129xf32, #tpu.memory_space<vmem>>
        tpu.vector_store_idx %parallel_loop3A_1021[%select_n3A, %rem3A_30, %parallel_loop3A_1008], %parallel_loop3A_1016 : memref<8x8x129xf32, #tpu.memory_space<vmem>>[vector<16xi32>, vector<16xi32>, vector<16xi32>], vector<16xf32>,
        %parallel_loop3A_1022 = arith.constant 0 : i32
        %parallel_loop3A_1023 = arith.constant 0 : i32
        %parallel_loop3A_1024 = tpu.memref_slice %arg7[%parallel_loop3A_468, %parallel_loop3A_1022, %parallel_loop3A_1023] : memref<5x128x64xf32, #tpu.memory_space<vmem>> -> memref<1x128x64xf32, #tpu.memory_space<vmem>>
        %parallel_loop3A_1025 = tpu.memref_squeeze %parallel_loop3A_1024 : memref<1x128x64xf32, #tpu.memory_space<vmem>> -> memref<128x64xf32, #tpu.memory_space<vmem>>
        %parallel_loop3A_1026 = arith.index_cast %parallel_loop3A_1006 : i32 to index
        %parallel_loop3A_1027 = arith.constant 16 : index
        %parallel_loop3A_1028 = tpu.vector_load %parallel_loop3A_1025[%parallel_loop3A_1026, %parallel_loop3A_1027] {strides = array<i32>} : memref<128x64xf32, #tpu.memory_space<vmem>>, vector<16xf32>,
        %parallel_loop3A_1029 = arith.addf %parallel_loop3A_1028, %get3A_459 : vector<16xf32>
        %parallel_loop3A_1030 = arith.constant 0 : i32
        %parallel_loop3A_1031 = arith.constant 0 : i32
        %parallel_loop3A_1032 = arith.constant 0 : i32
        %parallel_loop3A_1033 = tpu.memref_slice %arg8[%parallel_loop3A_469, %parallel_loop3A_1030, %parallel_loop3A_1031, %parallel_loop3A_1032] : memref<5x8x8x129xf32, #tpu.memory_space<vmem>> -> memref<1x8x8x129xf32, #tpu.memory_space<vmem>>
        %parallel_loop3A_1034 = tpu.memref_squeeze %parallel_loop3A_1033 : memref<1x8x8x129xf32, #tpu.memory_space<vmem>> -> memref<8x8x129xf32, #tpu.memory_space<vmem>>
        tpu.vector_store_idx %parallel_loop3A_1034[%select_n3A_65, %rem3A_68, %parallel_loop3A_1008], %parallel_loop3A_1029 : memref<8x8x129xf32, #tpu.memory_space<vmem>>[vector<16xi32>, vector<16xi32>, vector<16xi32>], vector<16xf32>,
        %parallel_loop3A_1035 = arith.constant 0 : i32
        %parallel_loop3A_1036 = arith.constant 0 : i32
        %parallel_loop3A_1037 = tpu.memref_slice %arg7[%parallel_loop3A_468, %parallel_loop3A_1035, %parallel_loop3A_1036] : memref<5x128x64xf32, #tpu.memory_space<vmem>> -> memref<1x128x64xf32, #tpu.memory_space<vmem>>
        %parallel_loop3A_1038 = tpu.memref_squeeze %parallel_loop3A_1037 : memref<1x128x64xf32, #tpu.memory_space<vmem>> -> memref<128x64xf32, #tpu.memory_space<vmem>>
        %parallel_loop3A_1039 = arith.index_cast %parallel_loop3A_1006 : i32 to index
        %parallel_loop3A_1040 = arith.constant 32 : index
        %parallel_loop3A_1041 = tpu.vector_load %parallel_loop3A_1038[%parallel_loop3A_1039, %parallel_loop3A_1040] {strides = array<i32>} : memref<128x64xf32, #tpu.memory_space<vmem>>, vector<16xf32>,
        %parallel_loop3A_1042 = arith.addf %parallel_loop3A_1041, %get3A_462 : vector<16xf32>
        %parallel_loop3A_1043 = arith.constant 0 : i32
        %parallel_loop3A_1044 = arith.constant 0 : i32
        %parallel_loop3A_1045 = arith.constant 0 : i32
        %parallel_loop3A_1046 = tpu.memref_slice %arg8[%parallel_loop3A_469, %parallel_loop3A_1043, %parallel_loop3A_1044, %parallel_loop3A_1045] : memref<5x8x8x129xf32, #tpu.memory_space<vmem>> -> memref<1x8x8x129xf32, #tpu.memory_space<vmem>>
        %parallel_loop3A_1047 = tpu.memref_squeeze %parallel_loop3A_1046 : memref<1x8x8x129xf32, #tpu.memory_space<vmem>> -> memref<8x8x129xf32, #tpu.memory_space<vmem>>
        tpu.vector_store_idx %parallel_loop3A_1047[%select_n3A_103, %rem3A_106, %parallel_loop3A_1008], %parallel_loop3A_1042 : memref<8x8x129xf32, #tpu.memory_space<vmem>>[vector<16xi32>, vector<16xi32>, vector<16xi32>], vector<16xf32>,
        %parallel_loop3A_1048 = arith.constant 0 : i32
        %parallel_loop3A_1049 = arith.constant 0 : i32
        %parallel_loop3A_1050 = tpu.memref_slice %arg7[%parallel_loop3A_468, %parallel_loop3A_1048, %parallel_loop3A_1049] : memref<5x128x64xf32, #tpu.memory_space<vmem>> -> memref<1x128x64xf32, #tpu.memory_space<vmem>>
        %parallel_loop3A_1051 = tpu.memref_squeeze %parallel_loop3A_1050 : memref<1x128x64xf32, #tpu.memory_space<vmem>> -> memref<128x64xf32, #tpu.memory_space<vmem>>
        %parallel_loop3A_1052 = arith.index_cast %parallel_loop3A_1006 : i32 to index
        %parallel_loop3A_1053 = arith.constant 48 : index
        %parallel_loop3A_1054 = tpu.vector_load %parallel_loop3A_1051[%parallel_loop3A_1052, %parallel_loop3A_1053] {strides = array<i32>} : memref<128x64xf32, #tpu.memory_space<vmem>>, vector<16xf32>,
        %parallel_loop3A_1055 = arith.addf %parallel_loop3A_1054, %get3A_465 : vector<16xf32>
        %parallel_loop3A_1056 = arith.constant 0 : i32
        %parallel_loop3A_1057 = arith.constant 0 : i32
        %parallel_loop3A_1058 = arith.constant 0 : i32
        %parallel_loop3A_1059 = tpu.memref_slice %arg8[%parallel_loop3A_469, %parallel_loop3A_1056, %parallel_loop3A_1057, %parallel_loop3A_1058] : memref<5x8x8x129xf32, #tpu.memory_space<vmem>> -> memref<1x8x8x129xf32, #tpu.memory_space<vmem>>
        %parallel_loop3A_1060 = tpu.memref_squeeze %parallel_loop3A_1059 : memref<1x8x8x129xf32, #tpu.memory_space<vmem>> -> memref<8x8x129xf32, #tpu.memory_space<vmem>>
        tpu.vector_store_idx %parallel_loop3A_1060[%select_n3A_141, %rem3A_144, %parallel_loop3A_1008], %parallel_loop3A_1055 : memref<8x8x129xf32, #tpu.memory_space<vmem>>[vector<16xi32>, vector<16xi32>, vector<16xi32>], vector<16xf32>,
      } {sc.loop_unroll_factor = 16 : i64, sc.parallel_access}
      %dma_start3A_470 = arith.constant 0 : i32
      %dma_start3A_471 = arith.constant 0 : i32
      %dma_start3A_472 = arith.constant 0 : i32
      %dma_start3A_473 = arith.constant 0 : i32
      %dma_start3A_474 = arith.constant 0 : i32
      %dma_start3A_475 = tpu.memref_slice %arg8[%dma_start3A_470, %dma_start3A_472, %dma_start3A_473, %dma_start3A_474] : memref<5x8x8x129xf32, #tpu.memory_space<vmem>> -> memref<1x8x8x128xf32, #tpu.memory_space<vmem>>
      %dma_start3A_476 = tpu.memref_squeeze %dma_start3A_475 : memref<1x8x8x128xf32, #tpu.memory_space<vmem>> -> memref<8x8x128xf32, #tpu.memory_space<vmem>>
      %dma_start3A_477 = arith.constant 0 : i32
      %dma_start3A_478 = arith.constant 0 : i32
      %dma_start3A_479 = arith.constant 0 : i32
      %dma_start3A_480 = tpu.memref_slice %arg5[%add3A_391, %dma_start3A_477, %add3A, %dma_start3A_478, %dma_start3A_479] : memref<200x8x32x8x128xf32, #tpu.memory_space<hbm>> -> memref<1x8x1x8x128xf32, #tpu.memory_space<hbm>>
      %dma_start3A_481 = tpu.memref_squeeze %dma_start3A_480 : memref<1x8x1x8x128xf32, #tpu.memory_space<hbm>> -> memref<8x8x128xf32, #tpu.memory_space<hbm>>
      %dma_start3A_482 = tpu.memref_slice %arg11[%dma_start3A_471] : memref<5x!tpu.dma_semaphore, #tpu.memory_space<semaphore_mem>> -> memref<1x!tpu.dma_semaphore, #tpu.memory_space<semaphore_mem>>
      %dma_start3A_483 = tpu.memref_squeeze %dma_start3A_482 : memref<1x!tpu.dma_semaphore, #tpu.memory_space<semaphore_mem>> -> memref<!tpu.dma_semaphore, #tpu.memory_space<semaphore_mem>>
      %dma_start3A_484 = arith.constant 0 : i32
      %dma_start3A_485 = arith.constant 0 : i32
      %dma_start3A_486 = arith.constant 0 : i32
      %dma_start3A_487 = tpu.memref_slice %arg5[%add3A_391, %dma_start3A_484, %add3A, %dma_start3A_485, %dma_start3A_486] : memref<200x8x32x8x128xf32, #tpu.memory_space<hbm>> -> memref<1x8x1x8x128xf32, #tpu.memory_space<hbm>>
      %dma_start3A_488 = tpu.memref_squeeze %dma_start3A_487 : memref<1x8x1x8x128xf32, #tpu.memory_space<hbm>> -> memref<8x8x128xf32, #tpu.memory_space<hbm>>
      %dma_start3A_489 = arith.constant 0 : i32
      %dma_start3A_490 = arith.constant 0 : i32
      %dma_start3A_491 = arith.constant 0 : i32
      %dma_start3A_492 = tpu.memref_slice %arg8[%dma_start3A_470, %dma_start3A_489, %dma_start3A_490, %dma_start3A_491] : memref<5x8x8x129xf32, #tpu.memory_space<vmem>> -> memref<1x8x8x128xf32, #tpu.memory_space<vmem>>
      %dma_start3A_493 = tpu.memref_squeeze %dma_start3A_492 : memref<1x8x8x128xf32, #tpu.memory_space<vmem>> -> memref<8x8x128xf32, #tpu.memory_space<vmem>>
      tpu.enqueue_dma source(%dma_start3A_493 : memref<8x8x128xf32, #tpu.memory_space<vmem>>) target(%dma_start3A_488 : memref<8x8x128xf32, #tpu.memory_space<hbm>>) target_semaphore(%dma_start3A_483 : memref<!tpu.dma_semaphore, #tpu.memory_space<semaphore_mem>>)
      %rem3A_494 = arith.constant 8 : i32
      %rem3A_495 = arith.remsi %add3A_391, %rem3A_494 : i32
      %eq3A_496 = arith.constant 7 : i32
      %eq3A_497 = arith.cmpi eq, %rem3A_495, %eq3A_496 : i32
      %add3A_498 = arith.constant 9 : i32
      %add3A_499 = arith.addi %add3A_391, %add3A_498 : i32
      %lt3A_500 = arith.constant 193 : i32
      %lt3A_501 = arith.cmpi slt, %add3A_499, %lt3A_500 : i32
      %and3A_502 = arith.andi %eq3A_497, %lt3A_501 : i1
      %convert_element_type3A_503 = arith.extui %and3A_502 : i1 to i32
      %cond3A_504 = arith.constant 0 : i32
      %cond3A_505 = arith.cmpi ne, %convert_element_type3A_503, %cond3A_504 : i32
      scf.if %cond3A_505 {
        %add3A_1006 = arith.constant 1 : i32
        %add3A_1007 = arith.addi %add3A_391, %add3A_1006 : i32
        %jit3A_1008 = arith.constant 8 : i32
        %div3A_1009 = arith.divsi %add3A_1007, %jit3A_1008 : i32
        %sign3A_1010 = arith.constant 0 : i32
        %sign3A_1011 = arith.cmpi sgt, %add3A_1007, %sign3A_1010 : i32
        %sign3A_1012 = arith.extui %sign3A_1011 : i1 to i32
        %sign3A_1013 = arith.constant 0 : i32
        %sign3A_1014 = arith.cmpi slt, %add3A_1007, %sign3A_1013 : i32
        %sign3A_1015 = arith.extui %sign3A_1014 : i1 to i32
        %sign3A_1016 = arith.subi %sign3A_1012, %sign3A_1015 : i32
        %sign3A_1017 = arith.constant 0 : i32
        %sign3A_1018 = arith.cmpi sgt, %jit3A_1008, %sign3A_1017 : i32
        %sign3A_1019 = arith.extui %sign3A_1018 : i1 to i32
        %sign3A_1020 = arith.constant 0 : i32
        %sign3A_1021 = arith.cmpi slt, %jit3A_1008, %sign3A_1020 : i32
        %sign3A_1022 = arith.extui %sign3A_1021 : i1 to i32
        %sign3A_1023 = arith.subi %sign3A_1019, %sign3A_1022 : i32
        %ne3A_1024 = arith.cmpi ne, %sign3A_1016, %sign3A_1023 : i32
        %rem3A_1025 = arith.remsi %add3A_1007, %jit3A_1008 : i32
        %ne3A_1026 = arith.constant 0 : i32
        %ne3A_1027 = arith.cmpi ne, %rem3A_1025, %ne3A_1026 : i32
        %and3A_1028 = arith.andi %ne3A_1024, %ne3A_1027 : i1
        %sub3A_1029 = arith.constant 1 : i32
        %sub3A_1030 = arith.subi %div3A_1009, %sub3A_1029 : i32
        %select_n3A_1031 = arith.select %and3A_1028, %sub3A_1030, %div3A_1009 : i32
        %add3A_1032 = arith.constant 1 : i32
        %add3A_1033 = arith.addi %select_n3A_1031, %add3A_1032 : i32
        %rem3A_1034 = arith.constant 2 : i32
        %rem3A_1035 = arith.remsi %add3A_1033, %rem3A_1034 : i32
        %rem3A_1036 = arith.constant 2 : i32
        %rem3A_1037 = arith.remsi %add3A_1033, %rem3A_1036 : i32
        %dma_start3A_1038 = arith.constant 0 : i32
        %dma_start3A_1039 = arith.constant 0 : i32
        %dma_start3A_1040 = tpu.memref_slice %arg6[%rem3A_1035, %dma_start3A_1038, %dma_start3A_1039] : memref<2x8x128xi32, #tpu.memory_space<vmem>> -> memref<1x8x128xi32, #tpu.memory_space<vmem>>
        %dma_start3A_1041 = tpu.memref_squeeze %dma_start3A_1040 : memref<1x8x128xi32, #tpu.memory_space<vmem>> -> memref<8x128xi32, #tpu.memory_space<vmem>>
        %dma_start3A_1042 = arith.constant 0 : i32
        %dma_start3A_1043 = arith.constant 0 : i32
        %dma_start3A_1044 = tpu.memref_slice %arg2[%add3A_1033, %add3A, %dma_start3A_1042, %dma_start3A_1043] : memref<25x32x8x128xi32, #tpu.memory_space<hbm>> -> memref<1x1x8x128xi32, #tpu.memory_space<hbm>>
        %dma_start3A_1045 = tpu.memref_squeeze %dma_start3A_1044 : memref<1x1x8x128xi32, #tpu.memory_space<hbm>> -> memref<8x128xi32, #tpu.memory_space<hbm>>
        %dma_start3A_1046 = tpu.memref_slice %arg12[%rem3A_1037] : memref<2x!tpu.dma_semaphore, #tpu.memory_space<semaphore_mem>> -> memref<1x!tpu.dma_semaphore, #tpu.memory_space<semaphore_mem>>
        %dma_start3A_1047 = tpu.memref_squeeze %dma_start3A_1046 : memref<1x!tpu.dma_semaphore, #tpu.memory_space<semaphore_mem>> -> memref<!tpu.dma_semaphore, #tpu.memory_space<semaphore_mem>>
        %dma_start3A_1048 = arith.constant 0 : i32
        %dma_start3A_1049 = arith.constant 0 : i32
        %dma_start3A_1050 = tpu.memref_slice %arg6[%rem3A_1035, %dma_start3A_1048, %dma_start3A_1049] : memref<2x8x128xi32, #tpu.memory_space<vmem>> -> memref<1x8x128xi32, #tpu.memory_space<vmem>>
        %dma_start3A_1051 = tpu.memref_squeeze %dma_start3A_1050 : memref<1x8x128xi32, #tpu.memory_space<vmem>> -> memref<8x128xi32, #tpu.memory_space<vmem>>
        %dma_start3A_1052 = arith.constant 0 : i32
        %dma_start3A_1053 = arith.constant 0 : i32
        %dma_start3A_1054 = tpu.memref_slice %arg2[%add3A_1033, %add3A, %dma_start3A_1052, %dma_start3A_1053] : memref<25x32x8x128xi32, #tpu.memory_space<hbm>> -> memref<1x1x8x128xi32, #tpu.memory_space<hbm>>
        %dma_start3A_1055 = tpu.memref_squeeze %dma_start3A_1054 : memref<1x1x8x128xi32, #tpu.memory_space<hbm>> -> memref<8x128xi32, #tpu.memory_space<hbm>>
        tpu.enqueue_dma source(%dma_start3A_1055 : memref<8x128xi32, #tpu.memory_space<hbm>>) target(%dma_start3A_1051 : memref<8x128xi32, #tpu.memory_space<vmem>>) target_semaphore(%dma_start3A_1047 : memref<!tpu.dma_semaphore, #tpu.memory_space<semaphore_mem>>)
      } else {
      }
      %mul3A_506 = arith.constant 5 : i32
      %mul3A_507 = arith.muli %scan3A_387, %mul3A_506 : i32
      %add3A_508 = arith.constant 1 : i32
      %add3A_509 = arith.addi %mul3A_507, %add3A_508 : i32
      %add3A_510 = arith.constant 2 : i32
      %add3A_511 = arith.addi %add3A_509, %add3A_510 : i32
      %lt3A_512 = arith.constant 200 : i32
      %lt3A_513 = arith.cmpi slt, %add3A_511, %lt3A_512 : i32
      %add3A_514 = arith.constant 2 : i32
      %add3A_515 = arith.addi %add3A_509, %add3A_514 : i32
      %rem3A_516 = arith.constant 8 : i32
      %rem3A_517 = arith.remsi %add3A_515, %rem3A_516 : i32
      %eq3A_518 = arith.constant 0 : i32
      %eq3A_519 = arith.cmpi eq, %rem3A_517, %eq3A_518 : i32
      %and3A_520 = arith.andi %lt3A_513, %eq3A_519 : i1
      %convert_element_type3A_521 = arith.extui %and3A_520 : i1 to i32
      %cond3A_522 = arith.constant 0 : i32
      %cond3A_523 = arith.cmpi ne, %convert_element_type3A_521, %cond3A_522 : i32
      scf.if %cond3A_523 {
        %add3A_1006 = arith.constant 2 : i32
        %add3A_1007 = arith.addi %add3A_509, %add3A_1006 : i32
        %jit3A_1008 = arith.constant 8 : i32
        %div3A_1009 = arith.divsi %add3A_1007, %jit3A_1008 : i32
        %sign3A_1010 = arith.constant 0 : i32
        %sign3A_1011 = arith.cmpi sgt, %add3A_1007, %sign3A_1010 : i32
        %sign3A_1012 = arith.extui %sign3A_1011 : i1 to i32
        %sign3A_1013 = arith.constant 0 : i32
        %sign3A_1014 = arith.cmpi slt, %add3A_1007, %sign3A_1013 : i32
        %sign3A_1015 = arith.extui %sign3A_1014 : i1 to i32
        %sign3A_1016 = arith.subi %sign3A_1012, %sign3A_1015 : i32
        %sign3A_1017 = arith.constant 0 : i32
        %sign3A_1018 = arith.cmpi sgt, %jit3A_1008, %sign3A_1017 : i32
        %sign3A_1019 = arith.extui %sign3A_1018 : i1 to i32
        %sign3A_1020 = arith.constant 0 : i32
        %sign3A_1021 = arith.cmpi slt, %jit3A_1008, %sign3A_1020 : i32
        %sign3A_1022 = arith.extui %sign3A_1021 : i1 to i32
        %sign3A_1023 = arith.subi %sign3A_1019, %sign3A_1022 : i32
        %ne3A_1024 = arith.cmpi ne, %sign3A_1016, %sign3A_1023 : i32
        %rem3A_1025 = arith.remsi %add3A_1007, %jit3A_1008 : i32
        %ne3A_1026 = arith.constant 0 : i32
        %ne3A_1027 = arith.cmpi ne, %rem3A_1025, %ne3A_1026 : i32
        %and3A_1028 = arith.andi %ne3A_1024, %ne3A_1027 : i1
        %sub3A_1029 = arith.constant 1 : i32
        %sub3A_1030 = arith.subi %div3A_1009, %sub3A_1029 : i32
        %select_n3A_1031 = arith.select %and3A_1028, %sub3A_1030, %div3A_1009 : i32
        %rem3A_1032 = arith.constant 2 : i32
        %rem3A_1033 = arith.remsi %select_n3A_1031, %rem3A_1032 : i32
        %rem3A_1034 = arith.constant 2 : i32
        %rem3A_1035 = arith.remsi %select_n3A_1031, %rem3A_1034 : i32
        %dma_wait3A_1036 = arith.constant 0 : i32
        %dma_wait3A_1037 = arith.constant 0 : i32
        %dma_wait3A_1038 = tpu.memref_slice %arg6[%rem3A_1033, %dma_wait3A_1036, %dma_wait3A_1037] : memref<2x8x128xi32, #tpu.memory_space<vmem>> -> memref<1x8x128xi32, #tpu.memory_space<vmem>>
        %dma_wait3A_1039 = tpu.memref_squeeze %dma_wait3A_1038 : memref<1x8x128xi32, #tpu.memory_space<vmem>> -> memref<8x128xi32, #tpu.memory_space<vmem>>
        %dma_wait3A_1040 = arith.constant 0 : i32
        %dma_wait3A_1041 = arith.constant 0 : i32
        %dma_wait3A_1042 = tpu.memref_slice %arg2[%select_n3A_1031, %add3A, %dma_wait3A_1040, %dma_wait3A_1041] : memref<25x32x8x128xi32, #tpu.memory_space<hbm>> -> memref<1x1x8x128xi32, #tpu.memory_space<hbm>>
        %dma_wait3A_1043 = tpu.memref_squeeze %dma_wait3A_1042 : memref<1x1x8x128xi32, #tpu.memory_space<hbm>> -> memref<8x128xi32, #tpu.memory_space<hbm>>
        %dma_wait3A_1044 = tpu.memref_slice %arg12[%rem3A_1035] : memref<2x!tpu.dma_semaphore, #tpu.memory_space<semaphore_mem>> -> memref<1x!tpu.dma_semaphore, #tpu.memory_space<semaphore_mem>>
        %dma_wait3A_1045 = tpu.memref_squeeze %dma_wait3A_1044 : memref<1x!tpu.dma_semaphore, #tpu.memory_space<semaphore_mem>> -> memref<!tpu.dma_semaphore, #tpu.memory_space<semaphore_mem>>
        %dma_wait3A_1046 = arith.constant 0 : i32
        %dma_wait3A_1047 = arith.constant 0 : i32
        %dma_wait3A_1048 = tpu.memref_slice %arg6[%rem3A_1033, %dma_wait3A_1046, %dma_wait3A_1047] : memref<2x8x128xi32, #tpu.memory_space<vmem>> -> memref<1x8x128xi32, #tpu.memory_space<vmem>>
        %dma_wait3A_1049 = tpu.memref_squeeze %dma_wait3A_1048 : memref<1x8x128xi32, #tpu.memory_space<vmem>> -> memref<8x128xi32, #tpu.memory_space<vmem>>
        %dma_wait3A_1050 = arith.constant 0 : i32
        %dma_wait3A_1051 = arith.constant 0 : i32
        %dma_wait3A_1052 = tpu.memref_slice %arg2[%select_n3A_1031, %add3A, %dma_wait3A_1050, %dma_wait3A_1051] : memref<25x32x8x128xi32, #tpu.memory_space<hbm>> -> memref<1x1x8x128xi32, #tpu.memory_space<hbm>>
        %dma_wait3A_1053 = tpu.memref_squeeze %dma_wait3A_1052 : memref<1x1x8x128xi32, #tpu.memory_space<hbm>> -> memref<8x128xi32, #tpu.memory_space<hbm>>
        tpu.wait_dma2 semaphore(%dma_wait3A_1045 : memref<!tpu.dma_semaphore, #tpu.memory_space<semaphore_mem>>) src(%dma_wait3A_1053 : memref<8x128xi32, #tpu.memory_space<hbm>>) dst(%dma_wait3A_1049 : memref<8x128xi32, #tpu.memory_space<vmem>>)
      } else {
      }
      %add3A_524 = arith.constant 2 : i32
      %add3A_525 = arith.addi %add3A_509, %add3A_524 : i32
      %lt3A_526 = arith.constant 200 : i32
      %lt3A_527 = arith.cmpi slt, %add3A_525, %lt3A_526 : i32
      %convert_element_type3A_528 = arith.extui %lt3A_527 : i1 to i32
      %cond3A_529 = arith.constant 0 : i32
      %cond3A_530 = arith.cmpi ne, %convert_element_type3A_528, %cond3A_529 : i32
      scf.if %cond3A_530 {
        %add3A_1006 = arith.constant 2 : i32
        %add3A_1007 = arith.addi %add3A_509, %add3A_1006 : i32
        %jit3A_1008 = arith.constant 8 : i32
        %div3A_1009 = arith.divsi %add3A_1007, %jit3A_1008 : i32
        %sign3A_1010 = arith.constant 0 : i32
        %sign3A_1011 = arith.cmpi sgt, %add3A_1007, %sign3A_1010 : i32
        %sign3A_1012 = arith.extui %sign3A_1011 : i1 to i32
        %sign3A_1013 = arith.constant 0 : i32
        %sign3A_1014 = arith.cmpi slt, %add3A_1007, %sign3A_1013 : i32
        %sign3A_1015 = arith.extui %sign3A_1014 : i1 to i32
        %sign3A_1016 = arith.subi %sign3A_1012, %sign3A_1015 : i32
        %sign3A_1017 = arith.constant 0 : i32
        %sign3A_1018 = arith.cmpi sgt, %jit3A_1008, %sign3A_1017 : i32
        %sign3A_1019 = arith.extui %sign3A_1018 : i1 to i32
        %sign3A_1020 = arith.constant 0 : i32
        %sign3A_1021 = arith.cmpi slt, %jit3A_1008, %sign3A_1020 : i32
        %sign3A_1022 = arith.extui %sign3A_1021 : i1 to i32
        %sign3A_1023 = arith.subi %sign3A_1019, %sign3A_1022 : i32
        %ne3A_1024 = arith.cmpi ne, %sign3A_1016, %sign3A_1023 : i32
        %rem3A_1025 = arith.remsi %add3A_1007, %jit3A_1008 : i32
        %ne3A_1026 = arith.constant 0 : i32
        %ne3A_1027 = arith.cmpi ne, %rem3A_1025, %ne3A_1026 : i32
        %and3A_1028 = arith.andi %ne3A_1024, %ne3A_1027 : i1
        %sub3A_1029 = arith.constant 1 : i32
        %sub3A_1030 = arith.subi %div3A_1009, %sub3A_1029 : i32
        %select_n3A_1031 = arith.select %and3A_1028, %sub3A_1030, %div3A_1009 : i32
        %rem3A_1032 = arith.constant 2 : i32
        %rem3A_1033 = arith.remsi %select_n3A_1031, %rem3A_1032 : i32
        %rem3A_1034 = arith.constant 8 : i32
        %rem3A_1035 = arith.remsi %add3A_1007, %rem3A_1034 : i32
        %dma_start3A_1036 = arith.constant 3 : i32
        %dma_start3A_1037 = arith.constant 3 : i32
        %dma_start3A_1038 = arith.constant 0 : i32
        %dma_start3A_1039 = arith.constant 0 : i32
        %dma_start3A_1040 = tpu.memref_slice %arg7[%dma_start3A_1036, %dma_start3A_1038, %dma_start3A_1039] : memref<5x128x64xf32, #tpu.memory_space<vmem>> -> memref<1x128x64xf32, #tpu.memory_space<vmem>>
        %dma_start3A_1041 = tpu.memref_squeeze %dma_start3A_1040 : memref<1x128x64xf32, #tpu.memory_space<vmem>> -> memref<128x64xf32, #tpu.memory_space<vmem>>
        %dma_start3A_1042 = arith.constant 0 : i32
        %dma_start3A_1043 = tpu.memref_slice %arg6[%rem3A_1033, %rem3A_1035, %dma_start3A_1042] : memref<2x8x128xi32, #tpu.memory_space<vmem>> -> memref<1x1x128xi32, #tpu.memory_space<vmem>>
        %dma_start3A_1044 = tpu.memref_squeeze %dma_start3A_1043 : memref<1x1x128xi32, #tpu.memory_space<vmem>> -> memref<128xi32, #tpu.memory_space<vmem>>
        %dma_start3A_1045 = arith.constant 0 : i32
        %dma_start3A_1046 = arith.constant 0 : i32
        %dma_start3A_1047 = tpu.memref_slice %arg3[%dma_start3A_1045, %dma_start3A_1046] : memref<100000x64xf32, #tpu.memory_space<hbm>> -> memref<100000x64xf32, #tpu.memory_space<hbm>>
        %dma_start3A_1048 = tpu.memref_slice %arg10[%dma_start3A_1037] : memref<5x!tpu.dma_semaphore, #tpu.memory_space<semaphore_mem>> -> memref<1x!tpu.dma_semaphore, #tpu.memory_space<semaphore_mem>>
        %dma_start3A_1049 = tpu.memref_squeeze %dma_start3A_1048 : memref<1x!tpu.dma_semaphore, #tpu.memory_space<semaphore_mem>> -> memref<!tpu.dma_semaphore, #tpu.memory_space<semaphore_mem>>
        tpu.enqueue_indirect_dma source(%dma_start3A_1047 : memref<100000x64xf32, #tpu.memory_space<hbm>>) target(%dma_start3A_1041 : memref<128x64xf32, #tpu.memory_space<vmem>>) offsets(%dma_start3A_1044 : memref<128xi32, #tpu.memory_space<vmem>>) semaphore(%dma_start3A_1049 : memref<!tpu.dma_semaphore, #tpu.memory_space<semaphore_mem>>)
      } else {
      }
      %jit3A_531 = arith.constant 8 : i32
      %div3A_532 = arith.divsi %add3A_509, %jit3A_531 : i32
      %sign3A_533 = arith.constant 0 : i32
      %sign3A_534 = arith.cmpi sgt, %add3A_509, %sign3A_533 : i32
      %sign3A_535 = arith.extui %sign3A_534 : i1 to i32
      %sign3A_536 = arith.constant 0 : i32
      %sign3A_537 = arith.cmpi slt, %add3A_509, %sign3A_536 : i32
      %sign3A_538 = arith.extui %sign3A_537 : i1 to i32
      %sign3A_539 = arith.subi %sign3A_535, %sign3A_538 : i32
      %sign3A_540 = arith.constant 0 : i32
      %sign3A_541 = arith.cmpi sgt, %jit3A_531, %sign3A_540 : i32
      %sign3A_542 = arith.extui %sign3A_541 : i1 to i32
      %sign3A_543 = arith.constant 0 : i32
      %sign3A_544 = arith.cmpi slt, %jit3A_531, %sign3A_543 : i32
      %sign3A_545 = arith.extui %sign3A_544 : i1 to i32
      %sign3A_546 = arith.subi %sign3A_542, %sign3A_545 : i32
      %ne3A_547 = arith.cmpi ne, %sign3A_539, %sign3A_546 : i32
      %rem3A_548 = arith.remsi %add3A_509, %jit3A_531 : i32
      %ne3A_549 = arith.constant 0 : i32
      %ne3A_550 = arith.cmpi ne, %rem3A_548, %ne3A_549 : i32
      %and3A_551 = arith.andi %ne3A_547, %ne3A_550 : i1
      %sub3A_552 = arith.constant 1 : i32
      %sub3A_553 = arith.subi %div3A_532, %sub3A_552 : i32
      %select_n3A_554 = arith.select %and3A_551, %sub3A_553, %div3A_532 : i32
      %rem3A_555 = arith.constant 2 : i32
      %rem3A_556 = arith.remsi %select_n3A_554, %rem3A_555 : i32
      %rem3A_557 = arith.constant 8 : i32
      %rem3A_558 = arith.remsi %add3A_509, %rem3A_557 : i32
      %dma_wait3A_559 = arith.constant 1 : i32
      %dma_wait3A_560 = arith.constant 1 : i32
      %dma_wait3A_561 = arith.constant 0 : i32
      %dma_wait3A_562 = arith.constant 0 : i32
      %dma_wait3A_563 = tpu.memref_slice %arg7[%dma_wait3A_559, %dma_wait3A_561, %dma_wait3A_562] : memref<5x128x64xf32, #tpu.memory_space<vmem>> -> memref<1x128x64xf32, #tpu.memory_space<vmem>>
      %dma_wait3A_564 = tpu.memref_squeeze %dma_wait3A_563 : memref<1x128x64xf32, #tpu.memory_space<vmem>> -> memref<128x64xf32, #tpu.memory_space<vmem>>
      %dma_wait3A_565 = arith.constant 0 : i32
      %dma_wait3A_566 = tpu.memref_slice %arg6[%rem3A_556, %rem3A_558, %dma_wait3A_565] : memref<2x8x128xi32, #tpu.memory_space<vmem>> -> memref<1x1x128xi32, #tpu.memory_space<vmem>>
      %dma_wait3A_567 = tpu.memref_squeeze %dma_wait3A_566 : memref<1x1x128xi32, #tpu.memory_space<vmem>> -> memref<128xi32, #tpu.memory_space<vmem>>
      %dma_wait3A_568 = arith.constant 0 : i32
      %dma_wait3A_569 = arith.constant 0 : i32
      %dma_wait3A_570 = tpu.memref_slice %arg3[%dma_wait3A_568, %dma_wait3A_569] : memref<100000x64xf32, #tpu.memory_space<hbm>> -> memref<100000x64xf32, #tpu.memory_space<hbm>>
      %dma_wait3A_571 = tpu.memref_slice %arg10[%dma_wait3A_560] : memref<5x!tpu.dma_semaphore, #tpu.memory_space<semaphore_mem>> -> memref<1x!tpu.dma_semaphore, #tpu.memory_space<semaphore_mem>>
      %dma_wait3A_572 = tpu.memref_squeeze %dma_wait3A_571 : memref<1x!tpu.dma_semaphore, #tpu.memory_space<semaphore_mem>> -> memref<!tpu.dma_semaphore, #tpu.memory_space<semaphore_mem>>
      tpu.wait_indirect_dma semaphore(%dma_wait3A_572 : memref<!tpu.dma_semaphore, #tpu.memory_space<semaphore_mem>>) src(%dma_wait3A_570 : memref<100000x64xf32, #tpu.memory_space<hbm>>) dst(%dma_wait3A_564 : memref<128x64xf32, #tpu.memory_space<vmem>>)
      %ge3A_573 = arith.constant 5 : i32
      %ge3A_574 = arith.cmpi sge, %add3A_509, %ge3A_573 : i32
      %convert_element_type3A_575 = arith.extui %ge3A_574 : i1 to i32
      %cond3A_576 = arith.constant 0 : i32
      %cond3A_577 = arith.cmpi ne, %convert_element_type3A_575, %cond3A_576 : i32
      scf.if %cond3A_577 {
        %sub3A_1006 = arith.constant 5 : i32
        %sub3A_1007 = arith.subi %add3A_509, %sub3A_1006 : i32
        %dma_wait3A_1008 = arith.constant 1 : i32
        %dma_wait3A_1009 = arith.constant 1 : i32
        %dma_wait3A_1010 = arith.constant 0 : i32
        %dma_wait3A_1011 = arith.constant 0 : i32
        %dma_wait3A_1012 = arith.constant 0 : i32
        %dma_wait3A_1013 = tpu.memref_slice %arg8[%dma_wait3A_1008, %dma_wait3A_1010, %dma_wait3A_1011, %dma_wait3A_1012] : memref<5x8x8x129xf32, #tpu.memory_space<vmem>> -> memref<1x8x8x128xf32, #tpu.memory_space<vmem>>
        %dma_wait3A_1014 = tpu.memref_squeeze %dma_wait3A_1013 : memref<1x8x8x128xf32, #tpu.memory_space<vmem>> -> memref<8x8x128xf32, #tpu.memory_space<vmem>>
        %dma_wait3A_1015 = arith.constant 0 : i32
        %dma_wait3A_1016 = arith.constant 0 : i32
        %dma_wait3A_1017 = arith.constant 0 : i32
        %dma_wait3A_1018 = tpu.memref_slice %arg5[%sub3A_1007, %dma_wait3A_1015, %add3A, %dma_wait3A_1016, %dma_wait3A_1017] : memref<200x8x32x8x128xf32, #tpu.memory_space<hbm>> -> memref<1x8x1x8x128xf32, #tpu.memory_space<hbm>>
        %dma_wait3A_1019 = tpu.memref_squeeze %dma_wait3A_1018 : memref<1x8x1x8x128xf32, #tpu.memory_space<hbm>> -> memref<8x8x128xf32, #tpu.memory_space<hbm>>
        %dma_wait3A_1020 = tpu.memref_slice %arg11[%dma_wait3A_1009] : memref<5x!tpu.dma_semaphore, #tpu.memory_space<semaphore_mem>> -> memref<1x!tpu.dma_semaphore, #tpu.memory_space<semaphore_mem>>
        %dma_wait3A_1021 = tpu.memref_squeeze %dma_wait3A_1020 : memref<1x!tpu.dma_semaphore, #tpu.memory_space<semaphore_mem>> -> memref<!tpu.dma_semaphore, #tpu.memory_space<semaphore_mem>>
        %dma_wait3A_1022 = arith.constant 0 : i32
        %dma_wait3A_1023 = arith.constant 0 : i32
        %dma_wait3A_1024 = arith.constant 0 : i32
        %dma_wait3A_1025 = tpu.memref_slice %arg5[%sub3A_1007, %dma_wait3A_1022, %add3A, %dma_wait3A_1023, %dma_wait3A_1024] : memref<200x8x32x8x128xf32, #tpu.memory_space<hbm>> -> memref<1x8x1x8x128xf32, #tpu.memory_space<hbm>>
        %dma_wait3A_1026 = tpu.memref_squeeze %dma_wait3A_1025 : memref<1x8x1x8x128xf32, #tpu.memory_space<hbm>> -> memref<8x8x128xf32, #tpu.memory_space<hbm>>
        %dma_wait3A_1027 = arith.constant 0 : i32
        %dma_wait3A_1028 = arith.constant 0 : i32
        %dma_wait3A_1029 = arith.constant 0 : i32
        %dma_wait3A_1030 = tpu.memref_slice %arg8[%dma_wait3A_1008, %dma_wait3A_1027, %dma_wait3A_1028, %dma_wait3A_1029] : memref<5x8x8x129xf32, #tpu.memory_space<vmem>> -> memref<1x8x8x128xf32, #tpu.memory_space<vmem>>
        %dma_wait3A_1031 = tpu.memref_squeeze %dma_wait3A_1030 : memref<1x8x8x128xf32, #tpu.memory_space<vmem>> -> memref<8x8x128xf32, #tpu.memory_space<vmem>>
        tpu.wait_dma2 semaphore(%dma_wait3A_1021 : memref<!tpu.dma_semaphore, #tpu.memory_space<semaphore_mem>>) src(%dma_wait3A_1031 : memref<8x8x128xf32, #tpu.memory_space<vmem>>) dst(%dma_wait3A_1026 : memref<8x8x128xf32, #tpu.memory_space<hbm>>)
      } else {
      }
      %get3A_578 = arith.index_cast %add3A_509 : i32 to index
      %get3A_579 = arith.constant 0 : index
      %get3A_580 = tpu.vector_load %arg9[%get3A_578, %get3A_579] {strides = array<i32>} : memref<200x64xf32, #tpu.memory_space<vmem>>, vector<16xf32>,
      %get3A_581 = arith.index_cast %add3A_509 : i32 to index
      %get3A_582 = arith.constant 16 : index
      %get3A_583 = tpu.vector_load %arg9[%get3A_581, %get3A_582] {strides = array<i32>} : memref<200x64xf32, #tpu.memory_space<vmem>>, vector<16xf32>,
      %get3A_584 = arith.index_cast %add3A_509 : i32 to index
      %get3A_585 = arith.constant 32 : index
      %get3A_586 = tpu.vector_load %arg9[%get3A_584, %get3A_585] {strides = array<i32>} : memref<200x64xf32, #tpu.memory_space<vmem>>, vector<16xf32>,
      %get3A_587 = arith.index_cast %add3A_509 : i32 to index
      %get3A_588 = arith.constant 48 : index
      %get3A_589 = tpu.vector_load %arg9[%get3A_587, %get3A_588] {strides = array<i32>} : memref<200x64xf32, #tpu.memory_space<vmem>>, vector<16xf32>,
      %parallel_loop3A_590 = arith.constant 0 : i32
      %parallel_loop3A_591 = arith.constant 128 : i32
      %parallel_loop3A_592 = arith.constant 1 : i32
      %parallel_loop3A_593 = arith.constant 1 : i32
      %parallel_loop3A_594 = arith.constant 1 : i32
      scf.for %parallel_loop3A_1006 = %parallel_loop3A_590 to %parallel_loop3A_591 step %parallel_loop3A_592  : i32 {
        %parallel_loop3A_1007 = vector.broadcast %parallel_loop3A_1006 : i32 to vector<16xi32>
        %parallel_loop3A_1008 = arith.addi %parallel_loop3A_1007, %broadcast_in_dim3A_1 : vector<16xi32>
        %parallel_loop3A_1009 = arith.constant 0 : i32
        %parallel_loop3A_1010 = arith.constant 0 : i32
        %parallel_loop3A_1011 = tpu.memref_slice %arg7[%parallel_loop3A_593, %parallel_loop3A_1009, %parallel_loop3A_1010] : memref<5x128x64xf32, #tpu.memory_space<vmem>> -> memref<1x128x64xf32, #tpu.memory_space<vmem>>
        %parallel_loop3A_1012 = tpu.memref_squeeze %parallel_loop3A_1011 : memref<1x128x64xf32, #tpu.memory_space<vmem>> -> memref<128x64xf32, #tpu.memory_space<vmem>>
        %parallel_loop3A_1013 = arith.index_cast %parallel_loop3A_1006 : i32 to index
        %parallel_loop3A_1014 = arith.constant 0 : index
        %parallel_loop3A_1015 = tpu.vector_load %parallel_loop3A_1012[%parallel_loop3A_1013, %parallel_loop3A_1014] {strides = array<i32>} : memref<128x64xf32, #tpu.memory_space<vmem>>, vector<16xf32>,
        %parallel_loop3A_1016 = arith.addf %parallel_loop3A_1015, %get3A_580 : vector<16xf32>
        %parallel_loop3A_1017 = arith.constant 0 : i32
        %parallel_loop3A_1018 = arith.constant 0 : i32
        %parallel_loop3A_1019 = arith.constant 0 : i32
        %parallel_loop3A_1020 = tpu.memref_slice %arg8[%parallel_loop3A_594, %parallel_loop3A_1017, %parallel_loop3A_1018, %parallel_loop3A_1019] : memref<5x8x8x129xf32, #tpu.memory_space<vmem>> -> memref<1x8x8x129xf32, #tpu.memory_space<vmem>>
        %parallel_loop3A_1021 = tpu.memref_squeeze %parallel_loop3A_1020 : memref<1x8x8x129xf32, #tpu.memory_space<vmem>> -> memref<8x8x129xf32, #tpu.memory_space<vmem>>
        tpu.vector_store_idx %parallel_loop3A_1021[%select_n3A, %rem3A_30, %parallel_loop3A_1008], %parallel_loop3A_1016 : memref<8x8x129xf32, #tpu.memory_space<vmem>>[vector<16xi32>, vector<16xi32>, vector<16xi32>], vector<16xf32>,
        %parallel_loop3A_1022 = arith.constant 0 : i32
        %parallel_loop3A_1023 = arith.constant 0 : i32
        %parallel_loop3A_1024 = tpu.memref_slice %arg7[%parallel_loop3A_593, %parallel_loop3A_1022, %parallel_loop3A_1023] : memref<5x128x64xf32, #tpu.memory_space<vmem>> -> memref<1x128x64xf32, #tpu.memory_space<vmem>>
        %parallel_loop3A_1025 = tpu.memref_squeeze %parallel_loop3A_1024 : memref<1x128x64xf32, #tpu.memory_space<vmem>> -> memref<128x64xf32, #tpu.memory_space<vmem>>
        %parallel_loop3A_1026 = arith.index_cast %parallel_loop3A_1006 : i32 to index
        %parallel_loop3A_1027 = arith.constant 16 : index
        %parallel_loop3A_1028 = tpu.vector_load %parallel_loop3A_1025[%parallel_loop3A_1026, %parallel_loop3A_1027] {strides = array<i32>} : memref<128x64xf32, #tpu.memory_space<vmem>>, vector<16xf32>,
        %parallel_loop3A_1029 = arith.addf %parallel_loop3A_1028, %get3A_583 : vector<16xf32>
        %parallel_loop3A_1030 = arith.constant 0 : i32
        %parallel_loop3A_1031 = arith.constant 0 : i32
        %parallel_loop3A_1032 = arith.constant 0 : i32
        %parallel_loop3A_1033 = tpu.memref_slice %arg8[%parallel_loop3A_594, %parallel_loop3A_1030, %parallel_loop3A_1031, %parallel_loop3A_1032] : memref<5x8x8x129xf32, #tpu.memory_space<vmem>> -> memref<1x8x8x129xf32, #tpu.memory_space<vmem>>
        %parallel_loop3A_1034 = tpu.memref_squeeze %parallel_loop3A_1033 : memref<1x8x8x129xf32, #tpu.memory_space<vmem>> -> memref<8x8x129xf32, #tpu.memory_space<vmem>>
        tpu.vector_store_idx %parallel_loop3A_1034[%select_n3A_65, %rem3A_68, %parallel_loop3A_1008], %parallel_loop3A_1029 : memref<8x8x129xf32, #tpu.memory_space<vmem>>[vector<16xi32>, vector<16xi32>, vector<16xi32>], vector<16xf32>,
        %parallel_loop3A_1035 = arith.constant 0 : i32
        %parallel_loop3A_1036 = arith.constant 0 : i32
        %parallel_loop3A_1037 = tpu.memref_slice %arg7[%parallel_loop3A_593, %parallel_loop3A_1035, %parallel_loop3A_1036] : memref<5x128x64xf32, #tpu.memory_space<vmem>> -> memref<1x128x64xf32, #tpu.memory_space<vmem>>
        %parallel_loop3A_1038 = tpu.memref_squeeze %parallel_loop3A_1037 : memref<1x128x64xf32, #tpu.memory_space<vmem>> -> memref<128x64xf32, #tpu.memory_space<vmem>>
        %parallel_loop3A_1039 = arith.index_cast %parallel_loop3A_1006 : i32 to index
        %parallel_loop3A_1040 = arith.constant 32 : index
        %parallel_loop3A_1041 = tpu.vector_load %parallel_loop3A_1038[%parallel_loop3A_1039, %parallel_loop3A_1040] {strides = array<i32>} : memref<128x64xf32, #tpu.memory_space<vmem>>, vector<16xf32>,
        %parallel_loop3A_1042 = arith.addf %parallel_loop3A_1041, %get3A_586 : vector<16xf32>
        %parallel_loop3A_1043 = arith.constant 0 : i32
        %parallel_loop3A_1044 = arith.constant 0 : i32
        %parallel_loop3A_1045 = arith.constant 0 : i32
        %parallel_loop3A_1046 = tpu.memref_slice %arg8[%parallel_loop3A_594, %parallel_loop3A_1043, %parallel_loop3A_1044, %parallel_loop3A_1045] : memref<5x8x8x129xf32, #tpu.memory_space<vmem>> -> memref<1x8x8x129xf32, #tpu.memory_space<vmem>>
        %parallel_loop3A_1047 = tpu.memref_squeeze %parallel_loop3A_1046 : memref<1x8x8x129xf32, #tpu.memory_space<vmem>> -> memref<8x8x129xf32, #tpu.memory_space<vmem>>
        tpu.vector_store_idx %parallel_loop3A_1047[%select_n3A_103, %rem3A_106, %parallel_loop3A_1008], %parallel_loop3A_1042 : memref<8x8x129xf32, #tpu.memory_space<vmem>>[vector<16xi32>, vector<16xi32>, vector<16xi32>], vector<16xf32>,
        %parallel_loop3A_1048 = arith.constant 0 : i32
        %parallel_loop3A_1049 = arith.constant 0 : i32
        %parallel_loop3A_1050 = tpu.memref_slice %arg7[%parallel_loop3A_593, %parallel_loop3A_1048, %parallel_loop3A_1049] : memref<5x128x64xf32, #tpu.memory_space<vmem>> -> memref<1x128x64xf32, #tpu.memory_space<vmem>>
        %parallel_loop3A_1051 = tpu.memref_squeeze %parallel_loop3A_1050 : memref<1x128x64xf32, #tpu.memory_space<vmem>> -> memref<128x64xf32, #tpu.memory_space<vmem>>
        %parallel_loop3A_1052 = arith.index_cast %parallel_loop3A_1006 : i32 to index
        %parallel_loop3A_1053 = arith.constant 48 : index
        %parallel_loop3A_1054 = tpu.vector_load %parallel_loop3A_1051[%parallel_loop3A_1052, %parallel_loop3A_1053] {strides = array<i32>} : memref<128x64xf32, #tpu.memory_space<vmem>>, vector<16xf32>,
        %parallel_loop3A_1055 = arith.addf %parallel_loop3A_1054, %get3A_589 : vector<16xf32>
        %parallel_loop3A_1056 = arith.constant 0 : i32
        %parallel_loop3A_1057 = arith.constant 0 : i32
        %parallel_loop3A_1058 = arith.constant 0 : i32
        %parallel_loop3A_1059 = tpu.memref_slice %arg8[%parallel_loop3A_594, %parallel_loop3A_1056, %parallel_loop3A_1057, %parallel_loop3A_1058] : memref<5x8x8x129xf32, #tpu.memory_space<vmem>> -> memref<1x8x8x129xf32, #tpu.memory_space<vmem>>
        %parallel_loop3A_1060 = tpu.memref_squeeze %parallel_loop3A_1059 : memref<1x8x8x129xf32, #tpu.memory_space<vmem>> -> memref<8x8x129xf32, #tpu.memory_space<vmem>>
        tpu.vector_store_idx %parallel_loop3A_1060[%select_n3A_141, %rem3A_144, %parallel_loop3A_1008], %parallel_loop3A_1055 : memref<8x8x129xf32, #tpu.memory_space<vmem>>[vector<16xi32>, vector<16xi32>, vector<16xi32>], vector<16xf32>,
      } {sc.loop_unroll_factor = 16 : i64, sc.parallel_access}
      %dma_start3A_595 = arith.constant 1 : i32
      %dma_start3A_596 = arith.constant 1 : i32
      %dma_start3A_597 = arith.constant 0 : i32
      %dma_start3A_598 = arith.constant 0 : i32
      %dma_start3A_599 = arith.constant 0 : i32
      %dma_start3A_600 = tpu.memref_slice %arg8[%dma_start3A_595, %dma_start3A_597, %dma_start3A_598, %dma_start3A_599] : memref<5x8x8x129xf32, #tpu.memory_space<vmem>> -> memref<1x8x8x128xf32, #tpu.memory_space<vmem>>
      %dma_start3A_601 = tpu.memref_squeeze %dma_start3A_600 : memref<1x8x8x128xf32, #tpu.memory_space<vmem>> -> memref<8x8x128xf32, #tpu.memory_space<vmem>>
      %dma_start3A_602 = arith.constant 0 : i32
      %dma_start3A_603 = arith.constant 0 : i32
      %dma_start3A_604 = arith.constant 0 : i32
      %dma_start3A_605 = tpu.memref_slice %arg5[%add3A_509, %dma_start3A_602, %add3A, %dma_start3A_603, %dma_start3A_604] : memref<200x8x32x8x128xf32, #tpu.memory_space<hbm>> -> memref<1x8x1x8x128xf32, #tpu.memory_space<hbm>>
      %dma_start3A_606 = tpu.memref_squeeze %dma_start3A_605 : memref<1x8x1x8x128xf32, #tpu.memory_space<hbm>> -> memref<8x8x128xf32, #tpu.memory_space<hbm>>
      %dma_start3A_607 = tpu.memref_slice %arg11[%dma_start3A_596] : memref<5x!tpu.dma_semaphore, #tpu.memory_space<semaphore_mem>> -> memref<1x!tpu.dma_semaphore, #tpu.memory_space<semaphore_mem>>
      %dma_start3A_608 = tpu.memref_squeeze %dma_start3A_607 : memref<1x!tpu.dma_semaphore, #tpu.memory_space<semaphore_mem>> -> memref<!tpu.dma_semaphore, #tpu.memory_space<semaphore_mem>>
      %dma_start3A_609 = arith.constant 0 : i32
      %dma_start3A_610 = arith.constant 0 : i32
      %dma_start3A_611 = arith.constant 0 : i32
      %dma_start3A_612 = tpu.memref_slice %arg5[%add3A_509, %dma_start3A_609, %add3A, %dma_start3A_610, %dma_start3A_611] : memref<200x8x32x8x128xf32, #tpu.memory_space<hbm>> -> memref<1x8x1x8x128xf32, #tpu.memory_space<hbm>>
      %dma_start3A_613 = tpu.memref_squeeze %dma_start3A_612 : memref<1x8x1x8x128xf32, #tpu.memory_space<hbm>> -> memref<8x8x128xf32, #tpu.memory_space<hbm>>
      %dma_start3A_614 = arith.constant 0 : i32
      %dma_start3A_615 = arith.constant 0 : i32
      %dma_start3A_616 = arith.constant 0 : i32
      %dma_start3A_617 = tpu.memref_slice %arg8[%dma_start3A_595, %dma_start3A_614, %dma_start3A_615, %dma_start3A_616] : memref<5x8x8x129xf32, #tpu.memory_space<vmem>> -> memref<1x8x8x128xf32, #tpu.memory_space<vmem>>
      %dma_start3A_618 = tpu.memref_squeeze %dma_start3A_617 : memref<1x8x8x128xf32, #tpu.memory_space<vmem>> -> memref<8x8x128xf32, #tpu.memory_space<vmem>>
      tpu.enqueue_dma source(%dma_start3A_618 : memref<8x8x128xf32, #tpu.memory_space<vmem>>) target(%dma_start3A_613 : memref<8x8x128xf32, #tpu.memory_space<hbm>>) target_semaphore(%dma_start3A_608 : memref<!tpu.dma_semaphore, #tpu.memory_space<semaphore_mem>>)
      %rem3A_619 = arith.constant 8 : i32
      %rem3A_620 = arith.remsi %add3A_509, %rem3A_619 : i32
      %eq3A_621 = arith.constant 7 : i32
      %eq3A_622 = arith.cmpi eq, %rem3A_620, %eq3A_621 : i32
      %add3A_623 = arith.constant 9 : i32
      %add3A_624 = arith.addi %add3A_509, %add3A_623 : i32
      %lt3A_625 = arith.constant 193 : i32
      %lt3A_626 = arith.cmpi slt, %add3A_624, %lt3A_625 : i32
      %and3A_627 = arith.andi %eq3A_622, %lt3A_626 : i1
      %convert_element_type3A_628 = arith.extui %and3A_627 : i1 to i32
      %cond3A_629 = arith.constant 0 : i32
      %cond3A_630 = arith.cmpi ne, %convert_element_type3A_628, %cond3A_629 : i32
      scf.if %cond3A_630 {
        %add3A_1006 = arith.constant 1 : i32
        %add3A_1007 = arith.addi %add3A_509, %add3A_1006 : i32
        %jit3A_1008 = arith.constant 8 : i32
        %div3A_1009 = arith.divsi %add3A_1007, %jit3A_1008 : i32
        %sign3A_1010 = arith.constant 0 : i32
        %sign3A_1011 = arith.cmpi sgt, %add3A_1007, %sign3A_1010 : i32
        %sign3A_1012 = arith.extui %sign3A_1011 : i1 to i32
        %sign3A_1013 = arith.constant 0 : i32
        %sign3A_1014 = arith.cmpi slt, %add3A_1007, %sign3A_1013 : i32
        %sign3A_1015 = arith.extui %sign3A_1014 : i1 to i32
        %sign3A_1016 = arith.subi %sign3A_1012, %sign3A_1015 : i32
        %sign3A_1017 = arith.constant 0 : i32
        %sign3A_1018 = arith.cmpi sgt, %jit3A_1008, %sign3A_1017 : i32
        %sign3A_1019 = arith.extui %sign3A_1018 : i1 to i32
        %sign3A_1020 = arith.constant 0 : i32
        %sign3A_1021 = arith.cmpi slt, %jit3A_1008, %sign3A_1020 : i32
        %sign3A_1022 = arith.extui %sign3A_1021 : i1 to i32
        %sign3A_1023 = arith.subi %sign3A_1019, %sign3A_1022 : i32
        %ne3A_1024 = arith.cmpi ne, %sign3A_1016, %sign3A_1023 : i32
        %rem3A_1025 = arith.remsi %add3A_1007, %jit3A_1008 : i32
        %ne3A_1026 = arith.constant 0 : i32
        %ne3A_1027 = arith.cmpi ne, %rem3A_1025, %ne3A_1026 : i32
        %and3A_1028 = arith.andi %ne3A_1024, %ne3A_1027 : i1
        %sub3A_1029 = arith.constant 1 : i32
        %sub3A_1030 = arith.subi %div3A_1009, %sub3A_1029 : i32
        %select_n3A_1031 = arith.select %and3A_1028, %sub3A_1030, %div3A_1009 : i32
        %add3A_1032 = arith.constant 1 : i32
        %add3A_1033 = arith.addi %select_n3A_1031, %add3A_1032 : i32
        %rem3A_1034 = arith.constant 2 : i32
        %rem3A_1035 = arith.remsi %add3A_1033, %rem3A_1034 : i32
        %rem3A_1036 = arith.constant 2 : i32
        %rem3A_1037 = arith.remsi %add3A_1033, %rem3A_1036 : i32
        %dma_start3A_1038 = arith.constant 0 : i32
        %dma_start3A_1039 = arith.constant 0 : i32
        %dma_start3A_1040 = tpu.memref_slice %arg6[%rem3A_1035, %dma_start3A_1038, %dma_start3A_1039] : memref<2x8x128xi32, #tpu.memory_space<vmem>> -> memref<1x8x128xi32, #tpu.memory_space<vmem>>
        %dma_start3A_1041 = tpu.memref_squeeze %dma_start3A_1040 : memref<1x8x128xi32, #tpu.memory_space<vmem>> -> memref<8x128xi32, #tpu.memory_space<vmem>>
        %dma_start3A_1042 = arith.constant 0 : i32
        %dma_start3A_1043 = arith.constant 0 : i32
        %dma_start3A_1044 = tpu.memref_slice %arg2[%add3A_1033, %add3A, %dma_start3A_1042, %dma_start3A_1043] : memref<25x32x8x128xi32, #tpu.memory_space<hbm>> -> memref<1x1x8x128xi32, #tpu.memory_space<hbm>>
        %dma_start3A_1045 = tpu.memref_squeeze %dma_start3A_1044 : memref<1x1x8x128xi32, #tpu.memory_space<hbm>> -> memref<8x128xi32, #tpu.memory_space<hbm>>
        %dma_start3A_1046 = tpu.memref_slice %arg12[%rem3A_1037] : memref<2x!tpu.dma_semaphore, #tpu.memory_space<semaphore_mem>> -> memref<1x!tpu.dma_semaphore, #tpu.memory_space<semaphore_mem>>
        %dma_start3A_1047 = tpu.memref_squeeze %dma_start3A_1046 : memref<1x!tpu.dma_semaphore, #tpu.memory_space<semaphore_mem>> -> memref<!tpu.dma_semaphore, #tpu.memory_space<semaphore_mem>>
        %dma_start3A_1048 = arith.constant 0 : i32
        %dma_start3A_1049 = arith.constant 0 : i32
        %dma_start3A_1050 = tpu.memref_slice %arg6[%rem3A_1035, %dma_start3A_1048, %dma_start3A_1049] : memref<2x8x128xi32, #tpu.memory_space<vmem>> -> memref<1x8x128xi32, #tpu.memory_space<vmem>>
        %dma_start3A_1051 = tpu.memref_squeeze %dma_start3A_1050 : memref<1x8x128xi32, #tpu.memory_space<vmem>> -> memref<8x128xi32, #tpu.memory_space<vmem>>
        %dma_start3A_1052 = arith.constant 0 : i32
        %dma_start3A_1053 = arith.constant 0 : i32
        %dma_start3A_1054 = tpu.memref_slice %arg2[%add3A_1033, %add3A, %dma_start3A_1052, %dma_start3A_1053] : memref<25x32x8x128xi32, #tpu.memory_space<hbm>> -> memref<1x1x8x128xi32, #tpu.memory_space<hbm>>
        %dma_start3A_1055 = tpu.memref_squeeze %dma_start3A_1054 : memref<1x1x8x128xi32, #tpu.memory_space<hbm>> -> memref<8x128xi32, #tpu.memory_space<hbm>>
        tpu.enqueue_dma source(%dma_start3A_1055 : memref<8x128xi32, #tpu.memory_space<hbm>>) target(%dma_start3A_1051 : memref<8x128xi32, #tpu.memory_space<vmem>>) target_semaphore(%dma_start3A_1047 : memref<!tpu.dma_semaphore, #tpu.memory_space<semaphore_mem>>)
      } else {
      }
      %mul3A_631 = arith.constant 5 : i32
      %mul3A_632 = arith.muli %scan3A_387, %mul3A_631 : i32
      %add3A_633 = arith.constant 2 : i32
      %add3A_634 = arith.addi %mul3A_632, %add3A_633 : i32
      %add3A_635 = arith.constant 2 : i32
      %add3A_636 = arith.addi %add3A_634, %add3A_635 : i32
      %lt3A_637 = arith.constant 200 : i32
      %lt3A_638 = arith.cmpi slt, %add3A_636, %lt3A_637 : i32
      %add3A_639 = arith.constant 2 : i32
      %add3A_640 = arith.addi %add3A_634, %add3A_639 : i32
      %rem3A_641 = arith.constant 8 : i32
      %rem3A_642 = arith.remsi %add3A_640, %rem3A_641 : i32
      %eq3A_643 = arith.constant 0 : i32
      %eq3A_644 = arith.cmpi eq, %rem3A_642, %eq3A_643 : i32
      %and3A_645 = arith.andi %lt3A_638, %eq3A_644 : i1
      %convert_element_type3A_646 = arith.extui %and3A_645 : i1 to i32
      %cond3A_647 = arith.constant 0 : i32
      %cond3A_648 = arith.cmpi ne, %convert_element_type3A_646, %cond3A_647 : i32
      scf.if %cond3A_648 {
        %add3A_1006 = arith.constant 2 : i32
        %add3A_1007 = arith.addi %add3A_634, %add3A_1006 : i32
        %jit3A_1008 = arith.constant 8 : i32
        %div3A_1009 = arith.divsi %add3A_1007, %jit3A_1008 : i32
        %sign3A_1010 = arith.constant 0 : i32
        %sign3A_1011 = arith.cmpi sgt, %add3A_1007, %sign3A_1010 : i32
        %sign3A_1012 = arith.extui %sign3A_1011 : i1 to i32
        %sign3A_1013 = arith.constant 0 : i32
        %sign3A_1014 = arith.cmpi slt, %add3A_1007, %sign3A_1013 : i32
        %sign3A_1015 = arith.extui %sign3A_1014 : i1 to i32
        %sign3A_1016 = arith.subi %sign3A_1012, %sign3A_1015 : i32
        %sign3A_1017 = arith.constant 0 : i32
        %sign3A_1018 = arith.cmpi sgt, %jit3A_1008, %sign3A_1017 : i32
        %sign3A_1019 = arith.extui %sign3A_1018 : i1 to i32
        %sign3A_1020 = arith.constant 0 : i32
        %sign3A_1021 = arith.cmpi slt, %jit3A_1008, %sign3A_1020 : i32
        %sign3A_1022 = arith.extui %sign3A_1021 : i1 to i32
        %sign3A_1023 = arith.subi %sign3A_1019, %sign3A_1022 : i32
        %ne3A_1024 = arith.cmpi ne, %sign3A_1016, %sign3A_1023 : i32
        %rem3A_1025 = arith.remsi %add3A_1007, %jit3A_1008 : i32
        %ne3A_1026 = arith.constant 0 : i32
        %ne3A_1027 = arith.cmpi ne, %rem3A_1025, %ne3A_1026 : i32
        %and3A_1028 = arith.andi %ne3A_1024, %ne3A_1027 : i1
        %sub3A_1029 = arith.constant 1 : i32
        %sub3A_1030 = arith.subi %div3A_1009, %sub3A_1029 : i32
        %select_n3A_1031 = arith.select %and3A_1028, %sub3A_1030, %div3A_1009 : i32
        %rem3A_1032 = arith.constant 2 : i32
        %rem3A_1033 = arith.remsi %select_n3A_1031, %rem3A_1032 : i32
        %rem3A_1034 = arith.constant 2 : i32
        %rem3A_1035 = arith.remsi %select_n3A_1031, %rem3A_1034 : i32
        %dma_wait3A_1036 = arith.constant 0 : i32
        %dma_wait3A_1037 = arith.constant 0 : i32
        %dma_wait3A_1038 = tpu.memref_slice %arg6[%rem3A_1033, %dma_wait3A_1036, %dma_wait3A_1037] : memref<2x8x128xi32, #tpu.memory_space<vmem>> -> memref<1x8x128xi32, #tpu.memory_space<vmem>>
        %dma_wait3A_1039 = tpu.memref_squeeze %dma_wait3A_1038 : memref<1x8x128xi32, #tpu.memory_space<vmem>> -> memref<8x128xi32, #tpu.memory_space<vmem>>
        %dma_wait3A_1040 = arith.constant 0 : i32
        %dma_wait3A_1041 = arith.constant 0 : i32
        %dma_wait3A_1042 = tpu.memref_slice %arg2[%select_n3A_1031, %add3A, %dma_wait3A_1040, %dma_wait3A_1041] : memref<25x32x8x128xi32, #tpu.memory_space<hbm>> -> memref<1x1x8x128xi32, #tpu.memory_space<hbm>>
        %dma_wait3A_1043 = tpu.memref_squeeze %dma_wait3A_1042 : memref<1x1x8x128xi32, #tpu.memory_space<hbm>> -> memref<8x128xi32, #tpu.memory_space<hbm>>
        %dma_wait3A_1044 = tpu.memref_slice %arg12[%rem3A_1035] : memref<2x!tpu.dma_semaphore, #tpu.memory_space<semaphore_mem>> -> memref<1x!tpu.dma_semaphore, #tpu.memory_space<semaphore_mem>>
        %dma_wait3A_1045 = tpu.memref_squeeze %dma_wait3A_1044 : memref<1x!tpu.dma_semaphore, #tpu.memory_space<semaphore_mem>> -> memref<!tpu.dma_semaphore, #tpu.memory_space<semaphore_mem>>
        %dma_wait3A_1046 = arith.constant 0 : i32
        %dma_wait3A_1047 = arith.constant 0 : i32
        %dma_wait3A_1048 = tpu.memref_slice %arg6[%rem3A_1033, %dma_wait3A_1046, %dma_wait3A_1047] : memref<2x8x128xi32, #tpu.memory_space<vmem>> -> memref<1x8x128xi32, #tpu.memory_space<vmem>>
        %dma_wait3A_1049 = tpu.memref_squeeze %dma_wait3A_1048 : memref<1x8x128xi32, #tpu.memory_space<vmem>> -> memref<8x128xi32, #tpu.memory_space<vmem>>
        %dma_wait3A_1050 = arith.constant 0 : i32
        %dma_wait3A_1051 = arith.constant 0 : i32
        %dma_wait3A_1052 = tpu.memref_slice %arg2[%select_n3A_1031, %add3A, %dma_wait3A_1050, %dma_wait3A_1051] : memref<25x32x8x128xi32, #tpu.memory_space<hbm>> -> memref<1x1x8x128xi32, #tpu.memory_space<hbm>>
        %dma_wait3A_1053 = tpu.memref_squeeze %dma_wait3A_1052 : memref<1x1x8x128xi32, #tpu.memory_space<hbm>> -> memref<8x128xi32, #tpu.memory_space<hbm>>
        tpu.wait_dma2 semaphore(%dma_wait3A_1045 : memref<!tpu.dma_semaphore, #tpu.memory_space<semaphore_mem>>) src(%dma_wait3A_1053 : memref<8x128xi32, #tpu.memory_space<hbm>>) dst(%dma_wait3A_1049 : memref<8x128xi32, #tpu.memory_space<vmem>>)
      } else {
      }
      %add3A_649 = arith.constant 2 : i32
      %add3A_650 = arith.addi %add3A_634, %add3A_649 : i32
      %lt3A_651 = arith.constant 200 : i32
      %lt3A_652 = arith.cmpi slt, %add3A_650, %lt3A_651 : i32
      %convert_element_type3A_653 = arith.extui %lt3A_652 : i1 to i32
      %cond3A_654 = arith.constant 0 : i32
      %cond3A_655 = arith.cmpi ne, %convert_element_type3A_653, %cond3A_654 : i32
      scf.if %cond3A_655 {
        %add3A_1006 = arith.constant 2 : i32
        %add3A_1007 = arith.addi %add3A_634, %add3A_1006 : i32
        %jit3A_1008 = arith.constant 8 : i32
        %div3A_1009 = arith.divsi %add3A_1007, %jit3A_1008 : i32
        %sign3A_1010 = arith.constant 0 : i32
        %sign3A_1011 = arith.cmpi sgt, %add3A_1007, %sign3A_1010 : i32
        %sign3A_1012 = arith.extui %sign3A_1011 : i1 to i32
        %sign3A_1013 = arith.constant 0 : i32
        %sign3A_1014 = arith.cmpi slt, %add3A_1007, %sign3A_1013 : i32
        %sign3A_1015 = arith.extui %sign3A_1014 : i1 to i32
        %sign3A_1016 = arith.subi %sign3A_1012, %sign3A_1015 : i32
        %sign3A_1017 = arith.constant 0 : i32
        %sign3A_1018 = arith.cmpi sgt, %jit3A_1008, %sign3A_1017 : i32
        %sign3A_1019 = arith.extui %sign3A_1018 : i1 to i32
        %sign3A_1020 = arith.constant 0 : i32
        %sign3A_1021 = arith.cmpi slt, %jit3A_1008, %sign3A_1020 : i32
        %sign3A_1022 = arith.extui %sign3A_1021 : i1 to i32
        %sign3A_1023 = arith.subi %sign3A_1019, %sign3A_1022 : i32
        %ne3A_1024 = arith.cmpi ne, %sign3A_1016, %sign3A_1023 : i32
        %rem3A_1025 = arith.remsi %add3A_1007, %jit3A_1008 : i32
        %ne3A_1026 = arith.constant 0 : i32
        %ne3A_1027 = arith.cmpi ne, %rem3A_1025, %ne3A_1026 : i32
        %and3A_1028 = arith.andi %ne3A_1024, %ne3A_1027 : i1
        %sub3A_1029 = arith.constant 1 : i32
        %sub3A_1030 = arith.subi %div3A_1009, %sub3A_1029 : i32
        %select_n3A_1031 = arith.select %and3A_1028, %sub3A_1030, %div3A_1009 : i32
        %rem3A_1032 = arith.constant 2 : i32
        %rem3A_1033 = arith.remsi %select_n3A_1031, %rem3A_1032 : i32
        %rem3A_1034 = arith.constant 8 : i32
        %rem3A_1035 = arith.remsi %add3A_1007, %rem3A_1034 : i32
        %dma_start3A_1036 = arith.constant 4 : i32
        %dma_start3A_1037 = arith.constant 4 : i32
        %dma_start3A_1038 = arith.constant 0 : i32
        %dma_start3A_1039 = arith.constant 0 : i32
        %dma_start3A_1040 = tpu.memref_slice %arg7[%dma_start3A_1036, %dma_start3A_1038, %dma_start3A_1039] : memref<5x128x64xf32, #tpu.memory_space<vmem>> -> memref<1x128x64xf32, #tpu.memory_space<vmem>>
        %dma_start3A_1041 = tpu.memref_squeeze %dma_start3A_1040 : memref<1x128x64xf32, #tpu.memory_space<vmem>> -> memref<128x64xf32, #tpu.memory_space<vmem>>
        %dma_start3A_1042 = arith.constant 0 : i32
        %dma_start3A_1043 = tpu.memref_slice %arg6[%rem3A_1033, %rem3A_1035, %dma_start3A_1042] : memref<2x8x128xi32, #tpu.memory_space<vmem>> -> memref<1x1x128xi32, #tpu.memory_space<vmem>>
        %dma_start3A_1044 = tpu.memref_squeeze %dma_start3A_1043 : memref<1x1x128xi32, #tpu.memory_space<vmem>> -> memref<128xi32, #tpu.memory_space<vmem>>
        %dma_start3A_1045 = arith.constant 0 : i32
        %dma_start3A_1046 = arith.constant 0 : i32
        %dma_start3A_1047 = tpu.memref_slice %arg3[%dma_start3A_1045, %dma_start3A_1046] : memref<100000x64xf32, #tpu.memory_space<hbm>> -> memref<100000x64xf32, #tpu.memory_space<hbm>>
        %dma_start3A_1048 = tpu.memref_slice %arg10[%dma_start3A_1037] : memref<5x!tpu.dma_semaphore, #tpu.memory_space<semaphore_mem>> -> memref<1x!tpu.dma_semaphore, #tpu.memory_space<semaphore_mem>>
        %dma_start3A_1049 = tpu.memref_squeeze %dma_start3A_1048 : memref<1x!tpu.dma_semaphore, #tpu.memory_space<semaphore_mem>> -> memref<!tpu.dma_semaphore, #tpu.memory_space<semaphore_mem>>
        tpu.enqueue_indirect_dma source(%dma_start3A_1047 : memref<100000x64xf32, #tpu.memory_space<hbm>>) target(%dma_start3A_1041 : memref<128x64xf32, #tpu.memory_space<vmem>>) offsets(%dma_start3A_1044 : memref<128xi32, #tpu.memory_space<vmem>>) semaphore(%dma_start3A_1049 : memref<!tpu.dma_semaphore, #tpu.memory_space<semaphore_mem>>)
      } else {
      }
      %jit3A_656 = arith.constant 8 : i32
      %div3A_657 = arith.divsi %add3A_634, %jit3A_656 : i32
      %sign3A_658 = arith.constant 0 : i32
      %sign3A_659 = arith.cmpi sgt, %add3A_634, %sign3A_658 : i32
      %sign3A_660 = arith.extui %sign3A_659 : i1 to i32
      %sign3A_661 = arith.constant 0 : i32
      %sign3A_662 = arith.cmpi slt, %add3A_634, %sign3A_661 : i32
      %sign3A_663 = arith.extui %sign3A_662 : i1 to i32
      %sign3A_664 = arith.subi %sign3A_660, %sign3A_663 : i32
      %sign3A_665 = arith.constant 0 : i32
      %sign3A_666 = arith.cmpi sgt, %jit3A_656, %sign3A_665 : i32
      %sign3A_667 = arith.extui %sign3A_666 : i1 to i32
      %sign3A_668 = arith.constant 0 : i32
      %sign3A_669 = arith.cmpi slt, %jit3A_656, %sign3A_668 : i32
      %sign3A_670 = arith.extui %sign3A_669 : i1 to i32
      %sign3A_671 = arith.subi %sign3A_667, %sign3A_670 : i32
      %ne3A_672 = arith.cmpi ne, %sign3A_664, %sign3A_671 : i32
      %rem3A_673 = arith.remsi %add3A_634, %jit3A_656 : i32
      %ne3A_674 = arith.constant 0 : i32
      %ne3A_675 = arith.cmpi ne, %rem3A_673, %ne3A_674 : i32
      %and3A_676 = arith.andi %ne3A_672, %ne3A_675 : i1
      %sub3A_677 = arith.constant 1 : i32
      %sub3A_678 = arith.subi %div3A_657, %sub3A_677 : i32
      %select_n3A_679 = arith.select %and3A_676, %sub3A_678, %div3A_657 : i32
      %rem3A_680 = arith.constant 2 : i32
      %rem3A_681 = arith.remsi %select_n3A_679, %rem3A_680 : i32
      %rem3A_682 = arith.constant 8 : i32
      %rem3A_683 = arith.remsi %add3A_634, %rem3A_682 : i32
      %dma_wait3A_684 = arith.constant 2 : i32
      %dma_wait3A_685 = arith.constant 2 : i32
      %dma_wait3A_686 = arith.constant 0 : i32
      %dma_wait3A_687 = arith.constant 0 : i32
      %dma_wait3A_688 = tpu.memref_slice %arg7[%dma_wait3A_684, %dma_wait3A_686, %dma_wait3A_687] : memref<5x128x64xf32, #tpu.memory_space<vmem>> -> memref<1x128x64xf32, #tpu.memory_space<vmem>>
      %dma_wait3A_689 = tpu.memref_squeeze %dma_wait3A_688 : memref<1x128x64xf32, #tpu.memory_space<vmem>> -> memref<128x64xf32, #tpu.memory_space<vmem>>
      %dma_wait3A_690 = arith.constant 0 : i32
      %dma_wait3A_691 = tpu.memref_slice %arg6[%rem3A_681, %rem3A_683, %dma_wait3A_690] : memref<2x8x128xi32, #tpu.memory_space<vmem>> -> memref<1x1x128xi32, #tpu.memory_space<vmem>>
      %dma_wait3A_692 = tpu.memref_squeeze %dma_wait3A_691 : memref<1x1x128xi32, #tpu.memory_space<vmem>> -> memref<128xi32, #tpu.memory_space<vmem>>
      %dma_wait3A_693 = arith.constant 0 : i32
      %dma_wait3A_694 = arith.constant 0 : i32
      %dma_wait3A_695 = tpu.memref_slice %arg3[%dma_wait3A_693, %dma_wait3A_694] : memref<100000x64xf32, #tpu.memory_space<hbm>> -> memref<100000x64xf32, #tpu.memory_space<hbm>>
      %dma_wait3A_696 = tpu.memref_slice %arg10[%dma_wait3A_685] : memref<5x!tpu.dma_semaphore, #tpu.memory_space<semaphore_mem>> -> memref<1x!tpu.dma_semaphore, #tpu.memory_space<semaphore_mem>>
      %dma_wait3A_697 = tpu.memref_squeeze %dma_wait3A_696 : memref<1x!tpu.dma_semaphore, #tpu.memory_space<semaphore_mem>> -> memref<!tpu.dma_semaphore, #tpu.memory_space<semaphore_mem>>
      tpu.wait_indirect_dma semaphore(%dma_wait3A_697 : memref<!tpu.dma_semaphore, #tpu.memory_space<semaphore_mem>>) src(%dma_wait3A_695 : memref<100000x64xf32, #tpu.memory_space<hbm>>) dst(%dma_wait3A_689 : memref<128x64xf32, #tpu.memory_space<vmem>>)
      %ge3A_698 = arith.constant 5 : i32
      %ge3A_699 = arith.cmpi sge, %add3A_634, %ge3A_698 : i32
      %convert_element_type3A_700 = arith.extui %ge3A_699 : i1 to i32
      %cond3A_701 = arith.constant 0 : i32
      %cond3A_702 = arith.cmpi ne, %convert_element_type3A_700, %cond3A_701 : i32
      scf.if %cond3A_702 {
        %sub3A_1006 = arith.constant 5 : i32
        %sub3A_1007 = arith.subi %add3A_634, %sub3A_1006 : i32
        %dma_wait3A_1008 = arith.constant 2 : i32
        %dma_wait3A_1009 = arith.constant 2 : i32
        %dma_wait3A_1010 = arith.constant 0 : i32
        %dma_wait3A_1011 = arith.constant 0 : i32
        %dma_wait3A_1012 = arith.constant 0 : i32
        %dma_wait3A_1013 = tpu.memref_slice %arg8[%dma_wait3A_1008, %dma_wait3A_1010, %dma_wait3A_1011, %dma_wait3A_1012] : memref<5x8x8x129xf32, #tpu.memory_space<vmem>> -> memref<1x8x8x128xf32, #tpu.memory_space<vmem>>
        %dma_wait3A_1014 = tpu.memref_squeeze %dma_wait3A_1013 : memref<1x8x8x128xf32, #tpu.memory_space<vmem>> -> memref<8x8x128xf32, #tpu.memory_space<vmem>>
        %dma_wait3A_1015 = arith.constant 0 : i32
        %dma_wait3A_1016 = arith.constant 0 : i32
        %dma_wait3A_1017 = arith.constant 0 : i32
        %dma_wait3A_1018 = tpu.memref_slice %arg5[%sub3A_1007, %dma_wait3A_1015, %add3A, %dma_wait3A_1016, %dma_wait3A_1017] : memref<200x8x32x8x128xf32, #tpu.memory_space<hbm>> -> memref<1x8x1x8x128xf32, #tpu.memory_space<hbm>>
        %dma_wait3A_1019 = tpu.memref_squeeze %dma_wait3A_1018 : memref<1x8x1x8x128xf32, #tpu.memory_space<hbm>> -> memref<8x8x128xf32, #tpu.memory_space<hbm>>
        %dma_wait3A_1020 = tpu.memref_slice %arg11[%dma_wait3A_1009] : memref<5x!tpu.dma_semaphore, #tpu.memory_space<semaphore_mem>> -> memref<1x!tpu.dma_semaphore, #tpu.memory_space<semaphore_mem>>
        %dma_wait3A_1021 = tpu.memref_squeeze %dma_wait3A_1020 : memref<1x!tpu.dma_semaphore, #tpu.memory_space<semaphore_mem>> -> memref<!tpu.dma_semaphore, #tpu.memory_space<semaphore_mem>>
        %dma_wait3A_1022 = arith.constant 0 : i32
        %dma_wait3A_1023 = arith.constant 0 : i32
        %dma_wait3A_1024 = arith.constant 0 : i32
        %dma_wait3A_1025 = tpu.memref_slice %arg5[%sub3A_1007, %dma_wait3A_1022, %add3A, %dma_wait3A_1023, %dma_wait3A_1024] : memref<200x8x32x8x128xf32, #tpu.memory_space<hbm>> -> memref<1x8x1x8x128xf32, #tpu.memory_space<hbm>>
        %dma_wait3A_1026 = tpu.memref_squeeze %dma_wait3A_1025 : memref<1x8x1x8x128xf32, #tpu.memory_space<hbm>> -> memref<8x8x128xf32, #tpu.memory_space<hbm>>
        %dma_wait3A_1027 = arith.constant 0 : i32
        %dma_wait3A_1028 = arith.constant 0 : i32
        %dma_wait3A_1029 = arith.constant 0 : i32
        %dma_wait3A_1030 = tpu.memref_slice %arg8[%dma_wait3A_1008, %dma_wait3A_1027, %dma_wait3A_1028, %dma_wait3A_1029] : memref<5x8x8x129xf32, #tpu.memory_space<vmem>> -> memref<1x8x8x128xf32, #tpu.memory_space<vmem>>
        %dma_wait3A_1031 = tpu.memref_squeeze %dma_wait3A_1030 : memref<1x8x8x128xf32, #tpu.memory_space<vmem>> -> memref<8x8x128xf32, #tpu.memory_space<vmem>>
        tpu.wait_dma2 semaphore(%dma_wait3A_1021 : memref<!tpu.dma_semaphore, #tpu.memory_space<semaphore_mem>>) src(%dma_wait3A_1031 : memref<8x8x128xf32, #tpu.memory_space<vmem>>) dst(%dma_wait3A_1026 : memref<8x8x128xf32, #tpu.memory_space<hbm>>)
      } else {
      }
      %get3A_703 = arith.index_cast %add3A_634 : i32 to index
      %get3A_704 = arith.constant 0 : index
      %get3A_705 = tpu.vector_load %arg9[%get3A_703, %get3A_704] {strides = array<i32>} : memref<200x64xf32, #tpu.memory_space<vmem>>, vector<16xf32>,
      %get3A_706 = arith.index_cast %add3A_634 : i32 to index
      %get3A_707 = arith.constant 16 : index
      %get3A_708 = tpu.vector_load %arg9[%get3A_706, %get3A_707] {strides = array<i32>} : memref<200x64xf32, #tpu.memory_space<vmem>>, vector<16xf32>,
      %get3A_709 = arith.index_cast %add3A_634 : i32 to index
      %get3A_710 = arith.constant 32 : index
      %get3A_711 = tpu.vector_load %arg9[%get3A_709, %get3A_710] {strides = array<i32>} : memref<200x64xf32, #tpu.memory_space<vmem>>, vector<16xf32>,
      %get3A_712 = arith.index_cast %add3A_634 : i32 to index
      %get3A_713 = arith.constant 48 : index
      %get3A_714 = tpu.vector_load %arg9[%get3A_712, %get3A_713] {strides = array<i32>} : memref<200x64xf32, #tpu.memory_space<vmem>>, vector<16xf32>,
      %parallel_loop3A_715 = arith.constant 0 : i32
      %parallel_loop3A_716 = arith.constant 128 : i32
      %parallel_loop3A_717 = arith.constant 1 : i32
      %parallel_loop3A_718 = arith.constant 2 : i32
      %parallel_loop3A_719 = arith.constant 2 : i32
      scf.for %parallel_loop3A_1006 = %parallel_loop3A_715 to %parallel_loop3A_716 step %parallel_loop3A_717  : i32 {
        %parallel_loop3A_1007 = vector.broadcast %parallel_loop3A_1006 : i32 to vector<16xi32>
        %parallel_loop3A_1008 = arith.addi %parallel_loop3A_1007, %broadcast_in_dim3A_1 : vector<16xi32>
        %parallel_loop3A_1009 = arith.constant 0 : i32
        %parallel_loop3A_1010 = arith.constant 0 : i32
        %parallel_loop3A_1011 = tpu.memref_slice %arg7[%parallel_loop3A_718, %parallel_loop3A_1009, %parallel_loop3A_1010] : memref<5x128x64xf32, #tpu.memory_space<vmem>> -> memref<1x128x64xf32, #tpu.memory_space<vmem>>
        %parallel_loop3A_1012 = tpu.memref_squeeze %parallel_loop3A_1011 : memref<1x128x64xf32, #tpu.memory_space<vmem>> -> memref<128x64xf32, #tpu.memory_space<vmem>>
        %parallel_loop3A_1013 = arith.index_cast %parallel_loop3A_1006 : i32 to index
        %parallel_loop3A_1014 = arith.constant 0 : index
        %parallel_loop3A_1015 = tpu.vector_load %parallel_loop3A_1012[%parallel_loop3A_1013, %parallel_loop3A_1014] {strides = array<i32>} : memref<128x64xf32, #tpu.memory_space<vmem>>, vector<16xf32>,
        %parallel_loop3A_1016 = arith.addf %parallel_loop3A_1015, %get3A_705 : vector<16xf32>
        %parallel_loop3A_1017 = arith.constant 0 : i32
        %parallel_loop3A_1018 = arith.constant 0 : i32
        %parallel_loop3A_1019 = arith.constant 0 : i32
        %parallel_loop3A_1020 = tpu.memref_slice %arg8[%parallel_loop3A_719, %parallel_loop3A_1017, %parallel_loop3A_1018, %parallel_loop3A_1019] : memref<5x8x8x129xf32, #tpu.memory_space<vmem>> -> memref<1x8x8x129xf32, #tpu.memory_space<vmem>>
        %parallel_loop3A_1021 = tpu.memref_squeeze %parallel_loop3A_1020 : memref<1x8x8x129xf32, #tpu.memory_space<vmem>> -> memref<8x8x129xf32, #tpu.memory_space<vmem>>
        tpu.vector_store_idx %parallel_loop3A_1021[%select_n3A, %rem3A_30, %parallel_loop3A_1008], %parallel_loop3A_1016 : memref<8x8x129xf32, #tpu.memory_space<vmem>>[vector<16xi32>, vector<16xi32>, vector<16xi32>], vector<16xf32>,
        %parallel_loop3A_1022 = arith.constant 0 : i32
        %parallel_loop3A_1023 = arith.constant 0 : i32
        %parallel_loop3A_1024 = tpu.memref_slice %arg7[%parallel_loop3A_718, %parallel_loop3A_1022, %parallel_loop3A_1023] : memref<5x128x64xf32, #tpu.memory_space<vmem>> -> memref<1x128x64xf32, #tpu.memory_space<vmem>>
        %parallel_loop3A_1025 = tpu.memref_squeeze %parallel_loop3A_1024 : memref<1x128x64xf32, #tpu.memory_space<vmem>> -> memref<128x64xf32, #tpu.memory_space<vmem>>
        %parallel_loop3A_1026 = arith.index_cast %parallel_loop3A_1006 : i32 to index
        %parallel_loop3A_1027 = arith.constant 16 : index
        %parallel_loop3A_1028 = tpu.vector_load %parallel_loop3A_1025[%parallel_loop3A_1026, %parallel_loop3A_1027] {strides = array<i32>} : memref<128x64xf32, #tpu.memory_space<vmem>>, vector<16xf32>,
        %parallel_loop3A_1029 = arith.addf %parallel_loop3A_1028, %get3A_708 : vector<16xf32>
        %parallel_loop3A_1030 = arith.constant 0 : i32
        %parallel_loop3A_1031 = arith.constant 0 : i32
        %parallel_loop3A_1032 = arith.constant 0 : i32
        %parallel_loop3A_1033 = tpu.memref_slice %arg8[%parallel_loop3A_719, %parallel_loop3A_1030, %parallel_loop3A_1031, %parallel_loop3A_1032] : memref<5x8x8x129xf32, #tpu.memory_space<vmem>> -> memref<1x8x8x129xf32, #tpu.memory_space<vmem>>
        %parallel_loop3A_1034 = tpu.memref_squeeze %parallel_loop3A_1033 : memref<1x8x8x129xf32, #tpu.memory_space<vmem>> -> memref<8x8x129xf32, #tpu.memory_space<vmem>>
        tpu.vector_store_idx %parallel_loop3A_1034[%select_n3A_65, %rem3A_68, %parallel_loop3A_1008], %parallel_loop3A_1029 : memref<8x8x129xf32, #tpu.memory_space<vmem>>[vector<16xi32>, vector<16xi32>, vector<16xi32>], vector<16xf32>,
        %parallel_loop3A_1035 = arith.constant 0 : i32
        %parallel_loop3A_1036 = arith.constant 0 : i32
        %parallel_loop3A_1037 = tpu.memref_slice %arg7[%parallel_loop3A_718, %parallel_loop3A_1035, %parallel_loop3A_1036] : memref<5x128x64xf32, #tpu.memory_space<vmem>> -> memref<1x128x64xf32, #tpu.memory_space<vmem>>
        %parallel_loop3A_1038 = tpu.memref_squeeze %parallel_loop3A_1037 : memref<1x128x64xf32, #tpu.memory_space<vmem>> -> memref<128x64xf32, #tpu.memory_space<vmem>>
        %parallel_loop3A_1039 = arith.index_cast %parallel_loop3A_1006 : i32 to index
        %parallel_loop3A_1040 = arith.constant 32 : index
        %parallel_loop3A_1041 = tpu.vector_load %parallel_loop3A_1038[%parallel_loop3A_1039, %parallel_loop3A_1040] {strides = array<i32>} : memref<128x64xf32, #tpu.memory_space<vmem>>, vector<16xf32>,
        %parallel_loop3A_1042 = arith.addf %parallel_loop3A_1041, %get3A_711 : vector<16xf32>
        %parallel_loop3A_1043 = arith.constant 0 : i32
        %parallel_loop3A_1044 = arith.constant 0 : i32
        %parallel_loop3A_1045 = arith.constant 0 : i32
        %parallel_loop3A_1046 = tpu.memref_slice %arg8[%parallel_loop3A_719, %parallel_loop3A_1043, %parallel_loop3A_1044, %parallel_loop3A_1045] : memref<5x8x8x129xf32, #tpu.memory_space<vmem>> -> memref<1x8x8x129xf32, #tpu.memory_space<vmem>>
        %parallel_loop3A_1047 = tpu.memref_squeeze %parallel_loop3A_1046 : memref<1x8x8x129xf32, #tpu.memory_space<vmem>> -> memref<8x8x129xf32, #tpu.memory_space<vmem>>
        tpu.vector_store_idx %parallel_loop3A_1047[%select_n3A_103, %rem3A_106, %parallel_loop3A_1008], %parallel_loop3A_1042 : memref<8x8x129xf32, #tpu.memory_space<vmem>>[vector<16xi32>, vector<16xi32>, vector<16xi32>], vector<16xf32>,
        %parallel_loop3A_1048 = arith.constant 0 : i32
        %parallel_loop3A_1049 = arith.constant 0 : i32
        %parallel_loop3A_1050 = tpu.memref_slice %arg7[%parallel_loop3A_718, %parallel_loop3A_1048, %parallel_loop3A_1049] : memref<5x128x64xf32, #tpu.memory_space<vmem>> -> memref<1x128x64xf32, #tpu.memory_space<vmem>>
        %parallel_loop3A_1051 = tpu.memref_squeeze %parallel_loop3A_1050 : memref<1x128x64xf32, #tpu.memory_space<vmem>> -> memref<128x64xf32, #tpu.memory_space<vmem>>
        %parallel_loop3A_1052 = arith.index_cast %parallel_loop3A_1006 : i32 to index
        %parallel_loop3A_1053 = arith.constant 48 : index
        %parallel_loop3A_1054 = tpu.vector_load %parallel_loop3A_1051[%parallel_loop3A_1052, %parallel_loop3A_1053] {strides = array<i32>} : memref<128x64xf32, #tpu.memory_space<vmem>>, vector<16xf32>,
        %parallel_loop3A_1055 = arith.addf %parallel_loop3A_1054, %get3A_714 : vector<16xf32>
        %parallel_loop3A_1056 = arith.constant 0 : i32
        %parallel_loop3A_1057 = arith.constant 0 : i32
        %parallel_loop3A_1058 = arith.constant 0 : i32
        %parallel_loop3A_1059 = tpu.memref_slice %arg8[%parallel_loop3A_719, %parallel_loop3A_1056, %parallel_loop3A_1057, %parallel_loop3A_1058] : memref<5x8x8x129xf32, #tpu.memory_space<vmem>> -> memref<1x8x8x129xf32, #tpu.memory_space<vmem>>
        %parallel_loop3A_1060 = tpu.memref_squeeze %parallel_loop3A_1059 : memref<1x8x8x129xf32, #tpu.memory_space<vmem>> -> memref<8x8x129xf32, #tpu.memory_space<vmem>>
        tpu.vector_store_idx %parallel_loop3A_1060[%select_n3A_141, %rem3A_144, %parallel_loop3A_1008], %parallel_loop3A_1055 : memref<8x8x129xf32, #tpu.memory_space<vmem>>[vector<16xi32>, vector<16xi32>, vector<16xi32>], vector<16xf32>,
      } {sc.loop_unroll_factor = 16 : i64, sc.parallel_access}
      %dma_start3A_720 = arith.constant 2 : i32
      %dma_start3A_721 = arith.constant 2 : i32
      %dma_start3A_722 = arith.constant 0 : i32
      %dma_start3A_723 = arith.constant 0 : i32
      %dma_start3A_724 = arith.constant 0 : i32
      %dma_start3A_725 = tpu.memref_slice %arg8[%dma_start3A_720, %dma_start3A_722, %dma_start3A_723, %dma_start3A_724] : memref<5x8x8x129xf32, #tpu.memory_space<vmem>> -> memref<1x8x8x128xf32, #tpu.memory_space<vmem>>
      %dma_start3A_726 = tpu.memref_squeeze %dma_start3A_725 : memref<1x8x8x128xf32, #tpu.memory_space<vmem>> -> memref<8x8x128xf32, #tpu.memory_space<vmem>>
      %dma_start3A_727 = arith.constant 0 : i32
      %dma_start3A_728 = arith.constant 0 : i32
      %dma_start3A_729 = arith.constant 0 : i32
      %dma_start3A_730 = tpu.memref_slice %arg5[%add3A_634, %dma_start3A_727, %add3A, %dma_start3A_728, %dma_start3A_729] : memref<200x8x32x8x128xf32, #tpu.memory_space<hbm>> -> memref<1x8x1x8x128xf32, #tpu.memory_space<hbm>>
      %dma_start3A_731 = tpu.memref_squeeze %dma_start3A_730 : memref<1x8x1x8x128xf32, #tpu.memory_space<hbm>> -> memref<8x8x128xf32, #tpu.memory_space<hbm>>
      %dma_start3A_732 = tpu.memref_slice %arg11[%dma_start3A_721] : memref<5x!tpu.dma_semaphore, #tpu.memory_space<semaphore_mem>> -> memref<1x!tpu.dma_semaphore, #tpu.memory_space<semaphore_mem>>
      %dma_start3A_733 = tpu.memref_squeeze %dma_start3A_732 : memref<1x!tpu.dma_semaphore, #tpu.memory_space<semaphore_mem>> -> memref<!tpu.dma_semaphore, #tpu.memory_space<semaphore_mem>>
      %dma_start3A_734 = arith.constant 0 : i32
      %dma_start3A_735 = arith.constant 0 : i32
      %dma_start3A_736 = arith.constant 0 : i32
      %dma_start3A_737 = tpu.memref_slice %arg5[%add3A_634, %dma_start3A_734, %add3A, %dma_start3A_735, %dma_start3A_736] : memref<200x8x32x8x128xf32, #tpu.memory_space<hbm>> -> memref<1x8x1x8x128xf32, #tpu.memory_space<hbm>>
      %dma_start3A_738 = tpu.memref_squeeze %dma_start3A_737 : memref<1x8x1x8x128xf32, #tpu.memory_space<hbm>> -> memref<8x8x128xf32, #tpu.memory_space<hbm>>
      %dma_start3A_739 = arith.constant 0 : i32
      %dma_start3A_740 = arith.constant 0 : i32
      %dma_start3A_741 = arith.constant 0 : i32
      %dma_start3A_742 = tpu.memref_slice %arg8[%dma_start3A_720, %dma_start3A_739, %dma_start3A_740, %dma_start3A_741] : memref<5x8x8x129xf32, #tpu.memory_space<vmem>> -> memref<1x8x8x128xf32, #tpu.memory_space<vmem>>
      %dma_start3A_743 = tpu.memref_squeeze %dma_start3A_742 : memref<1x8x8x128xf32, #tpu.memory_space<vmem>> -> memref<8x8x128xf32, #tpu.memory_space<vmem>>
      tpu.enqueue_dma source(%dma_start3A_743 : memref<8x8x128xf32, #tpu.memory_space<vmem>>) target(%dma_start3A_738 : memref<8x8x128xf32, #tpu.memory_space<hbm>>) target_semaphore(%dma_start3A_733 : memref<!tpu.dma_semaphore, #tpu.memory_space<semaphore_mem>>)
      %rem3A_744 = arith.constant 8 : i32
      %rem3A_745 = arith.remsi %add3A_634, %rem3A_744 : i32
      %eq3A_746 = arith.constant 7 : i32
      %eq3A_747 = arith.cmpi eq, %rem3A_745, %eq3A_746 : i32
      %add3A_748 = arith.constant 9 : i32
      %add3A_749 = arith.addi %add3A_634, %add3A_748 : i32
      %lt3A_750 = arith.constant 193 : i32
      %lt3A_751 = arith.cmpi slt, %add3A_749, %lt3A_750 : i32
      %and3A_752 = arith.andi %eq3A_747, %lt3A_751 : i1
      %convert_element_type3A_753 = arith.extui %and3A_752 : i1 to i32
      %cond3A_754 = arith.constant 0 : i32
      %cond3A_755 = arith.cmpi ne, %convert_element_type3A_753, %cond3A_754 : i32
      scf.if %cond3A_755 {
        %add3A_1006 = arith.constant 1 : i32
        %add3A_1007 = arith.addi %add3A_634, %add3A_1006 : i32
        %jit3A_1008 = arith.constant 8 : i32
        %div3A_1009 = arith.divsi %add3A_1007, %jit3A_1008 : i32
        %sign3A_1010 = arith.constant 0 : i32
        %sign3A_1011 = arith.cmpi sgt, %add3A_1007, %sign3A_1010 : i32
        %sign3A_1012 = arith.extui %sign3A_1011 : i1 to i32
        %sign3A_1013 = arith.constant 0 : i32
        %sign3A_1014 = arith.cmpi slt, %add3A_1007, %sign3A_1013 : i32
        %sign3A_1015 = arith.extui %sign3A_1014 : i1 to i32
        %sign3A_1016 = arith.subi %sign3A_1012, %sign3A_1015 : i32
        %sign3A_1017 = arith.constant 0 : i32
        %sign3A_1018 = arith.cmpi sgt, %jit3A_1008, %sign3A_1017 : i32
        %sign3A_1019 = arith.extui %sign3A_1018 : i1 to i32
        %sign3A_1020 = arith.constant 0 : i32
        %sign3A_1021 = arith.cmpi slt, %jit3A_1008, %sign3A_1020 : i32
        %sign3A_1022 = arith.extui %sign3A_1021 : i1 to i32
        %sign3A_1023 = arith.subi %sign3A_1019, %sign3A_1022 : i32
        %ne3A_1024 = arith.cmpi ne, %sign3A_1016, %sign3A_1023 : i32
        %rem3A_1025 = arith.remsi %add3A_1007, %jit3A_1008 : i32
        %ne3A_1026 = arith.constant 0 : i32
        %ne3A_1027 = arith.cmpi ne, %rem3A_1025, %ne3A_1026 : i32
        %and3A_1028 = arith.andi %ne3A_1024, %ne3A_1027 : i1
        %sub3A_1029 = arith.constant 1 : i32
        %sub3A_1030 = arith.subi %div3A_1009, %sub3A_1029 : i32
        %select_n3A_1031 = arith.select %and3A_1028, %sub3A_1030, %div3A_1009 : i32
        %add3A_1032 = arith.constant 1 : i32
        %add3A_1033 = arith.addi %select_n3A_1031, %add3A_1032 : i32
        %rem3A_1034 = arith.constant 2 : i32
        %rem3A_1035 = arith.remsi %add3A_1033, %rem3A_1034 : i32
        %rem3A_1036 = arith.constant 2 : i32
        %rem3A_1037 = arith.remsi %add3A_1033, %rem3A_1036 : i32
        %dma_start3A_1038 = arith.constant 0 : i32
        %dma_start3A_1039 = arith.constant 0 : i32
        %dma_start3A_1040 = tpu.memref_slice %arg6[%rem3A_1035, %dma_start3A_1038, %dma_start3A_1039] : memref<2x8x128xi32, #tpu.memory_space<vmem>> -> memref<1x8x128xi32, #tpu.memory_space<vmem>>
        %dma_start3A_1041 = tpu.memref_squeeze %dma_start3A_1040 : memref<1x8x128xi32, #tpu.memory_space<vmem>> -> memref<8x128xi32, #tpu.memory_space<vmem>>
        %dma_start3A_1042 = arith.constant 0 : i32
        %dma_start3A_1043 = arith.constant 0 : i32
        %dma_start3A_1044 = tpu.memref_slice %arg2[%add3A_1033, %add3A, %dma_start3A_1042, %dma_start3A_1043] : memref<25x32x8x128xi32, #tpu.memory_space<hbm>> -> memref<1x1x8x128xi32, #tpu.memory_space<hbm>>
        %dma_start3A_1045 = tpu.memref_squeeze %dma_start3A_1044 : memref<1x1x8x128xi32, #tpu.memory_space<hbm>> -> memref<8x128xi32, #tpu.memory_space<hbm>>
        %dma_start3A_1046 = tpu.memref_slice %arg12[%rem3A_1037] : memref<2x!tpu.dma_semaphore, #tpu.memory_space<semaphore_mem>> -> memref<1x!tpu.dma_semaphore, #tpu.memory_space<semaphore_mem>>
        %dma_start3A_1047 = tpu.memref_squeeze %dma_start3A_1046 : memref<1x!tpu.dma_semaphore, #tpu.memory_space<semaphore_mem>> -> memref<!tpu.dma_semaphore, #tpu.memory_space<semaphore_mem>>
        %dma_start3A_1048 = arith.constant 0 : i32
        %dma_start3A_1049 = arith.constant 0 : i32
        %dma_start3A_1050 = tpu.memref_slice %arg6[%rem3A_1035, %dma_start3A_1048, %dma_start3A_1049] : memref<2x8x128xi32, #tpu.memory_space<vmem>> -> memref<1x8x128xi32, #tpu.memory_space<vmem>>
        %dma_start3A_1051 = tpu.memref_squeeze %dma_start3A_1050 : memref<1x8x128xi32, #tpu.memory_space<vmem>> -> memref<8x128xi32, #tpu.memory_space<vmem>>
        %dma_start3A_1052 = arith.constant 0 : i32
        %dma_start3A_1053 = arith.constant 0 : i32
        %dma_start3A_1054 = tpu.memref_slice %arg2[%add3A_1033, %add3A, %dma_start3A_1052, %dma_start3A_1053] : memref<25x32x8x128xi32, #tpu.memory_space<hbm>> -> memref<1x1x8x128xi32, #tpu.memory_space<hbm>>
        %dma_start3A_1055 = tpu.memref_squeeze %dma_start3A_1054 : memref<1x1x8x128xi32, #tpu.memory_space<hbm>> -> memref<8x128xi32, #tpu.memory_space<hbm>>
        tpu.enqueue_dma source(%dma_start3A_1055 : memref<8x128xi32, #tpu.memory_space<hbm>>) target(%dma_start3A_1051 : memref<8x128xi32, #tpu.memory_space<vmem>>) target_semaphore(%dma_start3A_1047 : memref<!tpu.dma_semaphore, #tpu.memory_space<semaphore_mem>>)
      } else {
      }
      %mul3A_756 = arith.constant 5 : i32
      %mul3A_757 = arith.muli %scan3A_387, %mul3A_756 : i32
      %add3A_758 = arith.constant 3 : i32
      %add3A_759 = arith.addi %mul3A_757, %add3A_758 : i32
      %add3A_760 = arith.constant 2 : i32
      %add3A_761 = arith.addi %add3A_759, %add3A_760 : i32
      %lt3A_762 = arith.constant 200 : i32
      %lt3A_763 = arith.cmpi slt, %add3A_761, %lt3A_762 : i32
      %add3A_764 = arith.constant 2 : i32
      %add3A_765 = arith.addi %add3A_759, %add3A_764 : i32
      %rem3A_766 = arith.constant 8 : i32
      %rem3A_767 = arith.remsi %add3A_765, %rem3A_766 : i32
      %eq3A_768 = arith.constant 0 : i32
      %eq3A_769 = arith.cmpi eq, %rem3A_767, %eq3A_768 : i32
      %and3A_770 = arith.andi %lt3A_763, %eq3A_769 : i1
      %convert_element_type3A_771 = arith.extui %and3A_770 : i1 to i32
      %cond3A_772 = arith.constant 0 : i32
      %cond3A_773 = arith.cmpi ne, %convert_element_type3A_771, %cond3A_772 : i32
      scf.if %cond3A_773 {
        %add3A_1006 = arith.constant 2 : i32
        %add3A_1007 = arith.addi %add3A_759, %add3A_1006 : i32
        %jit3A_1008 = arith.constant 8 : i32
        %div3A_1009 = arith.divsi %add3A_1007, %jit3A_1008 : i32
        %sign3A_1010 = arith.constant 0 : i32
        %sign3A_1011 = arith.cmpi sgt, %add3A_1007, %sign3A_1010 : i32
        %sign3A_1012 = arith.extui %sign3A_1011 : i1 to i32
        %sign3A_1013 = arith.constant 0 : i32
        %sign3A_1014 = arith.cmpi slt, %add3A_1007, %sign3A_1013 : i32
        %sign3A_1015 = arith.extui %sign3A_1014 : i1 to i32
        %sign3A_1016 = arith.subi %sign3A_1012, %sign3A_1015 : i32
        %sign3A_1017 = arith.constant 0 : i32
        %sign3A_1018 = arith.cmpi sgt, %jit3A_1008, %sign3A_1017 : i32
        %sign3A_1019 = arith.extui %sign3A_1018 : i1 to i32
        %sign3A_1020 = arith.constant 0 : i32
        %sign3A_1021 = arith.cmpi slt, %jit3A_1008, %sign3A_1020 : i32
        %sign3A_1022 = arith.extui %sign3A_1021 : i1 to i32
        %sign3A_1023 = arith.subi %sign3A_1019, %sign3A_1022 : i32
        %ne3A_1024 = arith.cmpi ne, %sign3A_1016, %sign3A_1023 : i32
        %rem3A_1025 = arith.remsi %add3A_1007, %jit3A_1008 : i32
        %ne3A_1026 = arith.constant 0 : i32
        %ne3A_1027 = arith.cmpi ne, %rem3A_1025, %ne3A_1026 : i32
        %and3A_1028 = arith.andi %ne3A_1024, %ne3A_1027 : i1
        %sub3A_1029 = arith.constant 1 : i32
        %sub3A_1030 = arith.subi %div3A_1009, %sub3A_1029 : i32
        %select_n3A_1031 = arith.select %and3A_1028, %sub3A_1030, %div3A_1009 : i32
        %rem3A_1032 = arith.constant 2 : i32
        %rem3A_1033 = arith.remsi %select_n3A_1031, %rem3A_1032 : i32
        %rem3A_1034 = arith.constant 2 : i32
        %rem3A_1035 = arith.remsi %select_n3A_1031, %rem3A_1034 : i32
        %dma_wait3A_1036 = arith.constant 0 : i32
        %dma_wait3A_1037 = arith.constant 0 : i32
        %dma_wait3A_1038 = tpu.memref_slice %arg6[%rem3A_1033, %dma_wait3A_1036, %dma_wait3A_1037] : memref<2x8x128xi32, #tpu.memory_space<vmem>> -> memref<1x8x128xi32, #tpu.memory_space<vmem>>
        %dma_wait3A_1039 = tpu.memref_squeeze %dma_wait3A_1038 : memref<1x8x128xi32, #tpu.memory_space<vmem>> -> memref<8x128xi32, #tpu.memory_space<vmem>>
        %dma_wait3A_1040 = arith.constant 0 : i32
        %dma_wait3A_1041 = arith.constant 0 : i32
        %dma_wait3A_1042 = tpu.memref_slice %arg2[%select_n3A_1031, %add3A, %dma_wait3A_1040, %dma_wait3A_1041] : memref<25x32x8x128xi32, #tpu.memory_space<hbm>> -> memref<1x1x8x128xi32, #tpu.memory_space<hbm>>
        %dma_wait3A_1043 = tpu.memref_squeeze %dma_wait3A_1042 : memref<1x1x8x128xi32, #tpu.memory_space<hbm>> -> memref<8x128xi32, #tpu.memory_space<hbm>>
        %dma_wait3A_1044 = tpu.memref_slice %arg12[%rem3A_1035] : memref<2x!tpu.dma_semaphore, #tpu.memory_space<semaphore_mem>> -> memref<1x!tpu.dma_semaphore, #tpu.memory_space<semaphore_mem>>
        %dma_wait3A_1045 = tpu.memref_squeeze %dma_wait3A_1044 : memref<1x!tpu.dma_semaphore, #tpu.memory_space<semaphore_mem>> -> memref<!tpu.dma_semaphore, #tpu.memory_space<semaphore_mem>>
        %dma_wait3A_1046 = arith.constant 0 : i32
        %dma_wait3A_1047 = arith.constant 0 : i32
        %dma_wait3A_1048 = tpu.memref_slice %arg6[%rem3A_1033, %dma_wait3A_1046, %dma_wait3A_1047] : memref<2x8x128xi32, #tpu.memory_space<vmem>> -> memref<1x8x128xi32, #tpu.memory_space<vmem>>
        %dma_wait3A_1049 = tpu.memref_squeeze %dma_wait3A_1048 : memref<1x8x128xi32, #tpu.memory_space<vmem>> -> memref<8x128xi32, #tpu.memory_space<vmem>>
        %dma_wait3A_1050 = arith.constant 0 : i32
        %dma_wait3A_1051 = arith.constant 0 : i32
        %dma_wait3A_1052 = tpu.memref_slice %arg2[%select_n3A_1031, %add3A, %dma_wait3A_1050, %dma_wait3A_1051] : memref<25x32x8x128xi32, #tpu.memory_space<hbm>> -> memref<1x1x8x128xi32, #tpu.memory_space<hbm>>
        %dma_wait3A_1053 = tpu.memref_squeeze %dma_wait3A_1052 : memref<1x1x8x128xi32, #tpu.memory_space<hbm>> -> memref<8x128xi32, #tpu.memory_space<hbm>>
        tpu.wait_dma2 semaphore(%dma_wait3A_1045 : memref<!tpu.dma_semaphore, #tpu.memory_space<semaphore_mem>>) src(%dma_wait3A_1053 : memref<8x128xi32, #tpu.memory_space<hbm>>) dst(%dma_wait3A_1049 : memref<8x128xi32, #tpu.memory_space<vmem>>)
      } else {
      }
      %add3A_774 = arith.constant 2 : i32
      %add3A_775 = arith.addi %add3A_759, %add3A_774 : i32
      %lt3A_776 = arith.constant 200 : i32
      %lt3A_777 = arith.cmpi slt, %add3A_775, %lt3A_776 : i32
      %convert_element_type3A_778 = arith.extui %lt3A_777 : i1 to i32
      %cond3A_779 = arith.constant 0 : i32
      %cond3A_780 = arith.cmpi ne, %convert_element_type3A_778, %cond3A_779 : i32
      scf.if %cond3A_780 {
        %add3A_1006 = arith.constant 2 : i32
        %add3A_1007 = arith.addi %add3A_759, %add3A_1006 : i32
        %jit3A_1008 = arith.constant 8 : i32
        %div3A_1009 = arith.divsi %add3A_1007, %jit3A_1008 : i32
        %sign3A_1010 = arith.constant 0 : i32
        %sign3A_1011 = arith.cmpi sgt, %add3A_1007, %sign3A_1010 : i32
        %sign3A_1012 = arith.extui %sign3A_1011 : i1 to i32
        %sign3A_1013 = arith.constant 0 : i32
        %sign3A_1014 = arith.cmpi slt, %add3A_1007, %sign3A_1013 : i32
        %sign3A_1015 = arith.extui %sign3A_1014 : i1 to i32
        %sign3A_1016 = arith.subi %sign3A_1012, %sign3A_1015 : i32
        %sign3A_1017 = arith.constant 0 : i32
        %sign3A_1018 = arith.cmpi sgt, %jit3A_1008, %sign3A_1017 : i32
        %sign3A_1019 = arith.extui %sign3A_1018 : i1 to i32
        %sign3A_1020 = arith.constant 0 : i32
        %sign3A_1021 = arith.cmpi slt, %jit3A_1008, %sign3A_1020 : i32
        %sign3A_1022 = arith.extui %sign3A_1021 : i1 to i32
        %sign3A_1023 = arith.subi %sign3A_1019, %sign3A_1022 : i32
        %ne3A_1024 = arith.cmpi ne, %sign3A_1016, %sign3A_1023 : i32
        %rem3A_1025 = arith.remsi %add3A_1007, %jit3A_1008 : i32
        %ne3A_1026 = arith.constant 0 : i32
        %ne3A_1027 = arith.cmpi ne, %rem3A_1025, %ne3A_1026 : i32
        %and3A_1028 = arith.andi %ne3A_1024, %ne3A_1027 : i1
        %sub3A_1029 = arith.constant 1 : i32
        %sub3A_1030 = arith.subi %div3A_1009, %sub3A_1029 : i32
        %select_n3A_1031 = arith.select %and3A_1028, %sub3A_1030, %div3A_1009 : i32
        %rem3A_1032 = arith.constant 2 : i32
        %rem3A_1033 = arith.remsi %select_n3A_1031, %rem3A_1032 : i32
        %rem3A_1034 = arith.constant 8 : i32
        %rem3A_1035 = arith.remsi %add3A_1007, %rem3A_1034 : i32
        %dma_start3A_1036 = arith.constant 0 : i32
        %dma_start3A_1037 = arith.constant 0 : i32
        %dma_start3A_1038 = arith.constant 0 : i32
        %dma_start3A_1039 = arith.constant 0 : i32
        %dma_start3A_1040 = tpu.memref_slice %arg7[%dma_start3A_1036, %dma_start3A_1038, %dma_start3A_1039] : memref<5x128x64xf32, #tpu.memory_space<vmem>> -> memref<1x128x64xf32, #tpu.memory_space<vmem>>
        %dma_start3A_1041 = tpu.memref_squeeze %dma_start3A_1040 : memref<1x128x64xf32, #tpu.memory_space<vmem>> -> memref<128x64xf32, #tpu.memory_space<vmem>>
        %dma_start3A_1042 = arith.constant 0 : i32
        %dma_start3A_1043 = tpu.memref_slice %arg6[%rem3A_1033, %rem3A_1035, %dma_start3A_1042] : memref<2x8x128xi32, #tpu.memory_space<vmem>> -> memref<1x1x128xi32, #tpu.memory_space<vmem>>
        %dma_start3A_1044 = tpu.memref_squeeze %dma_start3A_1043 : memref<1x1x128xi32, #tpu.memory_space<vmem>> -> memref<128xi32, #tpu.memory_space<vmem>>
        %dma_start3A_1045 = arith.constant 0 : i32
        %dma_start3A_1046 = arith.constant 0 : i32
        %dma_start3A_1047 = tpu.memref_slice %arg3[%dma_start3A_1045, %dma_start3A_1046] : memref<100000x64xf32, #tpu.memory_space<hbm>> -> memref<100000x64xf32, #tpu.memory_space<hbm>>
        %dma_start3A_1048 = tpu.memref_slice %arg10[%dma_start3A_1037] : memref<5x!tpu.dma_semaphore, #tpu.memory_space<semaphore_mem>> -> memref<1x!tpu.dma_semaphore, #tpu.memory_space<semaphore_mem>>
        %dma_start3A_1049 = tpu.memref_squeeze %dma_start3A_1048 : memref<1x!tpu.dma_semaphore, #tpu.memory_space<semaphore_mem>> -> memref<!tpu.dma_semaphore, #tpu.memory_space<semaphore_mem>>
        tpu.enqueue_indirect_dma source(%dma_start3A_1047 : memref<100000x64xf32, #tpu.memory_space<hbm>>) target(%dma_start3A_1041 : memref<128x64xf32, #tpu.memory_space<vmem>>) offsets(%dma_start3A_1044 : memref<128xi32, #tpu.memory_space<vmem>>) semaphore(%dma_start3A_1049 : memref<!tpu.dma_semaphore, #tpu.memory_space<semaphore_mem>>)
      } else {
      }
      %jit3A_781 = arith.constant 8 : i32
      %div3A_782 = arith.divsi %add3A_759, %jit3A_781 : i32
      %sign3A_783 = arith.constant 0 : i32
      %sign3A_784 = arith.cmpi sgt, %add3A_759, %sign3A_783 : i32
      %sign3A_785 = arith.extui %sign3A_784 : i1 to i32
      %sign3A_786 = arith.constant 0 : i32
      %sign3A_787 = arith.cmpi slt, %add3A_759, %sign3A_786 : i32
      %sign3A_788 = arith.extui %sign3A_787 : i1 to i32
      %sign3A_789 = arith.subi %sign3A_785, %sign3A_788 : i32
      %sign3A_790 = arith.constant 0 : i32
      %sign3A_791 = arith.cmpi sgt, %jit3A_781, %sign3A_790 : i32
      %sign3A_792 = arith.extui %sign3A_791 : i1 to i32
      %sign3A_793 = arith.constant 0 : i32
      %sign3A_794 = arith.cmpi slt, %jit3A_781, %sign3A_793 : i32
      %sign3A_795 = arith.extui %sign3A_794 : i1 to i32
      %sign3A_796 = arith.subi %sign3A_792, %sign3A_795 : i32
      %ne3A_797 = arith.cmpi ne, %sign3A_789, %sign3A_796 : i32
      %rem3A_798 = arith.remsi %add3A_759, %jit3A_781 : i32
      %ne3A_799 = arith.constant 0 : i32
      %ne3A_800 = arith.cmpi ne, %rem3A_798, %ne3A_799 : i32
      %and3A_801 = arith.andi %ne3A_797, %ne3A_800 : i1
      %sub3A_802 = arith.constant 1 : i32
      %sub3A_803 = arith.subi %div3A_782, %sub3A_802 : i32
      %select_n3A_804 = arith.select %and3A_801, %sub3A_803, %div3A_782 : i32
      %rem3A_805 = arith.constant 2 : i32
      %rem3A_806 = arith.remsi %select_n3A_804, %rem3A_805 : i32
      %rem3A_807 = arith.constant 8 : i32
      %rem3A_808 = arith.remsi %add3A_759, %rem3A_807 : i32
      %dma_wait3A_809 = arith.constant 3 : i32
      %dma_wait3A_810 = arith.constant 3 : i32
      %dma_wait3A_811 = arith.constant 0 : i32
      %dma_wait3A_812 = arith.constant 0 : i32
      %dma_wait3A_813 = tpu.memref_slice %arg7[%dma_wait3A_809, %dma_wait3A_811, %dma_wait3A_812] : memref<5x128x64xf32, #tpu.memory_space<vmem>> -> memref<1x128x64xf32, #tpu.memory_space<vmem>>
      %dma_wait3A_814 = tpu.memref_squeeze %dma_wait3A_813 : memref<1x128x64xf32, #tpu.memory_space<vmem>> -> memref<128x64xf32, #tpu.memory_space<vmem>>
      %dma_wait3A_815 = arith.constant 0 : i32
      %dma_wait3A_816 = tpu.memref_slice %arg6[%rem3A_806, %rem3A_808, %dma_wait3A_815] : memref<2x8x128xi32, #tpu.memory_space<vmem>> -> memref<1x1x128xi32, #tpu.memory_space<vmem>>
      %dma_wait3A_817 = tpu.memref_squeeze %dma_wait3A_816 : memref<1x1x128xi32, #tpu.memory_space<vmem>> -> memref<128xi32, #tpu.memory_space<vmem>>
      %dma_wait3A_818 = arith.constant 0 : i32
      %dma_wait3A_819 = arith.constant 0 : i32
      %dma_wait3A_820 = tpu.memref_slice %arg3[%dma_wait3A_818, %dma_wait3A_819] : memref<100000x64xf32, #tpu.memory_space<hbm>> -> memref<100000x64xf32, #tpu.memory_space<hbm>>
      %dma_wait3A_821 = tpu.memref_slice %arg10[%dma_wait3A_810] : memref<5x!tpu.dma_semaphore, #tpu.memory_space<semaphore_mem>> -> memref<1x!tpu.dma_semaphore, #tpu.memory_space<semaphore_mem>>
      %dma_wait3A_822 = tpu.memref_squeeze %dma_wait3A_821 : memref<1x!tpu.dma_semaphore, #tpu.memory_space<semaphore_mem>> -> memref<!tpu.dma_semaphore, #tpu.memory_space<semaphore_mem>>
      tpu.wait_indirect_dma semaphore(%dma_wait3A_822 : memref<!tpu.dma_semaphore, #tpu.memory_space<semaphore_mem>>) src(%dma_wait3A_820 : memref<100000x64xf32, #tpu.memory_space<hbm>>) dst(%dma_wait3A_814 : memref<128x64xf32, #tpu.memory_space<vmem>>)
      %ge3A_823 = arith.constant 5 : i32
      %ge3A_824 = arith.cmpi sge, %add3A_759, %ge3A_823 : i32
      %convert_element_type3A_825 = arith.extui %ge3A_824 : i1 to i32
      %cond3A_826 = arith.constant 0 : i32
      %cond3A_827 = arith.cmpi ne, %convert_element_type3A_825, %cond3A_826 : i32
      scf.if %cond3A_827 {
        %sub3A_1006 = arith.constant 5 : i32
        %sub3A_1007 = arith.subi %add3A_759, %sub3A_1006 : i32
        %dma_wait3A_1008 = arith.constant 3 : i32
        %dma_wait3A_1009 = arith.constant 3 : i32
        %dma_wait3A_1010 = arith.constant 0 : i32
        %dma_wait3A_1011 = arith.constant 0 : i32
        %dma_wait3A_1012 = arith.constant 0 : i32
        %dma_wait3A_1013 = tpu.memref_slice %arg8[%dma_wait3A_1008, %dma_wait3A_1010, %dma_wait3A_1011, %dma_wait3A_1012] : memref<5x8x8x129xf32, #tpu.memory_space<vmem>> -> memref<1x8x8x128xf32, #tpu.memory_space<vmem>>
        %dma_wait3A_1014 = tpu.memref_squeeze %dma_wait3A_1013 : memref<1x8x8x128xf32, #tpu.memory_space<vmem>> -> memref<8x8x128xf32, #tpu.memory_space<vmem>>
        %dma_wait3A_1015 = arith.constant 0 : i32
        %dma_wait3A_1016 = arith.constant 0 : i32
        %dma_wait3A_1017 = arith.constant 0 : i32
        %dma_wait3A_1018 = tpu.memref_slice %arg5[%sub3A_1007, %dma_wait3A_1015, %add3A, %dma_wait3A_1016, %dma_wait3A_1017] : memref<200x8x32x8x128xf32, #tpu.memory_space<hbm>> -> memref<1x8x1x8x128xf32, #tpu.memory_space<hbm>>
        %dma_wait3A_1019 = tpu.memref_squeeze %dma_wait3A_1018 : memref<1x8x1x8x128xf32, #tpu.memory_space<hbm>> -> memref<8x8x128xf32, #tpu.memory_space<hbm>>
        %dma_wait3A_1020 = tpu.memref_slice %arg11[%dma_wait3A_1009] : memref<5x!tpu.dma_semaphore, #tpu.memory_space<semaphore_mem>> -> memref<1x!tpu.dma_semaphore, #tpu.memory_space<semaphore_mem>>
        %dma_wait3A_1021 = tpu.memref_squeeze %dma_wait3A_1020 : memref<1x!tpu.dma_semaphore, #tpu.memory_space<semaphore_mem>> -> memref<!tpu.dma_semaphore, #tpu.memory_space<semaphore_mem>>
        %dma_wait3A_1022 = arith.constant 0 : i32
        %dma_wait3A_1023 = arith.constant 0 : i32
        %dma_wait3A_1024 = arith.constant 0 : i32
        %dma_wait3A_1025 = tpu.memref_slice %arg5[%sub3A_1007, %dma_wait3A_1022, %add3A, %dma_wait3A_1023, %dma_wait3A_1024] : memref<200x8x32x8x128xf32, #tpu.memory_space<hbm>> -> memref<1x8x1x8x128xf32, #tpu.memory_space<hbm>>
        %dma_wait3A_1026 = tpu.memref_squeeze %dma_wait3A_1025 : memref<1x8x1x8x128xf32, #tpu.memory_space<hbm>> -> memref<8x8x128xf32, #tpu.memory_space<hbm>>
        %dma_wait3A_1027 = arith.constant 0 : i32
        %dma_wait3A_1028 = arith.constant 0 : i32
        %dma_wait3A_1029 = arith.constant 0 : i32
        %dma_wait3A_1030 = tpu.memref_slice %arg8[%dma_wait3A_1008, %dma_wait3A_1027, %dma_wait3A_1028, %dma_wait3A_1029] : memref<5x8x8x129xf32, #tpu.memory_space<vmem>> -> memref<1x8x8x128xf32, #tpu.memory_space<vmem>>
        %dma_wait3A_1031 = tpu.memref_squeeze %dma_wait3A_1030 : memref<1x8x8x128xf32, #tpu.memory_space<vmem>> -> memref<8x8x128xf32, #tpu.memory_space<vmem>>
        tpu.wait_dma2 semaphore(%dma_wait3A_1021 : memref<!tpu.dma_semaphore, #tpu.memory_space<semaphore_mem>>) src(%dma_wait3A_1031 : memref<8x8x128xf32, #tpu.memory_space<vmem>>) dst(%dma_wait3A_1026 : memref<8x8x128xf32, #tpu.memory_space<hbm>>)
      } else {
      }
      %get3A_828 = arith.index_cast %add3A_759 : i32 to index
      %get3A_829 = arith.constant 0 : index
      %get3A_830 = tpu.vector_load %arg9[%get3A_828, %get3A_829] {strides = array<i32>} : memref<200x64xf32, #tpu.memory_space<vmem>>, vector<16xf32>,
      %get3A_831 = arith.index_cast %add3A_759 : i32 to index
      %get3A_832 = arith.constant 16 : index
      %get3A_833 = tpu.vector_load %arg9[%get3A_831, %get3A_832] {strides = array<i32>} : memref<200x64xf32, #tpu.memory_space<vmem>>, vector<16xf32>,
      %get3A_834 = arith.index_cast %add3A_759 : i32 to index
      %get3A_835 = arith.constant 32 : index
      %get3A_836 = tpu.vector_load %arg9[%get3A_834, %get3A_835] {strides = array<i32>} : memref<200x64xf32, #tpu.memory_space<vmem>>, vector<16xf32>,
      %get3A_837 = arith.index_cast %add3A_759 : i32 to index
      %get3A_838 = arith.constant 48 : index
      %get3A_839 = tpu.vector_load %arg9[%get3A_837, %get3A_838] {strides = array<i32>} : memref<200x64xf32, #tpu.memory_space<vmem>>, vector<16xf32>,
      %parallel_loop3A_840 = arith.constant 0 : i32
      %parallel_loop3A_841 = arith.constant 128 : i32
      %parallel_loop3A_842 = arith.constant 1 : i32
      %parallel_loop3A_843 = arith.constant 3 : i32
      %parallel_loop3A_844 = arith.constant 3 : i32
      scf.for %parallel_loop3A_1006 = %parallel_loop3A_840 to %parallel_loop3A_841 step %parallel_loop3A_842  : i32 {
        %parallel_loop3A_1007 = vector.broadcast %parallel_loop3A_1006 : i32 to vector<16xi32>
        %parallel_loop3A_1008 = arith.addi %parallel_loop3A_1007, %broadcast_in_dim3A_1 : vector<16xi32>
        %parallel_loop3A_1009 = arith.constant 0 : i32
        %parallel_loop3A_1010 = arith.constant 0 : i32
        %parallel_loop3A_1011 = tpu.memref_slice %arg7[%parallel_loop3A_843, %parallel_loop3A_1009, %parallel_loop3A_1010] : memref<5x128x64xf32, #tpu.memory_space<vmem>> -> memref<1x128x64xf32, #tpu.memory_space<vmem>>
        %parallel_loop3A_1012 = tpu.memref_squeeze %parallel_loop3A_1011 : memref<1x128x64xf32, #tpu.memory_space<vmem>> -> memref<128x64xf32, #tpu.memory_space<vmem>>
        %parallel_loop3A_1013 = arith.index_cast %parallel_loop3A_1006 : i32 to index
        %parallel_loop3A_1014 = arith.constant 0 : index
        %parallel_loop3A_1015 = tpu.vector_load %parallel_loop3A_1012[%parallel_loop3A_1013, %parallel_loop3A_1014] {strides = array<i32>} : memref<128x64xf32, #tpu.memory_space<vmem>>, vector<16xf32>,
        %parallel_loop3A_1016 = arith.addf %parallel_loop3A_1015, %get3A_830 : vector<16xf32>
        %parallel_loop3A_1017 = arith.constant 0 : i32
        %parallel_loop3A_1018 = arith.constant 0 : i32
        %parallel_loop3A_1019 = arith.constant 0 : i32
        %parallel_loop3A_1020 = tpu.memref_slice %arg8[%parallel_loop3A_844, %parallel_loop3A_1017, %parallel_loop3A_1018, %parallel_loop3A_1019] : memref<5x8x8x129xf32, #tpu.memory_space<vmem>> -> memref<1x8x8x129xf32, #tpu.memory_space<vmem>>
        %parallel_loop3A_1021 = tpu.memref_squeeze %parallel_loop3A_1020 : memref<1x8x8x129xf32, #tpu.memory_space<vmem>> -> memref<8x8x129xf32, #tpu.memory_space<vmem>>
        tpu.vector_store_idx %parallel_loop3A_1021[%select_n3A, %rem3A_30, %parallel_loop3A_1008], %parallel_loop3A_1016 : memref<8x8x129xf32, #tpu.memory_space<vmem>>[vector<16xi32>, vector<16xi32>, vector<16xi32>], vector<16xf32>,
        %parallel_loop3A_1022 = arith.constant 0 : i32
        %parallel_loop3A_1023 = arith.constant 0 : i32
        %parallel_loop3A_1024 = tpu.memref_slice %arg7[%parallel_loop3A_843, %parallel_loop3A_1022, %parallel_loop3A_1023] : memref<5x128x64xf32, #tpu.memory_space<vmem>> -> memref<1x128x64xf32, #tpu.memory_space<vmem>>
        %parallel_loop3A_1025 = tpu.memref_squeeze %parallel_loop3A_1024 : memref<1x128x64xf32, #tpu.memory_space<vmem>> -> memref<128x64xf32, #tpu.memory_space<vmem>>
        %parallel_loop3A_1026 = arith.index_cast %parallel_loop3A_1006 : i32 to index
        %parallel_loop3A_1027 = arith.constant 16 : index
        %parallel_loop3A_1028 = tpu.vector_load %parallel_loop3A_1025[%parallel_loop3A_1026, %parallel_loop3A_1027] {strides = array<i32>} : memref<128x64xf32, #tpu.memory_space<vmem>>, vector<16xf32>,
        %parallel_loop3A_1029 = arith.addf %parallel_loop3A_1028, %get3A_833 : vector<16xf32>
        %parallel_loop3A_1030 = arith.constant 0 : i32
        %parallel_loop3A_1031 = arith.constant 0 : i32
        %parallel_loop3A_1032 = arith.constant 0 : i32
        %parallel_loop3A_1033 = tpu.memref_slice %arg8[%parallel_loop3A_844, %parallel_loop3A_1030, %parallel_loop3A_1031, %parallel_loop3A_1032] : memref<5x8x8x129xf32, #tpu.memory_space<vmem>> -> memref<1x8x8x129xf32, #tpu.memory_space<vmem>>
        %parallel_loop3A_1034 = tpu.memref_squeeze %parallel_loop3A_1033 : memref<1x8x8x129xf32, #tpu.memory_space<vmem>> -> memref<8x8x129xf32, #tpu.memory_space<vmem>>
        tpu.vector_store_idx %parallel_loop3A_1034[%select_n3A_65, %rem3A_68, %parallel_loop3A_1008], %parallel_loop3A_1029 : memref<8x8x129xf32, #tpu.memory_space<vmem>>[vector<16xi32>, vector<16xi32>, vector<16xi32>], vector<16xf32>,
        %parallel_loop3A_1035 = arith.constant 0 : i32
        %parallel_loop3A_1036 = arith.constant 0 : i32
        %parallel_loop3A_1037 = tpu.memref_slice %arg7[%parallel_loop3A_843, %parallel_loop3A_1035, %parallel_loop3A_1036] : memref<5x128x64xf32, #tpu.memory_space<vmem>> -> memref<1x128x64xf32, #tpu.memory_space<vmem>>
        %parallel_loop3A_1038 = tpu.memref_squeeze %parallel_loop3A_1037 : memref<1x128x64xf32, #tpu.memory_space<vmem>> -> memref<128x64xf32, #tpu.memory_space<vmem>>
        %parallel_loop3A_1039 = arith.index_cast %parallel_loop3A_1006 : i32 to index
        %parallel_loop3A_1040 = arith.constant 32 : index
        %parallel_loop3A_1041 = tpu.vector_load %parallel_loop3A_1038[%parallel_loop3A_1039, %parallel_loop3A_1040] {strides = array<i32>} : memref<128x64xf32, #tpu.memory_space<vmem>>, vector<16xf32>,
        %parallel_loop3A_1042 = arith.addf %parallel_loop3A_1041, %get3A_836 : vector<16xf32>
        %parallel_loop3A_1043 = arith.constant 0 : i32
        %parallel_loop3A_1044 = arith.constant 0 : i32
        %parallel_loop3A_1045 = arith.constant 0 : i32
        %parallel_loop3A_1046 = tpu.memref_slice %arg8[%parallel_loop3A_844, %parallel_loop3A_1043, %parallel_loop3A_1044, %parallel_loop3A_1045] : memref<5x8x8x129xf32, #tpu.memory_space<vmem>> -> memref<1x8x8x129xf32, #tpu.memory_space<vmem>>
        %parallel_loop3A_1047 = tpu.memref_squeeze %parallel_loop3A_1046 : memref<1x8x8x129xf32, #tpu.memory_space<vmem>> -> memref<8x8x129xf32, #tpu.memory_space<vmem>>
        tpu.vector_store_idx %parallel_loop3A_1047[%select_n3A_103, %rem3A_106, %parallel_loop3A_1008], %parallel_loop3A_1042 : memref<8x8x129xf32, #tpu.memory_space<vmem>>[vector<16xi32>, vector<16xi32>, vector<16xi32>], vector<16xf32>,
        %parallel_loop3A_1048 = arith.constant 0 : i32
        %parallel_loop3A_1049 = arith.constant 0 : i32
        %parallel_loop3A_1050 = tpu.memref_slice %arg7[%parallel_loop3A_843, %parallel_loop3A_1048, %parallel_loop3A_1049] : memref<5x128x64xf32, #tpu.memory_space<vmem>> -> memref<1x128x64xf32, #tpu.memory_space<vmem>>
        %parallel_loop3A_1051 = tpu.memref_squeeze %parallel_loop3A_1050 : memref<1x128x64xf32, #tpu.memory_space<vmem>> -> memref<128x64xf32, #tpu.memory_space<vmem>>
        %parallel_loop3A_1052 = arith.index_cast %parallel_loop3A_1006 : i32 to index
        %parallel_loop3A_1053 = arith.constant 48 : index
        %parallel_loop3A_1054 = tpu.vector_load %parallel_loop3A_1051[%parallel_loop3A_1052, %parallel_loop3A_1053] {strides = array<i32>} : memref<128x64xf32, #tpu.memory_space<vmem>>, vector<16xf32>,
        %parallel_loop3A_1055 = arith.addf %parallel_loop3A_1054, %get3A_839 : vector<16xf32>
        %parallel_loop3A_1056 = arith.constant 0 : i32
        %parallel_loop3A_1057 = arith.constant 0 : i32
        %parallel_loop3A_1058 = arith.constant 0 : i32
        %parallel_loop3A_1059 = tpu.memref_slice %arg8[%parallel_loop3A_844, %parallel_loop3A_1056, %parallel_loop3A_1057, %parallel_loop3A_1058] : memref<5x8x8x129xf32, #tpu.memory_space<vmem>> -> memref<1x8x8x129xf32, #tpu.memory_space<vmem>>
        %parallel_loop3A_1060 = tpu.memref_squeeze %parallel_loop3A_1059 : memref<1x8x8x129xf32, #tpu.memory_space<vmem>> -> memref<8x8x129xf32, #tpu.memory_space<vmem>>
        tpu.vector_store_idx %parallel_loop3A_1060[%select_n3A_141, %rem3A_144, %parallel_loop3A_1008], %parallel_loop3A_1055 : memref<8x8x129xf32, #tpu.memory_space<vmem>>[vector<16xi32>, vector<16xi32>, vector<16xi32>], vector<16xf32>,
      } {sc.loop_unroll_factor = 16 : i64, sc.parallel_access}
      %dma_start3A_845 = arith.constant 3 : i32
      %dma_start3A_846 = arith.constant 3 : i32
      %dma_start3A_847 = arith.constant 0 : i32
      %dma_start3A_848 = arith.constant 0 : i32
      %dma_start3A_849 = arith.constant 0 : i32
      %dma_start3A_850 = tpu.memref_slice %arg8[%dma_start3A_845, %dma_start3A_847, %dma_start3A_848, %dma_start3A_849] : memref<5x8x8x129xf32, #tpu.memory_space<vmem>> -> memref<1x8x8x128xf32, #tpu.memory_space<vmem>>
      %dma_start3A_851 = tpu.memref_squeeze %dma_start3A_850 : memref<1x8x8x128xf32, #tpu.memory_space<vmem>> -> memref<8x8x128xf32, #tpu.memory_space<vmem>>
      %dma_start3A_852 = arith.constant 0 : i32
      %dma_start3A_853 = arith.constant 0 : i32
      %dma_start3A_854 = arith.constant 0 : i32
      %dma_start3A_855 = tpu.memref_slice %arg5[%add3A_759, %dma_start3A_852, %add3A, %dma_start3A_853, %dma_start3A_854] : memref<200x8x32x8x128xf32, #tpu.memory_space<hbm>> -> memref<1x8x1x8x128xf32, #tpu.memory_space<hbm>>
      %dma_start3A_856 = tpu.memref_squeeze %dma_start3A_855 : memref<1x8x1x8x128xf32, #tpu.memory_space<hbm>> -> memref<8x8x128xf32, #tpu.memory_space<hbm>>
      %dma_start3A_857 = tpu.memref_slice %arg11[%dma_start3A_846] : memref<5x!tpu.dma_semaphore, #tpu.memory_space<semaphore_mem>> -> memref<1x!tpu.dma_semaphore, #tpu.memory_space<semaphore_mem>>
      %dma_start3A_858 = tpu.memref_squeeze %dma_start3A_857 : memref<1x!tpu.dma_semaphore, #tpu.memory_space<semaphore_mem>> -> memref<!tpu.dma_semaphore, #tpu.memory_space<semaphore_mem>>
      %dma_start3A_859 = arith.constant 0 : i32
      %dma_start3A_860 = arith.constant 0 : i32
      %dma_start3A_861 = arith.constant 0 : i32
      %dma_start3A_862 = tpu.memref_slice %arg5[%add3A_759, %dma_start3A_859, %add3A, %dma_start3A_860, %dma_start3A_861] : memref<200x8x32x8x128xf32, #tpu.memory_space<hbm>> -> memref<1x8x1x8x128xf32, #tpu.memory_space<hbm>>
      %dma_start3A_863 = tpu.memref_squeeze %dma_start3A_862 : memref<1x8x1x8x128xf32, #tpu.memory_space<hbm>> -> memref<8x8x128xf32, #tpu.memory_space<hbm>>
      %dma_start3A_864 = arith.constant 0 : i32
      %dma_start3A_865 = arith.constant 0 : i32
      %dma_start3A_866 = arith.constant 0 : i32
      %dma_start3A_867 = tpu.memref_slice %arg8[%dma_start3A_845, %dma_start3A_864, %dma_start3A_865, %dma_start3A_866] : memref<5x8x8x129xf32, #tpu.memory_space<vmem>> -> memref<1x8x8x128xf32, #tpu.memory_space<vmem>>
      %dma_start3A_868 = tpu.memref_squeeze %dma_start3A_867 : memref<1x8x8x128xf32, #tpu.memory_space<vmem>> -> memref<8x8x128xf32, #tpu.memory_space<vmem>>
      tpu.enqueue_dma source(%dma_start3A_868 : memref<8x8x128xf32, #tpu.memory_space<vmem>>) target(%dma_start3A_863 : memref<8x8x128xf32, #tpu.memory_space<hbm>>) target_semaphore(%dma_start3A_858 : memref<!tpu.dma_semaphore, #tpu.memory_space<semaphore_mem>>)
      %rem3A_869 = arith.constant 8 : i32
      %rem3A_870 = arith.remsi %add3A_759, %rem3A_869 : i32
      %eq3A_871 = arith.constant 7 : i32
      %eq3A_872 = arith.cmpi eq, %rem3A_870, %eq3A_871 : i32
      %add3A_873 = arith.constant 9 : i32
      %add3A_874 = arith.addi %add3A_759, %add3A_873 : i32
      %lt3A_875 = arith.constant 193 : i32
      %lt3A_876 = arith.cmpi slt, %add3A_874, %lt3A_875 : i32
      %and3A_877 = arith.andi %eq3A_872, %lt3A_876 : i1
      %convert_element_type3A_878 = arith.extui %and3A_877 : i1 to i32
      %cond3A_879 = arith.constant 0 : i32
      %cond3A_880 = arith.cmpi ne, %convert_element_type3A_878, %cond3A_879 : i32
      scf.if %cond3A_880 {
        %add3A_1006 = arith.constant 1 : i32
        %add3A_1007 = arith.addi %add3A_759, %add3A_1006 : i32
        %jit3A_1008 = arith.constant 8 : i32
        %div3A_1009 = arith.divsi %add3A_1007, %jit3A_1008 : i32
        %sign3A_1010 = arith.constant 0 : i32
        %sign3A_1011 = arith.cmpi sgt, %add3A_1007, %sign3A_1010 : i32
        %sign3A_1012 = arith.extui %sign3A_1011 : i1 to i32
        %sign3A_1013 = arith.constant 0 : i32
        %sign3A_1014 = arith.cmpi slt, %add3A_1007, %sign3A_1013 : i32
        %sign3A_1015 = arith.extui %sign3A_1014 : i1 to i32
        %sign3A_1016 = arith.subi %sign3A_1012, %sign3A_1015 : i32
        %sign3A_1017 = arith.constant 0 : i32
        %sign3A_1018 = arith.cmpi sgt, %jit3A_1008, %sign3A_1017 : i32
        %sign3A_1019 = arith.extui %sign3A_1018 : i1 to i32
        %sign3A_1020 = arith.constant 0 : i32
        %sign3A_1021 = arith.cmpi slt, %jit3A_1008, %sign3A_1020 : i32
        %sign3A_1022 = arith.extui %sign3A_1021 : i1 to i32
        %sign3A_1023 = arith.subi %sign3A_1019, %sign3A_1022 : i32
        %ne3A_1024 = arith.cmpi ne, %sign3A_1016, %sign3A_1023 : i32
        %rem3A_1025 = arith.remsi %add3A_1007, %jit3A_1008 : i32
        %ne3A_1026 = arith.constant 0 : i32
        %ne3A_1027 = arith.cmpi ne, %rem3A_1025, %ne3A_1026 : i32
        %and3A_1028 = arith.andi %ne3A_1024, %ne3A_1027 : i1
        %sub3A_1029 = arith.constant 1 : i32
        %sub3A_1030 = arith.subi %div3A_1009, %sub3A_1029 : i32
        %select_n3A_1031 = arith.select %and3A_1028, %sub3A_1030, %div3A_1009 : i32
        %add3A_1032 = arith.constant 1 : i32
        %add3A_1033 = arith.addi %select_n3A_1031, %add3A_1032 : i32
        %rem3A_1034 = arith.constant 2 : i32
        %rem3A_1035 = arith.remsi %add3A_1033, %rem3A_1034 : i32
        %rem3A_1036 = arith.constant 2 : i32
        %rem3A_1037 = arith.remsi %add3A_1033, %rem3A_1036 : i32
        %dma_start3A_1038 = arith.constant 0 : i32
        %dma_start3A_1039 = arith.constant 0 : i32
        %dma_start3A_1040 = tpu.memref_slice %arg6[%rem3A_1035, %dma_start3A_1038, %dma_start3A_1039] : memref<2x8x128xi32, #tpu.memory_space<vmem>> -> memref<1x8x128xi32, #tpu.memory_space<vmem>>
        %dma_start3A_1041 = tpu.memref_squeeze %dma_start3A_1040 : memref<1x8x128xi32, #tpu.memory_space<vmem>> -> memref<8x128xi32, #tpu.memory_space<vmem>>
        %dma_start3A_1042 = arith.constant 0 : i32
        %dma_start3A_1043 = arith.constant 0 : i32
        %dma_start3A_1044 = tpu.memref_slice %arg2[%add3A_1033, %add3A, %dma_start3A_1042, %dma_start3A_1043] : memref<25x32x8x128xi32, #tpu.memory_space<hbm>> -> memref<1x1x8x128xi32, #tpu.memory_space<hbm>>
        %dma_start3A_1045 = tpu.memref_squeeze %dma_start3A_1044 : memref<1x1x8x128xi32, #tpu.memory_space<hbm>> -> memref<8x128xi32, #tpu.memory_space<hbm>>
        %dma_start3A_1046 = tpu.memref_slice %arg12[%rem3A_1037] : memref<2x!tpu.dma_semaphore, #tpu.memory_space<semaphore_mem>> -> memref<1x!tpu.dma_semaphore, #tpu.memory_space<semaphore_mem>>
        %dma_start3A_1047 = tpu.memref_squeeze %dma_start3A_1046 : memref<1x!tpu.dma_semaphore, #tpu.memory_space<semaphore_mem>> -> memref<!tpu.dma_semaphore, #tpu.memory_space<semaphore_mem>>
        %dma_start3A_1048 = arith.constant 0 : i32
        %dma_start3A_1049 = arith.constant 0 : i32
        %dma_start3A_1050 = tpu.memref_slice %arg6[%rem3A_1035, %dma_start3A_1048, %dma_start3A_1049] : memref<2x8x128xi32, #tpu.memory_space<vmem>> -> memref<1x8x128xi32, #tpu.memory_space<vmem>>
        %dma_start3A_1051 = tpu.memref_squeeze %dma_start3A_1050 : memref<1x8x128xi32, #tpu.memory_space<vmem>> -> memref<8x128xi32, #tpu.memory_space<vmem>>
        %dma_start3A_1052 = arith.constant 0 : i32
        %dma_start3A_1053 = arith.constant 0 : i32
        %dma_start3A_1054 = tpu.memref_slice %arg2[%add3A_1033, %add3A, %dma_start3A_1052, %dma_start3A_1053] : memref<25x32x8x128xi32, #tpu.memory_space<hbm>> -> memref<1x1x8x128xi32, #tpu.memory_space<hbm>>
        %dma_start3A_1055 = tpu.memref_squeeze %dma_start3A_1054 : memref<1x1x8x128xi32, #tpu.memory_space<hbm>> -> memref<8x128xi32, #tpu.memory_space<hbm>>
        tpu.enqueue_dma source(%dma_start3A_1055 : memref<8x128xi32, #tpu.memory_space<hbm>>) target(%dma_start3A_1051 : memref<8x128xi32, #tpu.memory_space<vmem>>) target_semaphore(%dma_start3A_1047 : memref<!tpu.dma_semaphore, #tpu.memory_space<semaphore_mem>>)
      } else {
      }
      %mul3A_881 = arith.constant 5 : i32
      %mul3A_882 = arith.muli %scan3A_387, %mul3A_881 : i32
      %add3A_883 = arith.constant 4 : i32
      %add3A_884 = arith.addi %mul3A_882, %add3A_883 : i32
      %add3A_885 = arith.constant 2 : i32
      %add3A_886 = arith.addi %add3A_884, %add3A_885 : i32
      %lt3A_887 = arith.constant 200 : i32
      %lt3A_888 = arith.cmpi slt, %add3A_886, %lt3A_887 : i32
      %add3A_889 = arith.constant 2 : i32
      %add3A_890 = arith.addi %add3A_884, %add3A_889 : i32
      %rem3A_891 = arith.constant 8 : i32
      %rem3A_892 = arith.remsi %add3A_890, %rem3A_891 : i32
      %eq3A_893 = arith.constant 0 : i32
      %eq3A_894 = arith.cmpi eq, %rem3A_892, %eq3A_893 : i32
      %and3A_895 = arith.andi %lt3A_888, %eq3A_894 : i1
      %convert_element_type3A_896 = arith.extui %and3A_895 : i1 to i32
      %cond3A_897 = arith.constant 0 : i32
      %cond3A_898 = arith.cmpi ne, %convert_element_type3A_896, %cond3A_897 : i32
      scf.if %cond3A_898 {
        %add3A_1006 = arith.constant 2 : i32
        %add3A_1007 = arith.addi %add3A_884, %add3A_1006 : i32
        %jit3A_1008 = arith.constant 8 : i32
        %div3A_1009 = arith.divsi %add3A_1007, %jit3A_1008 : i32
        %sign3A_1010 = arith.constant 0 : i32
        %sign3A_1011 = arith.cmpi sgt, %add3A_1007, %sign3A_1010 : i32
        %sign3A_1012 = arith.extui %sign3A_1011 : i1 to i32
        %sign3A_1013 = arith.constant 0 : i32
        %sign3A_1014 = arith.cmpi slt, %add3A_1007, %sign3A_1013 : i32
        %sign3A_1015 = arith.extui %sign3A_1014 : i1 to i32
        %sign3A_1016 = arith.subi %sign3A_1012, %sign3A_1015 : i32
        %sign3A_1017 = arith.constant 0 : i32
        %sign3A_1018 = arith.cmpi sgt, %jit3A_1008, %sign3A_1017 : i32
        %sign3A_1019 = arith.extui %sign3A_1018 : i1 to i32
        %sign3A_1020 = arith.constant 0 : i32
        %sign3A_1021 = arith.cmpi slt, %jit3A_1008, %sign3A_1020 : i32
        %sign3A_1022 = arith.extui %sign3A_1021 : i1 to i32
        %sign3A_1023 = arith.subi %sign3A_1019, %sign3A_1022 : i32
        %ne3A_1024 = arith.cmpi ne, %sign3A_1016, %sign3A_1023 : i32
        %rem3A_1025 = arith.remsi %add3A_1007, %jit3A_1008 : i32
        %ne3A_1026 = arith.constant 0 : i32
        %ne3A_1027 = arith.cmpi ne, %rem3A_1025, %ne3A_1026 : i32
        %and3A_1028 = arith.andi %ne3A_1024, %ne3A_1027 : i1
        %sub3A_1029 = arith.constant 1 : i32
        %sub3A_1030 = arith.subi %div3A_1009, %sub3A_1029 : i32
        %select_n3A_1031 = arith.select %and3A_1028, %sub3A_1030, %div3A_1009 : i32
        %rem3A_1032 = arith.constant 2 : i32
        %rem3A_1033 = arith.remsi %select_n3A_1031, %rem3A_1032 : i32
        %rem3A_1034 = arith.constant 2 : i32
        %rem3A_1035 = arith.remsi %select_n3A_1031, %rem3A_1034 : i32
        %dma_wait3A_1036 = arith.constant 0 : i32
        %dma_wait3A_1037 = arith.constant 0 : i32
        %dma_wait3A_1038 = tpu.memref_slice %arg6[%rem3A_1033, %dma_wait3A_1036, %dma_wait3A_1037] : memref<2x8x128xi32, #tpu.memory_space<vmem>> -> memref<1x8x128xi32, #tpu.memory_space<vmem>>
        %dma_wait3A_1039 = tpu.memref_squeeze %dma_wait3A_1038 : memref<1x8x128xi32, #tpu.memory_space<vmem>> -> memref<8x128xi32, #tpu.memory_space<vmem>>
        %dma_wait3A_1040 = arith.constant 0 : i32
        %dma_wait3A_1041 = arith.constant 0 : i32
        %dma_wait3A_1042 = tpu.memref_slice %arg2[%select_n3A_1031, %add3A, %dma_wait3A_1040, %dma_wait3A_1041] : memref<25x32x8x128xi32, #tpu.memory_space<hbm>> -> memref<1x1x8x128xi32, #tpu.memory_space<hbm>>
        %dma_wait3A_1043 = tpu.memref_squeeze %dma_wait3A_1042 : memref<1x1x8x128xi32, #tpu.memory_space<hbm>> -> memref<8x128xi32, #tpu.memory_space<hbm>>
        %dma_wait3A_1044 = tpu.memref_slice %arg12[%rem3A_1035] : memref<2x!tpu.dma_semaphore, #tpu.memory_space<semaphore_mem>> -> memref<1x!tpu.dma_semaphore, #tpu.memory_space<semaphore_mem>>
        %dma_wait3A_1045 = tpu.memref_squeeze %dma_wait3A_1044 : memref<1x!tpu.dma_semaphore, #tpu.memory_space<semaphore_mem>> -> memref<!tpu.dma_semaphore, #tpu.memory_space<semaphore_mem>>
        %dma_wait3A_1046 = arith.constant 0 : i32
        %dma_wait3A_1047 = arith.constant 0 : i32
        %dma_wait3A_1048 = tpu.memref_slice %arg6[%rem3A_1033, %dma_wait3A_1046, %dma_wait3A_1047] : memref<2x8x128xi32, #tpu.memory_space<vmem>> -> memref<1x8x128xi32, #tpu.memory_space<vmem>>
        %dma_wait3A_1049 = tpu.memref_squeeze %dma_wait3A_1048 : memref<1x8x128xi32, #tpu.memory_space<vmem>> -> memref<8x128xi32, #tpu.memory_space<vmem>>
        %dma_wait3A_1050 = arith.constant 0 : i32
        %dma_wait3A_1051 = arith.constant 0 : i32
        %dma_wait3A_1052 = tpu.memref_slice %arg2[%select_n3A_1031, %add3A, %dma_wait3A_1050, %dma_wait3A_1051] : memref<25x32x8x128xi32, #tpu.memory_space<hbm>> -> memref<1x1x8x128xi32, #tpu.memory_space<hbm>>
        %dma_wait3A_1053 = tpu.memref_squeeze %dma_wait3A_1052 : memref<1x1x8x128xi32, #tpu.memory_space<hbm>> -> memref<8x128xi32, #tpu.memory_space<hbm>>
        tpu.wait_dma2 semaphore(%dma_wait3A_1045 : memref<!tpu.dma_semaphore, #tpu.memory_space<semaphore_mem>>) src(%dma_wait3A_1053 : memref<8x128xi32, #tpu.memory_space<hbm>>) dst(%dma_wait3A_1049 : memref<8x128xi32, #tpu.memory_space<vmem>>)
      } else {
      }
      %add3A_899 = arith.constant 2 : i32
      %add3A_900 = arith.addi %add3A_884, %add3A_899 : i32
      %lt3A_901 = arith.constant 200 : i32
      %lt3A_902 = arith.cmpi slt, %add3A_900, %lt3A_901 : i32
      %convert_element_type3A_903 = arith.extui %lt3A_902 : i1 to i32
      %cond3A_904 = arith.constant 0 : i32
      %cond3A_905 = arith.cmpi ne, %convert_element_type3A_903, %cond3A_904 : i32
      scf.if %cond3A_905 {
        %add3A_1006 = arith.constant 2 : i32
        %add3A_1007 = arith.addi %add3A_884, %add3A_1006 : i32
        %jit3A_1008 = arith.constant 8 : i32
        %div3A_1009 = arith.divsi %add3A_1007, %jit3A_1008 : i32
        %sign3A_1010 = arith.constant 0 : i32
        %sign3A_1011 = arith.cmpi sgt, %add3A_1007, %sign3A_1010 : i32
        %sign3A_1012 = arith.extui %sign3A_1011 : i1 to i32
        %sign3A_1013 = arith.constant 0 : i32
        %sign3A_1014 = arith.cmpi slt, %add3A_1007, %sign3A_1013 : i32
        %sign3A_1015 = arith.extui %sign3A_1014 : i1 to i32
        %sign3A_1016 = arith.subi %sign3A_1012, %sign3A_1015 : i32
        %sign3A_1017 = arith.constant 0 : i32
        %sign3A_1018 = arith.cmpi sgt, %jit3A_1008, %sign3A_1017 : i32
        %sign3A_1019 = arith.extui %sign3A_1018 : i1 to i32
        %sign3A_1020 = arith.constant 0 : i32
        %sign3A_1021 = arith.cmpi slt, %jit3A_1008, %sign3A_1020 : i32
        %sign3A_1022 = arith.extui %sign3A_1021 : i1 to i32
        %sign3A_1023 = arith.subi %sign3A_1019, %sign3A_1022 : i32
        %ne3A_1024 = arith.cmpi ne, %sign3A_1016, %sign3A_1023 : i32
        %rem3A_1025 = arith.remsi %add3A_1007, %jit3A_1008 : i32
        %ne3A_1026 = arith.constant 0 : i32
        %ne3A_1027 = arith.cmpi ne, %rem3A_1025, %ne3A_1026 : i32
        %and3A_1028 = arith.andi %ne3A_1024, %ne3A_1027 : i1
        %sub3A_1029 = arith.constant 1 : i32
        %sub3A_1030 = arith.subi %div3A_1009, %sub3A_1029 : i32
        %select_n3A_1031 = arith.select %and3A_1028, %sub3A_1030, %div3A_1009 : i32
        %rem3A_1032 = arith.constant 2 : i32
        %rem3A_1033 = arith.remsi %select_n3A_1031, %rem3A_1032 : i32
        %rem3A_1034 = arith.constant 8 : i32
        %rem3A_1035 = arith.remsi %add3A_1007, %rem3A_1034 : i32
        %dma_start3A_1036 = arith.constant 1 : i32
        %dma_start3A_1037 = arith.constant 1 : i32
        %dma_start3A_1038 = arith.constant 0 : i32
        %dma_start3A_1039 = arith.constant 0 : i32
        %dma_start3A_1040 = tpu.memref_slice %arg7[%dma_start3A_1036, %dma_start3A_1038, %dma_start3A_1039] : memref<5x128x64xf32, #tpu.memory_space<vmem>> -> memref<1x128x64xf32, #tpu.memory_space<vmem>>
        %dma_start3A_1041 = tpu.memref_squeeze %dma_start3A_1040 : memref<1x128x64xf32, #tpu.memory_space<vmem>> -> memref<128x64xf32, #tpu.memory_space<vmem>>
        %dma_start3A_1042 = arith.constant 0 : i32
        %dma_start3A_1043 = tpu.memref_slice %arg6[%rem3A_1033, %rem3A_1035, %dma_start3A_1042] : memref<2x8x128xi32, #tpu.memory_space<vmem>> -> memref<1x1x128xi32, #tpu.memory_space<vmem>>
        %dma_start3A_1044 = tpu.memref_squeeze %dma_start3A_1043 : memref<1x1x128xi32, #tpu.memory_space<vmem>> -> memref<128xi32, #tpu.memory_space<vmem>>
        %dma_start3A_1045 = arith.constant 0 : i32
        %dma_start3A_1046 = arith.constant 0 : i32
        %dma_start3A_1047 = tpu.memref_slice %arg3[%dma_start3A_1045, %dma_start3A_1046] : memref<100000x64xf32, #tpu.memory_space<hbm>> -> memref<100000x64xf32, #tpu.memory_space<hbm>>
        %dma_start3A_1048 = tpu.memref_slice %arg10[%dma_start3A_1037] : memref<5x!tpu.dma_semaphore, #tpu.memory_space<semaphore_mem>> -> memref<1x!tpu.dma_semaphore, #tpu.memory_space<semaphore_mem>>
        %dma_start3A_1049 = tpu.memref_squeeze %dma_start3A_1048 : memref<1x!tpu.dma_semaphore, #tpu.memory_space<semaphore_mem>> -> memref<!tpu.dma_semaphore, #tpu.memory_space<semaphore_mem>>
        tpu.enqueue_indirect_dma source(%dma_start3A_1047 : memref<100000x64xf32, #tpu.memory_space<hbm>>) target(%dma_start3A_1041 : memref<128x64xf32, #tpu.memory_space<vmem>>) offsets(%dma_start3A_1044 : memref<128xi32, #tpu.memory_space<vmem>>) semaphore(%dma_start3A_1049 : memref<!tpu.dma_semaphore, #tpu.memory_space<semaphore_mem>>)
      } else {
      }
      %jit3A_906 = arith.constant 8 : i32
      %div3A_907 = arith.divsi %add3A_884, %jit3A_906 : i32
      %sign3A_908 = arith.constant 0 : i32
      %sign3A_909 = arith.cmpi sgt, %add3A_884, %sign3A_908 : i32
      %sign3A_910 = arith.extui %sign3A_909 : i1 to i32
      %sign3A_911 = arith.constant 0 : i32
      %sign3A_912 = arith.cmpi slt, %add3A_884, %sign3A_911 : i32
      %sign3A_913 = arith.extui %sign3A_912 : i1 to i32
      %sign3A_914 = arith.subi %sign3A_910, %sign3A_913 : i32
      %sign3A_915 = arith.constant 0 : i32
      %sign3A_916 = arith.cmpi sgt, %jit3A_906, %sign3A_915 : i32
      %sign3A_917 = arith.extui %sign3A_916 : i1 to i32
      %sign3A_918 = arith.constant 0 : i32
      %sign3A_919 = arith.cmpi slt, %jit3A_906, %sign3A_918 : i32
      %sign3A_920 = arith.extui %sign3A_919 : i1 to i32
      %sign3A_921 = arith.subi %sign3A_917, %sign3A_920 : i32
      %ne3A_922 = arith.cmpi ne, %sign3A_914, %sign3A_921 : i32
      %rem3A_923 = arith.remsi %add3A_884, %jit3A_906 : i32
      %ne3A_924 = arith.constant 0 : i32
      %ne3A_925 = arith.cmpi ne, %rem3A_923, %ne3A_924 : i32
      %and3A_926 = arith.andi %ne3A_922, %ne3A_925 : i1
      %sub3A_927 = arith.constant 1 : i32
      %sub3A_928 = arith.subi %div3A_907, %sub3A_927 : i32
      %select_n3A_929 = arith.select %and3A_926, %sub3A_928, %div3A_907 : i32
      %rem3A_930 = arith.constant 2 : i32
      %rem3A_931 = arith.remsi %select_n3A_929, %rem3A_930 : i32
      %rem3A_932 = arith.constant 8 : i32
      %rem3A_933 = arith.remsi %add3A_884, %rem3A_932 : i32
      %dma_wait3A_934 = arith.constant 4 : i32
      %dma_wait3A_935 = arith.constant 4 : i32
      %dma_wait3A_936 = arith.constant 0 : i32
      %dma_wait3A_937 = arith.constant 0 : i32
      %dma_wait3A_938 = tpu.memref_slice %arg7[%dma_wait3A_934, %dma_wait3A_936, %dma_wait3A_937] : memref<5x128x64xf32, #tpu.memory_space<vmem>> -> memref<1x128x64xf32, #tpu.memory_space<vmem>>
      %dma_wait3A_939 = tpu.memref_squeeze %dma_wait3A_938 : memref<1x128x64xf32, #tpu.memory_space<vmem>> -> memref<128x64xf32, #tpu.memory_space<vmem>>
      %dma_wait3A_940 = arith.constant 0 : i32
      %dma_wait3A_941 = tpu.memref_slice %arg6[%rem3A_931, %rem3A_933, %dma_wait3A_940] : memref<2x8x128xi32, #tpu.memory_space<vmem>> -> memref<1x1x128xi32, #tpu.memory_space<vmem>>
      %dma_wait3A_942 = tpu.memref_squeeze %dma_wait3A_941 : memref<1x1x128xi32, #tpu.memory_space<vmem>> -> memref<128xi32, #tpu.memory_space<vmem>>
      %dma_wait3A_943 = arith.constant 0 : i32
      %dma_wait3A_944 = arith.constant 0 : i32
      %dma_wait3A_945 = tpu.memref_slice %arg3[%dma_wait3A_943, %dma_wait3A_944] : memref<100000x64xf32, #tpu.memory_space<hbm>> -> memref<100000x64xf32, #tpu.memory_space<hbm>>
      %dma_wait3A_946 = tpu.memref_slice %arg10[%dma_wait3A_935] : memref<5x!tpu.dma_semaphore, #tpu.memory_space<semaphore_mem>> -> memref<1x!tpu.dma_semaphore, #tpu.memory_space<semaphore_mem>>
      %dma_wait3A_947 = tpu.memref_squeeze %dma_wait3A_946 : memref<1x!tpu.dma_semaphore, #tpu.memory_space<semaphore_mem>> -> memref<!tpu.dma_semaphore, #tpu.memory_space<semaphore_mem>>
      tpu.wait_indirect_dma semaphore(%dma_wait3A_947 : memref<!tpu.dma_semaphore, #tpu.memory_space<semaphore_mem>>) src(%dma_wait3A_945 : memref<100000x64xf32, #tpu.memory_space<hbm>>) dst(%dma_wait3A_939 : memref<128x64xf32, #tpu.memory_space<vmem>>)
      %ge3A_948 = arith.constant 5 : i32
      %ge3A_949 = arith.cmpi sge, %add3A_884, %ge3A_948 : i32
      %convert_element_type3A_950 = arith.extui %ge3A_949 : i1 to i32
      %cond3A_951 = arith.constant 0 : i32
      %cond3A_952 = arith.cmpi ne, %convert_element_type3A_950, %cond3A_951 : i32
      scf.if %cond3A_952 {
        %sub3A_1006 = arith.constant 5 : i32
        %sub3A_1007 = arith.subi %add3A_884, %sub3A_1006 : i32
        %dma_wait3A_1008 = arith.constant 4 : i32
        %dma_wait3A_1009 = arith.constant 4 : i32
        %dma_wait3A_1010 = arith.constant 0 : i32
        %dma_wait3A_1011 = arith.constant 0 : i32
        %dma_wait3A_1012 = arith.constant 0 : i32
        %dma_wait3A_1013 = tpu.memref_slice %arg8[%dma_wait3A_1008, %dma_wait3A_1010, %dma_wait3A_1011, %dma_wait3A_1012] : memref<5x8x8x129xf32, #tpu.memory_space<vmem>> -> memref<1x8x8x128xf32, #tpu.memory_space<vmem>>
        %dma_wait3A_1014 = tpu.memref_squeeze %dma_wait3A_1013 : memref<1x8x8x128xf32, #tpu.memory_space<vmem>> -> memref<8x8x128xf32, #tpu.memory_space<vmem>>
        %dma_wait3A_1015 = arith.constant 0 : i32
        %dma_wait3A_1016 = arith.constant 0 : i32
        %dma_wait3A_1017 = arith.constant 0 : i32
        %dma_wait3A_1018 = tpu.memref_slice %arg5[%sub3A_1007, %dma_wait3A_1015, %add3A, %dma_wait3A_1016, %dma_wait3A_1017] : memref<200x8x32x8x128xf32, #tpu.memory_space<hbm>> -> memref<1x8x1x8x128xf32, #tpu.memory_space<hbm>>
        %dma_wait3A_1019 = tpu.memref_squeeze %dma_wait3A_1018 : memref<1x8x1x8x128xf32, #tpu.memory_space<hbm>> -> memref<8x8x128xf32, #tpu.memory_space<hbm>>
        %dma_wait3A_1020 = tpu.memref_slice %arg11[%dma_wait3A_1009] : memref<5x!tpu.dma_semaphore, #tpu.memory_space<semaphore_mem>> -> memref<1x!tpu.dma_semaphore, #tpu.memory_space<semaphore_mem>>
        %dma_wait3A_1021 = tpu.memref_squeeze %dma_wait3A_1020 : memref<1x!tpu.dma_semaphore, #tpu.memory_space<semaphore_mem>> -> memref<!tpu.dma_semaphore, #tpu.memory_space<semaphore_mem>>
        %dma_wait3A_1022 = arith.constant 0 : i32
        %dma_wait3A_1023 = arith.constant 0 : i32
        %dma_wait3A_1024 = arith.constant 0 : i32
        %dma_wait3A_1025 = tpu.memref_slice %arg5[%sub3A_1007, %dma_wait3A_1022, %add3A, %dma_wait3A_1023, %dma_wait3A_1024] : memref<200x8x32x8x128xf32, #tpu.memory_space<hbm>> -> memref<1x8x1x8x128xf32, #tpu.memory_space<hbm>>
        %dma_wait3A_1026 = tpu.memref_squeeze %dma_wait3A_1025 : memref<1x8x1x8x128xf32, #tpu.memory_space<hbm>> -> memref<8x8x128xf32, #tpu.memory_space<hbm>>
        %dma_wait3A_1027 = arith.constant 0 : i32
        %dma_wait3A_1028 = arith.constant 0 : i32
        %dma_wait3A_1029 = arith.constant 0 : i32
        %dma_wait3A_1030 = tpu.memref_slice %arg8[%dma_wait3A_1008, %dma_wait3A_1027, %dma_wait3A_1028, %dma_wait3A_1029] : memref<5x8x8x129xf32, #tpu.memory_space<vmem>> -> memref<1x8x8x128xf32, #tpu.memory_space<vmem>>
        %dma_wait3A_1031 = tpu.memref_squeeze %dma_wait3A_1030 : memref<1x8x8x128xf32, #tpu.memory_space<vmem>> -> memref<8x8x128xf32, #tpu.memory_space<vmem>>
        tpu.wait_dma2 semaphore(%dma_wait3A_1021 : memref<!tpu.dma_semaphore, #tpu.memory_space<semaphore_mem>>) src(%dma_wait3A_1031 : memref<8x8x128xf32, #tpu.memory_space<vmem>>) dst(%dma_wait3A_1026 : memref<8x8x128xf32, #tpu.memory_space<hbm>>)
      } else {
      }
      %get3A_953 = arith.index_cast %add3A_884 : i32 to index
      %get3A_954 = arith.constant 0 : index
      %get3A_955 = tpu.vector_load %arg9[%get3A_953, %get3A_954] {strides = array<i32>} : memref<200x64xf32, #tpu.memory_space<vmem>>, vector<16xf32>,
      %get3A_956 = arith.index_cast %add3A_884 : i32 to index
      %get3A_957 = arith.constant 16 : index
      %get3A_958 = tpu.vector_load %arg9[%get3A_956, %get3A_957] {strides = array<i32>} : memref<200x64xf32, #tpu.memory_space<vmem>>, vector<16xf32>,
      %get3A_959 = arith.index_cast %add3A_884 : i32 to index
      %get3A_960 = arith.constant 32 : index
      %get3A_961 = tpu.vector_load %arg9[%get3A_959, %get3A_960] {strides = array<i32>} : memref<200x64xf32, #tpu.memory_space<vmem>>, vector<16xf32>,
      %get3A_962 = arith.index_cast %add3A_884 : i32 to index
      %get3A_963 = arith.constant 48 : index
      %get3A_964 = tpu.vector_load %arg9[%get3A_962, %get3A_963] {strides = array<i32>} : memref<200x64xf32, #tpu.memory_space<vmem>>, vector<16xf32>,
      %parallel_loop3A_965 = arith.constant 0 : i32
      %parallel_loop3A_966 = arith.constant 128 : i32
      %parallel_loop3A_967 = arith.constant 1 : i32
      %parallel_loop3A_968 = arith.constant 4 : i32
      %parallel_loop3A_969 = arith.constant 4 : i32
      scf.for %parallel_loop3A_1006 = %parallel_loop3A_965 to %parallel_loop3A_966 step %parallel_loop3A_967  : i32 {
        %parallel_loop3A_1007 = vector.broadcast %parallel_loop3A_1006 : i32 to vector<16xi32>
        %parallel_loop3A_1008 = arith.addi %parallel_loop3A_1007, %broadcast_in_dim3A_1 : vector<16xi32>
        %parallel_loop3A_1009 = arith.constant 0 : i32
        %parallel_loop3A_1010 = arith.constant 0 : i32
        %parallel_loop3A_1011 = tpu.memref_slice %arg7[%parallel_loop3A_968, %parallel_loop3A_1009, %parallel_loop3A_1010] : memref<5x128x64xf32, #tpu.memory_space<vmem>> -> memref<1x128x64xf32, #tpu.memory_space<vmem>>
        %parallel_loop3A_1012 = tpu.memref_squeeze %parallel_loop3A_1011 : memref<1x128x64xf32, #tpu.memory_space<vmem>> -> memref<128x64xf32, #tpu.memory_space<vmem>>
        %parallel_loop3A_1013 = arith.index_cast %parallel_loop3A_1006 : i32 to index
        %parallel_loop3A_1014 = arith.constant 0 : index
        %parallel_loop3A_1015 = tpu.vector_load %parallel_loop3A_1012[%parallel_loop3A_1013, %parallel_loop3A_1014] {strides = array<i32>} : memref<128x64xf32, #tpu.memory_space<vmem>>, vector<16xf32>,
        %parallel_loop3A_1016 = arith.addf %parallel_loop3A_1015, %get3A_955 : vector<16xf32>
        %parallel_loop3A_1017 = arith.constant 0 : i32
        %parallel_loop3A_1018 = arith.constant 0 : i32
        %parallel_loop3A_1019 = arith.constant 0 : i32
        %parallel_loop3A_1020 = tpu.memref_slice %arg8[%parallel_loop3A_969, %parallel_loop3A_1017, %parallel_loop3A_1018, %parallel_loop3A_1019] : memref<5x8x8x129xf32, #tpu.memory_space<vmem>> -> memref<1x8x8x129xf32, #tpu.memory_space<vmem>>
        %parallel_loop3A_1021 = tpu.memref_squeeze %parallel_loop3A_1020 : memref<1x8x8x129xf32, #tpu.memory_space<vmem>> -> memref<8x8x129xf32, #tpu.memory_space<vmem>>
        tpu.vector_store_idx %parallel_loop3A_1021[%select_n3A, %rem3A_30, %parallel_loop3A_1008], %parallel_loop3A_1016 : memref<8x8x129xf32, #tpu.memory_space<vmem>>[vector<16xi32>, vector<16xi32>, vector<16xi32>], vector<16xf32>,
        %parallel_loop3A_1022 = arith.constant 0 : i32
        %parallel_loop3A_1023 = arith.constant 0 : i32
        %parallel_loop3A_1024 = tpu.memref_slice %arg7[%parallel_loop3A_968, %parallel_loop3A_1022, %parallel_loop3A_1023] : memref<5x128x64xf32, #tpu.memory_space<vmem>> -> memref<1x128x64xf32, #tpu.memory_space<vmem>>
        %parallel_loop3A_1025 = tpu.memref_squeeze %parallel_loop3A_1024 : memref<1x128x64xf32, #tpu.memory_space<vmem>> -> memref<128x64xf32, #tpu.memory_space<vmem>>
        %parallel_loop3A_1026 = arith.index_cast %parallel_loop3A_1006 : i32 to index
        %parallel_loop3A_1027 = arith.constant 16 : index
        %parallel_loop3A_1028 = tpu.vector_load %parallel_loop3A_1025[%parallel_loop3A_1026, %parallel_loop3A_1027] {strides = array<i32>} : memref<128x64xf32, #tpu.memory_space<vmem>>, vector<16xf32>,
        %parallel_loop3A_1029 = arith.addf %parallel_loop3A_1028, %get3A_958 : vector<16xf32>
        %parallel_loop3A_1030 = arith.constant 0 : i32
        %parallel_loop3A_1031 = arith.constant 0 : i32
        %parallel_loop3A_1032 = arith.constant 0 : i32
        %parallel_loop3A_1033 = tpu.memref_slice %arg8[%parallel_loop3A_969, %parallel_loop3A_1030, %parallel_loop3A_1031, %parallel_loop3A_1032] : memref<5x8x8x129xf32, #tpu.memory_space<vmem>> -> memref<1x8x8x129xf32, #tpu.memory_space<vmem>>
        %parallel_loop3A_1034 = tpu.memref_squeeze %parallel_loop3A_1033 : memref<1x8x8x129xf32, #tpu.memory_space<vmem>> -> memref<8x8x129xf32, #tpu.memory_space<vmem>>
        tpu.vector_store_idx %parallel_loop3A_1034[%select_n3A_65, %rem3A_68, %parallel_loop3A_1008], %parallel_loop3A_1029 : memref<8x8x129xf32, #tpu.memory_space<vmem>>[vector<16xi32>, vector<16xi32>, vector<16xi32>], vector<16xf32>,
        %parallel_loop3A_1035 = arith.constant 0 : i32
        %parallel_loop3A_1036 = arith.constant 0 : i32
        %parallel_loop3A_1037 = tpu.memref_slice %arg7[%parallel_loop3A_968, %parallel_loop3A_1035, %parallel_loop3A_1036] : memref<5x128x64xf32, #tpu.memory_space<vmem>> -> memref<1x128x64xf32, #tpu.memory_space<vmem>>
        %parallel_loop3A_1038 = tpu.memref_squeeze %parallel_loop3A_1037 : memref<1x128x64xf32, #tpu.memory_space<vmem>> -> memref<128x64xf32, #tpu.memory_space<vmem>>
        %parallel_loop3A_1039 = arith.index_cast %parallel_loop3A_1006 : i32 to index
        %parallel_loop3A_1040 = arith.constant 32 : index
        %parallel_loop3A_1041 = tpu.vector_load %parallel_loop3A_1038[%parallel_loop3A_1039, %parallel_loop3A_1040] {strides = array<i32>} : memref<128x64xf32, #tpu.memory_space<vmem>>, vector<16xf32>,
        %parallel_loop3A_1042 = arith.addf %parallel_loop3A_1041, %get3A_961 : vector<16xf32>
        %parallel_loop3A_1043 = arith.constant 0 : i32
        %parallel_loop3A_1044 = arith.constant 0 : i32
        %parallel_loop3A_1045 = arith.constant 0 : i32
        %parallel_loop3A_1046 = tpu.memref_slice %arg8[%parallel_loop3A_969, %parallel_loop3A_1043, %parallel_loop3A_1044, %parallel_loop3A_1045] : memref<5x8x8x129xf32, #tpu.memory_space<vmem>> -> memref<1x8x8x129xf32, #tpu.memory_space<vmem>>
        %parallel_loop3A_1047 = tpu.memref_squeeze %parallel_loop3A_1046 : memref<1x8x8x129xf32, #tpu.memory_space<vmem>> -> memref<8x8x129xf32, #tpu.memory_space<vmem>>
        tpu.vector_store_idx %parallel_loop3A_1047[%select_n3A_103, %rem3A_106, %parallel_loop3A_1008], %parallel_loop3A_1042 : memref<8x8x129xf32, #tpu.memory_space<vmem>>[vector<16xi32>, vector<16xi32>, vector<16xi32>], vector<16xf32>,
        %parallel_loop3A_1048 = arith.constant 0 : i32
        %parallel_loop3A_1049 = arith.constant 0 : i32
        %parallel_loop3A_1050 = tpu.memref_slice %arg7[%parallel_loop3A_968, %parallel_loop3A_1048, %parallel_loop3A_1049] : memref<5x128x64xf32, #tpu.memory_space<vmem>> -> memref<1x128x64xf32, #tpu.memory_space<vmem>>
        %parallel_loop3A_1051 = tpu.memref_squeeze %parallel_loop3A_1050 : memref<1x128x64xf32, #tpu.memory_space<vmem>> -> memref<128x64xf32, #tpu.memory_space<vmem>>
        %parallel_loop3A_1052 = arith.index_cast %parallel_loop3A_1006 : i32 to index
        %parallel_loop3A_1053 = arith.constant 48 : index
        %parallel_loop3A_1054 = tpu.vector_load %parallel_loop3A_1051[%parallel_loop3A_1052, %parallel_loop3A_1053] {strides = array<i32>} : memref<128x64xf32, #tpu.memory_space<vmem>>, vector<16xf32>,
        %parallel_loop3A_1055 = arith.addf %parallel_loop3A_1054, %get3A_964 : vector<16xf32>
        %parallel_loop3A_1056 = arith.constant 0 : i32
        %parallel_loop3A_1057 = arith.constant 0 : i32
        %parallel_loop3A_1058 = arith.constant 0 : i32
        %parallel_loop3A_1059 = tpu.memref_slice %arg8[%parallel_loop3A_969, %parallel_loop3A_1056, %parallel_loop3A_1057, %parallel_loop3A_1058] : memref<5x8x8x129xf32, #tpu.memory_space<vmem>> -> memref<1x8x8x129xf32, #tpu.memory_space<vmem>>
        %parallel_loop3A_1060 = tpu.memref_squeeze %parallel_loop3A_1059 : memref<1x8x8x129xf32, #tpu.memory_space<vmem>> -> memref<8x8x129xf32, #tpu.memory_space<vmem>>
        tpu.vector_store_idx %parallel_loop3A_1060[%select_n3A_141, %rem3A_144, %parallel_loop3A_1008], %parallel_loop3A_1055 : memref<8x8x129xf32, #tpu.memory_space<vmem>>[vector<16xi32>, vector<16xi32>, vector<16xi32>], vector<16xf32>,
      } {sc.loop_unroll_factor = 16 : i64, sc.parallel_access}
      %dma_start3A_970 = arith.constant 4 : i32
      %dma_start3A_971 = arith.constant 4 : i32
      %dma_start3A_972 = arith.constant 0 : i32
      %dma_start3A_973 = arith.constant 0 : i32
      %dma_start3A_974 = arith.constant 0 : i32
      %dma_start3A_975 = tpu.memref_slice %arg8[%dma_start3A_970, %dma_start3A_972, %dma_start3A_973, %dma_start3A_974] : memref<5x8x8x129xf32, #tpu.memory_space<vmem>> -> memref<1x8x8x128xf32, #tpu.memory_space<vmem>>
      %dma_start3A_976 = tpu.memref_squeeze %dma_start3A_975 : memref<1x8x8x128xf32, #tpu.memory_space<vmem>> -> memref<8x8x128xf32, #tpu.memory_space<vmem>>
      %dma_start3A_977 = arith.constant 0 : i32
      %dma_start3A_978 = arith.constant 0 : i32
      %dma_start3A_979 = arith.constant 0 : i32
      %dma_start3A_980 = tpu.memref_slice %arg5[%add3A_884, %dma_start3A_977, %add3A, %dma_start3A_978, %dma_start3A_979] : memref<200x8x32x8x128xf32, #tpu.memory_space<hbm>> -> memref<1x8x1x8x128xf32, #tpu.memory_space<hbm>>
      %dma_start3A_981 = tpu.memref_squeeze %dma_start3A_980 : memref<1x8x1x8x128xf32, #tpu.memory_space<hbm>> -> memref<8x8x128xf32, #tpu.memory_space<hbm>>
      %dma_start3A_982 = tpu.memref_slice %arg11[%dma_start3A_971] : memref<5x!tpu.dma_semaphore, #tpu.memory_space<semaphore_mem>> -> memref<1x!tpu.dma_semaphore, #tpu.memory_space<semaphore_mem>>
      %dma_start3A_983 = tpu.memref_squeeze %dma_start3A_982 : memref<1x!tpu.dma_semaphore, #tpu.memory_space<semaphore_mem>> -> memref<!tpu.dma_semaphore, #tpu.memory_space<semaphore_mem>>
      %dma_start3A_984 = arith.constant 0 : i32
      %dma_start3A_985 = arith.constant 0 : i32
      %dma_start3A_986 = arith.constant 0 : i32
      %dma_start3A_987 = tpu.memref_slice %arg5[%add3A_884, %dma_start3A_984, %add3A, %dma_start3A_985, %dma_start3A_986] : memref<200x8x32x8x128xf32, #tpu.memory_space<hbm>> -> memref<1x8x1x8x128xf32, #tpu.memory_space<hbm>>
      %dma_start3A_988 = tpu.memref_squeeze %dma_start3A_987 : memref<1x8x1x8x128xf32, #tpu.memory_space<hbm>> -> memref<8x8x128xf32, #tpu.memory_space<hbm>>
      %dma_start3A_989 = arith.constant 0 : i32
      %dma_start3A_990 = arith.constant 0 : i32
      %dma_start3A_991 = arith.constant 0 : i32
      %dma_start3A_992 = tpu.memref_slice %arg8[%dma_start3A_970, %dma_start3A_989, %dma_start3A_990, %dma_start3A_991] : memref<5x8x8x129xf32, #tpu.memory_space<vmem>> -> memref<1x8x8x128xf32, #tpu.memory_space<vmem>>
      %dma_start3A_993 = tpu.memref_squeeze %dma_start3A_992 : memref<1x8x8x128xf32, #tpu.memory_space<vmem>> -> memref<8x8x128xf32, #tpu.memory_space<vmem>>
      tpu.enqueue_dma source(%dma_start3A_993 : memref<8x8x128xf32, #tpu.memory_space<vmem>>) target(%dma_start3A_988 : memref<8x8x128xf32, #tpu.memory_space<hbm>>) target_semaphore(%dma_start3A_983 : memref<!tpu.dma_semaphore, #tpu.memory_space<semaphore_mem>>)
      %rem3A_994 = arith.constant 8 : i32
      %rem3A_995 = arith.remsi %add3A_884, %rem3A_994 : i32
      %eq3A_996 = arith.constant 7 : i32
      %eq3A_997 = arith.cmpi eq, %rem3A_995, %eq3A_996 : i32
      %add3A_998 = arith.constant 9 : i32
      %add3A_999 = arith.addi %add3A_884, %add3A_998 : i32
      %lt3A_1000 = arith.constant 193 : i32
      %lt3A_1001 = arith.cmpi slt, %add3A_999, %lt3A_1000 : i32
      %and3A_1002 = arith.andi %eq3A_997, %lt3A_1001 : i1
      %convert_element_type3A_1003 = arith.extui %and3A_1002 : i1 to i32
      %cond3A_1004 = arith.constant 0 : i32
      %cond3A_1005 = arith.cmpi ne, %convert_element_type3A_1003, %cond3A_1004 : i32
      scf.if %cond3A_1005 {
        %add3A_1006 = arith.constant 1 : i32
        %add3A_1007 = arith.addi %add3A_884, %add3A_1006 : i32
        %jit3A_1008 = arith.constant 8 : i32
        %div3A_1009 = arith.divsi %add3A_1007, %jit3A_1008 : i32
        %sign3A_1010 = arith.constant 0 : i32
        %sign3A_1011 = arith.cmpi sgt, %add3A_1007, %sign3A_1010 : i32
        %sign3A_1012 = arith.extui %sign3A_1011 : i1 to i32
        %sign3A_1013 = arith.constant 0 : i32
        %sign3A_1014 = arith.cmpi slt, %add3A_1007, %sign3A_1013 : i32
        %sign3A_1015 = arith.extui %sign3A_1014 : i1 to i32
        %sign3A_1016 = arith.subi %sign3A_1012, %sign3A_1015 : i32
        %sign3A_1017 = arith.constant 0 : i32
        %sign3A_1018 = arith.cmpi sgt, %jit3A_1008, %sign3A_1017 : i32
        %sign3A_1019 = arith.extui %sign3A_1018 : i1 to i32
        %sign3A_1020 = arith.constant 0 : i32
        %sign3A_1021 = arith.cmpi slt, %jit3A_1008, %sign3A_1020 : i32
        %sign3A_1022 = arith.extui %sign3A_1021 : i1 to i32
        %sign3A_1023 = arith.subi %sign3A_1019, %sign3A_1022 : i32
        %ne3A_1024 = arith.cmpi ne, %sign3A_1016, %sign3A_1023 : i32
        %rem3A_1025 = arith.remsi %add3A_1007, %jit3A_1008 : i32
        %ne3A_1026 = arith.constant 0 : i32
        %ne3A_1027 = arith.cmpi ne, %rem3A_1025, %ne3A_1026 : i32
        %and3A_1028 = arith.andi %ne3A_1024, %ne3A_1027 : i1
        %sub3A_1029 = arith.constant 1 : i32
        %sub3A_1030 = arith.subi %div3A_1009, %sub3A_1029 : i32
        %select_n3A_1031 = arith.select %and3A_1028, %sub3A_1030, %div3A_1009 : i32
        %add3A_1032 = arith.constant 1 : i32
        %add3A_1033 = arith.addi %select_n3A_1031, %add3A_1032 : i32
        %rem3A_1034 = arith.constant 2 : i32
        %rem3A_1035 = arith.remsi %add3A_1033, %rem3A_1034 : i32
        %rem3A_1036 = arith.constant 2 : i32
        %rem3A_1037 = arith.remsi %add3A_1033, %rem3A_1036 : i32
        %dma_start3A_1038 = arith.constant 0 : i32
        %dma_start3A_1039 = arith.constant 0 : i32
        %dma_start3A_1040 = tpu.memref_slice %arg6[%rem3A_1035, %dma_start3A_1038, %dma_start3A_1039] : memref<2x8x128xi32, #tpu.memory_space<vmem>> -> memref<1x8x128xi32, #tpu.memory_space<vmem>>
        %dma_start3A_1041 = tpu.memref_squeeze %dma_start3A_1040 : memref<1x8x128xi32, #tpu.memory_space<vmem>> -> memref<8x128xi32, #tpu.memory_space<vmem>>
        %dma_start3A_1042 = arith.constant 0 : i32
        %dma_start3A_1043 = arith.constant 0 : i32
        %dma_start3A_1044 = tpu.memref_slice %arg2[%add3A_1033, %add3A, %dma_start3A_1042, %dma_start3A_1043] : memref<25x32x8x128xi32, #tpu.memory_space<hbm>> -> memref<1x1x8x128xi32, #tpu.memory_space<hbm>>
        %dma_start3A_1045 = tpu.memref_squeeze %dma_start3A_1044 : memref<1x1x8x128xi32, #tpu.memory_space<hbm>> -> memref<8x128xi32, #tpu.memory_space<hbm>>
        %dma_start3A_1046 = tpu.memref_slice %arg12[%rem3A_1037] : memref<2x!tpu.dma_semaphore, #tpu.memory_space<semaphore_mem>> -> memref<1x!tpu.dma_semaphore, #tpu.memory_space<semaphore_mem>>
        %dma_start3A_1047 = tpu.memref_squeeze %dma_start3A_1046 : memref<1x!tpu.dma_semaphore, #tpu.memory_space<semaphore_mem>> -> memref<!tpu.dma_semaphore, #tpu.memory_space<semaphore_mem>>
        %dma_start3A_1048 = arith.constant 0 : i32
        %dma_start3A_1049 = arith.constant 0 : i32
        %dma_start3A_1050 = tpu.memref_slice %arg6[%rem3A_1035, %dma_start3A_1048, %dma_start3A_1049] : memref<2x8x128xi32, #tpu.memory_space<vmem>> -> memref<1x8x128xi32, #tpu.memory_space<vmem>>
        %dma_start3A_1051 = tpu.memref_squeeze %dma_start3A_1050 : memref<1x8x128xi32, #tpu.memory_space<vmem>> -> memref<8x128xi32, #tpu.memory_space<vmem>>
        %dma_start3A_1052 = arith.constant 0 : i32
        %dma_start3A_1053 = arith.constant 0 : i32
        %dma_start3A_1054 = tpu.memref_slice %arg2[%add3A_1033, %add3A, %dma_start3A_1052, %dma_start3A_1053] : memref<25x32x8x128xi32, #tpu.memory_space<hbm>> -> memref<1x1x8x128xi32, #tpu.memory_space<hbm>>
        %dma_start3A_1055 = tpu.memref_squeeze %dma_start3A_1054 : memref<1x1x8x128xi32, #tpu.memory_space<hbm>> -> memref<8x128xi32, #tpu.memory_space<hbm>>
        tpu.enqueue_dma source(%dma_start3A_1055 : memref<8x128xi32, #tpu.memory_space<hbm>>) target(%dma_start3A_1051 : memref<8x128xi32, #tpu.memory_space<vmem>>) target_semaphore(%dma_start3A_1047 : memref<!tpu.dma_semaphore, #tpu.memory_space<semaphore_mem>>)
      } else {
      }
    }
    %scan3A_261 = arith.constant 40 : i32
    %dma_wait3A_262 = arith.constant 0 : i32
    %dma_wait3A_263 = arith.constant 195 : i32
    %dma_wait3A_264 = arith.constant 0 : i32
    %dma_wait3A_265 = arith.constant 0 : i32
    %dma_wait3A_266 = arith.constant 0 : i32
    %dma_wait3A_267 = arith.constant 0 : i32
    %dma_wait3A_268 = tpu.memref_slice %arg8[%dma_wait3A_262, %dma_wait3A_265, %dma_wait3A_266, %dma_wait3A_267] : memref<5x8x8x129xf32, #tpu.memory_space<vmem>> -> memref<1x8x8x128xf32, #tpu.memory_space<vmem>>
    %dma_wait3A_269 = tpu.memref_squeeze %dma_wait3A_268 : memref<1x8x8x128xf32, #tpu.memory_space<vmem>> -> memref<8x8x128xf32, #tpu.memory_space<vmem>>
    %dma_wait3A_270 = arith.constant 0 : i32
    %dma_wait3A_271 = arith.constant 0 : i32
    %dma_wait3A_272 = arith.constant 0 : i32
    %dma_wait3A_273 = tpu.memref_slice %arg5[%dma_wait3A_263, %dma_wait3A_270, %add3A, %dma_wait3A_271, %dma_wait3A_272] : memref<200x8x32x8x128xf32, #tpu.memory_space<hbm>> -> memref<1x8x1x8x128xf32, #tpu.memory_space<hbm>>
    %dma_wait3A_274 = tpu.memref_squeeze %dma_wait3A_273 : memref<1x8x1x8x128xf32, #tpu.memory_space<hbm>> -> memref<8x8x128xf32, #tpu.memory_space<hbm>>
    %dma_wait3A_275 = tpu.memref_slice %arg11[%dma_wait3A_264] : memref<5x!tpu.dma_semaphore, #tpu.memory_space<semaphore_mem>> -> memref<1x!tpu.dma_semaphore, #tpu.memory_space<semaphore_mem>>
    %dma_wait3A_276 = tpu.memref_squeeze %dma_wait3A_275 : memref<1x!tpu.dma_semaphore, #tpu.memory_space<semaphore_mem>> -> memref<!tpu.dma_semaphore, #tpu.memory_space<semaphore_mem>>
    %dma_wait3A_277 = arith.constant 0 : i32
    %dma_wait3A_278 = arith.constant 0 : i32
    %dma_wait3A_279 = arith.constant 0 : i32
    %dma_wait3A_280 = tpu.memref_slice %arg5[%dma_wait3A_263, %dma_wait3A_277, %add3A, %dma_wait3A_278, %dma_wait3A_279] : memref<200x8x32x8x128xf32, #tpu.memory_space<hbm>> -> memref<1x8x1x8x128xf32, #tpu.memory_space<hbm>>
    %dma_wait3A_281 = tpu.memref_squeeze %dma_wait3A_280 : memref<1x8x1x8x128xf32, #tpu.memory_space<hbm>> -> memref<8x8x128xf32, #tpu.memory_space<hbm>>
    %dma_wait3A_282 = arith.constant 0 : i32
    %dma_wait3A_283 = arith.constant 0 : i32
    %dma_wait3A_284 = arith.constant 0 : i32
    %dma_wait3A_285 = tpu.memref_slice %arg8[%dma_wait3A_262, %dma_wait3A_282, %dma_wait3A_283, %dma_wait3A_284] : memref<5x8x8x129xf32, #tpu.memory_space<vmem>> -> memref<1x8x8x128xf32, #tpu.memory_space<vmem>>
    %dma_wait3A_286 = tpu.memref_squeeze %dma_wait3A_285 : memref<1x8x8x128xf32, #tpu.memory_space<vmem>> -> memref<8x8x128xf32, #tpu.memory_space<vmem>>
    tpu.wait_dma2 semaphore(%dma_wait3A_276 : memref<!tpu.dma_semaphore, #tpu.memory_space<semaphore_mem>>) src(%dma_wait3A_286 : memref<8x8x128xf32, #tpu.memory_space<vmem>>) dst(%dma_wait3A_281 : memref<8x8x128xf32, #tpu.memory_space<hbm>>)
    %dma_wait3A_287 = arith.constant 1 : i32
    %dma_wait3A_288 = arith.constant 196 : i32
    %dma_wait3A_289 = arith.constant 1 : i32
    %dma_wait3A_290 = arith.constant 0 : i32
    %dma_wait3A_291 = arith.constant 0 : i32
    %dma_wait3A_292 = arith.constant 0 : i32
    %dma_wait3A_293 = tpu.memref_slice %arg8[%dma_wait3A_287, %dma_wait3A_290, %dma_wait3A_291, %dma_wait3A_292] : memref<5x8x8x129xf32, #tpu.memory_space<vmem>> -> memref<1x8x8x128xf32, #tpu.memory_space<vmem>>
    %dma_wait3A_294 = tpu.memref_squeeze %dma_wait3A_293 : memref<1x8x8x128xf32, #tpu.memory_space<vmem>> -> memref<8x8x128xf32, #tpu.memory_space<vmem>>
    %dma_wait3A_295 = arith.constant 0 : i32
    %dma_wait3A_296 = arith.constant 0 : i32
    %dma_wait3A_297 = arith.constant 0 : i32
    %dma_wait3A_298 = tpu.memref_slice %arg5[%dma_wait3A_288, %dma_wait3A_295, %add3A, %dma_wait3A_296, %dma_wait3A_297] : memref<200x8x32x8x128xf32, #tpu.memory_space<hbm>> -> memref<1x8x1x8x128xf32, #tpu.memory_space<hbm>>
    %dma_wait3A_299 = tpu.memref_squeeze %dma_wait3A_298 : memref<1x8x1x8x128xf32, #tpu.memory_space<hbm>> -> memref<8x8x128xf32, #tpu.memory_space<hbm>>
    %dma_wait3A_300 = tpu.memref_slice %arg11[%dma_wait3A_289] : memref<5x!tpu.dma_semaphore, #tpu.memory_space<semaphore_mem>> -> memref<1x!tpu.dma_semaphore, #tpu.memory_space<semaphore_mem>>
    %dma_wait3A_301 = tpu.memref_squeeze %dma_wait3A_300 : memref<1x!tpu.dma_semaphore, #tpu.memory_space<semaphore_mem>> -> memref<!tpu.dma_semaphore, #tpu.memory_space<semaphore_mem>>
    %dma_wait3A_302 = arith.constant 0 : i32
    %dma_wait3A_303 = arith.constant 0 : i32
    %dma_wait3A_304 = arith.constant 0 : i32
    %dma_wait3A_305 = tpu.memref_slice %arg5[%dma_wait3A_288, %dma_wait3A_302, %add3A, %dma_wait3A_303, %dma_wait3A_304] : memref<200x8x32x8x128xf32, #tpu.memory_space<hbm>> -> memref<1x8x1x8x128xf32, #tpu.memory_space<hbm>>
    %dma_wait3A_306 = tpu.memref_squeeze %dma_wait3A_305 : memref<1x8x1x8x128xf32, #tpu.memory_space<hbm>> -> memref<8x8x128xf32, #tpu.memory_space<hbm>>
    %dma_wait3A_307 = arith.constant 0 : i32
    %dma_wait3A_308 = arith.constant 0 : i32
    %dma_wait3A_309 = arith.constant 0 : i32
    %dma_wait3A_310 = tpu.memref_slice %arg8[%dma_wait3A_287, %dma_wait3A_307, %dma_wait3A_308, %dma_wait3A_309] : memref<5x8x8x129xf32, #tpu.memory_space<vmem>> -> memref<1x8x8x128xf32, #tpu.memory_space<vmem>>
    %dma_wait3A_311 = tpu.memref_squeeze %dma_wait3A_310 : memref<1x8x8x128xf32, #tpu.memory_space<vmem>> -> memref<8x8x128xf32, #tpu.memory_space<vmem>>
    tpu.wait_dma2 semaphore(%dma_wait3A_301 : memref<!tpu.dma_semaphore, #tpu.memory_space<semaphore_mem>>) src(%dma_wait3A_311 : memref<8x8x128xf32, #tpu.memory_space<vmem>>) dst(%dma_wait3A_306 : memref<8x8x128xf32, #tpu.memory_space<hbm>>)
    %dma_wait3A_312 = arith.constant 2 : i32
    %dma_wait3A_313 = arith.constant 197 : i32
    %dma_wait3A_314 = arith.constant 2 : i32
    %dma_wait3A_315 = arith.constant 0 : i32
    %dma_wait3A_316 = arith.constant 0 : i32
    %dma_wait3A_317 = arith.constant 0 : i32
    %dma_wait3A_318 = tpu.memref_slice %arg8[%dma_wait3A_312, %dma_wait3A_315, %dma_wait3A_316, %dma_wait3A_317] : memref<5x8x8x129xf32, #tpu.memory_space<vmem>> -> memref<1x8x8x128xf32, #tpu.memory_space<vmem>>
    %dma_wait3A_319 = tpu.memref_squeeze %dma_wait3A_318 : memref<1x8x8x128xf32, #tpu.memory_space<vmem>> -> memref<8x8x128xf32, #tpu.memory_space<vmem>>
    %dma_wait3A_320 = arith.constant 0 : i32
    %dma_wait3A_321 = arith.constant 0 : i32
    %dma_wait3A_322 = arith.constant 0 : i32
    %dma_wait3A_323 = tpu.memref_slice %arg5[%dma_wait3A_313, %dma_wait3A_320, %add3A, %dma_wait3A_321, %dma_wait3A_322] : memref<200x8x32x8x128xf32, #tpu.memory_space<hbm>> -> memref<1x8x1x8x128xf32, #tpu.memory_space<hbm>>
    %dma_wait3A_324 = tpu.memref_squeeze %dma_wait3A_323 : memref<1x8x1x8x128xf32, #tpu.memory_space<hbm>> -> memref<8x8x128xf32, #tpu.memory_space<hbm>>
    %dma_wait3A_325 = tpu.memref_slice %arg11[%dma_wait3A_314] : memref<5x!tpu.dma_semaphore, #tpu.memory_space<semaphore_mem>> -> memref<1x!tpu.dma_semaphore, #tpu.memory_space<semaphore_mem>>
    %dma_wait3A_326 = tpu.memref_squeeze %dma_wait3A_325 : memref<1x!tpu.dma_semaphore, #tpu.memory_space<semaphore_mem>> -> memref<!tpu.dma_semaphore, #tpu.memory_space<semaphore_mem>>
    %dma_wait3A_327 = arith.constant 0 : i32
    %dma_wait3A_328 = arith.constant 0 : i32
    %dma_wait3A_329 = arith.constant 0 : i32
    %dma_wait3A_330 = tpu.memref_slice %arg5[%dma_wait3A_313, %dma_wait3A_327, %add3A, %dma_wait3A_328, %dma_wait3A_329] : memref<200x8x32x8x128xf32, #tpu.memory_space<hbm>> -> memref<1x8x1x8x128xf32, #tpu.memory_space<hbm>>
    %dma_wait3A_331 = tpu.memref_squeeze %dma_wait3A_330 : memref<1x8x1x8x128xf32, #tpu.memory_space<hbm>> -> memref<8x8x128xf32, #tpu.memory_space<hbm>>
    %dma_wait3A_332 = arith.constant 0 : i32
    %dma_wait3A_333 = arith.constant 0 : i32
    %dma_wait3A_334 = arith.constant 0 : i32
    %dma_wait3A_335 = tpu.memref_slice %arg8[%dma_wait3A_312, %dma_wait3A_332, %dma_wait3A_333, %dma_wait3A_334] : memref<5x8x8x129xf32, #tpu.memory_space<vmem>> -> memref<1x8x8x128xf32, #tpu.memory_space<vmem>>
    %dma_wait3A_336 = tpu.memref_squeeze %dma_wait3A_335 : memref<1x8x8x128xf32, #tpu.memory_space<vmem>> -> memref<8x8x128xf32, #tpu.memory_space<vmem>>
    tpu.wait_dma2 semaphore(%dma_wait3A_326 : memref<!tpu.dma_semaphore, #tpu.memory_space<semaphore_mem>>) src(%dma_wait3A_336 : memref<8x8x128xf32, #tpu.memory_space<vmem>>) dst(%dma_wait3A_331 : memref<8x8x128xf32, #tpu.memory_space<hbm>>)
    %dma_wait3A_337 = arith.constant 3 : i32
    %dma_wait3A_338 = arith.constant 198 : i32
    %dma_wait3A_339 = arith.constant 3 : i32
    %dma_wait3A_340 = arith.constant 0 : i32
    %dma_wait3A_341 = arith.constant 0 : i32
    %dma_wait3A_342 = arith.constant 0 : i32
    %dma_wait3A_343 = tpu.memref_slice %arg8[%dma_wait3A_337, %dma_wait3A_340, %dma_wait3A_341, %dma_wait3A_342] : memref<5x8x8x129xf32, #tpu.memory_space<vmem>> -> memref<1x8x8x128xf32, #tpu.memory_space<vmem>>
    %dma_wait3A_344 = tpu.memref_squeeze %dma_wait3A_343 : memref<1x8x8x128xf32, #tpu.memory_space<vmem>> -> memref<8x8x128xf32, #tpu.memory_space<vmem>>
    %dma_wait3A_345 = arith.constant 0 : i32
    %dma_wait3A_346 = arith.constant 0 : i32
    %dma_wait3A_347 = arith.constant 0 : i32
    %dma_wait3A_348 = tpu.memref_slice %arg5[%dma_wait3A_338, %dma_wait3A_345, %add3A, %dma_wait3A_346, %dma_wait3A_347] : memref<200x8x32x8x128xf32, #tpu.memory_space<hbm>> -> memref<1x8x1x8x128xf32, #tpu.memory_space<hbm>>
    %dma_wait3A_349 = tpu.memref_squeeze %dma_wait3A_348 : memref<1x8x1x8x128xf32, #tpu.memory_space<hbm>> -> memref<8x8x128xf32, #tpu.memory_space<hbm>>
    %dma_wait3A_350 = tpu.memref_slice %arg11[%dma_wait3A_339] : memref<5x!tpu.dma_semaphore, #tpu.memory_space<semaphore_mem>> -> memref<1x!tpu.dma_semaphore, #tpu.memory_space<semaphore_mem>>
    %dma_wait3A_351 = tpu.memref_squeeze %dma_wait3A_350 : memref<1x!tpu.dma_semaphore, #tpu.memory_space<semaphore_mem>> -> memref<!tpu.dma_semaphore, #tpu.memory_space<semaphore_mem>>
    %dma_wait3A_352 = arith.constant 0 : i32
    %dma_wait3A_353 = arith.constant 0 : i32
    %dma_wait3A_354 = arith.constant 0 : i32
    %dma_wait3A_355 = tpu.memref_slice %arg5[%dma_wait3A_338, %dma_wait3A_352, %add3A, %dma_wait3A_353, %dma_wait3A_354] : memref<200x8x32x8x128xf32, #tpu.memory_space<hbm>> -> memref<1x8x1x8x128xf32, #tpu.memory_space<hbm>>
    %dma_wait3A_356 = tpu.memref_squeeze %dma_wait3A_355 : memref<1x8x1x8x128xf32, #tpu.memory_space<hbm>> -> memref<8x8x128xf32, #tpu.memory_space<hbm>>
    %dma_wait3A_357 = arith.constant 0 : i32
    %dma_wait3A_358 = arith.constant 0 : i32
    %dma_wait3A_359 = arith.constant 0 : i32
    %dma_wait3A_360 = tpu.memref_slice %arg8[%dma_wait3A_337, %dma_wait3A_357, %dma_wait3A_358, %dma_wait3A_359] : memref<5x8x8x129xf32, #tpu.memory_space<vmem>> -> memref<1x8x8x128xf32, #tpu.memory_space<vmem>>
    %dma_wait3A_361 = tpu.memref_squeeze %dma_wait3A_360 : memref<1x8x8x128xf32, #tpu.memory_space<vmem>> -> memref<8x8x128xf32, #tpu.memory_space<vmem>>
    tpu.wait_dma2 semaphore(%dma_wait3A_351 : memref<!tpu.dma_semaphore, #tpu.memory_space<semaphore_mem>>) src(%dma_wait3A_361 : memref<8x8x128xf32, #tpu.memory_space<vmem>>) dst(%dma_wait3A_356 : memref<8x8x128xf32, #tpu.memory_space<hbm>>)
    %dma_wait3A_362 = arith.constant 4 : i32
    %dma_wait3A_363 = arith.constant 199 : i32
    %dma_wait3A_364 = arith.constant 4 : i32
    %dma_wait3A_365 = arith.constant 0 : i32
    %dma_wait3A_366 = arith.constant 0 : i32
    %dma_wait3A_367 = arith.constant 0 : i32
    %dma_wait3A_368 = tpu.memref_slice %arg8[%dma_wait3A_362, %dma_wait3A_365, %dma_wait3A_366, %dma_wait3A_367] : memref<5x8x8x129xf32, #tpu.memory_space<vmem>> -> memref<1x8x8x128xf32, #tpu.memory_space<vmem>>
    %dma_wait3A_369 = tpu.memref_squeeze %dma_wait3A_368 : memref<1x8x8x128xf32, #tpu.memory_space<vmem>> -> memref<8x8x128xf32, #tpu.memory_space<vmem>>
    %dma_wait3A_370 = arith.constant 0 : i32
    %dma_wait3A_371 = arith.constant 0 : i32
    %dma_wait3A_372 = arith.constant 0 : i32
    %dma_wait3A_373 = tpu.memref_slice %arg5[%dma_wait3A_363, %dma_wait3A_370, %add3A, %dma_wait3A_371, %dma_wait3A_372] : memref<200x8x32x8x128xf32, #tpu.memory_space<hbm>> -> memref<1x8x1x8x128xf32, #tpu.memory_space<hbm>>
    %dma_wait3A_374 = tpu.memref_squeeze %dma_wait3A_373 : memref<1x8x1x8x128xf32, #tpu.memory_space<hbm>> -> memref<8x8x128xf32, #tpu.memory_space<hbm>>
    %dma_wait3A_375 = tpu.memref_slice %arg11[%dma_wait3A_364] : memref<5x!tpu.dma_semaphore, #tpu.memory_space<semaphore_mem>> -> memref<1x!tpu.dma_semaphore, #tpu.memory_space<semaphore_mem>>
    %dma_wait3A_376 = tpu.memref_squeeze %dma_wait3A_375 : memref<1x!tpu.dma_semaphore, #tpu.memory_space<semaphore_mem>> -> memref<!tpu.dma_semaphore, #tpu.memory_space<semaphore_mem>>
    %dma_wait3A_377 = arith.constant 0 : i32
    %dma_wait3A_378 = arith.constant 0 : i32
    %dma_wait3A_379 = arith.constant 0 : i32
    %dma_wait3A_380 = tpu.memref_slice %arg5[%dma_wait3A_363, %dma_wait3A_377, %add3A, %dma_wait3A_378, %dma_wait3A_379] : memref<200x8x32x8x128xf32, #tpu.memory_space<hbm>> -> memref<1x8x1x8x128xf32, #tpu.memory_space<hbm>>
    %dma_wait3A_381 = tpu.memref_squeeze %dma_wait3A_380 : memref<1x8x1x8x128xf32, #tpu.memory_space<hbm>> -> memref<8x8x128xf32, #tpu.memory_space<hbm>>
    %dma_wait3A_382 = arith.constant 0 : i32
    %dma_wait3A_383 = arith.constant 0 : i32
    %dma_wait3A_384 = arith.constant 0 : i32
    %dma_wait3A_385 = tpu.memref_slice %arg8[%dma_wait3A_362, %dma_wait3A_382, %dma_wait3A_383, %dma_wait3A_384] : memref<5x8x8x129xf32, #tpu.memory_space<vmem>> -> memref<1x8x8x128xf32, #tpu.memory_space<vmem>>
    %dma_wait3A_386 = tpu.memref_squeeze %dma_wait3A_385 : memref<1x8x8x128xf32, #tpu.memory_space<vmem>> -> memref<8x8x128xf32, #tpu.memory_space<vmem>>
    tpu.wait_dma2 semaphore(%dma_wait3A_376 : memref<!tpu.dma_semaphore, #tpu.memory_space<semaphore_mem>>) src(%dma_wait3A_386 : memref<8x8x128xf32, #tpu.memory_space<vmem>>) dst(%dma_wait3A_381 : memref<8x8x128xf32, #tpu.memory_space<hbm>>)
    return
  }
}

</mosaic_0001>

<sc_bundles>
// kernel: kernel.3.cloned.1.call-start
scs
__scs_entry_jumppad:
0x0: {  	(pc) =	sbr.rel $0x88, $3  }
0x1: {  	(tag) =	ssettag $0x0;
	lr =	simm.s32 $0x1  }
0x2: {  	[smem:$0x3F9E] =	sst lr;
	_ =	strace $0xD0000000  }
0x3: {  	_ = 	snop  }
0x4: {  	_ = 	snop  }
0x5: {  	_ = 	snop  }
0x6: {  	_ = 	snop  }
0x7: {  	_ = 	snop  }
__scs_overlays_trampoline_lowered:
0x8: {  	[smem:$0x3FAD] =	sst s0  }
0x9: {  	[smem:$0x3FAE] =	sst s1  }
0xa: {  	[smem:$0x3FAF] =	sst s2  }
0xb: {  	[smem:$0x3FB0] =	sst s3  }
0xc: {  	[smem:$0x3FB1] =	sst s4  }
0xd: {  	[smem:$0x3FB2] =	sst s5  }
0xe: {  	[smem:$0x3FB3] =	sst s6  }
0xf: {  	[smem:$0x3FB4] =	sst s7  }
0x10: {  	[smem:$0x3FB5] =	sst s8  }
0x11: {  	[smem:$0x3FB6] =	sst s9;
	s0 =	simm.s32 @!p0 $0x0  }
0x12: {  	s1 =	sld [smem:$0x3F9C];
	s0 =	simm.s32 @p0 $0x1  }
0x13: {  	[smem:$0x3FB7] =	sst s0;
	s0 =	simm.s32 @!p1 $0x0  }
0x14: {  	s2 =	sld [smem:$0x3F9B];
	s0 =	simm.s32 @p1 $0x1  }
0x15: {  	[smem:$0x3FB8] =	sst s0;
	s0 =	simm.s32 @!p2 $0x0  }
0x16: {  	s3 =	sld [smem:$0x3FDB];
	s0 =	simm.s32 @p2 $0x1  }
0x17: {  	s4 =	simm.s32 $0x1BF5;
	[smem:$0x3FBA] =	sst s0  }
0x18: {  	s0 =	sld [smem:$0x3F9D];
	_ =	swait.ge [sflag:s4], $0x0  }
0x19: {  	s7 =	sld [smem:$0x3F9E]  }
0x1a: {  	s8 =	sadd.s32 $0xFFFFE003, lr  }
0x1b: {  	s9 =	sadd.s32 $0xFFFFFEF7, lr;
	s5 =	simm.s32 $0xFFFFFFFF;
	p2 =	slt.u32 s8, $0xFFFFF086  }
0x1c: {  	p1 =	slt.u32 s9, $0xF7A;
	s5 =	simm.s32 @!p2 $0x0  }
0x1d: {  	s5 =	simm.s32 @p1 $0x1;
	p0 =	seq.s32 s7, s2  }
0x1e: {  	s7 =	smul.u32 @!p0 $0xF7A, s2;
	p2 =	seq.s32 @!p0 s5, $0x0  }
0x1f: {  	s9 =	smul.u32 $0xF7A, s1;
	s8 =	simm.s32 @!p0 $0x1BF5;
	p2 =	por !p2, p0  }
0x20: {  	[sflag:s8] =	ssyncset.s32 @!p0 $0xFFFFF086;
	s6 =	sadd.s32 @!p0 s3, s7;
	s7 =	simm.s32 @!p0 $0x108  }
0x21: {  	s3 =	sadd.s32 s3, s9;
	s6 =	sadd.s32 @!p0 $0x88, s6;
	s7 =	simm.s32 @p2 $0x1082  }
0x22: {  	[simem:s7], [sflag:s8] =	dma.local @!p0 [hbm:s6], $0xF7A  }
0x23: {  	s9 =	sor.u32 $0xD0000000, s2;
	s6 =	simm.s32 $0x108;
	_ =	swait.ge @!p0 [sflag:s8], $0x0  }
0x24: {  	s3 =	sadd.s32 $0x88, s3;
	s6 =	simm.s32 @!p1 $0x1082;
	[sflag:s4] =	ssyncset.s32 $0xFFFFF086  }
0x25: {  	[simem:s6], [sflag:s4] =	dma.local [hbm:s3], $0xF7A  }
0x26: {  	[smem:$0x3F9E] =	sst s1;
	(tag) =	ssettag s2;
	_ =	strace s9  }
0x27: {  	s1 =	sld [smem:$0x3FAE]  }
0x28: {  	s2 =	sld [smem:$0x3FAF]  }
0x29: {  	s4 =	sld [smem:$0x3FB1]  }
0x2a: {  	p0 =	seq.s32 s5, $0x0;
	s5 =	sld [smem:$0x3FB2]  }
0x2b: {  	s6 =	sld [smem:$0x3FB3]  }
0x2c: {  	s7 =	sld [smem:$0x3FB4]  }
0x2d: {  	s3 =	simm.s32 $0x108;
	s8 =	sld [smem:$0x3FB5]  }
0x2e: {  	s3 =	simm.s32 @!p0 $0x1082;
	s9 =	sld [smem:$0x3FB6]  }
0x2f: {  	lr =	sadd.s32 s0, s3;
	s0 =	sld [smem:$0x3FAD]  }
0x30: {  	s3 =	sld [smem:$0x3FB0]  }
0x31: {  	[smem:$0x3FB9] =	sst s10  }
0x32: {  	s10 =	sld [smem:$0x3FB7];
	_ =	sdelay $0x3  }
0x33: {  	p0 =	seq.s32 s10, $0x1;
	s10 =	sld [smem:$0x3FB9];
	_ =	sdelay $0x3  }
0x34: {  	[smem:$0x3FB9] =	sst s10  }
0x35: {  	s10 =	sld [smem:$0x3FB8];
	_ =	sdelay $0x3  }
0x36: {  	p1 =	seq.s32 s10, $0x1;
	s10 =	sld [smem:$0x3FB9];
	_ =	sdelay $0x3  }
0x37: {  	[smem:$0x3FB9] =	sst s10  }
0x38: {  	s10 =	sld [smem:$0x3FBA]  }
0x39: {  	_ = 	snop;
	(pc) =	sbr.ind lr, $3  }
0x3a: {  	_ = 	snop  }
0x3b: {  	_ = 	snop  }
0x3c: {  	p2 =	seq.s32 s10, $0x1;
	s10 =	sld [smem:$0x3FB9]  }
0x3d: {  	_ =	shalt  }
0x3e: {  	_ =	shalt  }
0x3f: {  	_ =	shalt  }
0x40: {  	_ =	shalt  }
0x41: {  	_ =	shalt  }
0x42: {  	_ =	shalt  }
0x43: {  	_ =	shalt  }
0x44: {  	_ =	shalt  }
0x45: {  	_ =	shalt  }
0x46: {  	_ =	shalt  }
0x47: {  	_ =	shalt  }
0x48: {  	_ =	shalt  }
0x49: {  	_ =	shalt  }
0x4a: {  	_ =	shalt  }
0x4b: {  	_ =	shalt  }
0x4c: {  	_ =	shalt  }
0x4d: {  	_ =	shalt  }
0x4e: {  	_ =	shalt  }
0x4f: {  	_ =	shalt  }
0x50: {  	_ =	shalt  }
0x51: {  	_ =	shalt  }
0x52: {  	_ =	shalt  }
0x53: {  	_ =	shalt  }
0x54: {  	_ =	shalt  }
0x55: {  	_ =	shalt  }
0x56: {  	_ =	shalt  }
0x57: {  	_ =	shalt  }
0x58: {  	_ =	shalt  }
0x59: {  	_ =	shalt  }
0x5a: {  	_ =	shalt  }
0x5b: {  	_ =	shalt  }
0x5c: {  	_ =	shalt  }
0x5d: {  	_ =	shalt  }
0x5e: {  	_ =	shalt  }
0x5f: {  	_ =	shalt  }
0x60: {  	_ =	shalt  }
0x61: {  	_ =	shalt  }
0x62: {  	_ =	shalt  }
0x63: {  	_ =	shalt  }
0x64: {  	_ =	shalt  }
0x65: {  	_ =	shalt  }
0x66: {  	_ =	shalt  }
0x67: {  	_ =	shalt  }
0x68: {  	_ =	shalt  }
0x69: {  	_ =	shalt  }
0x6a: {  	_ =	shalt  }
0x6b: {  	_ =	shalt  }
0x6c: {  	_ =	shalt  }
0x6d: {  	_ =	shalt  }
0x6e: {  	_ =	shalt  }
0x6f: {  	_ =	shalt  }
0x70: {  	_ =	shalt  }
0x71: {  	_ =	shalt  }
0x72: {  	_ =	shalt  }
0x73: {  	_ =	shalt  }
0x74: {  	_ =	shalt  }
0x75: {  	_ =	shalt  }
0x76: {  	_ =	shalt  }
0x77: {  	_ =	shalt  }
0x78: {  	_ =	shalt  }
0x79: {  	_ =	shalt  }
0x7a: {  	_ =	shalt  }
0x7b: {  	_ =	shalt  }
0x7c: {  	_ =	shalt  }
0x7d: {  	_ =	shalt  }
0x7e: {  	_ =	shalt  }
0x7f: {  	_ =	shalt  }
0x80: {  	_ =	shalt  }
0x81: {  	_ =	shalt  }
0x82: {  	_ =	shalt  }
0x83: {  	_ =	shalt  }
0x84: {  	_ =	shalt  }
0x85: {  	_ =	shalt  }
0x86: {  	_ =	shalt  }
0x87: {  	_ =	shalt  }
.Lfunc_end0:
.L_simem_size_0:
called_computation_lowered:
.L_overlay_start_0:
0x88: {  	s2 =	sld [smem:$0x3FD9]  }
0x89: {  	s3 =	sld [smem:$0x3FFE];
	_ =	sdelay $0x1  }
0x8a: {  	s1 =	srdreg.scid  }
0x8b: {  	s0 =	sand.u32 $0x1, s1  }
0x8c: {  	s17 =	sshll.u32 s0, $0xA;
	s2 =	sadd.s32 s3, s2  }
0x8d: {  	s2 =	sadd.s32 s2, s17  }
0x8e: {  	[smem:$0x3FC5] =	sst s2  }
0x8f: {  	_ = 	snop  }
0x90: {  	s2 =	sld [smem:$0x3FC9]  }
0x91: {  	s18 =	sld [smem:$0x3FD0];
	(tm) =	ssettm $0x1  }
0x92: {  	s4 =	sld [smem:$0x3FFB];
	_ =	sdelay $0x3  }
0x93: {  	_ =	strace s4  }
0x94: {  	s4 =	sld [smem:$0x3FFC];
	_ =	sdelay $0x3  }
0x95: {  	_ =	strace s4  }
0x96: {  	s4 =	sld [smem:$0x3FFD];
	_ =	sdelay $0x3  }
0x97: {  	_ =	strace s4  }
0x98: {  	_ =	strace $0x8FFFFFFF  }
0x99: {  	s19 =	sld [smem:$0x3FDB];
	_ =	sdelay $0x1  }
0x9a: {  	s5 =	simm.s32 $_scs_section_size  }
0x9b: {  	s6 =	simm.s32 $_size__tile_overlayer_lowered;
	s7 =	simm.s32 $_tile_overlayer_lowered  }
0x9c: {  	s22 =	simm.s32 $0x1BFF;
	s21 =	sshll.u32 s7, $0x1;
	s4 =	sadd.s32 s5, s19  }
0x9d: {  	s8 =	simm.s32 $0x0;
	s20 =	sshll.u32 s6, $0x1;
	s6 =	sadd.s32 s21, s4  }
0x9e: {  	[timem:s8], [sflag:s22] =	dma.local [hbm:s6], s20  }
0x9f: {  	_ =	swait.ge [sflag:s22], s20  }
0xa0: {  	s5 =	ssub.s32 $0x0, s20;
	[sflag:s22] =	ssyncset.done $0x0  }
0xa1: {  	[sflag:s22] =	ssyncadd.s32 s5;
	_ =	sdelay $0x1  }
0xa2: {  	s23 =	simm.s32 $0x1B8B  }
0xa3: {  	_ =	swait.ge [sflag:s23], $0x1  }
0xa4: {  	[sflag:s23] =	ssyncset.done $0x0  }
0xa5: {  	s25 =	simm.s32 $0x1B8E;
	s24 =	sld [smem:$0x3FFE];
	[sflag:s23] =	ssyncadd.s32 $0xFFFFFFFF  }
0xa6: {  	s26 =	simm.s32 $execute0_lowered;
	[smem:$0x3FD2] =	sst s25  }
0xa7: {  	s6 =	sshll.u32 s26, $0x1;
	_ =	strace $0x80000046;
	[dreg:$0x1] =	wrdreg $0xFFFFFFFF  }
0xa8: {  	s28 =	simm.s32 $_size_execute0_lowered;
	s4 =	sadd.s32 s4, s6;
	[dreg:$0x0] =	wrdreg $0x0  }
0xa9: {  	s6 =	sshll.u32 s28, $0x1;
	[dreg:$0x2] =	wrdreg s4  }
0xaa: {  	[dreg:$0x3] =	wrdreg s6  }
0xab: {  	[dreg:$0x4] =	wrdreg $0xC0  }
0xac: {  	_ =	task [dreg:s8], $0x5FFFF  }
0xad: {  	[dreg:$0x1] =	wrdreg $0xFFFFFFFF  }
0xae: {  	[dreg:$0x0] =	wrdreg $0x60  }
0xaf: {  	[dreg:$0x2] =	wrdreg s2  }
0xb0: {  	[dreg:$0x3] =	wrdreg s24  }
0xb1: {  	[dreg:$0x4] =	wrdreg s18  }
0xb2: {  	[dreg:$0x5] =	wrdreg $0x9  }
0xb3: {  	_ =	task.clear_ibuf [dreg:s8], $0x6FFFF;
	_ =	strace $0x90000046  }
0xb4: {  	s29 =	simm.s32 $0x9;
	_ =	strace $0x80000048  }
0xb5: {  	_ =	swait.ge [sflag:s29], $0x1  }
0xb6: {  	[sflag:s29] =	ssyncadd.s32 $0xFFFFFFFF  }
0xb7: {  	_ =	strace $0x90000048  }
0xb8: {  	_ =	sfence  }
0xb9: {  	s30 =	sld [smem:$0x0];
	_ =	sdelay $0x2  }
0xba: {  	s31 =	sshll.u32 s1, $0xD;
	s1 =	sshrl.u32 s1, $0x2  }
0xbb: {  	s3 =	sand.u32 $0x4000, s31;
	s1 =	sadd.s32 s1, s30  }
0xbc: {  	s0 =	sor.u32 s3, s0;
	s1 =	sshll.u32 s1, $0x11  }
0xbd: {  	s0 =	sor.u32 s1, s0  }
0xbe: {  	s0 =	sadd.s32 $0x8F2B, s0  }
0xbf: {  	[sflag:s0] =	ssyncadd.remote.s32 $0x1  }
0xc0: {  	_ =	sfence.sel $0xFFFF  }
0xc1: {  	[dreg:$0x0] =	wrdreg $0xFFFFFFFF;
	(pc) =	sbr.abs _section_cstart, $3  }
0xc2: {  	[dreg:$0x1] =	wrdreg $0xFFFFFFFF  }
0xc3: {  	_ =	task.clear_ibuf [dreg:s8], $0x2FFFF;
	_ =	strace $0x9FFFFFFF  }
0xc4: {  	(tm) =	ssettm $0x7FFFFFFF  }
0xc5: {  	_ =	shalt  }
tec
execute0_lowered:
.L_overlay_start_1:
0x0: {  	(tag) =	ssettag $0x1  }
0x1: {  	s1 =	rddreg [dreg:$0x0];
	v0 =	vlaneseq.u32  }
0x2: {  	s0 =	rddreg [dreg:$0x1];
	s4 =	simm.s32 $0x0;
	v4 =	vmul.u32 $0x88, v0  }
0x3: {  	[smem:$0x7FF] =	sst s4  }
0x4: {  	s3 =	rddreg [dreg:$0x2];
	_ =	strace $0x80000047;
	v0 =	vor.u32 $0x1, v4;
	[tilespmem:$0x1FE60] =	vst v4  }
0x5: {  	v2 =	vadd.s32 $0x882, v4;
	[tilespmem:$0x1FE00] =	vst v0  }
0x6: {  	v7 =	vadd.s32 $0x880, v4;
	[tilespmem:$0x1FE10] =	vst v2  }
0x7: {  	v8 =	vadd.s32 $0x1100, v4;
	[tilespmem:$0x1FE70] =	vst v7  }
0x8: {  	v9 =	vadd.s32 $0x1980, v4;
	[tilespmem:$0x1FE80] =	vst v8  }
0x9: {  	v11 =	vadd.s32 $0x881, v4;
	[tilespmem:$0x1FE90] =	vst v9  }
0xa: {  	v12 =	vadd.s32 $0x1101, v4;
	[tilespmem:$0x1FEA0] =	vst v11  }
0xb: {  	v13 =	vadd.s32 $0x1981, v4;
	[tilespmem:$0x1FEB0] =	vst v12  }
0xc: {  	v18 =	vor.u32 $0x3, v4;
	[tilespmem:$0x1FEC0] =	vst v13  }
0xd: {  	v19 =	vadd.s32 $0x883, v4;
	[tilespmem:$0x1FEE0] =	vst v18  }
0xe: {  	v20 =	vadd.s32 $0x1103, v4;
	[tilespmem:$0x1FEF0] =	vst v19  }
0xf: {  	v21 =	vadd.s32 $0x1983, v4;
	[tilespmem:$0x1FF00] =	vst v20  }
0x10: {  	v22 =	vor.u32 $0x4, v4;
	[tilespmem:$0x1FF10] =	vst v21  }
0x11: {  	v23 =	vadd.s32 $0x884, v4;
	[tilespmem:$0x1FF20] =	vst v22  }
0x12: {  	v24 =	vadd.s32 $0x1104, v4;
	[tilespmem:$0x1FF30] =	vst v23  }
0x13: {  	v17 =	vadd.s32 $0x1984, v4;
	[tilespmem:$0x1FF40] =	vst v24  }
0x14: {  	v26 =	vor.u32 $0x5, v4;
	[tilespmem:$0x1FF50] =	vst v17  }
0x15: {  	v3 =	vadd.s32 $0x885, v4;
	[tilespmem:$0x1FF60] =	vst v26  }
0x16: {  	v28 =	vadd.s32 $0x1105, v4;
	[tilespmem:$0x1FF70] =	vst v3  }
0x17: {  	v29 =	vadd.s32 $0x1985, v4;
	[tilespmem:$0x1FF80] =	vst v28  }
0x18: {  	v30 =	vor.u32 $0x6, v4;
	[tilespmem:$0x1FF90] =	vst v29  }
0x19: {  	s2 =	srdreg.scid;
	s5 =	stileid.u32;
	s15 =	simm.s32 $0x80;
	v31 =	vadd.s32 $0x886, v4;
	[tilespmem:$0x1FFA0] =	vst v30  }
0x1a: {  	s19 =	simm.s32 $0x1;
	s20 =	simm.s32 $0xA800;
	s22 =	simm.s32 $0x2;
	v32 =	vadd.s32 $0x1106, v4;
	[tilespmem:$0x1FFB0] =	vst v31  }
0x1b: {  	s23 =	simm.s32 $0xCA00;
	s28 =	simm.s32 $0x4;
	s29 =	simm.s32 $0x10E00;
	v10 =	vadd.s32 $0x1986, v4;
	[tilespmem:$0x1FFC0] =	vst v32  }
0x1c: {  	s30 =	simm.s32 $0x5;
	s31 =	simm.s32 $0x13000;
	s2 =	sand.u32 $0x1, s2;
	v6 =	vadd.s32 $0x887, v4;
	[tilespmem:$0x1FFD0] =	vst v10  }
0x1d: {  	s13 =	simm.s32 $0x9;
	s5 =	sshll.u32 s5, $0xB;
	s6 =	sshll.u32 s2, $0xA;
	v2 =	vadd.s32 $0x1102, v4;
	[tilespmem:$0x1FFE0] =	vst v6  }
0x1e: {  	s2 =	ssub.s32 $0x2, s2;
	s5 =	sor.u32 s6, s5;
	s6 =	sadd.s32 $0xC00, s0;
	v0 =	vor.u32 $0x2, v4;
	[tilespmem:$0x1FE20] =	vst v2  }
0x1f: {  	s8 =	sshrl.u32 s2, $0x1;
	s0 =	sadd.s32 $0x400, s0;
	s7 =	sshrl.u32 s5, $0x3;
	v2 =	vadd.s32 $0x1982, v4;
	[tilespmem:$0x1FED0] =	vst v0  }
0x20: {  	[dreg:$0x5] =	wrdreg s0;
	s25 =	ssub.s32 s2, s8;
	s7 =	sadd.s32 s1, s7;
	[tilespmem:$0x1FE30] =	vst v2;
	v2 =	vor.u32 $0x7, v4  }
0x21: {  	s8 =	simm.s32 $0xA;
	s0 =	smax.u32 s25, $0x1;
	[dreg:$0x4] =	wrdreg s7;
	[tilespmem:$0x1FE40] =	vst v2;
	v2 =	vadd.s32 $0x1107, v4  }
0x22: {  	v1 =	vimm.s32 $0x0;
	vm0 =	vcmask $0x300;
	s2 =	simm.s32 $0x0;
	s26 =	sadd.s32 $0x1000, s7;
	[dreg:$0x7] =	wrdreg s0;
	[tilespmem:$0x1FE50] =	vst v2;
	v2 =	vadd.s32 $0x1987, v4  }
0x23: {  	v1 =	vsel vm0, $0x3, v1;
	s25 =	simm.s32 $0x3;
	[dreg:$0x6] =	wrdreg s26;
	s26 =	simm.s32 $0xEC00;
	[tilespmem:$0x1FFF0] =	vst v2  }
.LBB2_1:
0x24: {  	[dreg:$0x8] =	wrdreg s2  }
0x25: {  	s0 =	rddreg [dreg:$0x5];
	s11 =	simm.s32 $0x15200;
	s12 =	simm.s32 $0xD  }
0x26: {  	[tilespmem:s11], [sflag:$0xD] =	stream.linear.gather [hbm4b:s0+s4], $0x3200, $0x38;
	[tilespmem:$0x18400] =	vst v63  }
0x27: {  	_ =	swait.ge [sflag:s12], $0x3200  }
0x28: {  	[sflag:s12] =	ssyncset.done $0x0  }
0x29: {  	s14 =	rddreg [dreg:$0x4];
	[sflag:s12] =	ssyncadd.s32 $0xFFFFCE00  }
0x2a: {  	[tilespmem:s4], [sflag:$0xB] =	stream.linear.gather [hbm4b:s14+s4], $0x400, $0x38;
	[tilespmem:$0x18400] =	vst v63  }
0x2b: {  	s17 =	simm.s32 $0x400;
	s18 =	simm.s32 $0xB;
	s16 =	rddreg [dreg:$0x6]  }
0x2c: {  	[tilespmem:s17], [sflag:$0xC] =	stream.linear.gather [hbm4b:s16+s4], $0x400, $0x38;
	[tilespmem:$0x18400] =	vst v63  }
0x2d: {  	_ =	swait.ge [sflag:s18], $0x400  }
0x2e: {  	[sflag:s18] =	ssyncset.done $0x0  }
0x2f: {  	s21 =	simm.s32 $0x800;
	[sflag:s18] =	ssyncadd.s32 $0xFFFFFC00  }
0x30: {  	[tilespmem:s21], [sflag:$0x1] =	stream.indirect.gather [hbm4b:s6+s15], $0x40, s4, s15, $0xb8;
	[tilespmem:$0x18400] =	vst v63  }
0x31: {  	s24 =	simm.s32 $0x2800;
	s10 =	simm.s32 $0x0  }
0x32: {  	[tilespmem:s24], [sflag:$0x2] =	stream.indirect.gather [hbm4b:s6+s15], $0x40, s15, s15, $0xb8;
	[tilespmem:$0x18400] =	vst v63  }
.LBB2_2:
0x33: {  	s7 =	smul.u32 $0x5, s10;
	_ =	sdelay $0x1  }
0x34: {  	s9 =	sadd.s32 $0x2, s7  }
0x35: {  	s21 =	simm.s32 $0x0;
	s0 =	sand.u32 $0x7, s9  }
0x36: {  	s24 =	simm.s32 $0x4800;
	s14 =	simm.s32 $0x1;
	p0 =	sne.s32 s0, $0x0  }
0x37: {  	s16 =	simm.s32 $0x2;
	s17 =	simm.s32 $0x3;
	s2 =	sshrl.u32 @!p0 s9, $0x3  }
0x38: {  	v33 =	vmov s21;
	v34 =	vmov s14;
	s21 =	simm.s32 $0x5;
	s14 =	simm.s32 $0x7;
	s2 =	sand.u32 @!p0 $0x1, s2  }
0x39: {  	v35 =	vmov s16;
	v36 =	vmov s17;
	s16 =	simm.s32 $0x8;
	s17 =	simm.s32 $0x9;
	s2 =	sadd.s32 @!p0 $0xB, s2  }
0x3a: {  	v38 =	vmov s21;
	s21 =	simm.s32 $0xB;
	s11 =	sshll.u32 s9, $0x7;
	_ =	swait.ge @!p0 [sflag:s2], $0x400  }
0x3b: {  	s11 =	sand.u32 $0x400, s11;
	s12 =	sshll.u32 s0, $0x7;
	[sflag:s2] =	ssyncset.done @!p0 $0x0  }
0x3c: {  	v33 =	vshrl.u32 v33, $0x3;
	v40 =	vmov s14;
	v41 =	vmov s16;
	s14 =	simm.s32 $0xD;
	s18 =	sor.u32 s12, s11;
	[sflag:s2] =	ssyncadd.s32 @!p0 $0xFFFFFC00  }
0x3d: {  	v42 =	vmov s17;
	v34 =	vshrl.u32 v34, $0x3;
	v48 =	vshrl.u32 v35, $0x3;
	[tilespmem:s24], [sflag:$0x3] =	stream.indirect.gather [hbm4b:s6+s15], $0x40, s18, s15, $0xb8;
	[tilespmem:$0x18400] =	vst v63  }
0x3e: {  	s16 =	simm.s32 $0xE;
	v49 =	vshrl.u32 v36, $0x3;
	v44 =	vmov s21;
	v46 =	vmov s14;
	_ =	swait.ge [sflag:s19], $0x2000  }
0x3f: {  	v47 =	vmov s16;
	v33 =	vshll.u32 v33, v1;
	v38 =	vshrl.u32 v38, $0x3;
	p0 =	seq.s32 s10, $0x0;
	[sflag:s19] =	ssyncset.done $0x0  }
0x40: {  	v40 =	vshrl.u32 v40, $0x3;
	v41 =	vshrl.u32 v41, $0x3;
	v42 =	vshrl.u32 v42, $0x3;
	s2 =	simm.s32 @!p0 $0x6;
	[sflag:s19] =	ssyncadd.s32 $0xFFFFE000  }
0x41: {  	s17 =	smul.u32 $0x500, s10;
	v51 =	vshll.u32 v34, v1;
	v48 =	vshll.u32 v48, v1;
	v49 =	vshll.u32 v49, v1;
	s18 =	simm.s32 $0x4;
	_ =	swait.ge @!p0 [sflag:s2], $0x2000  }
0x42: {  	s21 =	simm.s32 $0xF;
	v44 =	vshrl.u32 v44, $0x3;
	v27 =	vbroadcast v33, $0x0;
	v37 =	vmov s18;
	s18 =	simm.s32 $0xA;
	[sflag:s2] =	ssyncset.done @!p0 $0x0;
	v14 =	vld [tilespmem:$0x1FE40]  }
0x43: {  	v46 =	vshrl.u32 v46, $0x3;
	v62 =	vmov s21;
	v43 =	vmov s18;
	s18 =	sshra.s32 s17, $0x2;
	v5 =	vld [tilespmem:$0x1FE00];
	[sflag:s2] =	ssyncadd.s32 @!p0 $0xFFFFE000  }
0x44: {  	v56 =	vshll.u32 v40, v1;
	v58 =	vshll.u32 v41, v1;
	v15 =	vbroadcast v51, $0x0;
	v36 =	vld [tilespmem:s18+$0x15200]  }
0x45: {  	v42 =	vshll.u32 v42, v1;
	v51 =	vbroadcast v48, $0x0;
	v49 =	vbroadcast v49, $0x0;
	v35 =	vld [tilespmem:s18+$0x15210]  }
0x46: {  	v63 =	vshrl.u32 v62, $0x3;
	v44 =	vshll.u32 v44, v1;
	s24 =	simm.s32 $0x6;
	v50 =	vshrl.u32 v37, $0x3;
	s2 =	simm.s32 $0xA00;
	v34 =	vld [tilespmem:s18+$0x15220]  }
0x47: {  	v39 =	vmov s24;
	s24 =	simm.s32 $0xC;
	v52 =	vshll.u32 v50, v1;
	v50 =	vshll.u32 v63, v1;
	v55 =	vld [tilespmem:s2+$0xFFFFFE00]  }
0x48: {  	v61 =	vshll.u32 v46, v1;
	v45 =	vmov s24;
	v54 =	vbroadcast v50, $0x0;
	v41 =	vld [tilespmem:s2+$0x1C0]  }
0x49: {  	v59 =	vadd.s32 v4, v27;
	v39 =	vshrl.u32 v39, $0x3;
	v45 =	vshrl.u32 v45, $0x3;
	v57 =	vld [tilespmem:s2+$0xFFFFFE40]  }
0x4a: {  	v37 =	vshrl.u32 v47, $0x3;
	v50 =	vshll.u32 v45, v1;
	v60 =	vld [tilespmem:s2+$0xFFFFFE80];
	v45 =	vadd.s32 v14, v54  }
0x4b: {  	v47 =	vshll.u32 v38, v1;
	v43 =	vshrl.u32 v43, $0x3;
	v48 =	vld [tilespmem:s2+$0xFFFFFEC0];
	v46 =	vadd.s32 v5, v15  }
0x4c: {  	v53 =	vshll.u32 v39, v1;
	v63 =	vadd.s32 v0, v51;
	v33 =	vld [tilespmem:s18+$0x15230];
	v55 =	vadd.f32 v55, v36  }
0x4d: {  	v25 =	vbroadcast v52, $0x0;
	v39 =	vld [tilespmem:s2+$0xFFFFFF00];
	v52 =	vadd.f32 v41, v36;
	v41 =	vadd.s32 v18, v49  }
0x4e: {  	v62 =	vshll.u32 v37, v1;
	v47 =	vbroadcast v47, $0x0;
	v38 =	vld [tilespmem:s2+$0xFFFFFF40];
	v37 =	vadd.f32 v57, v36;
	[tilespmem:v59+s20+$0x0] =	vst.idx.msk $0xffff, v55  }
0x4f: {  	v53 =	vbroadcast v53, $0x0;
	v40 =	vld [tilespmem:s2+$0xFFFFFF80];
	v57 =	vadd.s32 v22, v25;
	[tilespmem:v45+s20+$0x0] =	vst.idx.msk $0xffff, v52;
	v45 =	vadd.f32 v60, v36  }
0x50: {  	v52 =	vadd.s32 v26, v47;
	[tilespmem:v46+s20+$0x0] =	vst.idx.msk $0xffff, v37;
	v37 =	vadd.f32 v48, v36;
	v60 =	vld [tilespmem:s2+$0xFFFFFFC0];
	v48 =	vbroadcast v56, $0x0  }
0x51: {  	v43 =	vshll.u32 v43, v1;
	v59 =	vadd.s32 v30, v53;
	v55 =	vld [tilespmem:s2+$0x1D0];
	[tilespmem:v63+s20+$0x0] =	vst.idx.msk $0xffff, v45  }
0x52: {  	v39 =	vadd.f32 v39, v36;
	v56 =	vld [tilespmem:s2+$0x0];
	v45 =	vbroadcast v58, $0x0;
	[tilespmem:v41+s20+$0x0] =	vst.idx.msk $0xffff, v37;
	v41 =	vadd.s32 v14, v48  }
0x53: {  	v46 =	vbroadcast v42, $0x0;
	v58 =	vadd.s32 v6, v54;
	v37 =	vadd.f32 v38, v36;
	v63 =	vld [tilespmem:s2+$0x40]  }
0x54: {  	v42 =	vbroadcast v43, $0x0;
	[tilespmem:v57+s20+$0x0] =	vst.idx.msk $0xffff, v39;
	v38 =	vadd.f32 v40, v36;
	v39 =	vld [tilespmem:s2+$0x80];
	v57 =	vadd.s32 v4, v45  }
0x55: {  	v44 =	vbroadcast v44, $0x0;
	[tilespmem:v52+s20+$0x0] =	vst.idx.msk $0xffff, v37;
	v52 =	vadd.s32 v5, v46;
	v37 =	vld [tilespmem:s2+$0xC0];
	v40 =	vadd.f32 v60, v36  }
0x56: {  	[tilespmem:v59+s20+$0x0] =	vst.idx.msk $0xffff, v38;
	v59 =	vadd.s32 v0, v42;
	v43 =	vadd.f32 v55, v35  }
0x57: {  	v5 =	vbroadcast v50, $0x0;
	v50 =	vadd.f32 v56, v36;
	v56 =	vadd.s32 v18, v44;
	[tilespmem:v41+s20+$0x0] =	vst.idx.msk $0xffff, v40  }
0x58: {  	v38 =	vld [tilespmem:s2+$0x140];
	v41 =	vadd.f32 v63, v36;
	[tilespmem:v58+s20+$0x0] =	vst.idx.msk $0xffff, v43  }
0x59: {  	v60 =	vld [tilespmem:s2+$0x100];
	v39 =	vadd.f32 v39, v36;
	[tilespmem:v57+s20+$0x0] =	vst.idx.msk $0xffff, v50  }
0x5a: {  	v61 =	vbroadcast v61, $0x0;
	v43 =	vbroadcast v62, $0x0;
	v62 =	vld [tilespmem:s2+$0xFFFFFE50];
	[tilespmem:v52+s20+$0x0] =	vst.idx.msk $0xffff, v41;
	v37 =	vadd.f32 v37, v36  }
0x5b: {  	v55 =	vadd.s32 v22, v5;
	v4 =	vld [tilespmem:$0x1FE50];
	[tilespmem:v59+s20+$0x0] =	vst.idx.msk $0xffff, v39  }
0x5c: {  	v50 =	vadd.s32 v26, v61;
	v57 =	vld [tilespmem:s2+$0x180];
	[tilespmem:v56+s20+$0x0] =	vst.idx.msk $0xffff, v37  }
0x5d: {  	v14 =	vld [tilespmem:$0x1FE10]  }
0x5e: {  	v58 =	vld [tilespmem:s2+$0x1E0];
	v39 =	vadd.f32 v60, v36;
	v59 =	vadd.s32 v30, v43  }
0x5f: {  	v63 =	vld [tilespmem:s2+$0xFFFFFED0];
	v60 =	vadd.s32 v11, v15;
	v37 =	vadd.f32 v38, v36  }
0x60: {  	v52 =	vld [tilespmem:s2+$0xFFFFFE90];
	[tilespmem:v55+s20+$0x0] =	vst.idx.msk $0xffff, v39;
	v41 =	vadd.s32 v4, v54  }
0x61: {  	v55 =	vadd.s32 v19, v49;
	[tilespmem:v50+s20+$0x0] =	vst.idx.msk $0xffff, v37;
	v37 =	vadd.f32 v57, v36  }
0x62: {  	v56 =	vld [tilespmem:s2+$0xFFFFFF10];
	v50 =	vadd.f32 v62, v35;
	v38 =	vadd.s32 v14, v51  }
0x63: {  	v39 =	vadd.f32 v58, v34;
	v58 =	vld [tilespmem:s2+$0xFFFFFF50];
	[tilespmem:v59+s20+$0x0] =	vst.idx.msk $0xffff, v37  }
0x64: {  	v57 =	vadd.s32 v23, v25;
	v62 =	vld [tilespmem:s2+$0xFFFFFF90];
	[tilespmem:v60+s20+$0x0] =	vst.idx.msk $0xffff, v50;
	v60 =	vadd.f32 v63, v35  }
0x65: {  	v59 =	vld [tilespmem:s2+$0xFFFFFFD0];
	[tilespmem:v41+s20+$0x0] =	vst.idx.msk $0xffff, v39;
	v39 =	vadd.f32 v52, v35;
	v41 =	vadd.s32 v3, v47  }
0x66: {  	[tilespmem:v55+s20+$0x0] =	vst.idx.msk $0xffff, v60;
	v52 =	vadd.s32 v31, v53;
	v37 =	vld [tilespmem:s2+$0x1F0]  }
0x67: {  	v63 =	vld [tilespmem:s2+$0x10];
	v55 =	vadd.s32 v6, v48;
	[tilespmem:v38+s20+$0x0] =	vst.idx.msk $0xffff, v39;
	v38 =	vadd.f32 v56, v35  }
0x68: {  	v54 =	vadd.s32 v2, v54;
	v60 =	vadd.f32 v58, v35;
	v56 =	vld [tilespmem:s2+$0x50]  }
0x69: {  	v62 =	vadd.f32 v62, v35;
	v58 =	vld [tilespmem:s2+$0x90];
	[tilespmem:v57+s20+$0x0] =	vst.idx.msk $0xffff, v38;
	v57 =	vadd.s32 v7, v45  }
0x6a: {  	v50 =	vld [tilespmem:s2+$0xD0];
	v38 =	vadd.f32 v59, v35;
	[tilespmem:v41+s20+$0x0] =	vst.idx.msk $0xffff, v60;
	v41 =	vadd.s32 v11, v46  }
0x6b: {  	[tilespmem:v52+s20+$0x0] =	vst.idx.msk $0xffff, v62;
	v52 =	vadd.s32 v14, v42;
	v37 =	vadd.f32 v37, v33  }
0x6c: {  	v39 =	vadd.f32 v63, v35;
	v60 =	vadd.s32 v19, v44;
	[tilespmem:v55+s20+$0x0] =	vst.idx.msk $0xffff, v38  }
0x6d: {  	v59 =	vld [tilespmem:s2+$0x110];
	v63 =	vadd.f32 v56, v35;
	[tilespmem:v54+s20+$0x0] =	vst.idx.msk $0xffff, v37  }
0x6e: {  	v62 =	vld [tilespmem:s2+$0x150];
	[tilespmem:v57+s20+$0x0] =	vst.idx.msk $0xffff, v39;
	v39 =	vadd.f32 v58, v35  }
0x6f: {  	v38 =	vadd.s32 v23, v5;
	v55 =	vld [tilespmem:s2+$0xFFFFFE10];
	[tilespmem:v41+s20+$0x0] =	vst.idx.msk $0xffff, v63;
	v63 =	vadd.f32 v50, v35  }
0x70: {  	v54 =	vld [tilespmem:s2+$0x190];
	[tilespmem:v52+s20+$0x0] =	vst.idx.msk $0xffff, v39  }
0x71: {  	v56 =	vadd.s32 v3, v61;
	v57 =	vld [tilespmem:s2+$0xFFFFFE60];
	[tilespmem:v60+s20+$0x0] =	vst.idx.msk $0xffff, v63  }
0x72: {  	v41 =	vadd.s32 v31, v43;
	v39 =	vadd.f32 v59, v35;
	v16 =	vld [tilespmem:$0x1FE20]  }
0x73: {  	v52 =	vadd.s32 v12, v15;
	v59 =	vld [tilespmem:s2+$0xFFFFFEE0]  }
0x74: {  	v50 =	vadd.s32 v7, v27;
	v37 =	vadd.f32 v62, v35;
	v62 =	vld [tilespmem:s2+$0xFFFFFF20];
	[tilespmem:v38+s20+$0x0] =	vst.idx.msk $0xffff, v39  }
0x75: {  	v58 =	vld [tilespmem:s2+$0xFFFFFEA0];
	v38 =	vadd.f32 v54, v35;
	v39 =	vadd.f32 v55, v35;
	v54 =	vadd.s32 v20, v49  }
0x76: {  	v55 =	vld [tilespmem:s2+$0xFFFFFF60];
	[tilespmem:v56+s20+$0x0] =	vst.idx.msk $0xffff, v37;
	v56 =	vadd.s32 v24, v25;
	v63 =	vadd.f32 v57, v34  }
0x77: {  	v57 =	vld [tilespmem:s2+$0xFFFFFFA0];
	[tilespmem:v41+s20+$0x0] =	vst.idx.msk $0xffff, v38;
	v60 =	vadd.s32 v16, v51  }
0x78: {  	[tilespmem:v52+s20+$0x0] =	vst.idx.msk $0xffff, v63;
	v63 =	vadd.f32 v59, v34;
	v52 =	vld [tilespmem:s2+$0x20]  }
0x79: {  	[tilespmem:v50+s20+$0x0] =	vst.idx.msk $0xffff, v39;
	v50 =	vadd.s32 v32, v53;
	v40 =	vadd.f32 v62, v34  }
0x7a: {  	v58 =	vadd.f32 v58, v34;
	v59 =	vld [tilespmem:s2+$0x60];
	[tilespmem:v54+s20+$0x0] =	vst.idx.msk $0xffff, v63;
	v54 =	vadd.s32 v8, v45  }
0x7b: {  	v39 =	vadd.s32 v28, v47;
	v41 =	vld [tilespmem:s2+$0xFFFFFFE0];
	[tilespmem:v56+s20+$0x0] =	vst.idx.msk $0xffff, v40;
	v56 =	vadd.s32 v12, v46  }
0x7c: {  	v62 =	vadd.f32 v57, v34;
	[tilespmem:v60+s20+$0x0] =	vst.idx.msk $0xffff, v58;
	v60 =	vadd.f32 v55, v34;
	v55 =	vld [tilespmem:s2+$0xA0]  }
0x7d: {  	v38 =	vadd.f32 v52, v34;
	v58 =	vadd.s32 v4, v48  }
0x7e: {  	[tilespmem:v50+s20+$0x0] =	vst.idx.msk $0xffff, v62;
	v50 =	vadd.s32 v16, v42  }
0x7f: {  	v57 =	vld [tilespmem:s2+$0xE0];
	v40 =	vadd.f32 v59, v34;
	[tilespmem:v54+s20+$0x0] =	vst.idx.msk $0xffff, v38  }
0x80: {  	v63 =	vadd.f32 v41, v34;
	[tilespmem:v39+s20+$0x0] =	vst.idx.msk $0xffff, v60;
	v39 =	vld [tilespmem:s2+$0x120]  }
0x81: {  	v41 =	vld [tilespmem:s2+$0x160];
	[tilespmem:v56+s20+$0x0] =	vst.idx.msk $0xffff, v40;
	v38 =	vadd.f32 v55, v34  }
0x82: {  	v52 =	vld [tilespmem:s2+$0x1A0];
	v59 =	vadd.s32 v24, v5;
	[tilespmem:v58+s20+$0x0] =	vst.idx.msk $0xffff, v63  }
0x83: {  	v60 =	vld [tilespmem:s2+$0xFFFFFE20];
	v58 =	vadd.s32 v20, v44;
	[tilespmem:v50+s20+$0x0] =	vst.idx.msk $0xffff, v38  }
0x84: {  	v4 =	vld [tilespmem:$0x1FE30]  }
0x85: {  	v54 =	vadd.s32 v28, v61;
	v40 =	vld [tilespmem:s2+$0xFFFFFEF0];
	v39 =	vadd.f32 v39, v34  }
0x86: {  	s24 =	simm.s32 $0x10;
	v56 =	vadd.s32 v32, v43;
	v37 =	vadd.f32 v57, v34;
	v57 =	vadd.s32 v8, v27;
	v62 =	vld [tilespmem:s2+$0xFFFFFEB0]  }
0x87: {  	s12 =	simm.s32 $0x11;
	v41 =	vadd.f32 v41, v34;
	v55 =	vld [tilespmem:s2+$0xFFFFFE70];
	v63 =	vadd.s32 v13, v15;
	v38 =	vmov s24;
	[tilespmem:v59+s20+$0x0] =	vst.idx.msk $0xffff, v39  }
0x88: {  	v15 =	vshrl.u32 v38, $0x3;
	v38 =	vadd.f32 v60, v34;
	v60 =	vmov s12;
	[tilespmem:v58+s20+$0x0] =	vst.idx.msk $0xffff, v37;
	v58 =	vld [tilespmem:s2+$0xFFFFFF70]  }
0x89: {  	v52 =	vadd.f32 v52, v34;
	v50 =	vadd.s32 v4, v51;
	v51 =	vld [tilespmem:s2+$0xFFFFFF30];
	[tilespmem:$0x1FDE0] =	vst v60  }
0x8a: {  	s16 =	simm.s32 $0x13;
	v49 =	vadd.s32 v21, v49;
	[tilespmem:v54+s20+$0x0] =	vst.idx.msk $0xffff, v41  }
0x8b: {  	v47 =	vadd.s32 v29, v47;
	v60 =	vld [tilespmem:s2+$0xFFFFFFB0];
	[tilespmem:v56+s20+$0x0] =	vst.idx.msk $0xffff, v52;
	v56 =	vmov s16  }
0x8c: {  	v55 =	vadd.f32 v55, v33;
	v54 =	vadd.f32 v62, v33;
	v62 =	vld [tilespmem:s2+$0xFFFFFFF0];
	[tilespmem:$0x1FDF0] =	vst v56  }
0x8d: {  	v40 =	vadd.f32 v40, v33;
	v59 =	vadd.s32 v17, v25;
	[tilespmem:v57+s20+$0x0] =	vst.idx.msk $0xffff, v38  }
0x8e: {  	v53 =	vadd.s32 v10, v53;
	v58 =	vadd.f32 v58, v33;
	v56 =	vld [tilespmem:s2+$0x30];
	[tilespmem:v63+s20+$0x0] =	vst.idx.msk $0xffff, v55  }
0x8f: {  	v48 =	vadd.s32 v2, v48;
	v57 =	vld [tilespmem:s2+$0x70];
	[tilespmem:v49+s20+$0x0] =	vst.idx.msk $0xffff, v40  }
0x90: {  	v37 =	vadd.s32 v9, v45;
	v63 =	vld [tilespmem:s2+$0xB0];
	[tilespmem:v47+s20+$0x0] =	vst.idx.msk $0xffff, v58;
	v51 =	vadd.f32 v51, v33  }
0x91: {  	v46 =	vadd.s32 v13, v46;
	[tilespmem:v50+s20+$0x0] =	vst.idx.msk $0xffff, v54;
	v38 =	vadd.f32 v60, v33  }
0x92: {  	v42 =	vadd.s32 v4, v42;
	v49 =	vadd.f32 v62, v33;
	[tilespmem:v59+s20+$0x0] =	vst.idx.msk $0xffff, v51  }
0x93: {  	v51 =	vadd.f32 v56, v33;
	[tilespmem:v53+s20+$0x0] =	vst.idx.msk $0xffff, v38  }
0x94: {  	v45 =	vld [tilespmem:s2+$0x1B0];
	v47 =	vadd.f32 v57, v33;
	[tilespmem:v48+s20+$0x0] =	vst.idx.msk $0xffff, v49  }
0x95: {  	v60 =	vld [tilespmem:s2+$0xF0];
	v50 =	vadd.f32 v63, v33;
	[tilespmem:v37+s20+$0x0] =	vst.idx.msk $0xffff, v51  }
0x96: {  	s14 =	simm.s32 $0x12;
	v61 =	vadd.s32 v29, v61;
	v43 =	vadd.s32 v10, v43;
	v62 =	vld [tilespmem:s2+$0x130];
	[tilespmem:v46+s20+$0x0] =	vst.idx.msk $0xffff, v47  }
0x97: {  	s17 =	simm.s32 $0x14;
	s24 =	simm.s32 $0x17;
	v25 =	vmov s14;
	v39 =	vadd.s32 v9, v27;
	v56 =	vadd.s32 v21, v44;
	v44 =	vld [tilespmem:s2+$0x170];
	[tilespmem:v42+s20+$0x0] =	vst.idx.msk $0xffff, v50  }
0x98: {  	s18 =	simm.s32 $0x15;
	s14 =	simm.s32 $0x19;
	v52 =	vmov s17;
	v41 =	vmov s24;
	s24 =	simm.s32 $0x1E;
	v57 =	vadd.s32 v17, v5;
	v5 =	vld [tilespmem:$0x1FDE0]  }
0x99: {  	s21 =	simm.s32 $0x16;
	v55 =	vmov s18;
	v40 =	vmov s24;
	v58 =	vmov s14  }
0x9a: {  	s12 =	simm.s32 $0x18;
	s16 =	simm.s32 $0x1A;
	s17 =	simm.s32 $0x1B;
	v40 =	vshrl.u32 v40, $0x3;
	v54 =	vmov s21;
	v38 =	vld [tilespmem:s2+$0xFFFFFE30];
	v48 =	vadd.f32 v60, v33  }
0x9b: {  	v59 =	vmov s12;
	v53 =	vmov s16;
	v63 =	vmov s17  }
0x9c: {  	v37 =	vshll.u32 v15, v1;
	v42 =	vadd.f32 v45, v33;
	v50 =	vshrl.u32 v25, $0x3;
	[tilespmem:v56+s20+$0x0] =	vst.idx.msk $0xffff, v48  }
0x9d: {  	s18 =	simm.s32 $0x1C;
	v49 =	vadd.f32 v62, v33;
	v46 =	vadd.f32 v44, v33;
	v44 =	vshrl.u32 v5, $0x3;
	v5 =	vld [tilespmem:$0x1FDF0]  }
0x9e: {  	s21 =	simm.s32 $0x1D;
	v51 =	vshrl.u32 v52, $0x3;
	v47 =	vshrl.u32 v59, $0x3;
	v60 =	vmov s18  }
0x9f: {  	v62 =	vmov s21;
	v37 =	vbroadcast v37, $0x0;
	v56 =	vadd.f32 v38, v33;
	[tilespmem:v57+s20+$0x0] =	vst.idx.msk $0xffff, v49  }
0xa0: {  	v27 =	vmovc v3;
	v48 =	vshrl.u32 v55, $0x3;
	v38 =	vshrl.u32 v58, $0x3;
	v49 =	vshrl.u32 v54, $0x3;
	[tilespmem:v61+s20+$0x0] =	vst.idx.msk $0xffff, v46  }
0xa1: {  	v9 =	vmovc v2;
	v17 =	vmovc v4;
	v46 =	vshrl.u32 v41, $0x3;
	[tilespmem:v43+s20+$0x0] =	vst.idx.msk $0xffff, v42;
	v42 =	vshrl.u32 v53, $0x3;
	v43 =	vshrl.u32 v63, $0x3  }
0xa2: {  	s11 =	simm.s32 $0x20;
	s12 =	simm.s32 $0x1F;
	v15 =	vmovc v14;
	v14 =	vmovc v0;
	v41 =	vshrl.u32 v60, $0x3;
	[tilespmem:v39+s20+$0x0] =	vst.idx.msk $0xffff, v56;
	v39 =	vshrl.u32 v62, $0x3;
	v45 =	vshrl.u32 v5, $0x3  }
.LBB2_3:
0xa3: {  	v60 =	vmov s12;
	v29 =	vld [tilespmem:$0x1FE40]  }
0xa4: {  	v53 =	vshll.u32 v50, v1;
	v25 =	vld [tilespmem:$0x1FE60];
	v50 =	vshrl.u32 v60, $0x3  }
0xa5: {  	v44 =	vshll.u32 v44, v1;
	s2 =	sadd.s32 $0x400, s2;
	v10 =	vld [tilespmem:$0x1FE00];
	v61 =	vshll.u32 v50, v1  }
0xa6: {  	v45 =	vshll.u32 v45, v1;
	v54 =	vshll.u32 v51, v1;
	v57 =	vld [tilespmem:s2+$0x1C0];
	v52 =	vbroadcast v61, $0x0  }
0xa7: {  	v48 =	vshll.u32 v48, v1;
	v55 =	vshll.u32 v49, v1;
	v46 =	vshll.u32 v46, v1;
	v58 =	vld [tilespmem:s2+$0xFFFFFE00]  }
0xa8: {  	v62 =	vld [tilespmem:s2+$0xFFFFFE80];
	v51 =	vbroadcast v53, $0x0;
	v50 =	vbroadcast v44, $0x0;
	v44 =	vadd.s32 v29, v52  }
0xa9: {  	v56 =	vshll.u32 v47, v1;
	v2 =	vshll.u32 v40, v1;
	v60 =	vshll.u32 v43, v1;
	v43 =	vld [tilespmem:s2+$0xFFFFFE40]  }
0xaa: {  	v49 =	vbroadcast v45, $0x0;
	v45 =	vld [tilespmem:s2+$0xFFFFFF00];
	v47 =	vbroadcast v54, $0x0;
	v40 =	vadd.s32 v14, v51  }
0xab: {  	v38 =	vshll.u32 v38, v1;
	v0 =	vld [tilespmem:s2+$0xFFFFFEC0];
	v61 =	vadd.s32 v25, v37;
	v54 =	vadd.f32 v57, v36  }
0xac: {  	v59 =	vshll.u32 v42, v1;
	v53 =	vshll.u32 v39, v1;
	v5 =	vld [tilespmem:s2+$0xFFFFFF80];
	v4 =	vadd.s32 v22, v47  }
0xad: {  	v42 =	vbroadcast v48, $0x0;
	v63 =	vadd.s32 v10, v50;
	[tilespmem:v44+s20+$0x0] =	vst.idx.msk $0xffff, v54;
	v44 =	vadd.f32 v62, v36  }
0xae: {  	v3 =	vld [tilespmem:s2+$0xFFFFFF40];
	v48 =	vbroadcast v46, $0x0;
	v57 =	vadd.f32 v58, v36;
	v58 =	vadd.s32 v18, v49  }
0xaf: {  	v46 =	vld [tilespmem:s2+$0x0];
	v43 =	vadd.f32 v43, v36;
	v62 =	vadd.f32 v45, v36;
	[tilespmem:v40+s20+$0x0] =	vst.idx.msk $0xffff, v44;
	v44 =	vbroadcast v56, $0x0  }
0xb0: {  	v39 =	vbroadcast v55, $0x0;
	v0 =	vadd.f32 v0, v36;
	[tilespmem:v61+s20+$0x0] =	vst.idx.msk $0xffff, v57;
	v54 =	vadd.s32 v26, v42;
	v55 =	vld [tilespmem:s2+$0x1D0]  }
0xb1: {  	[tilespmem:v4+s20+$0x0] =	vst.idx.msk $0xffff, v62;
	v4 =	vadd.f32 v5, v36;
	v62 =	vld [tilespmem:s2+$0x80];
	v5 =	vadd.s32 v25, v44  }
0xb2: {  	[tilespmem:v63+s20+$0x0] =	vst.idx.msk $0xffff, v43;
	v57 =	vadd.s32 v30, v39;
	v61 =	vld [tilespmem:s2+$0xFFFFFFC0];
	v45 =	vbroadcast v38, $0x0  }
0xb3: {  	v43 =	vbroadcast v59, $0x0;
	v59 =	vld [tilespmem:s2+$0x100];
	[tilespmem:v58+s20+$0x0] =	vst.idx.msk $0xffff, v0;
	v0 =	vadd.f32 v3, v36;
	v56 =	vadd.s32 v6, v52  }
0xb4: {  	v46 =	vadd.f32 v46, v36;
	v3 =	vadd.s32 v29, v48;
	v58 =	vld [tilespmem:s2+$0x40]  }
0xb5: {  	v41 =	vshll.u32 v41, v1;
	[tilespmem:v54+s20+$0x0] =	vst.idx.msk $0xffff, v0;
	v0 =	vadd.s32 v10, v45;
	v54 =	vld [tilespmem:s2+$0xC0]  }
0xb6: {  	v40 =	vbroadcast v60, $0x0;
	v55 =	vadd.f32 v55, v35;
	[tilespmem:v5+s20+$0x0] =	vst.idx.msk $0xffff, v46;
	v5 =	vadd.f32 v62, v36;
	v62 =	vld [tilespmem:$0x1FE50]  }
0xb7: {  	v41 =	vbroadcast v41, $0x0;
	v29 =	vld [tilespmem:$0x1FF90];
	[tilespmem:v57+s20+$0x0] =	vst.idx.msk $0xffff, v4;
	v4 =	vadd.f32 v61, v36;
	v57 =	vadd.s32 v14, v43  }
0xb8: {  	v38 =	vbroadcast v53, $0x0;
	v60 =	vadd.s32 v18, v40;
	v61 =	vld [tilespmem:s2+$0x140];
	[tilespmem:v56+s20+$0x0] =	vst.idx.msk $0xffff, v55  }
0xb9: {  	[tilespmem:v3+s20+$0x0] =	vst.idx.msk $0xffff, v4;
	v3 =	vadd.f32 v58, v36;
	v4 =	vadd.s32 v22, v41;
	v53 =	vld [tilespmem:s2+$0x1E0]  }
0xba: {  	v55 =	vadd.s32 v26, v38;
	v56 =	vld [tilespmem:s2+$0x180];
	v46 =	vbroadcast v2, $0x0  }
0xbb: {  	v2 =	vld [tilespmem:s2+$0xFFFFFE50];
	[tilespmem:v0+s20+$0x0] =	vst.idx.msk $0xffff, v3;
	v0 =	vadd.f32 v54, v36;
	v3 =	vadd.s32 v62, v52  }
0xbc: {  	v54 =	vld [tilespmem:s2+$0xFFFFFE90];
	[tilespmem:v57+s20+$0x0] =	vst.idx.msk $0xffff, v5;
	v5 =	vadd.f32 v59, v36;
	v57 =	vadd.s32 v30, v46  }
0xbd: {  	v58 =	vadd.s32 v11, v50;
	v59 =	vld [tilespmem:s2+$0xFFFFFED0];
	[tilespmem:v60+s20+$0x0] =	vst.idx.msk $0xffff, v0;
	v0 =	vadd.f32 v61, v36  }
0xbe: {  	v60 =	vadd.s32 v15, v51;
	v61 =	vld [tilespmem:s2+$0xFFFFFF10];
	[tilespmem:v4+s20+$0x0] =	vst.idx.msk $0xffff, v5;
	v4 =	vadd.f32 v53, v34  }
0xbf: {  	v5 =	vadd.s32 v19, v49;
	v53 =	vld [tilespmem:s2+$0xFFFFFF50];
	[tilespmem:v55+s20+$0x0] =	vst.idx.msk $0xffff, v0;
	v0 =	vadd.f32 v56, v36  }
0xc0: {  	v2 =	vadd.f32 v2, v35;
	v55 =	vadd.s32 v23, v47;
	v56 =	vld [tilespmem:s2+$0xFFFFFF90];
	[tilespmem:v3+s20+$0x0] =	vst.idx.msk $0xffff, v4  }
0xc1: {  	[tilespmem:v57+s20+$0x0] =	vst.idx.msk $0xffff, v0;
	v3 =	vadd.f32 v54, v35;
	v4 =	vadd.s32 v27, v42;
	v0 =	vld [tilespmem:s2+$0x1F0]  }
0xc2: {  	v63 =	vld [tilespmem:s2+$0xFFFFFFD0];
	[tilespmem:v58+s20+$0x0] =	vst.idx.msk $0xffff, v2;
	v2 =	vadd.f32 v59, v35;
	v54 =	vadd.s32 v31, v39  }
0xc3: {  	v52 =	vadd.s32 v9, v52;
	[tilespmem:v60+s20+$0x0] =	vst.idx.msk $0xffff, v3;
	v3 =	vadd.f32 v61, v35;
	v61 =	vld [tilespmem:s2+$0x10]  }
0xc4: {  	[tilespmem:v5+s20+$0x0] =	vst.idx.msk $0xffff, v2;
	v5 =	vadd.s32 v6, v48;
	v2 =	vadd.f32 v53, v35;
	v53 =	vld [tilespmem:s2+$0x50]  }
0xc5: {  	[tilespmem:v55+s20+$0x0] =	vst.idx.msk $0xffff, v3;
	v3 =	vadd.f32 v56, v35;
	v55 =	vadd.s32 v7, v44;
	v56 =	vld [tilespmem:s2+$0x90]  }
0xc6: {  	[tilespmem:v4+s20+$0x0] =	vst.idx.msk $0xffff, v2;
	v2 =	vadd.s32 v11, v45;
	v4 =	vld [tilespmem:s2+$0xD0];
	v0 =	vadd.f32 v0, v33  }
0xc7: {  	v57 =	vld [tilespmem:s2+$0x110];
	[tilespmem:v54+s20+$0x0] =	vst.idx.msk $0xffff, v3;
	v3 =	vadd.f32 v63, v35;
	v54 =	vadd.s32 v15, v43  }
0xc8: {  	v59 =	vadd.s32 v19, v40;
	v60 =	vld [tilespmem:s2+$0x150];
	v58 =	vadd.f32 v61, v35;
	[tilespmem:v52+s20+$0x0] =	vst.idx.msk $0xffff, v0  }
0xc9: {  	[tilespmem:v5+s20+$0x0] =	vst.idx.msk $0xffff, v3;
	v0 =	vadd.f32 v53, v35;
	v3 =	vadd.s32 v23, v41;
	v5 =	vld [tilespmem:s2+$0x190]  }
0xca: {  	v52 =	vld [tilespmem:s2+$0xFFFFFE10];
	[tilespmem:v55+s20+$0x0] =	vst.idx.msk $0xffff, v58;
	v63 =	vadd.f32 v56, v35  }
0xcb: {  	v55 =	vadd.s32 v27, v38;
	v56 =	vld [tilespmem:s2+$0xFFFFFE60];
	[tilespmem:v2+s20+$0x0] =	vst.idx.msk $0xffff, v0;
	v0 =	vadd.f32 v4, v35  }
0xcc: {  	v10 =	vld [tilespmem:$0x1FE90];
	v53 =	vadd.f32 v57, v35;
	v2 =	vadd.s32 v31, v46;
	[tilespmem:v54+s20+$0x0] =	vst.idx.msk $0xffff, v63  }
0xcd: {  	v58 =	vld [tilespmem:s2+$0xFFFFFEA0];
	v4 =	vadd.s32 v7, v37;
	v54 =	vadd.s32 v12, v50;
	[tilespmem:v59+s20+$0x0] =	vst.idx.msk $0xffff, v0  }
0xce: {  	v25 =	vld [tilespmem:$0x1FFD0];
	v0 =	vadd.f32 v60, v35;
	v59 =	vadd.s32 v16, v51;
	[tilespmem:v3+s20+$0x0] =	vst.idx.msk $0xffff, v53  }
0xcf: {  	v57 =	vld [tilespmem:s2+$0xFFFFFEE0];
	v3 =	vadd.f32 v5, v35;
	v5 =	vadd.f32 v52, v35;
	v52 =	vadd.s32 v20, v49  }
0xd0: {  	v60 =	vld [tilespmem:s2+$0xFFFFFF20];
	v49 =	vadd.s32 v21, v49;
	[tilespmem:v55+s20+$0x0] =	vst.idx.msk $0xffff, v0;
	v0 =	vadd.f32 v56, v34  }
0xd1: {  	v61 =	vld [tilespmem:s2+$0xFFFFFF60];
	v55 =	vadd.s32 v24, v47;
	v56 =	vadd.s32 v8, v37;
	[tilespmem:v2+s20+$0x0] =	vst.idx.msk $0xffff, v3  }
0xd2: {  	v63 =	vld [tilespmem:s2+$0xFFFFFFA0];
	v37 =	vadd.s32 v10, v37;
	[tilespmem:v4+s20+$0x0] =	vst.idx.msk $0xffff, v5;
	v2 =	vadd.f32 v58, v34  }
0xd3: {  	v3 =	vadd.s32 v28, v42;
	v4 =	vld [tilespmem:s2+$0xFFFFFFE0];
	v5 =	vadd.s32 v32, v39;
	v42 =	vadd.s32 v29, v42  }
0xd4: {  	v58 =	vld [tilespmem:s2+$0x60];
	[tilespmem:v54+s20+$0x0] =	vst.idx.msk $0xffff, v0;
	v0 =	vadd.f32 v57, v34;
	v57 =	vadd.s32 v62, v48  }
0xd5: {  	v54 =	vld [tilespmem:s2+$0x20];
	v48 =	vadd.s32 v9, v48;
	[tilespmem:v59+s20+$0x0] =	vst.idx.msk $0xffff, v2;
	v2 =	vadd.f32 v60, v34  }
0xd6: {  	v62 =	vld [tilespmem:s2+$0xA0];
	[tilespmem:v52+s20+$0x0] =	vst.idx.msk $0xffff, v0;
	v0 =	vadd.f32 v61, v34;
	v61 =	vadd.s32 v8, v44  }
0xd7: {  	v60 =	vld [tilespmem:s2+$0xE0];
	v52 =	vadd.s32 v28, v38;
	v44 =	vadd.s32 v10, v44;
	v38 =	vadd.s32 v29, v38  }
0xd8: {  	v59 =	vld [tilespmem:s2+$0xFFFFFE20];
	[tilespmem:v55+s20+$0x0] =	vst.idx.msk $0xffff, v2;
	v2 =	vadd.f32 v63, v34;
	v63 =	vadd.s32 v12, v45  }
0xd9: {  	v53 =	vld [tilespmem:s2+$0xFFFFFE70];
	[tilespmem:v3+s20+$0x0] =	vst.idx.msk $0xffff, v0;
	v0 =	vadd.f32 v4, v34;
	v3 =	vadd.s32 v16, v43  }
0xda: {  	v55 =	vadd.s32 v32, v46;
	v4 =	vld [tilespmem:s2+$0x120];
	[tilespmem:v5+s20+$0x0] =	vst.idx.msk $0xffff, v2;
	v2 =	vadd.f32 v54, v34  }
0xdb: {  	v5 =	vadd.s32 v20, v40;
	v54 =	vld [tilespmem:s2+$0x160];
	[tilespmem:v57+s20+$0x0] =	vst.idx.msk $0xffff, v0;
	v0 =	vadd.f32 v58, v34  }
0xdc: {  	v57 =	vadd.s32 v24, v41;
	v58 =	vld [tilespmem:s2+$0x1A0];
	[tilespmem:v61+s20+$0x0] =	vst.idx.msk $0xffff, v2;
	v2 =	vadd.f32 v62, v34  }
0xdd: {  	v45 =	vadd.s32 v13, v45;
	v61 =	vadd.f32 v59, v34;
	v59 =	vld [tilespmem:$0x1FF50];
	[tilespmem:v63+s20+$0x0] =	vst.idx.msk $0xffff, v0  }
0xde: {  	v46 =	vadd.s32 v25, v46;
	v0 =	vadd.f32 v60, v34;
	v60 =	vld [tilespmem:s2+$0xFFFFFEB0];
	[tilespmem:v3+s20+$0x0] =	vst.idx.msk $0xffff, v2  }
0xdf: {  	v2 =	vadd.f32 v4, v34;
	v3 =	vadd.s32 v13, v50;
	v4 =	vld [tilespmem:s2+$0xFFFFFEF0];
	[tilespmem:v56+s20+$0x0] =	vst.idx.msk $0xffff, v61  }
0xe0: {  	v50 =	vadd.s32 v17, v51;
	v51 =	vld [tilespmem:s2+$0xFFFFFF30];
	[tilespmem:v5+s20+$0x0] =	vst.idx.msk $0xffff, v0;
	v0 =	vadd.f32 v54, v34  }
0xe1: {  	s16 =	sadd.s32 $0x3, s11;
	v62 =	vadd.f32 v53, v33;
	[tilespmem:v57+s20+$0x0] =	vst.idx.msk $0xffff, v2;
	v2 =	vadd.f32 v58, v34;
	v57 =	vld [tilespmem:s2+$0xFFFFFF70]  }
0xe2: {  	s18 =	sadd.s32 $0x5, s11;
	v53 =	vld [tilespmem:s2+$0xFFFFFFB0];
	v56 =	vmov s16;
	v5 =	vmov s11;
	[tilespmem:v52+s20+$0x0] =	vst.idx.msk $0xffff, v0;
	v47 =	vadd.s32 v59, v47  }
0xe3: {  	s16 =	sadd.s32 $0x9, s11;
	v54 =	vmov s18;
	v5 =	vshrl.u32 v5, $0x3;
	[tilespmem:v55+s20+$0x0] =	vst.idx.msk $0xffff, v2;
	v63 =	vadd.f32 v60, v33;
	v55 =	vld [tilespmem:s2+$0xFFFFFFF0]  }
0xe4: {  	s24 =	sadd.s32 $0x1, s11;
	v58 =	vmov s16;
	[tilespmem:v3+s20+$0x0] =	vst.idx.msk $0xffff, v62;
	v3 =	vadd.f32 v4, v33;
	v4 =	vadd.s32 v25, v39;
	v39 =	vld [tilespmem:s2+$0x30]  }
0xe5: {  	s17 =	sadd.s32 $0x4, s11;
	v61 =	vld [tilespmem:s2+$0x70];
	v0 =	vmov s24;
	v41 =	vadd.s32 v59, v41;
	v60 =	vadd.f32 v51, v33;
	[tilespmem:v50+s20+$0x0] =	vst.idx.msk $0xffff, v63  }
0xe6: {  	s14 =	sadd.s32 $0x2, s11;
	v52 =	vmov s17;
	s17 =	sadd.s32 $0xA, s11;
	v5 =	vshll.u32 v5, v1;
	v62 =	vld [tilespmem:s2+$0xB0];
	[tilespmem:v49+s20+$0x0] =	vst.idx.msk $0xffff, v3;
	v3 =	vadd.f32 v57, v33  }
0xe7: {  	v2 =	vmov s14;
	v59 =	vmov s17;
	v63 =	vadd.f32 v53, v33;
	v50 =	vld [tilespmem:s2+$0xF0];
	[tilespmem:v47+s20+$0x0] =	vst.idx.msk $0xffff, v60  }
0xe8: {  	s24 =	sadd.s32 $0x7, s11;
	v51 =	vshrl.u32 v52, $0x3;
	v47 =	vld [tilespmem:s2+$0x1B0];
	[tilespmem:v42+s20+$0x0] =	vst.idx.msk $0xffff, v3;
	v3 =	vadd.f32 v55, v33;
	v42 =	vadd.s32 v17, v43  }
0xe9: {  	s21 =	sadd.s32 $0x6, s11;
	s18 =	sadd.s32 $0xB, s11;
	v53 =	vmov s24;
	v43 =	vld [tilespmem:s2+$0x130];
	[tilespmem:v4+s20+$0x0] =	vst.idx.msk $0xffff, v63;
	v4 =	vadd.f32 v39, v33;
	v39 =	vadd.s32 v21, v40  }
0xea: {  	s14 =	sadd.s32 $0x8, s11;
	v57 =	vmov s21;
	v60 =	vmov s18;
	v40 =	vld [tilespmem:s2+$0x170];
	[tilespmem:v48+s20+$0x0] =	vst.idx.msk $0xffff, v3;
	v3 =	vadd.f32 v61, v33  }
0xeb: {  	s21 =	sadd.s32 $0xC, s11;
	v49 =	vshrl.u32 v57, $0x3;
	v55 =	vmov s14;
	s14 =	sadd.s32 $0xE, s11;
	v48 =	vld [tilespmem:s2+$0xFFFFFE30];
	[tilespmem:v44+s20+$0x0] =	vst.idx.msk $0xffff, v4;
	v4 =	vadd.f32 v62, v33  }
0xec: {  	s24 =	sadd.s32 $0xD, s11;
	v63 =	vmov s14;
	v61 =	vmov s21;
	[tilespmem:v45+s20+$0x0] =	vst.idx.msk $0xffff, v3;
	v3 =	vadd.f32 v50, v33  }
0xed: {  	p1 =	slt.u32 s11, $0x70;
	v62 =	vmov s24;
	v44 =	vshrl.u32 v0, $0x3;
	v0 =	vadd.f32 v47, v33;
	[tilespmem:v42+s20+$0x0] =	vst.idx.msk $0xffff, v4  }
.Ltmp0:
0xee: {  	v50 =	vshrl.u32 v2, $0x3;
	v45 =	vshrl.u32 v56, $0x3;
	v4 =	vadd.f32 v43, v33;
	[tilespmem:v39+s20+$0x0] =	vst.idx.msk $0xffff, v3;
	(pc) =	sbr.rel @p1 .LBB2_3-.Ltmp0, $4  }
0xef: {  	v47 =	vshrl.u32 v55, $0x3;
	v42 =	vshrl.u32 v59, $0x3;
	v3 =	vadd.f32 v40, v33;
	[tilespmem:v46+s20+$0x0] =	vst.idx.msk $0xffff, v0  }
0xf0: {  	v43 =	vshrl.u32 v60, $0x3;
	v46 =	vshrl.u32 v53, $0x3;
	[tilespmem:v41+s20+$0x0] =	vst.idx.msk $0xffff, v4;
	v2 =	vadd.f32 v48, v33  }
0xf1: {  	v39 =	vshrl.u32 v62, $0x3;
	v40 =	vshrl.u32 v63, $0x3;
	v48 =	vshrl.u32 v54, $0x3;
	[tilespmem:v38+s20+$0x0] =	vst.idx.msk $0xffff, v3  }
0xf2: {  	s12 =	sadd.s32 $0xF, s11;
	s11 =	sadd.s32 $0x10, s11;
	v41 =	vshrl.u32 v61, $0x3;
	v38 =	vshrl.u32 v58, $0x3;
	[tilespmem:v37+s20+$0x0] =	vst.idx.msk $0xffff, v2;
	v37 =	vbroadcast v5, $0x0  }
0xf3: {  	v29 =	vld [tilespmem:$0x1FE40]  }
0xf4: {  	v25 =	vld [tilespmem:$0x1FE60]  }
0xf5: {  	v0 =	vshll.u32 v44, v1;
	v2 =	vshll.u32 v50, v1;
	v3 =	vmov s12;
	s2 =	sadd.s32 $0x400, s2;
	v10 =	vld [tilespmem:$0x1FE00]  }
0xf6: {  	v4 =	vshll.u32 v45, v1;
	v50 =	vshll.u32 v38, v1;
	v3 =	vshrl.u32 v3, $0x3;
	v60 =	vld [tilespmem:s2+$0x1C0]  }
0xf7: {  	v38 =	vbroadcast v0, $0x0;
	v0 =	vshll.u32 v41, v1;
	v55 =	vld [tilespmem:s2+$0xFFFFFE80];
	v41 =	vbroadcast v2, $0x0  }
0xf8: {  	v2 =	vshll.u32 v39, v1;
	v57 =	vld [tilespmem:s2+$0xFFFFFEC0];
	v39 =	vbroadcast v4, $0x0;
	v3 =	vshll.u32 v3, v1  }
0xf9: {  	v3 =	vbroadcast v3, $0x0  }
0xfa: {  	v5 =	vshll.u32 v51, v1;
	v45 =	vshll.u32 v49, v1;
	v61 =	vld [tilespmem:s2+$0xFFFFFE00];
	v49 =	vadd.s32 v18, v39  }
0xfb: {  	v52 =	vshll.u32 v43, v1;
	v43 =	vld [tilespmem:s2+$0xFFFFFE40];
	v4 =	vshll.u32 v40, v1;
	v53 =	vadd.s32 v29, v3  }
0xfc: {  	v40 =	vbroadcast v5, $0x0;
	v54 =	vadd.s32 v25, v37;
	v5 =	vadd.f32 v60, v36  }
0xfd: {  	v56 =	vadd.s32 v10, v38;
	v60 =	vld [tilespmem:s2+$0xFFFFFF40];
	v63 =	vadd.f32 v55, v36;
	v55 =	vadd.f32 v57, v36  }
0xfe: {  	v44 =	vshll.u32 v48, v1;
	v46 =	vshll.u32 v46, v1;
	v59 =	vld [tilespmem:s2+$0xFFFFFF00];
	v58 =	vadd.s32 v14, v41  }
0xff: {  	v51 =	vshll.u32 v42, v1;
	v42 =	vbroadcast v44, $0x0;
	v48 =	vadd.f32 v61, v36;
	[tilespmem:v49+s20+$0x0] =	vst.idx.msk $0xffff, v55  }
0x100: {  	v62 =	vadd.f32 v43, v36;
	v43 =	vbroadcast v45, $0x0;
	[tilespmem:v53+s20+$0x0] =	vst.idx.msk $0xffff, v5;
	v5 =	vadd.s32 v22, v40;
	v53 =	vld [tilespmem:s2+$0xFFFFFF80]  }
0x101: {  	v47 =	vshll.u32 v47, v1;
	v44 =	vbroadcast v46, $0x0;
	[tilespmem:v54+s20+$0x0] =	vst.idx.msk $0xffff, v48;
	v48 =	vadd.s32 v26, v42;
	v54 =	vld [tilespmem:s2+$0x1D0]  }
0x102: {  	v46 =	vbroadcast v50, $0x0;
	[tilespmem:v56+s20+$0x0] =	vst.idx.msk $0xffff, v62;
	v56 =	vadd.s32 v30, v43;
	v49 =	vadd.f32 v60, v36;
	v60 =	vld [tilespmem:s2+$0x40]  }
0x103: {  	v57 =	vld [tilespmem:s2+$0xFFFFFFC0];
	v61 =	vadd.s32 v6, v3;
	[tilespmem:v58+s20+$0x0] =	vst.idx.msk $0xffff, v63;
	v58 =	vadd.f32 v59, v36  }
0x104: {  	v45 =	vbroadcast v47, $0x0;
	v59 =	vld [tilespmem:s2+$0x0];
	v62 =	vadd.s32 v10, v46  }
0x105: {  	v55 =	vadd.s32 v29, v44;
	[tilespmem:v5+s20+$0x0] =	vst.idx.msk $0xffff, v58;
	v29 =	vadd.f32 v53, v36  }
0x106: {  	v53 =	vadd.s32 v25, v45;
	[tilespmem:v48+s20+$0x0] =	vst.idx.msk $0xffff, v49;
	v25 =	vadd.f32 v54, v35  }
0x107: {  	v50 =	vbroadcast v2, $0x0;
	v2 =	vadd.f32 v60, v36;
	[tilespmem:v56+s20+$0x0] =	vst.idx.msk $0xffff, v29  }
0x108: {  	v63 =	vld [tilespmem:s2+$0xC0];
	v29 =	vadd.f32 v57, v36;
	[tilespmem:v61+s20+$0x0] =	vst.idx.msk $0xffff, v25  }
0x109: {  	v10 =	vld [tilespmem:s2+$0x100];
	v48 =	vbroadcast v52, $0x0;
	v49 =	vbroadcast v0, $0x0;
	v0 =	vadd.f32 v59, v36;
	[tilespmem:v62+s20+$0x0] =	vst.idx.msk $0xffff, v2  }
0x10a: {  	v47 =	vbroadcast v51, $0x0;
	v58 =	vld [tilespmem:s2+$0x80];
	[tilespmem:v55+s20+$0x0] =	vst.idx.msk $0xffff, v29  }
0x10b: {  	v60 =	vld [tilespmem:s2+$0x180];
	v18 =	vadd.s32 v18, v48;
	[tilespmem:v53+s20+$0x0] =	vst.idx.msk $0xffff, v0  }
0x10c: {  	v52 =	vadd.s32 v14, v47;
	v14 =	vld [tilespmem:$0x1FE50]  }
0x10d: {  	v57 =	vld [tilespmem:s2+$0x140]  }
0x10e: {  	v25 =	vadd.s32 v22, v49;
	v2 =	vld [tilespmem:s2+$0xFFFFFE50];
	v61 =	vadd.f32 v63, v36  }
0x10f: {  	v55 =	vld [tilespmem:s2+$0x1E0];
	v29 =	vadd.s32 v26, v50;
	v0 =	vadd.f32 v58, v36  }
0x110: {  	v51 =	vbroadcast v4, $0x0;
	v22 =	vld [tilespmem:s2+$0xFFFFFED0];
	[tilespmem:v18+s20+$0x0] =	vst.idx.msk $0xffff, v61;
	v18 =	vadd.s32 v11, v38  }
0x111: {  	v63 =	vadd.f32 v10, v36;
	[tilespmem:v52+s20+$0x0] =	vst.idx.msk $0xffff, v0;
	v0 =	vld [tilespmem:s2+$0xFFFFFE90];
	v62 =	vadd.s32 v14, v3  }
0x112: {  	v10 =	vadd.s32 v30, v51;
	v30 =	vadd.f32 v60, v36;
	v57 =	vadd.f32 v57, v36  }
0x113: {  	v26 =	vld [tilespmem:s2+$0xFFFFFF10];
	[tilespmem:v25+s20+$0x0] =	vst.idx.msk $0xffff, v63;
	v25 =	vadd.s32 v15, v41;
	v2 =	vadd.f32 v2, v35  }
0x114: {  	v60 =	vld [tilespmem:s2+$0xFFFFFF50];
	v55 =	vadd.f32 v55, v34;
	[tilespmem:v29+s20+$0x0] =	vst.idx.msk $0xffff, v57;
	v29 =	vadd.s32 v19, v39  }
0x115: {  	v61 =	vadd.s32 v23, v40;
	[tilespmem:v18+s20+$0x0] =	vst.idx.msk $0xffff, v2;
	v2 =	vadd.f32 v22, v35;
	v22 =	vld [tilespmem:s2+$0xFFFFFFD0]  }
0x116: {  	v63 =	vadd.s32 v27, v42;
	v0 =	vadd.f32 v0, v35;
	[tilespmem:v62+s20+$0x0] =	vst.idx.msk $0xffff, v55;
	v62 =	vld [tilespmem:s2+$0xFFFFFF90]  }
0x117: {  	[tilespmem:v10+s20+$0x0] =	vst.idx.msk $0xffff, v30;
	v10 =	vld [tilespmem:s2+$0x1F0]  }
0x118: {  	v18 =	vadd.s32 v31, v43;
	[tilespmem:v25+s20+$0x0] =	vst.idx.msk $0xffff, v0;
	v0 =	vadd.f32 v26, v35;
	v25 =	vld [tilespmem:s2+$0x10]  }
0x119: {  	v3 =	vadd.s32 v9, v3;
	[tilespmem:v29+s20+$0x0] =	vst.idx.msk $0xffff, v2;
	v2 =	vadd.f32 v60, v35  }
0x11a: {  	v26 =	vadd.s32 v6, v44;
	v29 =	vld [tilespmem:s2+$0x50];
	[tilespmem:v61+s20+$0x0] =	vst.idx.msk $0xffff, v0  }
0x11b: {  	v30 =	vadd.s32 v7, v45;
	[tilespmem:v63+s20+$0x0] =	vst.idx.msk $0xffff, v2;
	v63 =	vld [tilespmem:s2+$0x110];
	v0 =	vadd.f32 v62, v35  }
0x11c: {  	v2 =	vadd.s32 v11, v46;
	v61 =	vld [tilespmem:s2+$0xD0];
	v11 =	vadd.s32 v23, v49;
	v54 =	vadd.f32 v10, v33  }
0x11d: {  	v60 =	vld [tilespmem:s2+$0x90];
	v5 =	vadd.f32 v25, v35;
	[tilespmem:v18+s20+$0x0] =	vst.idx.msk $0xffff, v0;
	v0 =	vadd.f32 v22, v35  }
0x11e: {  	v62 =	vadd.s32 v15, v47;
	v15 =	vld [tilespmem:s2+$0x190];
	[tilespmem:v3+s20+$0x0] =	vst.idx.msk $0xffff, v54;
	v3 =	vadd.s32 v19, v48  }
0x11f: {  	v10 =	vld [tilespmem:s2+$0x150];
	[tilespmem:v26+s20+$0x0] =	vst.idx.msk $0xffff, v0;
	v0 =	vadd.f32 v29, v35  }
0x120: {  	v23 =	vadd.s32 v31, v51;
	[tilespmem:v30+s20+$0x0] =	vst.idx.msk $0xffff, v5;
	v56 =	vadd.f32 v63, v35;
	v18 =	vld [tilespmem:s2+$0xFFFFFE10]  }
0x121: {  	v22 =	vadd.s32 v27, v50;
	[tilespmem:v2+s20+$0x0] =	vst.idx.msk $0xffff, v0;
	v0 =	vld [tilespmem:s2+$0xFFFFFE60];
	v2 =	vadd.f32 v61, v35  }
0x122: {  	v25 =	vadd.s32 v7, v37;
	[tilespmem:v11+s20+$0x0] =	vst.idx.msk $0xffff, v56;
	v19 =	vadd.f32 v60, v35;
	v26 =	vld [tilespmem:s2+$0xFFFFFEA0]  }
0x123: {  	v53 =	vadd.f32 v15, v35;
	[tilespmem:v3+s20+$0x0] =	vst.idx.msk $0xffff, v2;
	v2 =	vadd.s32 v12, v38;
	v3 =	vld [tilespmem:s2+$0xFFFFFEE0]  }
0x124: {  	v27 =	vadd.s32 v16, v41;
	v29 =	vld [tilespmem:s2+$0xFFFFFF20];
	[tilespmem:v62+s20+$0x0] =	vst.idx.msk $0xffff, v19;
	v54 =	vadd.f32 v10, v35  }
0x125: {  	v31 =	vld [tilespmem:s2+$0xFFFFFF60];
	v30 =	vadd.s32 v20, v39;
	v5 =	vadd.f32 v18, v35;
	[tilespmem:v23+s20+$0x0] =	vst.idx.msk $0xffff, v53  }
0x126: {  	v60 =	vadd.s32 v24, v40;
	v61 =	vld [tilespmem:s2+$0xFFFFFFA0];
	[tilespmem:v22+s20+$0x0] =	vst.idx.msk $0xffff, v54;
	v0 =	vadd.f32 v0, v34  }
0x127: {  	v63 =	vadd.s32 v28, v42;
	v10 =	vld [tilespmem:s2+$0xFFFFFFE0];
	[tilespmem:v25+s20+$0x0] =	vst.idx.msk $0xffff, v5;
	v62 =	vadd.f32 v26, v34  }
0x128: {  	[tilespmem:v2+s20+$0x0] =	vst.idx.msk $0xffff, v0;
	v0 =	vadd.f32 v3, v34;
	v2 =	vadd.s32 v32, v43;
	v3 =	vld [tilespmem:s2+$0x20]  }
0x129: {  	v14 =	vadd.s32 v14, v44;
	v15 =	vld [tilespmem:s2+$0x60];
	v11 =	vadd.f32 v29, v34;
	[tilespmem:v27+s20+$0x0] =	vst.idx.msk $0xffff, v62  }
0x12a: {  	v19 =	vld [tilespmem:s2+$0xA0];
	v18 =	vadd.s32 v8, v45;
	[tilespmem:v30+s20+$0x0] =	vst.idx.msk $0xffff, v0;
	v0 =	vadd.f32 v31, v34  }
0x12b: {  	v23 =	vadd.s32 v12, v46;
	v25 =	vld [tilespmem:s2+$0xE0];
	[tilespmem:v60+s20+$0x0] =	vst.idx.msk $0xffff, v11;
	v22 =	vadd.f32 v61, v34  }
0x12c: {  	v26 =	vadd.s32 v16, v47;
	v29 =	vld [tilespmem:s2+$0x160];
	[tilespmem:v63+s20+$0x0] =	vst.idx.msk $0xffff, v0;
	v0 =	vadd.f32 v10, v34  }
0x12d: {  	v27 =	vld [tilespmem:s2+$0x120];
	[tilespmem:v2+s20+$0x0] =	vst.idx.msk $0xffff, v22;
	v2 =	vadd.f32 v3, v34;
	v3 =	vadd.s32 v20, v48  }
0x12e: {  	v59 =	vadd.s32 v28, v50;
	v31 =	vld [tilespmem:s2+$0x1A0];
	[tilespmem:v14+s20+$0x0] =	vst.idx.msk $0xffff, v0;
	v0 =	vadd.f32 v15, v34  }
0x12f: {  	v58 =	vadd.f32 v19, v34;
	v30 =	vadd.s32 v24, v49;
	[tilespmem:v18+s20+$0x0] =	vst.idx.msk $0xffff, v2;
	v2 =	vld [tilespmem:s2+$0xFFFFFE20]  }
0x130: {  	v61 =	vadd.s32 v32, v51;
	v60 =	vadd.f32 v25, v34;
	[tilespmem:v23+s20+$0x0] =	vst.idx.msk $0xffff, v0;
	v0 =	vld [tilespmem:s2+$0xFFFFFE70]  }
0x131: {  	v62 =	vadd.s32 v8, v37;
	[tilespmem:v26+s20+$0x0] =	vst.idx.msk $0xffff, v58;
	v4 =	vadd.f32 v29, v34;
	v63 =	vld [tilespmem:s2+$0xFFFFFEB0]  }
0x132: {  	v55 =	vadd.f32 v27, v34;
	v12 =	vld [tilespmem:s2+$0xFFFFFEF0];
	[tilespmem:v3+s20+$0x0] =	vst.idx.msk $0xffff, v60;
	v3 =	vadd.s32 v13, v38  }
0x133: {  	[tilespmem:v59+s20+$0x0] =	vst.idx.msk $0xffff, v4;
	v14 =	vadd.s32 v17, v41;
	v16 =	vadd.f32 v31, v34  }
0x134: {  	[tilespmem:v30+s20+$0x0] =	vst.idx.msk $0xffff, v55;
	v18 =	vadd.s32 v21, v39;
	v2 =	vadd.f32 v2, v34  }
0x135: {  	v19 =	vld [tilespmem:s2+$0xFFFFFF70];
	[tilespmem:v61+s20+$0x0] =	vst.idx.msk $0xffff, v16;
	v0 =	vadd.f32 v0, v33  }
0x136: {  	v20 =	vld [tilespmem:$0x1FF50];
	[tilespmem:v62+s20+$0x0] =	vst.idx.msk $0xffff, v2;
	v2 =	vadd.f32 v63, v33  }
0x137: {  	v24 =	vld [tilespmem:$0x1FF90];
	[tilespmem:v3+s20+$0x0] =	vst.idx.msk $0xffff, v0;
	v0 =	vadd.f32 v12, v33  }
0x138: {  	v27 =	vld [tilespmem:$0x1FFD0];
	[tilespmem:v14+s20+$0x0] =	vst.idx.msk $0xffff, v2  }
0x139: {  	v15 =	vld [tilespmem:s2+$0xFFFFFF30];
	[tilespmem:v18+s20+$0x0] =	vst.idx.msk $0xffff, v0  }
0x13a: {  	v31 =	vld [tilespmem:$0x1FE90]  }
0x13b: {  	v23 =	vld [tilespmem:s2+$0xFFFFFFB0];
	v22 =	vadd.s32 v20, v40  }
0x13c: {  	v26 =	vld [tilespmem:s2+$0xFFFFFFF0];
	v25 =	vadd.s32 v24, v42  }
0x13d: {  	v28 =	vld [tilespmem:s2+$0x30];
	v3 =	vadd.s32 v27, v43  }
0x13e: {  	v29 =	vadd.s32 v9, v44;
	v30 =	vld [tilespmem:s2+$0x70];
	v2 =	vadd.f32 v15, v33  }
0x13f: {  	v55 =	vld [tilespmem:s2+$0x130];
	v0 =	vadd.f32 v19, v33;
	v44 =	vadd.s32 v31, v45  }
0x140: {  	v52 =	vadd.s32 v13, v46;
	v53 =	vld [tilespmem:s2+$0xF0];
	[tilespmem:v22+s20+$0x0] =	vst.idx.msk $0xffff, v2;
	v2 =	vadd.f32 v23, v33  }
0x141: {  	v57 =	vadd.s32 v20, v49;
	v45 =	vld [tilespmem:s2+$0xB0];
	[tilespmem:v25+s20+$0x0] =	vst.idx.msk $0xffff, v0;
	v0 =	vadd.f32 v26, v33  }
0x142: {  	v56 =	vld [tilespmem:s2+$0x170];
	[tilespmem:v3+s20+$0x0] =	vst.idx.msk $0xffff, v2;
	v2 =	vadd.f32 v28, v33;
	v3 =	vadd.s32 v21, v48  }
0x143: {  	v54 =	vadd.s32 v17, v47;
	v58 =	vld [tilespmem:s2+$0x1B0];
	[tilespmem:v29+s20+$0x0] =	vst.idx.msk $0xffff, v0;
	v0 =	vadd.f32 v30, v33  }
0x144: {  	v63 =	vadd.f32 v55, v33;
	v60 =	vadd.s32 v24, v50;
	[tilespmem:v44+s20+$0x0] =	vst.idx.msk $0xffff, v2;
	v2 =	vld [tilespmem:s2+$0xFFFFFE30]  }
0x145: {  	v61 =	vadd.s32 v27, v51;
	[tilespmem:v52+s20+$0x0] =	vst.idx.msk $0xffff, v0;
	v0 =	vadd.f32 v53, v33  }
0x146: {  	[tilespmem:v57+s20+$0x0] =	vst.idx.msk $0xffff, v63;
	v62 =	vadd.s32 v31, v37;
	v59 =	vadd.f32 v45, v33  }
0x147: {  	s11 =	smul.u32 $0x140000, s10;
	[tilespmem:v3+s20+$0x0] =	vst.idx.msk $0xffff, v0;
	v0 =	vadd.f32 v56, v33  }
0x148: {  	[tilespmem:v54+s20+$0x0] =	vst.idx.msk $0xffff, v59;
	v3 =	vadd.f32 v58, v33  }
0x149: {  	s2 =	sor.u32 s5, s11;
	[tilespmem:v60+s20+$0x0] =	vst.idx.msk $0xffff, v0;
	v0 =	vadd.f32 v2, v33  }
0x14a: {  	s2 =	sshrl.u32 s2, $0x3;
	[tilespmem:v61+s20+$0x0] =	vst.idx.msk $0xffff, v3  }
0x14b: {  	s12 =	simm.s32 $0xA800;
	s11 =	sadd.s32 s3, s2;
	[tilespmem:v62+s20+$0x0] =	vst.idx.msk $0xffff, v0  }
0x14c: {  	[hbm4b:s11+s4] =	stream.linear.scatter [tilespmem:s12], [sflag:$0x6], $0x80, $0x38;
	[tilespmem:$0x18400] =	vst v63  }
0x14d: {  	s14 =	simm.s32 $0xA888;
	s16 =	sadd.s32 $0x10, s11  }
0x14e: {  	[hbm4b:s16+s4] =	stream.linear.scatter [tilespmem:s14], [sflag:$0x6], $0x80, $0x38;
	[tilespmem:$0x18400] =	vst v63  }
0x14f: {  	s17 =	simm.s32 $0xA910;
	s21 =	simm.s32 $0xA998;
	s18 =	sadd.s32 $0x20, s11  }
0x150: {  	[hbm4b:s18+s4] =	stream.linear.scatter [tilespmem:s17], [sflag:$0x6], $0x80, $0x38;
	[tilespmem:$0x18400] =	vst v63  }
0x151: {  	s2 =	simm.s32 $0x440;
	s24 =	sadd.s32 $0x30, s11;
	s12 =	simm.s32 $0x2200  }
0x152: {  	[hbm4b:s24+s4] =	stream.linear.scatter [tilespmem:s21], [sflag:$0x6], $0x80, $0x38;
	[tilespmem:$0x18400] =	vst v63  }
0x153: {  	s14 =	simm.s32 $0xAA20;
	s16 =	sadd.s32 $0x40, s11;
	s17 =	simm.s32 $0xAAA8  }
0x154: {  	[hbm4b:s16+s4] =	stream.linear.scatter [tilespmem:s14], [sflag:$0x6], $0x80, $0x38;
	[tilespmem:$0x18400] =	vst v63  }
0x155: {  	s18 =	sadd.s32 $0x50, s11;
	s21 =	simm.s32 $0xAB30;
	s24 =	sadd.s32 $0x60, s11  }
0x156: {  	[hbm4b:s18+s4] =	stream.linear.scatter [tilespmem:s17], [sflag:$0x6], $0x80, $0x38;
	[tilespmem:$0x18400] =	vst v63  }
0x157: {  	s14 =	simm.s32 $0xABB8;
	s16 =	sadd.s32 $0x70, s11;
	s11 =	sadd.s32 $0x1000, s11  }
0x158: {  	[hbm4b:s24+s4] =	stream.linear.scatter [tilespmem:s21], [sflag:$0x6], $0x80, $0x38;
	[tilespmem:$0x18400] =	vst v63  }
.LBB2_5:
0x159: {  	[hbm4b:s16+s4] =	stream.linear.scatter [tilespmem:s14], [sflag:$0x6], $0x80, $0x38;
	[tilespmem:$0x18400] =	vst v63  }
0x15a: {  	s14 =	smov.u32 s2;
	s2 =	smov.u32 s12  }
0x15b: {  	s17 =	sadd.s32 $0x1100, s12;
	s2 =	sshra.s32 s2, $0x2;
	s16 =	sadd.s32 $0xA800, s14  }
0x15c: {  	[hbm4b:s11+s4] =	stream.linear.scatter [tilespmem:s16], [sflag:$0x6], $0x80, $0x38;
	[tilespmem:$0x18400] =	vst v63  }
0x15d: {  	p1 =	sne.s32 s12, $0x7700;
	s12 =	sadd.s32 $0xA888, s14;
	s16 =	sadd.s32 $0x10, s11  }
0x15e: {  	[hbm4b:s16+s4] =	stream.linear.scatter [tilespmem:s12], [sflag:$0x6], $0x80, $0x38;
	[tilespmem:$0x18400] =	vst v63  }
0x15f: {  	s12 =	sadd.s32 $0xA910, s14;
	s16 =	sadd.s32 $0x20, s11  }
0x160: {  	[hbm4b:s16+s4] =	stream.linear.scatter [tilespmem:s12], [sflag:$0x6], $0x80, $0x38;
	[tilespmem:$0x18400] =	vst v63  }
0x161: {  	s12 =	sadd.s32 $0xA998, s14;
	s16 =	sadd.s32 $0x30, s11  }
0x162: {  	[hbm4b:s16+s4] =	stream.linear.scatter [tilespmem:s12], [sflag:$0x6], $0x80, $0x38;
	[tilespmem:$0x18400] =	vst v63  }
0x163: {  	s12 =	sadd.s32 $0xAA20, s14;
	s16 =	sadd.s32 $0x40, s11  }
0x164: {  	[hbm4b:s16+s4] =	stream.linear.scatter [tilespmem:s12], [sflag:$0x6], $0x80, $0x38;
	[tilespmem:$0x18400] =	vst v63  }
.Ltmp1:
0x165: {  	s12 =	sadd.s32 $0xAAA8, s14;
	s16 =	sadd.s32 $0x50, s11;
	(pc) =	sbr.rel @p1 .LBB2_5-.Ltmp1, $4  }
0x166: {  	[hbm4b:s16+s4] =	stream.linear.scatter [tilespmem:s12], [sflag:$0x6], $0x80, $0x38;
	[tilespmem:$0x18400] =	vst v63  }
0x167: {  	s12 =	sadd.s32 $0xAB30, s14;
	s16 =	sadd.s32 $0x60, s11;
	s14 =	sadd.s32 $0xABB8, s14  }
0x168: {  	[hbm4b:s16+s4] =	stream.linear.scatter [tilespmem:s12], [sflag:$0x6], $0x80, $0x38;
	[tilespmem:$0x18400] =	vst v63  }
0x169: {  	s16 =	sadd.s32 $0x70, s11;
	s11 =	sadd.s32 $0x1000, s11;
	s12 =	smov.u32 s17  }
0x16a: {  	[hbm4b:s16+s4] =	stream.linear.scatter [tilespmem:s14], [sflag:$0x6], $0x80, $0x38;
	[tilespmem:$0x18400] =	vst v63  }
0x16b: {  	s12 =	sadd.s32 $0xA800, s2  }
0x16c: {  	[hbm4b:s11+s4] =	stream.linear.scatter [tilespmem:s12], [sflag:$0x6], $0x80, $0x38;
	[tilespmem:$0x18400] =	vst v63  }
0x16d: {  	s14 =	sadd.s32 $0xA888, s2;
	s16 =	sadd.s32 $0x10, s11  }
0x16e: {  	[hbm4b:s16+s4] =	stream.linear.scatter [tilespmem:s14], [sflag:$0x6], $0x80, $0x38;
	[tilespmem:$0x18400] =	vst v63  }
0x16f: {  	s17 =	sadd.s32 $0xA910, s2;
	s18 =	sadd.s32 $0x20, s11  }
0x170: {  	[hbm4b:s18+s4] =	stream.linear.scatter [tilespmem:s17], [sflag:$0x6], $0x80, $0x38;
	[tilespmem:$0x18400] =	vst v63  }
0x171: {  	s21 =	sadd.s32 $0xA998, s2;
	s24 =	sadd.s32 $0x30, s11;
	p1 =	sgt.u32 s10, $0x24  }
0x172: {  	[hbm4b:s24+s4] =	stream.linear.scatter [tilespmem:s21], [sflag:$0x6], $0x80, $0x38;
	[tilespmem:$0x18400] =	vst v63  }
0x173: {  	s14 =	sadd.s32 $0xAA20, s2;
	s16 =	sadd.s32 $0x40, s11;
	s17 =	sadd.s32 $0xAAA8, s2  }
0x174: {  	[hbm4b:s16+s4] =	stream.linear.scatter [tilespmem:s14], [sflag:$0x6], $0x80, $0x38;
	[tilespmem:$0x18400] =	vst v63  }
0x175: {  	s21 =	sadd.s32 $0xAB30, s2;
	s14 =	sadd.s32 $0xABB8, s2;
	s2 =	sand.u32 $0x7, s7  }
0x176: {  	s18 =	sadd.s32 $0x50, s11;
	p2 =	sne.s32 @!p1 s2, $0x7  }
0x177: {  	[hbm4b:s18+s4] =	stream.linear.scatter [tilespmem:s17], [sflag:$0x6], $0x80, $0x38;
	[tilespmem:$0x18400] =	vst v63  }
0x178: {  	s2 =	sadd.s32 $0x1, s7;
	p2 =	por p2, p1  }
0x179: {  	s24 =	sadd.s32 $0x60, s11;
	s16 =	sadd.s32 $0x70, s11;
	s11 =	sshrl.u32 @!p2 s2, $0x3  }
0x17a: {  	[hbm4b:s24+s4] =	stream.linear.scatter [tilespmem:s21], [sflag:$0x6], $0x80, $0x38;
	[tilespmem:$0x18400] =	vst v63  }
0x17b: {  	s11 =	sadd.s32 @!p2 $0x1, s11  }
0x17c: {  	s12 =	sshll.u32 @!p2 s11, $0xF  }
0x17d: {  	[hbm4b:s16+s4] =	stream.linear.scatter [tilespmem:s14], [sflag:$0x6], $0x80, $0x38;
	[tilespmem:$0x18400] =	vst v63  }
0x17e: {  	s11 =	sand.u32 @!p2 $0x1, s11;
	s12 =	sor.u32 @!p2 s5, s12  }
0x17f: {  	s14 =	sshll.u32 @!p2 s11, $0xA;
	s12 =	sshrl.u32 @!p2 s12, $0x3  }
0x180: {  	s11 =	sadd.s32 @!p2 $0xB, s11;
	s16 =	simm.s32 @!p2 $0x0;
	s12 =	sadd.s32 @!p2 s1, s12  }
0x181: {  	[tilespmem:s14], [sflag:s11] =	stream.linear.gather @!p2 [hbm4b:s12+s16], $0x400, $0x38;
	[tilespmem:$0x18400] =	vst v63  }
0x182: {  	s11 =	sadd.s32 $0x3, s7  }
0x183: {  	s14 =	sand.u32 $0x7, s11  }
0x184: {  	p2 =	sne.s32 s14, $0x0  }
0x185: {  	s12 =	sshrl.u32 @!p2 s11, $0x3  }
0x186: {  	s12 =	sand.u32 @!p2 $0x1, s12  }
0x187: {  	s12 =	sadd.s32 @!p2 $0xB, s12  }
0x188: {  	s21 =	simm.s32 $0x0;
	s17 =	sshll.u32 s11, $0x7;
	_ =	swait.ge @!p2 [sflag:s12], $0x400  }
0x189: {  	s16 =	sand.u32 $0x400, s17;
	s17 =	sshll.u32 s14, $0x7;
	[sflag:s12] =	ssyncset.done @!p2 $0x0  }
0x18a: {  	s24 =	simm.s32 $0x6800;
	s18 =	sor.u32 s17, s16;
	[sflag:s12] =	ssyncadd.s32 @!p2 $0xFFFFFC00  }
0x18b: {  	[tilespmem:s24], [sflag:$0x4] =	stream.indirect.gather [hbm4b:s6+s15], $0x40, s18, s15, $0xb8;
	[tilespmem:$0x18400] =	vst v63  }
0x18c: {  	v0 =	vmov s21;
	s21 =	simm.s32 $0x2;
	_ =	swait.ge [sflag:s22], $0x2000  }
0x18d: {  	v3 =	vmov s21;
	s21 =	simm.s32 $0x5;
	[sflag:s22] =	ssyncset.done $0x0  }
0x18e: {  	v33 =	vmov s21;
	s21 =	simm.s32 $0x8;
	s12 =	simm.s32 @!p0 $0x7;
	[sflag:s22] =	ssyncadd.s32 $0xFFFFE000  }
0x18f: {  	v0 =	vshrl.u32 v0, $0x3;
	v3 =	vshrl.u32 v3, $0x3;
	v36 =	vmov s21;
	s21 =	simm.s32 $0xB;
	_ =	swait.ge @!p0 [sflag:s12], $0x2000  }
0x190: {  	v0 =	vshll.u32 v0, v1;
	v3 =	vshll.u32 v3, v1;
	v39 =	vmov s21;
	s18 =	simm.s32 $0x1;
	s24 =	simm.s32 $0x3;
	v14 =	vld [tilespmem:$0x1FE40]  }
0x191: {  	v46 =	vshrl.u32 v36, $0x3;
	s17 =	simm.s32 $0xD;
	v2 =	vmov s18;
	v4 =	vmov s24;
	s18 =	simm.s32 $0x4;
	s24 =	simm.s32 $0x6;
	v6 =	vld [tilespmem:$0x1FE60]  }
0x192: {  	v41 =	vmov s17;
	s17 =	simm.s32 $0xF;
	v5 =	vmov s18;
	v34 =	vmov s24;
	s18 =	simm.s32 $0x7;
	s24 =	simm.s32 $0x9;
	v13 =	vld [tilespmem:$0x1FE00]  }
0x193: {  	v60 =	vmov s17;
	v35 =	vmov s18;
	v37 =	vmov s24;
	s18 =	simm.s32 $0xA;
	s24 =	simm.s32 $0xC;
	v10 =	vld [tilespmem:$0x1FED0]  }
0x194: {  	s21 =	sshll.u32 s2, $0x6;
	v61 =	vshrl.u32 v60, $0x3;
	v38 =	vmov s18;
	v40 =	vmov s24;
	s18 =	simm.s32 $0xE;
	[sflag:s12] =	ssyncset.done @!p0 $0x0;
	v11 =	vld [tilespmem:$0x1FEE0]  }
0x195: {  	v47 =	vshrl.u32 v37, $0x3;
	s24 =	sand.u32 $0x3FFFFFC0, s21;
	v37 =	vbroadcast v0, $0x0;
	v42 =	vmov s18;
	v7 =	vld [tilespmem:$0x1FF20];
	[sflag:s12] =	ssyncadd.s32 @!p0 $0xFFFFE000  }
0x196: {  	v0 =	vshrl.u32 v41, $0x3;
	v41 =	vshrl.u32 v42, $0x3;
	s12 =	simm.s32 $0x2BF0;
	v42 =	vshll.u32 v61, v1;
	v36 =	vld [tilespmem:s24+$0x15200]  }
0x197: {  	v51 =	vbroadcast v3, $0x0;
	v2 =	vshrl.u32 v2, $0x3;
	v62 =	vld [tilespmem:s12+$0xFFFFFFD0];
	v52 =	vbroadcast v42, $0x0  }
0x198: {  	v5 =	vshrl.u32 v5, $0x3;
	v2 =	vshll.u32 v2, v1;
	v40 =	vshrl.u32 v40, $0x3;
	v63 =	vld [tilespmem:s12+$0xFFFFFC10]  }
0x199: {  	v50 =	vbroadcast v2, $0x0;
	v2 =	vshll.u32 v40, v1;
	v54 =	vld [tilespmem:s12+$0xFFFFFC50];
	v40 =	vadd.s32 v14, v52  }
0x19a: {  	v44 =	vshrl.u32 v34, $0x3;
	v45 =	vshrl.u32 v35, $0x3;
	v56 =	vld [tilespmem:s12+$0xFFFFFC90];
	v55 =	vadd.s32 v6, v37  }
0x19b: {  	v5 =	vshll.u32 v5, v1;
	v53 =	vshll.u32 v47, v1;
	v35 =	vld [tilespmem:s24+$0x15210];
	v3 =	vadd.s32 v13, v50  }
0x19c: {  	v47 =	vbroadcast v5, $0x0;
	v34 =	vld [tilespmem:s24+$0x15220];
	v58 =	vadd.s32 v10, v51;
	v5 =	vadd.f32 v62, v36  }
0x19d: {  	v43 =	vshrl.u32 v33, $0x3;
	v33 =	vld [tilespmem:s24+$0x15230];
	v42 =	vadd.f32 v63, v36  }
0x19e: {  	v57 =	vld [tilespmem:s12+$0xFFFFFCD0];
	v32 =	vadd.f32 v54, v36;
	[tilespmem:v40+s23+$0x0] =	vst.idx.msk $0xffff, v5  }
0x19f: {  	v4 =	vshrl.u32 v4, $0x3;
	v59 =	vld [tilespmem:s12+$0xFFFFFD10];
	[tilespmem:v55+s23+$0x0] =	vst.idx.msk $0xffff, v42;
	v5 =	vadd.f32 v56, v36  }
0x1a0: {  	v4 =	vshll.u32 v4, v1;
	v12 =	vld [tilespmem:$0x1FF60];
	[tilespmem:v3+s23+$0x0] =	vst.idx.msk $0xffff, v32  }
0x1a1: {  	v43 =	vshll.u32 v43, v1;
	v39 =	vshrl.u32 v39, $0x3;
	v49 =	vbroadcast v4, $0x0;
	v8 =	vld [tilespmem:$0x1FFA0];
	[tilespmem:v58+s23+$0x0] =	vst.idx.msk $0xffff, v5  }
0x1a2: {  	v46 =	vshll.u32 v46, v1;
	v39 =	vshll.u32 v39, v1;
	v48 =	vshll.u32 v44, v1;
	v9 =	vld [tilespmem:$0x1FFE0]  }
0x1a3: {  	v44 =	vbroadcast v43, $0x0;
	v45 =	vshll.u32 v45, v1;
	v61 =	vld [tilespmem:s12+$0xFFFFFD50];
	v60 =	vadd.s32 v11, v49  }
0x1a4: {  	v4 =	vshll.u32 v41, v1;
	v41 =	vbroadcast v48, $0x0;
	v54 =	vadd.s32 v7, v47;
	v62 =	vld [tilespmem:s12+$0xFFFFFD90]  }
0x1a5: {  	v38 =	vshrl.u32 v38, $0x3;
	v48 =	vbroadcast v45, $0x0;
	v55 =	vld [tilespmem:s12+$0xFFFFFFE0];
	v40 =	vadd.s32 v12, v44  }
0x1a6: {  	v45 =	vbroadcast v46, $0x0;
	v3 =	vadd.f32 v57, v36;
	v57 =	vld [tilespmem:s12+$0xFFFFFE10];
	v43 =	vadd.s32 v8, v41  }
0x1a7: {  	v38 =	vshll.u32 v38, v1;
	v32 =	vld [tilespmem:s12+$0xFFFFFDD0];
	v5 =	vadd.f32 v59, v36;
	v58 =	vadd.s32 v9, v52  }
0x1a8: {  	v46 =	vbroadcast v53, $0x0;
	v53 =	vadd.s32 v6, v45;
	[tilespmem:v60+s23+$0x0] =	vst.idx.msk $0xffff, v3;
	v3 =	vadd.f32 v61, v36;
	v60 =	vld [tilespmem:s12+$0xFFFFFE50]  }
0x1a9: {  	v39 =	vbroadcast v39, $0x0;
	v59 =	vadd.s32 v14, v48;
	[tilespmem:v54+s23+$0x0] =	vst.idx.msk $0xffff, v5;
	v5 =	vadd.f32 v62, v36  }
0x1aa: {  	v42 =	vbroadcast v38, $0x0;
	v54 =	vld [tilespmem:s12+$0xFFFFFE90];
	v55 =	vadd.f32 v55, v35;
	[tilespmem:v40+s23+$0x0] =	vst.idx.msk $0xffff, v3;
	v3 =	vadd.s32 v13, v46  }
0x1ab: {  	v0 =	vshll.u32 v0, v1;
	v61 =	vld [tilespmem:s12+$0xFFFFFED0];
	v40 =	vbroadcast v2, $0x0;
	v2 =	vadd.f32 v57, v36;
	[tilespmem:v43+s23+$0x0] =	vst.idx.msk $0xffff, v5  }
0x1ac: {  	v56 =	vadd.s32 v10, v42;
	v5 =	vadd.f32 v32, v36;
	v32 =	vld [tilespmem:s12+$0xFFFFFF10];
	[tilespmem:v58+s23+$0x0] =	vst.idx.msk $0xffff, v55  }
0x1ad: {  	v63 =	vld [tilespmem:s12+$0xFFFFFF50];
	v38 =	vbroadcast v0, $0x0;
	v0 =	vadd.f32 v60, v36;
	v57 =	vadd.s32 v11, v39;
	[tilespmem:v53+s23+$0x0] =	vst.idx.msk $0xffff, v2  }
0x1ae: {  	v43 =	vbroadcast v4, $0x0;
	v4 =	vld [tilespmem:s12+$0xFFFFFC60];
	[tilespmem:v59+s23+$0x0] =	vst.idx.msk $0xffff, v5;
	v5 =	vadd.s32 v7, v40  }
0x1af: {  	v2 =	vadd.f32 v54, v36;
	v53 =	vadd.s32 v12, v38;
	v54 =	vld [tilespmem:s12+$0xFFFFFF90];
	[tilespmem:v3+s23+$0x0] =	vst.idx.msk $0xffff, v0  }
0x1b0: {  	v0 =	vadd.f32 v61, v36;
	v7 =	vld [tilespmem:$0x1FE50]  }
0x1b1: {  	v55 =	vld [tilespmem:s12+$0xFFFFFFF0];
	[tilespmem:v56+s23+$0x0] =	vst.idx.msk $0xffff, v2;
	v2 =	vadd.f32 v32, v36  }
0x1b2: {  	v13 =	vld [tilespmem:$0x1FEA0];
	[tilespmem:v57+s23+$0x0] =	vst.idx.msk $0xffff, v0;
	v0 =	vadd.f32 v63, v36  }
0x1b3: {  	v11 =	vld [tilespmem:$0x1FE10];
	[tilespmem:v5+s23+$0x0] =	vst.idx.msk $0xffff, v2  }
0x1b4: {  	v10 =	vld [tilespmem:$0x1FEF0];
	[tilespmem:v53+s23+$0x0] =	vst.idx.msk $0xffff, v0  }
0x1b5: {  	v23 =	vld [tilespmem:$0x1FF30];
	v3 =	vadd.s32 v7, v52  }
0x1b6: {  	v58 =	vld [tilespmem:s12+$0xFFFFFCA0];
	v56 =	vadd.s32 v8, v43  }
0x1b7: {  	v32 =	vld [tilespmem:s12+$0xFFFFFCE0];
	v59 =	vadd.s32 v13, v50  }
0x1b8: {  	v61 =	vld [tilespmem:s12+$0xFFFFFD20];
	v2 =	vadd.f32 v55, v34;
	v57 =	vadd.s32 v11, v51  }
0x1b9: {  	v63 =	vld [tilespmem:s12+$0xFFFFFE20];
	v0 =	vadd.f32 v54, v36;
	v5 =	vadd.s32 v10, v49  }
0x1ba: {  	v4 =	vadd.f32 v4, v35;
	v54 =	vld [tilespmem:s12+$0xFFFFFDA0];
	v53 =	vadd.s32 v23, v47;
	[tilespmem:v3+s23+$0x0] =	vst.idx.msk $0xffff, v2  }
0x1bb: {  	v2 =	vadd.f32 v58, v35;
	v12 =	vld [tilespmem:$0x1FF70];
	[tilespmem:v56+s23+$0x0] =	vst.idx.msk $0xffff, v0  }
0x1bc: {  	v55 =	vld [tilespmem:s12+$0xFFFFFD60];
	[tilespmem:v59+s23+$0x0] =	vst.idx.msk $0xffff, v4;
	v4 =	vadd.f32 v32, v35  }
0x1bd: {  	v31 =	vld [tilespmem:$0x1FFB0];
	[tilespmem:v57+s23+$0x0] =	vst.idx.msk $0xffff, v2;
	v2 =	vadd.f32 v61, v35  }
0x1be: {  	v14 =	vmov v6;
	v6 =	vld [tilespmem:$0x1FFF0];
	[tilespmem:v5+s23+$0x0] =	vst.idx.msk $0xffff, v4  }
0x1bf: {  	[tilespmem:v53+s23+$0x0] =	vst.idx.msk $0xffff, v2;
	v2 =	vadd.f32 v54, v35;
	v54 =	vld [tilespmem:s12+$0xFFFFFEA0]  }
0x1c0: {  	v8 =	vmov v7;
	v7 =	vld [tilespmem:$0x1FE70];
	v3 =	vadd.s32 v12, v44  }
0x1c1: {  	v0 =	vld [tilespmem:s12+$0x0];
	v56 =	vadd.s32 v11, v42  }
0x1c2: {  	v62 =	vld [tilespmem:s12+$0xFFFFFDE0];
	v60 =	vadd.s32 v31, v41  }
0x1c3: {  	v4 =	vadd.f32 v55, v35;
	v52 =	vadd.s32 v6, v52  }
0x1c4: {  	v57 =	vadd.f32 v63, v35;
	v5 =	vadd.s32 v9, v48;
	v55 =	vld [tilespmem:s12+$0xFFFFFE60];
	v63 =	vadd.f32 v54, v35  }
0x1c5: {  	v53 =	vadd.s32 v7, v45;
	[tilespmem:v3+s23+$0x0] =	vst.idx.msk $0xffff, v4  }
0x1c6: {  	v0 =	vadd.f32 v0, v33;
	v3 =	vadd.s32 v13, v46;
	v4 =	vld [tilespmem:s12+$0xFFFFFEE0];
	[tilespmem:v56+s23+$0x0] =	vst.idx.msk $0xffff, v63  }
0x1c7: {  	v32 =	vld [tilespmem:s12+$0xFFFFFF20];
	[tilespmem:v60+s23+$0x0] =	vst.idx.msk $0xffff, v2;
	v2 =	vadd.f32 v62, v35  }
0x1c8: {  	v59 =	vadd.s32 v10, v39;
	[tilespmem:v52+s23+$0x0] =	vst.idx.msk $0xffff, v0  }
0x1c9: {  	v60 =	vld [tilespmem:s12+$0xFFFFFF60];
	v0 =	vadd.f32 v55, v35;
	[tilespmem:v5+s23+$0x0] =	vst.idx.msk $0xffff, v2;
	v2 =	vadd.s32 v23, v40  }
0x1ca: {  	v52 =	vld [tilespmem:s12+$0xFFFFFC20];
	[tilespmem:v53+s23+$0x0] =	vst.idx.msk $0xffff, v57  }
0x1cb: {  	v5 =	vld [tilespmem:s12+$0xFFFFFFA0];
	[tilespmem:v3+s23+$0x0] =	vst.idx.msk $0xffff, v0;
	v0 =	vadd.f32 v4, v35  }
0x1cc: {  	v54 =	vadd.s32 v12, v38;
	v53 =	vadd.f32 v32, v35;
	v12 =	vld [tilespmem:$0x1FEB0]  }
0x1cd: {  	v55 =	vld [tilespmem:s12+$0xFFFFFC70];
	v3 =	vadd.s32 v31, v43;
	[tilespmem:v59+s23+$0x0] =	vst.idx.msk $0xffff, v0  }
0x1ce: {  	v4 =	vadd.s32 v7, v37;
	v16 =	vld [tilespmem:$0x1FE20];
	[tilespmem:v2+s23+$0x0] =	vst.idx.msk $0xffff, v53  }
0x1cf: {  	v0 =	vadd.f32 v60, v35;
	v20 =	vld [tilespmem:$0x1FF00]  }
0x1d0: {  	v57 =	vld [tilespmem:s12+$0xFFFFFCB0];
	v2 =	vadd.f32 v5, v35  }
0x1d1: {  	v32 =	vld [tilespmem:s12+$0xFFFFFCF0];
	v5 =	vadd.f32 v52, v35;
	[tilespmem:v54+s23+$0x0] =	vst.idx.msk $0xffff, v0;
	v56 =	vadd.s32 v12, v50  }
0x1d2: {  	v24 =	vld [tilespmem:$0x1FF40];
	[tilespmem:v3+s23+$0x0] =	vst.idx.msk $0xffff, v2  }
0x1d3: {  	[tilespmem:v4+s23+$0x0] =	vst.idx.msk $0xffff, v5;
	v59 =	vadd.s32 v16, v51  }
0x1d4: {  	v0 =	vadd.f32 v55, v34;
	v28 =	vld [tilespmem:$0x1FF80];
	v62 =	vadd.s32 v20, v49  }
0x1d5: {  	v63 =	vld [tilespmem:s12+$0xFFFFFD70]  }
0x1d6: {  	v61 =	vld [tilespmem:s12+$0xFFFFFDB0];
	v2 =	vadd.f32 v57, v34;
	[tilespmem:v56+s23+$0x0] =	vst.idx.msk $0xffff, v0  }
0x1d7: {  	v0 =	vadd.f32 v32, v34;
	v32 =	vld [tilespmem:$0x1FFC0]  }
0x1d8: {  	v60 =	vld [tilespmem:s12+$0xFFFFFD30];
	[tilespmem:v59+s23+$0x0] =	vst.idx.msk $0xffff, v2  }
0x1d9: {  	v4 =	vld [tilespmem:s12+$0xFFFFFDF0];
	v3 =	vadd.s32 v28, v44;
	[tilespmem:v62+s23+$0x0] =	vst.idx.msk $0xffff, v0  }
0x1da: {  	v57 =	vadd.s32 v8, v48;
	v54 =	vadd.s32 v24, v47;
	v8 =	vld [tilespmem:$0x1FE80]  }
0x1db: {  	v58 =	vld [tilespmem:s12+$0xFFFFFE70]  }
0x1dc: {  	v56 =	vld [tilespmem:s12+$0xFFFFFE30];
	v0 =	vadd.f32 v63, v34;
	v5 =	vadd.s32 v32, v41  }
0x1dd: {  	v53 =	vld [tilespmem:s12+$0xFFFFFC80];
	v2 =	vadd.f32 v60, v34  }
0x1de: {  	v60 =	vadd.s32 v12, v46;
	v63 =	vld [tilespmem:s12+$0xFFFFFEB0];
	[tilespmem:v3+s23+$0x0] =	vst.idx.msk $0xffff, v0;
	v0 =	vadd.f32 v4, v34  }
0x1df: {  	[tilespmem:v54+s23+$0x0] =	vst.idx.msk $0xffff, v2;
	v2 =	vadd.f32 v61, v34;
	v61 =	vld [tilespmem:s12+$0xFFFFFEF0];
	v62 =	vadd.s32 v8, v45  }
0x1e0: {  	v59 =	vld [tilespmem:s12+$0xFFFFFC30];
	[tilespmem:v57+s23+$0x0] =	vst.idx.msk $0xffff, v0  }
0x1e1: {  	v3 =	vld [tilespmem:s12+$0xFFFFFF30];
	v0 =	vadd.f32 v58, v34;
	[tilespmem:v5+s23+$0x0] =	vst.idx.msk $0xffff, v2;
	v5 =	vadd.s32 v16, v42  }
0x1e2: {  	v4 =	vld [tilespmem:s12+$0xFFFFFF70];
	v2 =	vadd.f32 v56, v34  }
0x1e3: {  	v57 =	vadd.s32 v20, v39;
	[tilespmem:v60+s23+$0x0] =	vst.idx.msk $0xffff, v0;
	v60 =	vld [tilespmem:s12+$0xFFFFFCC0]  }
0x1e4: {  	v0 =	vadd.f32 v61, v34;
	v61 =	vld [tilespmem:s12+$0xFFFFFD00];
	[tilespmem:v62+s23+$0x0] =	vst.idx.msk $0xffff, v2;
	v2 =	vadd.f32 v63, v34  }
0x1e5: {  	v58 =	vadd.s32 v24, v40;
	v56 =	vld [tilespmem:s12+$0xFFFFFFB0]  }
0x1e6: {  	v52 =	vadd.s32 v28, v38;
	v13 =	vld [tilespmem:$0x1FEC0];
	[tilespmem:v5+s23+$0x0] =	vst.idx.msk $0xffff, v2  }
0x1e7: {  	v54 =	vadd.s32 v32, v43;
	v17 =	vld [tilespmem:$0x1FE30]  }
0x1e8: {  	v3 =	vadd.f32 v3, v34;
	[tilespmem:v57+s23+$0x0] =	vst.idx.msk $0xffff, v0;
	v57 =	vld [tilespmem:s12+$0xFFFFFD80]  }
0x1e9: {  	v55 =	vadd.s32 v8, v37;
	v4 =	vadd.f32 v4, v34;
	v21 =	vld [tilespmem:$0x1FF10]  }
0x1ea: {  	s18 =	simm.s32 $0x10;
	v56 =	vadd.f32 v56, v34;
	[tilespmem:v58+s23+$0x0] =	vst.idx.msk $0xffff, v3;
	v58 =	vld [tilespmem:s12+$0xFFFFFDC0]  }
0x1eb: {  	v2 =	vmov s18;
	v25 =	vld [tilespmem:$0x1FF50];
	[tilespmem:v52+s23+$0x0] =	vst.idx.msk $0xffff, v4  }
0x1ec: {  	v0 =	vshrl.u32 v2, $0x3;
	v2 =	vadd.f32 v59, v34;
	v29 =	vld [tilespmem:$0x1FF90];
	[tilespmem:v54+s23+$0x0] =	vst.idx.msk $0xffff, v56  }
0x1ed: {  	s21 =	simm.s32 $0x11;
	v48 =	vadd.s32 v6, v48;
	v53 =	vadd.f32 v53, v33;
	v50 =	vadd.s32 v13, v50;
	v30 =	vld [tilespmem:$0x1FFD0]  }
0x1ee: {  	s24 =	simm.s32 $0x12;
	v3 =	vmov s21;
	v0 =	vshll.u32 v0, v1;
	[tilespmem:v55+s23+$0x0] =	vst.idx.msk $0xffff, v2;
	v55 =	vld [tilespmem:s12+$0xFFFFFE80];
	v5 =	vadd.s32 v17, v51  }
0x1ef: {  	v4 =	vmov s24;
	v52 =	vadd.f32 v60, v33;
	v51 =	vld [tilespmem:s12+$0xFFFFFD40];
	v49 =	vadd.s32 v21, v49  }
0x1f0: {  	v59 =	vld [tilespmem:s12+$0xFFFFFE00];
	v56 =	vadd.f32 v61, v33;
	v46 =	vadd.s32 v13, v46;
	v42 =	vadd.s32 v17, v42  }
0x1f1: {  	s17 =	simm.s32 $0x13;
	v60 =	vld [tilespmem:s12+$0xFFFFFE40];
	v39 =	vadd.s32 v21, v39;
	v47 =	vadd.s32 v25, v47;
	v40 =	vadd.s32 v25, v40  }
0x1f2: {  	s18 =	simm.s32 $0x14;
	v54 =	vmov s17;
	v44 =	vadd.s32 v29, v44;
	[tilespmem:v50+s23+$0x0] =	vst.idx.msk $0xffff, v53;
	v50 =	vadd.f32 v57, v33;
	v57 =	vld [tilespmem:s12+$0xFFFFFEC0]  }
0x1f3: {  	s21 =	simm.s32 $0x15;
	v2 =	vmov s18;
	v41 =	vadd.s32 v30, v41;
	v9 =	vld [tilespmem:$0x1FE90];
	v62 =	vadd.f32 v55, v33;
	[tilespmem:v5+s23+$0x0] =	vst.idx.msk $0xffff, v52  }
0x1f4: {  	v53 =	vmov s21;
	s21 =	simm.s32 $0x19;
	v51 =	vadd.f32 v51, v33;
	v52 =	vadd.f32 v58, v33;
	v58 =	vld [tilespmem:s12+$0xFFFFFF00];
	[tilespmem:v49+s23+$0x0] =	vst.idx.msk $0xffff, v56  }
0x1f5: {  	s24 =	simm.s32 $0x16;
	s17 =	simm.s32 $0x17;
	v38 =	vadd.s32 v29, v38;
	v61 =	vmov s21;
	v49 =	vadd.f32 v59, v33;
	v59 =	vld [tilespmem:s12+$0xFFFFFF40];
	[tilespmem:v46+s23+$0x0] =	vst.idx.msk $0xffff, v62  }
0x1f6: {  	s18 =	simm.s32 $0x18;
	v43 =	vadd.s32 v30, v43;
	v5 =	vmov s24;
	v56 =	vmov s17;
	[tilespmem:v47+s23+$0x0] =	vst.idx.msk $0xffff, v51  }
0x1f7: {  	s17 =	simm.s32 $0x1B;
	v47 =	vmov s18;
	v51 =	vadd.f32 v60, v33;
	v60 =	vld [tilespmem:s12+$0xFFFFFF80];
	v46 =	vshrl.u32 v56, $0x3;
	[tilespmem:v44+s23+$0x0] =	vst.idx.msk $0xffff, v50  }
0x1f8: {  	v50 =	vld [tilespmem:s12+$0xFFFFFFC0];
	v55 =	vadd.f32 v57, v33;
	[tilespmem:v48+s23+$0x0] =	vst.idx.msk $0xffff, v49;
	v57 =	vmov s17;
	v45 =	vadd.s32 v9, v45  }
0x1f9: {  	s24 =	simm.s32 $0x1A;
	v44 =	vshrl.u32 v3, $0x3;
	v47 =	vshrl.u32 v47, $0x3;
	[tilespmem:v41+s23+$0x0] =	vst.idx.msk $0xffff, v52;
	v52 =	vld [tilespmem:s12+$0xFFFFFC40];
	v48 =	vadd.f32 v58, v33  }
0x1fa: {  	s18 =	simm.s32 $0x1C;
	v41 =	vmov s24;
	s24 =	simm.s32 $0x1E;
	v37 =	vadd.s32 v9, v37;
	[tilespmem:v42+s23+$0x0] =	vst.idx.msk $0xffff, v55;
	v49 =	vadd.f32 v59, v33  }
0x1fb: {  	s21 =	simm.s32 $0x1D;
	v58 =	vmov s18;
	v62 =	vmov s24;
	v42 =	vshrl.u32 v41, $0x3;
	[tilespmem:v39+s23+$0x0] =	vst.idx.msk $0xffff, v48  }
0x1fc: {  	v59 =	vmov s21;
	v41 =	vshrl.u32 v58, $0x3;
	v63 =	vadd.f32 v60, v33;
	[tilespmem:v40+s23+$0x0] =	vst.idx.msk $0xffff, v49  }
0x1fd: {  	v48 =	vshrl.u32 v53, $0x3;
	v39 =	vshrl.u32 v59, $0x3;
	v3 =	vadd.f32 v50, v33;
	[tilespmem:v45+s23+$0x0] =	vst.idx.msk $0xffff, v51  }
0x1fe: {  	v50 =	vshrl.u32 v4, $0x3;
	v49 =	vshrl.u32 v5, $0x3;
	v4 =	vadd.f32 v52, v33;
	[tilespmem:v38+s23+$0x0] =	vst.idx.msk $0xffff, v63  }
0x1ff: {  	v40 =	vshrl.u32 v62, $0x3;
	v45 =	vshrl.u32 v54, $0x3;
	v51 =	vshrl.u32 v2, $0x3;
	[tilespmem:v43+s23+$0x0] =	vst.idx.msk $0xffff, v3  }
0x200: {  	s16 =	simm.s32 $0x20;
	s17 =	simm.s32 $0x1F;
	v38 =	vshrl.u32 v61, $0x3;
	v43 =	vshrl.u32 v57, $0x3;
	[tilespmem:v37+s23+$0x0] =	vst.idx.msk $0xffff, v4;
	v37 =	vbroadcast v0, $0x0  }
.LBB2_7:
0x201: {  	v11 =	vld [tilespmem:$0x1FE40]  }
0x202: {  	v15 =	vld [tilespmem:$0x1FE00]  }
0x203: {  	v19 =	vld [tilespmem:$0x1FED0]  }
0x204: {  	v22 =	vld [tilespmem:$0x1FEE0]  }
0x205: {  	v10 =	vld [tilespmem:$0x1FF20]  }
0x206: {  	v27 =	vld [tilespmem:$0x1FF60]  }
0x207: {  	v26 =	vld [tilespmem:$0x1FFA0]  }
0x208: {  	s12 =	sadd.s32 $0x400, s12;
	v18 =	vld [tilespmem:$0x1FFE0]  }
0x209: {  	v0 =	vshll.u32 v44, v1;
	v3 =	vmov s17;
	v44 =	vshll.u32 v48, v1;
	v48 =	vld [tilespmem:s12+$0xFFFFFFD0]  }
0x20a: {  	v55 =	vshll.u32 v43, v1;
	v3 =	vshrl.u32 v3, $0x3;
	v43 =	vld [tilespmem:s12+$0xFFFFFC50]  }
0x20b: {  	v2 =	vshll.u32 v50, v1;
	v57 =	vld [tilespmem:s12+$0xFFFFFC90];
	v3 =	vshll.u32 v3, v1  }
0x20c: {  	v4 =	vshll.u32 v45, v1;
	v5 =	vshll.u32 v51, v1;
	v52 =	vbroadcast v3, $0x0;
	v3 =	vld [tilespmem:s12+$0xFFFFFC10]  }
0x20d: {  	v45 =	vshll.u32 v49, v1;
	v46 =	vshll.u32 v46, v1;
	v50 =	vbroadcast v0, $0x0;
	v59 =	vld [tilespmem:s12+$0xFFFFFCD0]  }
0x20e: {  	v53 =	vshll.u32 v47, v1;
	v54 =	vshll.u32 v42, v1;
	v56 =	vadd.s32 v14, v37;
	v60 =	vld [tilespmem:s12+$0xFFFFFD10]  }
0x20f: {  	v0 =	vshll.u32 v41, v1;
	v51 =	vbroadcast v2, $0x0;
	v62 =	vld [tilespmem:s12+$0xFFFFFD50];
	v58 =	vadd.s32 v15, v50  }
0x210: {  	v49 =	vbroadcast v4, $0x0;
	v4 =	vshll.u32 v40, v1;
	v6 =	vld [tilespmem:s12+$0xFFFFFD90];
	v41 =	vadd.s32 v11, v52  }
0x211: {  	v47 =	vbroadcast v5, $0x0;
	v14 =	vld [tilespmem:$0x1FE60];
	v40 =	vadd.s32 v19, v51;
	v3 =	vadd.f32 v3, v36  }
0x212: {  	v5 =	vadd.f32 v48, v36;
	v43 =	vadd.f32 v43, v36;
	v48 =	vbroadcast v46, $0x0;
	v46 =	vld [tilespmem:s12+$0xFFFFFE10]  }
0x213: {  	v61 =	vadd.s32 v22, v49;
	[tilespmem:v56+s23+$0x0] =	vst.idx.msk $0xffff, v3;
	v3 =	vadd.f32 v57, v36;
	v57 =	vld [tilespmem:s12+$0xFFFFFDD0]  }
0x214: {  	v2 =	vshll.u32 v39, v1;
	v42 =	vbroadcast v44, $0x0;
	[tilespmem:v58+s23+$0x0] =	vst.idx.msk $0xffff, v43;
	v43 =	vadd.f32 v59, v36;
	v59 =	vld [tilespmem:s12+$0xFFFFFE50]  }
0x215: {  	v39 =	vbroadcast v45, $0x0;
	v63 =	vadd.s32 v10, v47;
	[tilespmem:v41+s23+$0x0] =	vst.idx.msk $0xffff, v5;
	v58 =	vadd.s32 v11, v48;
	v11 =	vld [tilespmem:$0x1FE10]  }
0x216: {  	v5 =	vadd.s32 v27, v42;
	v41 =	vld [tilespmem:s12+$0xFFFFFFE0]  }
0x217: {  	v56 =	vadd.s32 v26, v39;
	[tilespmem:v40+s23+$0x0] =	vst.idx.msk $0xffff, v3;
	v3 =	vadd.f32 v60, v36;
	v60 =	vld [tilespmem:s12+$0xFFFFFE90]  }
0x218: {  	v38 =	vshll.u32 v38, v1;
	v44 =	vbroadcast v53, $0x0;
	[tilespmem:v61+s23+$0x0] =	vst.idx.msk $0xffff, v43;
	v43 =	vbroadcast v54, $0x0;
	v54 =	vld [tilespmem:s12+$0xFFFFFED0]  }
0x219: {  	v45 =	vbroadcast v38, $0x0;
	v53 =	vadd.s32 v18, v52;
	v40 =	vadd.f32 v62, v36;
	v62 =	vld [tilespmem:s12+$0xFFFFFF50]  }
0x21a: {  	[tilespmem:v63+s23+$0x0] =	vst.idx.msk $0xffff, v3;
	v63 =	vld [tilespmem:$0x1FE50];
	v3 =	vadd.f32 v6, v36;
	v6 =	vadd.s32 v14, v44  }
0x21b: {  	[tilespmem:v5+s23+$0x0] =	vst.idx.msk $0xffff, v40;
	v5 =	vadd.s32 v15, v45;
	v40 =	vbroadcast v55, $0x0;
	v15 =	vld [tilespmem:$0x1FF70];
	v55 =	vadd.f32 v41, v35  }
0x21c: {  	[tilespmem:v56+s23+$0x0] =	vst.idx.msk $0xffff, v3;
	v3 =	vadd.f32 v57, v36;
	v56 =	vadd.s32 v19, v43;
	v57 =	vld [tilespmem:s12+$0xFFFFFF10]  }
0x21d: {  	v41 =	vbroadcast v0, $0x0;
	v0 =	vadd.f32 v46, v36;
	v46 =	vbroadcast v4, $0x0;
	v4 =	vld [tilespmem:s12+$0xFFFFFC60]  }
0x21e: {  	v38 =	vbroadcast v2, $0x0;
	v19 =	vld [tilespmem:$0x1FEA0];
	v61 =	vadd.s32 v22, v40;
	[tilespmem:v53+s23+$0x0] =	vst.idx.msk $0xffff, v55  }
0x21f: {  	v2 =	vadd.f32 v59, v36;
	[tilespmem:v58+s23+$0x0] =	vst.idx.msk $0xffff, v3;
	v3 =	vadd.s32 v10, v41;
	v53 =	vld [tilespmem:s12+$0xFFFFFFF0]  }
0x220: {  	v55 =	vld [tilespmem:s12+$0xFFFFFF90];
	[tilespmem:v6+s23+$0x0] =	vst.idx.msk $0xffff, v0;
	v0 =	vadd.f32 v60, v36;
	v6 =	vadd.s32 v27, v38  }
0x221: {  	v10 =	vld [tilespmem:$0x1FEF0];
	[tilespmem:v5+s23+$0x0] =	vst.idx.msk $0xffff, v2;
	v2 =	vadd.f32 v54, v36;
	v5 =	vadd.s32 v63, v52  }
0x222: {  	v54 =	vld [tilespmem:s12+$0xFFFFFCA0];
	[tilespmem:v56+s23+$0x0] =	vst.idx.msk $0xffff, v0;
	v0 =	vadd.f32 v57, v36;
	v56 =	vadd.s32 v26, v46  }
0x223: {  	v58 =	vld [tilespmem:s12+$0xFFFFFCE0];
	v57 =	vadd.s32 v19, v50;
	[tilespmem:v61+s23+$0x0] =	vst.idx.msk $0xffff, v2;
	v2 =	vadd.f32 v62, v36  }
0x224: {  	v59 =	vadd.s32 v11, v51;
	v60 =	vld [tilespmem:s12+$0xFFFFFD20];
	[tilespmem:v3+s23+$0x0] =	vst.idx.msk $0xffff, v0;
	v0 =	vadd.f32 v53, v34  }
0x225: {  	[tilespmem:v6+s23+$0x0] =	vst.idx.msk $0xffff, v2;
	v2 =	vadd.f32 v55, v36  }
0x226: {  	v4 =	vadd.f32 v4, v35;
	v3 =	vadd.s32 v10, v49;
	v53 =	vld [tilespmem:s12+$0xFFFFFD60];
	[tilespmem:v5+s23+$0x0] =	vst.idx.msk $0xffff, v0  }
0x227: {  	v6 =	vadd.s32 v23, v47;
	v55 =	vld [tilespmem:s12+$0xFFFFFDA0];
	v0 =	vadd.f32 v54, v35;
	[tilespmem:v56+s23+$0x0] =	vst.idx.msk $0xffff, v2  }
0x228: {  	v5 =	vadd.s32 v15, v42;
	[tilespmem:v57+s23+$0x0] =	vst.idx.msk $0xffff, v4;
	v4 =	vadd.f32 v58, v35;
	v56 =	vld [tilespmem:s12+$0xFFFFFDE0]  }
0x229: {  	v54 =	vadd.s32 v31, v39;
	[tilespmem:v59+s23+$0x0] =	vst.idx.msk $0xffff, v0;
	v0 =	vadd.f32 v60, v35;
	v60 =	vld [tilespmem:$0x1FFF0]  }
0x22a: {  	v57 =	vld [tilespmem:s12+$0xFFFFFE20]  }
0x22b: {  	[tilespmem:v3+s23+$0x0] =	vst.idx.msk $0xffff, v4;
	v4 =	vadd.s32 v18, v48;
	v3 =	vadd.f32 v53, v35;
	v53 =	vld [tilespmem:s12+$0xFFFFFE60]  }
0x22c: {  	v2 =	vld [tilespmem:s12+$0x0];
	[tilespmem:v6+s23+$0x0] =	vst.idx.msk $0xffff, v0;
	v0 =	vadd.f32 v55, v35;
	v6 =	vadd.s32 v7, v44  }
0x22d: {  	v61 =	vld [tilespmem:s12+$0xFFFFFEA0];
	[tilespmem:v5+s23+$0x0] =	vst.idx.msk $0xffff, v3;
	v3 =	vadd.s32 v19, v45  }
0x22e: {  	v5 =	vld [tilespmem:s12+$0xFFFFFEE0];
	[tilespmem:v54+s23+$0x0] =	vst.idx.msk $0xffff, v0;
	v0 =	vadd.f32 v56, v35;
	v52 =	vadd.s32 v60, v52  }
0x22f: {  	v57 =	vadd.f32 v57, v35;
	v54 =	vadd.s32 v11, v43;
	v56 =	vld [tilespmem:s12+$0xFFFFFF20]  }
0x230: {  	v62 =	vld [tilespmem:s12+$0xFFFFFF60];
	v58 =	vadd.s32 v10, v40;
	[tilespmem:v4+s23+$0x0] =	vst.idx.msk $0xffff, v0;
	v0 =	vadd.f32 v53, v35  }
0x231: {  	v2 =	vadd.f32 v2, v33;
	[tilespmem:v6+s23+$0x0] =	vst.idx.msk $0xffff, v57  }
0x232: {  	v53 =	vadd.s32 v15, v38;
	v6 =	vadd.f32 v61, v35;
	v61 =	vld [tilespmem:s12+$0xFFFFFC70];
	[tilespmem:v3+s23+$0x0] =	vst.idx.msk $0xffff, v0  }
0x233: {  	v4 =	vld [tilespmem:s12+$0xFFFFFFA0];
	v0 =	vadd.f32 v5, v35;
	[tilespmem:v52+s23+$0x0] =	vst.idx.msk $0xffff, v2;
	v2 =	vadd.s32 v23, v41  }
0x234: {  	v55 =	vadd.s32 v8, v37;
	[tilespmem:v54+s23+$0x0] =	vst.idx.msk $0xffff, v6;
	v6 =	vadd.f32 v56, v35;
	v52 =	vld [tilespmem:s12+$0xFFFFFC20]  }
0x235: {  	v54 =	vadd.s32 v12, v50;
	v56 =	vld [tilespmem:s12+$0xFFFFFCF0];
	[tilespmem:v58+s23+$0x0] =	vst.idx.msk $0xffff, v0;
	v0 =	vadd.f32 v62, v35  }
0x236: {  	v57 =	vld [tilespmem:s12+$0xFFFFFCB0];
	v3 =	vadd.s32 v31, v46;
	v5 =	vadd.s32 v7, v37;
	v37 =	vadd.s32 v9, v37  }
0x237: {  	v58 =	vadd.s32 v16, v51;
	[tilespmem:v53+s23+$0x0] =	vst.idx.msk $0xffff, v0;
	v0 =	vadd.f32 v61, v34  }
0x238: {  	v62 =	vld [tilespmem:s12+$0xFFFFFD30];
	v53 =	vadd.s32 v24, v47;
	v47 =	vadd.s32 v25, v47;
	[tilespmem:v2+s23+$0x0] =	vst.idx.msk $0xffff, v6  }
0x239: {  	v2 =	vadd.f32 v4, v35;
	v4 =	vadd.f32 v52, v35;
	v6 =	vadd.s32 v20, v49;
	v52 =	vld [tilespmem:s12+$0xFFFFFD70]  }
0x23a: {  	[tilespmem:v54+s23+$0x0] =	vst.idx.msk $0xffff, v0;
	v0 =	vadd.f32 v56, v34;
	v56 =	vadd.s32 v63, v48  }
0x23b: {  	v61 =	vld [tilespmem:s12+$0xFFFFFDB0];
	v48 =	vadd.s32 v60, v48;
	[tilespmem:v3+s23+$0x0] =	vst.idx.msk $0xffff, v2;
	v2 =	vadd.f32 v57, v34  }
0x23c: {  	v49 =	vadd.s32 v21, v49;
	[tilespmem:v5+s23+$0x0] =	vst.idx.msk $0xffff, v4;
	v3 =	vadd.s32 v28, v42;
	v4 =	vld [tilespmem:s12+$0xFFFFFDF0]  }
0x23d: {  	v54 =	vld [tilespmem:s12+$0xFFFFFE30];
	v5 =	vadd.s32 v32, v39;
	[tilespmem:v58+s23+$0x0] =	vst.idx.msk $0xffff, v2;
	v2 =	vadd.f32 v62, v34  }
0x23e: {  	v42 =	vadd.s32 v29, v42;
	v62 =	vld [tilespmem:s12+$0xFFFFFE70];
	[tilespmem:v6+s23+$0x0] =	vst.idx.msk $0xffff, v0;
	v0 =	vadd.f32 v52, v34  }
0x23f: {  	v6 =	vadd.s32 v8, v44;
	v52 =	vld [tilespmem:s12+$0xFFFFFEB0];
	v44 =	vadd.s32 v9, v44;
	[tilespmem:v53+s23+$0x0] =	vst.idx.msk $0xffff, v2  }
0x240: {  	v2 =	vadd.f32 v61, v34;
	v53 =	vadd.s32 v12, v45;
	v61 =	vld [tilespmem:s12+$0xFFFFFEF0];
	v45 =	vadd.s32 v13, v45  }
0x241: {  	[tilespmem:v3+s23+$0x0] =	vst.idx.msk $0xffff, v0;
	v0 =	vadd.f32 v4, v34;
	v3 =	vadd.s32 v16, v43;
	v4 =	vld [tilespmem:s12+$0xFFFFFF30]  }
0x242: {  	[tilespmem:v5+s23+$0x0] =	vst.idx.msk $0xffff, v2;
	v2 =	vadd.f32 v54, v34;
	v5 =	vadd.s32 v20, v40;
	v54 =	vld [tilespmem:s12+$0xFFFFFF70]  }
0x243: {  	v57 =	vld [tilespmem:s12+$0xFFFFFFB0];
	[tilespmem:v56+s23+$0x0] =	vst.idx.msk $0xffff, v0;
	v0 =	vadd.f32 v62, v34;
	v56 =	vadd.s32 v24, v41  }
0x244: {  	v62 =	vld [tilespmem:s12+$0xFFFFFC30];
	[tilespmem:v6+s23+$0x0] =	vst.idx.msk $0xffff, v2;
	v2 =	vadd.f32 v52, v34;
	v6 =	vadd.s32 v28, v38  }
0x245: {  	v52 =	vld [tilespmem:s12+$0xFFFFFC80];
	[tilespmem:v53+s23+$0x0] =	vst.idx.msk $0xffff, v0;
	v0 =	vadd.f32 v61, v34;
	v53 =	vadd.s32 v32, v46  }
0x246: {  	v41 =	vadd.s32 v25, v41;
	v61 =	vld [tilespmem:s12+$0xFFFFFCC0];
	[tilespmem:v3+s23+$0x0] =	vst.idx.msk $0xffff, v2;
	v2 =	vadd.f32 v4, v34  }
0x247: {  	v3 =	vadd.s32 v13, v50;
	v4 =	vld [tilespmem:s12+$0xFFFFFD00];
	[tilespmem:v5+s23+$0x0] =	vst.idx.msk $0xffff, v0;
	v0 =	vadd.f32 v54, v34  }
0x248: {  	v50 =	vadd.s32 v17, v51;
	v51 =	vld [tilespmem:s12+$0xFFFFFD40];
	[tilespmem:v56+s23+$0x0] =	vst.idx.msk $0xffff, v2;
	v2 =	vadd.f32 v57, v34  }
0x249: {  	v38 =	vadd.s32 v29, v38;
	v5 =	vmov s16;
	v62 =	vadd.f32 v62, v34;
	v56 =	vld [tilespmem:s12+$0xFFFFFD80];
	[tilespmem:v6+s23+$0x0] =	vst.idx.msk $0xffff, v0  }
0x24a: {  	v46 =	vadd.s32 v30, v46;
	v5 =	vshrl.u32 v5, $0x3;
	v6 =	vadd.f32 v52, v33;
	v52 =	vld [tilespmem:s12+$0xFFFFFDC0];
	[tilespmem:v53+s23+$0x0] =	vst.idx.msk $0xffff, v2  }
0x24b: {  	s24 =	sadd.s32 $0x1, s16;
	v54 =	vld [tilespmem:s12+$0xFFFFFE00];
	v5 =	vshll.u32 v5, v1;
	[tilespmem:v55+s23+$0x0] =	vst.idx.msk $0xffff, v62;
	v61 =	vadd.f32 v61, v33  }
0x24c: {  	s18 =	sadd.s32 $0x2, s16;
	s21 =	sadd.s32 $0x3, s16;
	v0 =	vmov s24;
	[tilespmem:v3+s23+$0x0] =	vst.idx.msk $0xffff, v6;
	v3 =	vadd.f32 v4, v33;
	v4 =	vadd.s32 v30, v39;
	v6 =	vld [tilespmem:s12+$0xFFFFFE40]  }
0x24d: {  	s24 =	sadd.s32 $0x4, s16;
	v2 =	vmov s18;
	v55 =	vmov s21;
	s18 =	sadd.s32 $0x5, s16;
	v62 =	vadd.f32 v51, v33;
	v51 =	vld [tilespmem:s12+$0xFFFFFE80];
	[tilespmem:v50+s23+$0x0] =	vst.idx.msk $0xffff, v61  }
0x24e: {  	v60 =	vld [tilespmem:s12+$0xFFFFFEC0];
	s21 =	sadd.s32 $0x6, s16;
	v39 =	vmov s24;
	v53 =	vmov s18;
	[tilespmem:v49+s23+$0x0] =	vst.idx.msk $0xffff, v3;
	v3 =	vadd.f32 v56, v33  }
0x24f: {  	s24 =	sadd.s32 $0x7, s16;
	v50 =	vshrl.u32 v2, $0x3;
	v56 =	vmov s21;
	[tilespmem:v47+s23+$0x0] =	vst.idx.msk $0xffff, v62;
	v47 =	vld [tilespmem:s12+$0xFFFFFFC0];
	v61 =	vadd.f32 v52, v33  }
0x250: {  	v62 =	vld [tilespmem:s12+$0xFFFFFF00];
	s21 =	sadd.s32 $0x9, s16;
	v52 =	vmov s24;
	[tilespmem:v42+s23+$0x0] =	vst.idx.msk $0xffff, v3;
	v3 =	vadd.f32 v54, v33;
	v42 =	vadd.s32 v17, v43  }
0x251: {  	s18 =	sadd.s32 $0x8, s16;
	v57 =	vmov s21;
	v49 =	vshrl.u32 v56, $0x3;
	v43 =	vld [tilespmem:s12+$0xFFFFFF40];
	[tilespmem:v4+s23+$0x0] =	vst.idx.msk $0xffff, v61;
	v4 =	vadd.f32 v6, v33  }
0x252: {  	s24 =	sadd.s32 $0xA, s16;
	v54 =	vmov s18;
	s18 =	sadd.s32 $0xB, s16;
	v6 =	vadd.s32 v21, v40;
	v40 =	vld [tilespmem:s12+$0xFFFFFF80];
	[tilespmem:v48+s23+$0x0] =	vst.idx.msk $0xffff, v3;
	v3 =	vadd.f32 v51, v33  }
0x253: {  	v58 =	vmov s24;
	s24 =	sadd.s32 $0xD, s16;
	v59 =	vmov s18;
	v48 =	vld [tilespmem:s12+$0xFFFFFC40];
	[tilespmem:v44+s23+$0x0] =	vst.idx.msk $0xffff, v4;
	v4 =	vadd.f32 v60, v33  }
0x254: {  	v61 =	vmov s24;
	v44 =	vshrl.u32 v0, $0x3;
	v0 =	vadd.f32 v47, v33;
	[tilespmem:v45+s23+$0x0] =	vst.idx.msk $0xffff, v3  }
0x255: {  	p2 =	slt.u32 s16, $0x70;
	s21 =	sadd.s32 $0xC, s16;
	v51 =	vshrl.u32 v39, $0x3;
	v39 =	vshrl.u32 v61, $0x3;
	v3 =	vadd.f32 v62, v33;
	[tilespmem:v42+s23+$0x0] =	vst.idx.msk $0xffff, v4  }
.Ltmp2:
0x256: {  	s18 =	sadd.s32 $0xE, s16;
	v60 =	vmov s21;
	v47 =	vshrl.u32 v54, $0x3;
	v4 =	vadd.f32 v43, v33;
	[tilespmem:v46+s23+$0x0] =	vst.idx.msk $0xffff, v0;
	(pc) =	sbr.rel @p2 .LBB2_7-.Ltmp2, $4  }
0x257: {  	v62 =	vmov s18;
	v45 =	vshrl.u32 v55, $0x3;
	[tilespmem:v6+s23+$0x0] =	vst.idx.msk $0xffff, v3;
	v3 =	vadd.f32 v40, v33  }
0x258: {  	v46 =	vshrl.u32 v52, $0x3;
	v42 =	vshrl.u32 v58, $0x3;
	[tilespmem:v41+s23+$0x0] =	vst.idx.msk $0xffff, v4;
	v2 =	vadd.f32 v48, v33  }
0x259: {  	v43 =	vshrl.u32 v59, $0x3;
	v40 =	vshrl.u32 v62, $0x3;
	v48 =	vshrl.u32 v53, $0x3;
	[tilespmem:v38+s23+$0x0] =	vst.idx.msk $0xffff, v3  }
0x25a: {  	s17 =	sadd.s32 $0xF, s16;
	s16 =	sadd.s32 $0x10, s16;
	v41 =	vshrl.u32 v60, $0x3;
	v38 =	vshrl.u32 v57, $0x3;
	[tilespmem:v37+s23+$0x0] =	vst.idx.msk $0xffff, v2;
	v37 =	vbroadcast v5, $0x0  }
0x25b: {  	v3 =	vmov s17;
	v11 =	vld [tilespmem:$0x1FE40]  }
0x25c: {  	v15 =	vld [tilespmem:$0x1FE00];
	v3 =	vshrl.u32 v3, $0x3  }
0x25d: {  	s12 =	sadd.s32 $0x400, s12;
	v19 =	vld [tilespmem:$0x1FED0];
	v3 =	vshll.u32 v3, v1  }
0x25e: {  	v60 =	vld [tilespmem:s12+$0xFFFFFFD0];
	v3 =	vbroadcast v3, $0x0  }
0x25f: {  	v0 =	vshll.u32 v44, v1;
	v44 =	vshll.u32 v49, v1;
	v61 =	vld [tilespmem:s12+$0xFFFFFC10]  }
0x260: {  	v49 =	vshll.u32 v38, v1;
	v62 =	vld [tilespmem:s12+$0xFFFFFC50];
	v38 =	vbroadcast v0, $0x0;
	v52 =	vadd.s32 v11, v3  }
0x261: {  	v2 =	vshll.u32 v50, v1;
	v53 =	vadd.s32 v14, v37  }
0x262: {  	v0 =	vshll.u32 v41, v1;
	v54 =	vld [tilespmem:s12+$0xFFFFFC90];
	v41 =	vbroadcast v2, $0x0;
	v55 =	vadd.s32 v15, v38  }
0x263: {  	v22 =	vld [tilespmem:$0x1FEE0];
	v26 =	vadd.f32 v60, v36  }
0x264: {  	v56 =	vld [tilespmem:s12+$0xFFFFFCD0];
	v57 =	vadd.s32 v19, v41;
	v27 =	vadd.f32 v61, v36  }
0x265: {  	v58 =	vld [tilespmem:s12+$0xFFFFFD10];
	v60 =	vadd.f32 v62, v36;
	[tilespmem:v52+s23+$0x0] =	vst.idx.msk $0xffff, v26  }
0x266: {  	v4 =	vshll.u32 v45, v1;
	v10 =	vld [tilespmem:$0x1FF20];
	[tilespmem:v53+s23+$0x0] =	vst.idx.msk $0xffff, v27  }
0x267: {  	v2 =	vshll.u32 v39, v1;
	v39 =	vbroadcast v4, $0x0;
	v61 =	vadd.f32 v54, v36;
	v27 =	vld [tilespmem:$0x1FF60];
	[tilespmem:v55+s23+$0x0] =	vst.idx.msk $0xffff, v60  }
0x268: {  	v5 =	vshll.u32 v51, v1;
	v6 =	vshll.u32 v48, v1;
	v26 =	vld [tilespmem:$0x1FFA0]  }
0x269: {  	v4 =	vshll.u32 v40, v1;
	v40 =	vbroadcast v5, $0x0;
	v59 =	vld [tilespmem:s12+$0xFFFFFD50];
	v48 =	vadd.s32 v22, v39;
	[tilespmem:v57+s23+$0x0] =	vst.idx.msk $0xffff, v61  }
0x26a: {  	v45 =	vshll.u32 v46, v1;
	v50 =	vshll.u32 v42, v1;
	v42 =	vbroadcast v6, $0x0;
	v18 =	vld [tilespmem:$0x1FFE0]  }
0x26b: {  	v51 =	vshll.u32 v43, v1;
	v43 =	vbroadcast v44, $0x0;
	v52 =	vld [tilespmem:s12+$0xFFFFFD90];
	v5 =	vadd.s32 v10, v40  }
0x26c: {  	v44 =	vbroadcast v45, $0x0;
	v62 =	vadd.f32 v56, v36;
	v56 =	vld [tilespmem:s12+$0xFFFFFDD0];
	v53 =	vadd.s32 v27, v42  }
0x26d: {  	v46 =	vshll.u32 v47, v1;
	v47 =	vadd.f32 v58, v36;
	v54 =	vld [tilespmem:s12+$0xFFFFFFE0];
	v55 =	vadd.s32 v26, v43  }
0x26e: {  	v45 =	vbroadcast v46, $0x0;
	v57 =	vld [tilespmem:s12+$0xFFFFFE10];
	[tilespmem:v48+s23+$0x0] =	vst.idx.msk $0xffff, v62;
	v48 =	vadd.f32 v59, v36;
	v59 =	vadd.s32 v11, v44  }
0x26f: {  	v46 =	vbroadcast v49, $0x0;
	v60 =	vld [tilespmem:s12+$0xFFFFFE50];
	v58 =	vadd.s32 v18, v3  }
0x270: {  	v61 =	vld [tilespmem:s12+$0xFFFFFE90];
	[tilespmem:v5+s23+$0x0] =	vst.idx.msk $0xffff, v47;
	v5 =	vadd.f32 v52, v36;
	v52 =	vadd.s32 v14, v45;
	v47 =	vbroadcast v50, $0x0  }
0x271: {  	v6 =	vadd.s32 v15, v46;
	v14 =	vadd.f32 v56, v36;
	[tilespmem:v53+s23+$0x0] =	vst.idx.msk $0xffff, v48;
	v53 =	vld [tilespmem:s12+$0xFFFFFED0];
	v48 =	vbroadcast v51, $0x0  }
0x272: {  	v49 =	vbroadcast v0, $0x0;
	v11 =	vadd.f32 v54, v35;
	[tilespmem:v55+s23+$0x0] =	vst.idx.msk $0xffff, v5;
	v15 =	vadd.s32 v19, v47;
	v19 =	vld [tilespmem:s12+$0xFFFFFF10]  }
0x273: {  	v0 =	vadd.f32 v57, v36;
	[tilespmem:v59+s23+$0x0] =	vst.idx.msk $0xffff, v14;
	v62 =	vadd.s32 v22, v48  }
0x274: {  	v50 =	vbroadcast v2, $0x0;
	v2 =	vadd.f32 v60, v36;
	v60 =	vadd.s32 v10, v49;
	[tilespmem:v58+s23+$0x0] =	vst.idx.msk $0xffff, v11  }
0x275: {  	v11 =	vld [tilespmem:s12+$0xFFFFFF50];
	[tilespmem:v52+s23+$0x0] =	vst.idx.msk $0xffff, v0;
	v0 =	vadd.f32 v61, v36  }
0x276: {  	[tilespmem:v6+s23+$0x0] =	vst.idx.msk $0xffff, v2;
	v14 =	vadd.f32 v53, v36  }
0x277: {  	v58 =	vld [tilespmem:s12+$0xFFFFFFF0];
	[tilespmem:v15+s23+$0x0] =	vst.idx.msk $0xffff, v0;
	v15 =	vadd.f32 v19, v36  }
0x278: {  	v61 =	vld [tilespmem:s12+$0xFFFFFF90];
	[tilespmem:v62+s23+$0x0] =	vst.idx.msk $0xffff, v14  }
0x279: {  	v51 =	vbroadcast v4, $0x0;
	v52 =	vadd.s32 v27, v50;
	v19 =	vld [tilespmem:$0x1FEA0];
	[tilespmem:v60+s23+$0x0] =	vst.idx.msk $0xffff, v15  }
0x27a: {  	v6 =	vadd.s32 v63, v3;
	v62 =	vadd.f32 v11, v36;
	v11 =	vld [tilespmem:$0x1FE10]  }
0x27b: {  	v22 =	vadd.s32 v26, v51  }
0x27c: {  	v2 =	vld [tilespmem:s12+$0xFFFFFC60]  }
0x27d: {  	v0 =	vld [tilespmem:s12+$0xFFFFFCA0];
	v60 =	vadd.f32 v58, v34  }
0x27e: {  	[tilespmem:v52+s23+$0x0] =	vst.idx.msk $0xffff, v62;
	v61 =	vadd.f32 v61, v36;
	v26 =	vadd.s32 v19, v38  }
0x27f: {  	v14 =	vld [tilespmem:$0x1FEF0];
	[tilespmem:v6+s23+$0x0] =	vst.idx.msk $0xffff, v60;
	v5 =	vadd.s32 v11, v41  }
0x280: {  	v10 =	vld [tilespmem:s12+$0xFFFFFD20];
	[tilespmem:v22+s23+$0x0] =	vst.idx.msk $0xffff, v61  }
0x281: {  	v2 =	vadd.f32 v2, v35;
	v15 =	vld [tilespmem:$0x1FF70]  }
0x282: {  	v27 =	vld [tilespmem:s12+$0xFFFFFCE0];
	v0 =	vadd.f32 v0, v35  }
0x283: {  	v57 =	vld [tilespmem:s12+$0xFFFFFDA0];
	[tilespmem:v26+s23+$0x0] =	vst.idx.msk $0xffff, v2  }
0x284: {  	v62 =	vld [tilespmem:s12+$0xFFFFFD60];
	v52 =	vadd.s32 v14, v39;
	[tilespmem:v5+s23+$0x0] =	vst.idx.msk $0xffff, v0  }
0x285: {  	v6 =	vadd.s32 v23, v40;
	v0 =	vadd.f32 v10, v35;
	v10 =	vld [tilespmem:$0x1FFF0]  }
0x286: {  	v22 =	vadd.s32 v15, v42  }
0x287: {  	v2 =	vadd.f32 v27, v35;
	v26 =	vadd.s32 v31, v43;
	v27 =	vld [tilespmem:s12+$0xFFFFFDE0]  }
0x288: {  	v54 =	vld [tilespmem:s12+$0x0]  }
0x289: {  	v60 =	vld [tilespmem:s12+$0xFFFFFE20];
	v61 =	vadd.s32 v18, v44;
	[tilespmem:v52+s23+$0x0] =	vst.idx.msk $0xffff, v2;
	v2 =	vadd.f32 v62, v35  }
0x28a: {  	v62 =	vld [tilespmem:s12+$0xFFFFFE60];
	[tilespmem:v6+s23+$0x0] =	vst.idx.msk $0xffff, v0;
	v0 =	vadd.f32 v57, v35;
	v3 =	vadd.s32 v10, v3  }
0x28b: {  	[tilespmem:v22+s23+$0x0] =	vst.idx.msk $0xffff, v2;
	v22 =	vld [tilespmem:s12+$0xFFFFFEE0]  }
0x28c: {  	v2 =	vadd.s32 v19, v46;
	[tilespmem:v26+s23+$0x0] =	vst.idx.msk $0xffff, v0;
	v0 =	vadd.f32 v27, v35;
	v27 =	vld [tilespmem:s12+$0xFFFFFF20]  }
0x28d: {  	v54 =	vadd.f32 v54, v33;
	v6 =	vadd.s32 v7, v45  }
0x28e: {  	v18 =	vld [tilespmem:s12+$0xFFFFFEA0];
	v26 =	vadd.s32 v11, v47;
	[tilespmem:v61+s23+$0x0] =	vst.idx.msk $0xffff, v0;
	v61 =	vadd.s32 v23, v49  }
0x28f: {  	v11 =	vld [tilespmem:s12+$0xFFFFFC20];
	v0 =	vadd.f32 v62, v35;
	[tilespmem:v3+s23+$0x0] =	vst.idx.msk $0xffff, v54;
	v3 =	vadd.s32 v14, v48  }
0x290: {  	v5 =	vadd.f32 v60, v35;
	v60 =	vld [tilespmem:s12+$0xFFFFFF60];
	v19 =	vadd.s32 v7, v37  }
0x291: {  	[tilespmem:v2+s23+$0x0] =	vst.idx.msk $0xffff, v0;
	v2 =	vadd.f32 v22, v35;
	v22 =	vld [tilespmem:s12+$0xFFFFFCB0];
	v55 =	vadd.f32 v27, v35  }
0x292: {  	v15 =	vadd.s32 v15, v50;
	[tilespmem:v6+s23+$0x0] =	vst.idx.msk $0xffff, v5;
	v0 =	vld [tilespmem:s12+$0xFFFFFC70]  }
0x293: {  	v62 =	vld [tilespmem:s12+$0xFFFFFFA0];
	v23 =	vadd.s32 v16, v41;
	v14 =	vadd.f32 v18, v35;
	[tilespmem:v61+s23+$0x0] =	vst.idx.msk $0xffff, v55  }
0x294: {  	v5 =	vadd.f32 v11, v35;
	[tilespmem:v3+s23+$0x0] =	vst.idx.msk $0xffff, v2;
	v2 =	vadd.s32 v12, v38;
	v3 =	vld [tilespmem:s12+$0xFFFFFCF0]  }
0x295: {  	v18 =	vadd.s32 v31, v51;
	v54 =	vadd.f32 v60, v35;
	[tilespmem:v26+s23+$0x0] =	vst.idx.msk $0xffff, v14;
	v26 =	vld [tilespmem:s12+$0xFFFFFD30]  }
0x296: {  	v27 =	vadd.s32 v20, v39;
	v31 =	vld [tilespmem:s12+$0xFFFFFD70];
	[tilespmem:v19+s23+$0x0] =	vst.idx.msk $0xffff, v5;
	v59 =	vadd.f32 v22, v34  }
0x297: {  	v57 =	vadd.s32 v24, v40;
	v58 =	vld [tilespmem:s12+$0xFFFFFDB0];
	[tilespmem:v15+s23+$0x0] =	vst.idx.msk $0xffff, v54;
	v0 =	vadd.f32 v0, v34  }
0x298: {  	v53 =	vadd.f32 v62, v35;
	v60 =	vadd.s32 v28, v42;
	v61 =	vld [tilespmem:s12+$0xFFFFFDF0];
	[tilespmem:v23+s23+$0x0] =	vst.idx.msk $0xffff, v59  }
0x299: {  	[tilespmem:v2+s23+$0x0] =	vst.idx.msk $0xffff, v0;
	v0 =	vadd.f32 v3, v34;
	v2 =	vadd.s32 v32, v43;
	v3 =	vld [tilespmem:s12+$0xFFFFFE30]  }
0x29a: {  	v11 =	vadd.s32 v63, v44;
	v14 =	vld [tilespmem:s12+$0xFFFFFE70];
	[tilespmem:v18+s23+$0x0] =	vst.idx.msk $0xffff, v53;
	v62 =	vadd.f32 v26, v34  }
0x29b: {  	v15 =	vadd.s32 v8, v45;
	v18 =	vld [tilespmem:s12+$0xFFFFFEB0];
	[tilespmem:v27+s23+$0x0] =	vst.idx.msk $0xffff, v0;
	v0 =	vadd.f32 v31, v34  }
0x29c: {  	v19 =	vadd.f32 v58, v34;
	v22 =	vadd.s32 v12, v46;
	v23 =	vld [tilespmem:s12+$0xFFFFFEF0];
	[tilespmem:v57+s23+$0x0] =	vst.idx.msk $0xffff, v62  }
0x29d: {  	v58 =	vld [tilespmem:s12+$0xFFFFFFB0];
	v26 =	vadd.s32 v16, v47;
	[tilespmem:v60+s23+$0x0] =	vst.idx.msk $0xffff, v0;
	v0 =	vadd.f32 v61, v34  }
0x29e: {  	v27 =	vld [tilespmem:s12+$0xFFFFFF30];
	[tilespmem:v2+s23+$0x0] =	vst.idx.msk $0xffff, v19;
	v2 =	vadd.f32 v3, v34;
	v3 =	vadd.s32 v20, v48  }
0x29f: {  	v62 =	vadd.s32 v32, v51;
	v31 =	vld [tilespmem:s12+$0xFFFFFF70];
	[tilespmem:v11+s23+$0x0] =	vst.idx.msk $0xffff, v0;
	v0 =	vadd.f32 v14, v34  }
0x2a0: {  	v57 =	vadd.s32 v24, v49;
	v59 =	vadd.f32 v18, v34;
	[tilespmem:v15+s23+$0x0] =	vst.idx.msk $0xffff, v2;
	v2 =	vld [tilespmem:s12+$0xFFFFFC30]  }
0x2a1: {  	v60 =	vadd.s32 v28, v50;
	v61 =	vadd.f32 v23, v34;
	[tilespmem:v22+s23+$0x0] =	vst.idx.msk $0xffff, v0;
	v0 =	vld [tilespmem:s12+$0xFFFFFC80]  }
0x2a2: {  	v12 =	vld [tilespmem:s12+$0xFFFFFCC0];
	v18 =	vadd.f32 v58, v34;
	[tilespmem:v26+s23+$0x0] =	vst.idx.msk $0xffff, v59;
	v11 =	vadd.s32 v8, v37  }
0x2a3: {  	v14 =	vld [tilespmem:s12+$0xFFFFFD00];
	v6 =	vadd.f32 v27, v34;
	[tilespmem:v3+s23+$0x0] =	vst.idx.msk $0xffff, v61;
	v3 =	vadd.s32 v13, v38  }
0x2a4: {  	v16 =	vld [tilespmem:s12+$0xFFFFFD40];
	[tilespmem:v62+s23+$0x0] =	vst.idx.msk $0xffff, v18;
	v4 =	vadd.f32 v31, v34;
	v15 =	vadd.s32 v17, v41  }
0x2a5: {  	v19 =	vadd.s32 v21, v39;
	v20 =	vld [tilespmem:s12+$0xFFFFFD80];
	[tilespmem:v57+s23+$0x0] =	vst.idx.msk $0xffff, v6;
	v2 =	vadd.f32 v2, v34  }
0x2a6: {  	v23 =	vld [tilespmem:s12+$0xFFFFFDC0];
	v22 =	vadd.s32 v25, v40;
	[tilespmem:v60+s23+$0x0] =	vst.idx.msk $0xffff, v4;
	v0 =	vadd.f32 v0, v33  }
0x2a7: {  	v24 =	vadd.s32 v29, v42;
	v26 =	vld [tilespmem:s12+$0xFFFFFE00];
	[tilespmem:v11+s23+$0x0] =	vst.idx.msk $0xffff, v2;
	v2 =	vadd.f32 v12, v33  }
0x2a8: {  	v27 =	vld [tilespmem:s12+$0xFFFFFE40];
	[tilespmem:v3+s23+$0x0] =	vst.idx.msk $0xffff, v0;
	v0 =	vadd.f32 v14, v33;
	v3 =	vadd.s32 v30, v43  }
0x2a9: {  	v28 =	vadd.s32 v10, v44;
	v31 =	vld [tilespmem:s12+$0xFFFFFE80];
	[tilespmem:v15+s23+$0x0] =	vst.idx.msk $0xffff, v2;
	v2 =	vadd.f32 v16, v33  }
0x2aa: {  	v44 =	vadd.s32 v9, v45;
	v45 =	vld [tilespmem:s12+$0xFFFFFEC0];
	[tilespmem:v19+s23+$0x0] =	vst.idx.msk $0xffff, v0;
	v0 =	vadd.f32 v20, v33  }
0x2ab: {  	v46 =	vadd.s32 v13, v46;
	v52 =	vld [tilespmem:s12+$0xFFFFFF00];
	[tilespmem:v22+s23+$0x0] =	vst.idx.msk $0xffff, v2;
	v2 =	vadd.f32 v23, v33  }
0x2ac: {  	v53 =	vadd.s32 v17, v47;
	v54 =	vld [tilespmem:s12+$0xFFFFFF40];
	[tilespmem:v24+s23+$0x0] =	vst.idx.msk $0xffff, v0;
	v0 =	vadd.f32 v26, v33  }
0x2ad: {  	v55 =	vld [tilespmem:s12+$0xFFFFFF80];
	[tilespmem:v3+s23+$0x0] =	vst.idx.msk $0xffff, v2;
	v2 =	vadd.f32 v27, v33;
	v3 =	vadd.s32 v21, v48  }
0x2ae: {  	v56 =	vadd.s32 v25, v49;
	v57 =	vld [tilespmem:s12+$0xFFFFFFC0];
	[tilespmem:v28+s23+$0x0] =	vst.idx.msk $0xffff, v0;
	v0 =	vadd.f32 v31, v33  }
0x2af: {  	v59 =	vadd.s32 v29, v50;
	v58 =	vadd.f32 v45, v33;
	[tilespmem:v44+s23+$0x0] =	vst.idx.msk $0xffff, v2;
	v2 =	vld [tilespmem:s12+$0xFFFFFC40]  }
0x2b0: {  	v60 =	vadd.s32 v30, v51;
	[tilespmem:v46+s23+$0x0] =	vst.idx.msk $0xffff, v0;
	v0 =	vadd.f32 v52, v33  }
0x2b1: {  	v61 =	vadd.s32 v9, v37;
	[tilespmem:v53+s23+$0x0] =	vst.idx.msk $0xffff, v58;
	v62 =	vadd.f32 v54, v33  }
0x2b2: {  	[tilespmem:v3+s23+$0x0] =	vst.idx.msk $0xffff, v0;
	v0 =	vadd.f32 v55, v33  }
0x2b3: {  	s21 =	sshll.u32 s2, $0x12;
	[tilespmem:v56+s23+$0x0] =	vst.idx.msk $0xffff, v62;
	v3 =	vadd.f32 v57, v33  }
0x2b4: {  	s12 =	sor.u32 s5, s21;
	[tilespmem:v59+s23+$0x0] =	vst.idx.msk $0xffff, v0;
	v0 =	vadd.f32 v2, v33  }
0x2b5: {  	s12 =	sshrl.u32 s12, $0x3;
	[tilespmem:v60+s23+$0x0] =	vst.idx.msk $0xffff, v3  }
0x2b6: {  	s24 =	simm.s32 $0xCA00;
	s16 =	sadd.s32 s3, s12;
	[tilespmem:v61+s23+$0x0] =	vst.idx.msk $0xffff, v0  }
0x2b7: {  	[hbm4b:s16+s4] =	stream.linear.scatter [tilespmem:s24], [sflag:$0x7], $0x80, $0x38;
	[tilespmem:$0x18400] =	vst v63  }
0x2b8: {  	s17 =	simm.s32 $0xCA88;
	s18 =	sadd.s32 $0x10, s16  }
0x2b9: {  	[hbm4b:s18+s4] =	stream.linear.scatter [tilespmem:s17], [sflag:$0x7], $0x80, $0x38;
	[tilespmem:$0x18400] =	vst v63  }
0x2ba: {  	s21 =	simm.s32 $0xCB10;
	s24 =	sadd.s32 $0x20, s16  }
0x2bb: {  	[hbm4b:s24+s4] =	stream.linear.scatter [tilespmem:s21], [sflag:$0x7], $0x80, $0x38;
	[tilespmem:$0x18400] =	vst v63  }
0x2bc: {  	s17 =	simm.s32 $0xCB98;
	s18 =	sadd.s32 $0x30, s16  }
0x2bd: {  	[hbm4b:s18+s4] =	stream.linear.scatter [tilespmem:s17], [sflag:$0x7], $0x80, $0x38;
	[tilespmem:$0x18400] =	vst v63  }
0x2be: {  	s21 =	simm.s32 $0xCC20;
	s24 =	sadd.s32 $0x40, s16  }
0x2bf: {  	[hbm4b:s24+s4] =	stream.linear.scatter [tilespmem:s21], [sflag:$0x7], $0x80, $0x38;
	[tilespmem:$0x18400] =	vst v63  }
0x2c0: {  	s12 =	simm.s32 $0x440;
	s17 =	simm.s32 $0xCCA8;
	s18 =	sadd.s32 $0x50, s16  }
0x2c1: {  	[hbm4b:s18+s4] =	stream.linear.scatter [tilespmem:s17], [sflag:$0x7], $0x80, $0x38;
	[tilespmem:$0x18400] =	vst v63  }
0x2c2: {  	s21 =	simm.s32 $0xCD30;
	s24 =	sadd.s32 $0x60, s16;
	s17 =	simm.s32 $0x2200  }
0x2c3: {  	[hbm4b:s24+s4] =	stream.linear.scatter [tilespmem:s21], [sflag:$0x7], $0x80, $0x38;
	[tilespmem:$0x18400] =	vst v63  }
0x2c4: {  	s18 =	simm.s32 $0xCDB8;
	s21 =	sadd.s32 $0x70, s16;
	s16 =	sadd.s32 $0x1000, s16  }
.LBB2_9:
0x2c5: {  	[hbm4b:s21+s4] =	stream.linear.scatter [tilespmem:s18], [sflag:$0x7], $0x80, $0x38;
	[tilespmem:$0x18400] =	vst v63  }
0x2c6: {  	s18 =	smov.u32 s12;
	s12 =	smov.u32 s17  }
0x2c7: {  	s24 =	sadd.s32 $0x1100, s17;
	s12 =	sshra.s32 s12, $0x2;
	s21 =	sadd.s32 $0xCA00, s18  }
0x2c8: {  	[hbm4b:s16+s4] =	stream.linear.scatter [tilespmem:s21], [sflag:$0x7], $0x80, $0x38;
	[tilespmem:$0x18400] =	vst v63  }
0x2c9: {  	p2 =	sne.s32 s17, $0x7700;
	s17 =	sadd.s32 $0xCA88, s18;
	s21 =	sadd.s32 $0x10, s16  }
0x2ca: {  	[hbm4b:s21+s4] =	stream.linear.scatter [tilespmem:s17], [sflag:$0x7], $0x80, $0x38;
	[tilespmem:$0x18400] =	vst v63  }
0x2cb: {  	s17 =	sadd.s32 $0xCB10, s18;
	s21 =	sadd.s32 $0x20, s16  }
0x2cc: {  	[hbm4b:s21+s4] =	stream.linear.scatter [tilespmem:s17], [sflag:$0x7], $0x80, $0x38;
	[tilespmem:$0x18400] =	vst v63  }
0x2cd: {  	s17 =	sadd.s32 $0xCB98, s18;
	s21 =	sadd.s32 $0x30, s16  }
0x2ce: {  	[hbm4b:s21+s4] =	stream.linear.scatter [tilespmem:s17], [sflag:$0x7], $0x80, $0x38;
	[tilespmem:$0x18400] =	vst v63  }
0x2cf: {  	s17 =	sadd.s32 $0xCC20, s18;
	s21 =	sadd.s32 $0x40, s16  }
0x2d0: {  	[hbm4b:s21+s4] =	stream.linear.scatter [tilespmem:s17], [sflag:$0x7], $0x80, $0x38;
	[tilespmem:$0x18400] =	vst v63  }
.Ltmp3:
0x2d1: {  	s17 =	sadd.s32 $0xCCA8, s18;
	s21 =	sadd.s32 $0x50, s16;
	(pc) =	sbr.rel @p2 .LBB2_9-.Ltmp3, $4  }
0x2d2: {  	[hbm4b:s21+s4] =	stream.linear.scatter [tilespmem:s17], [sflag:$0x7], $0x80, $0x38;
	[tilespmem:$0x18400] =	vst v63  }
0x2d3: {  	s17 =	sadd.s32 $0xCD30, s18;
	s21 =	sadd.s32 $0x60, s16;
	s18 =	sadd.s32 $0xCDB8, s18  }
0x2d4: {  	[hbm4b:s21+s4] =	stream.linear.scatter [tilespmem:s17], [sflag:$0x7], $0x80, $0x38;
	[tilespmem:$0x18400] =	vst v63  }
0x2d5: {  	s21 =	sadd.s32 $0x70, s16;
	s16 =	sadd.s32 $0x1000, s16;
	s17 =	smov.u32 s24  }
0x2d6: {  	[hbm4b:s21+s4] =	stream.linear.scatter [tilespmem:s18], [sflag:$0x7], $0x80, $0x38;
	[tilespmem:$0x18400] =	vst v63  }
0x2d7: {  	s17 =	sadd.s32 $0xCA00, s12  }
0x2d8: {  	[hbm4b:s16+s4] =	stream.linear.scatter [tilespmem:s17], [sflag:$0x7], $0x80, $0x38;
	[tilespmem:$0x18400] =	vst v63  }
0x2d9: {  	s21 =	sadd.s32 $0xCA88, s12;
	s24 =	sadd.s32 $0x10, s16;
	s2 =	sand.u32 $0x7, s2  }
0x2da: {  	[hbm4b:s24+s4] =	stream.linear.scatter [tilespmem:s21], [sflag:$0x7], $0x80, $0x38;
	[tilespmem:$0x18400] =	vst v63  }
0x2db: {  	p2 =	sne.s32 @!p1 s2, $0x7;
	s21 =	sadd.s32 $0xCB10, s12;
	s24 =	sadd.s32 $0x20, s16  }
0x2dc: {  	[hbm4b:s24+s4] =	stream.linear.scatter [tilespmem:s21], [sflag:$0x7], $0x80, $0x38;
	[tilespmem:$0x18400] =	vst v63  }
0x2dd: {  	p2 =	por p2, p1;
	s21 =	sadd.s32 $0xCB98, s12;
	s24 =	sadd.s32 $0x30, s16  }
0x2de: {  	[hbm4b:s24+s4] =	stream.linear.scatter [tilespmem:s21], [sflag:$0x7], $0x80, $0x38;
	[tilespmem:$0x18400] =	vst v63  }
0x2df: {  	s2 =	sshrl.u32 @!p2 s9, $0x3;
	s21 =	sadd.s32 $0xCC20, s12;
	s24 =	sadd.s32 $0x40, s16  }
0x2e0: {  	[hbm4b:s24+s4] =	stream.linear.scatter [tilespmem:s21], [sflag:$0x7], $0x80, $0x38;
	[tilespmem:$0x18400] =	vst v63  }
0x2e1: {  	s2 =	sadd.s32 @!p2 $0x1, s2;
	s21 =	sadd.s32 $0xCCA8, s12;
	s24 =	sadd.s32 $0x50, s16  }
0x2e2: {  	[hbm4b:s24+s4] =	stream.linear.scatter [tilespmem:s21], [sflag:$0x7], $0x80, $0x38;
	[tilespmem:$0x18400] =	vst v63  }
0x2e3: {  	s17 =	sadd.s32 $0xCDB8, s12;
	s21 =	sadd.s32 $0xCD30, s12;
	s12 =	sshll.u32 @!p2 s2, $0xF  }
0x2e4: {  	s24 =	sadd.s32 $0x60, s16;
	s2 =	sand.u32 @!p2 $0x1, s2;
	s12 =	sor.u32 @!p2 s5, s12  }
0x2e5: {  	[hbm4b:s24+s4] =	stream.linear.scatter [tilespmem:s21], [sflag:$0x7], $0x80, $0x38;
	[tilespmem:$0x18400] =	vst v63  }
0x2e6: {  	s18 =	sadd.s32 $0x70, s16;
	s16 =	sshll.u32 @!p2 s2, $0xA;
	s12 =	sshrl.u32 @!p2 s12, $0x3  }
0x2e7: {  	[hbm4b:s18+s4] =	stream.linear.scatter [tilespmem:s17], [sflag:$0x7], $0x80, $0x38;
	[tilespmem:$0x18400] =	vst v63  }
0x2e8: {  	s2 =	sadd.s32 @!p2 $0xB, s2;
	s12 =	sadd.s32 @!p2 s1, s12;
	s17 =	simm.s32 @!p2 $0x0  }
0x2e9: {  	[tilespmem:s16], [sflag:s2] =	stream.linear.gather @!p2 [hbm4b:s12+s17], $0x400, $0x38;
	[tilespmem:$0x18400] =	vst v63  }
0x2ea: {  	s2 =	sadd.s32 $0x4, s7  }
0x2eb: {  	s12 =	sand.u32 $0x7, s2  }
0x2ec: {  	p2 =	sne.s32 s12, $0x0  }
0x2ed: {  	s16 =	sshrl.u32 @!p2 s2, $0x3  }
0x2ee: {  	s16 =	sand.u32 @!p2 $0x1, s16  }
0x2ef: {  	s21 =	sshll.u32 s2, $0x7;
	s16 =	sadd.s32 @!p2 $0xB, s16  }
0x2f0: {  	s17 =	sand.u32 $0x400, s21;
	s24 =	sshll.u32 s12, $0x7;
	_ =	swait.ge @!p2 [sflag:s16], $0x400  }
0x2f1: {  	s21 =	simm.s32 $0x0;
	s18 =	sor.u32 s24, s17;
	[sflag:s16] =	ssyncset.done @!p2 $0x0  }
0x2f2: {  	s24 =	simm.s32 $0x8800;
	v0 =	vmov s21;
	s21 =	simm.s32 $0x2;
	[sflag:s16] =	ssyncadd.s32 @!p2 $0xFFFFFC00  }
0x2f3: {  	[tilespmem:s24], [sflag:$0x5] =	stream.indirect.gather [hbm4b:s6+s15], $0x40, s18, s15, $0xb8;
	[tilespmem:$0x18400] =	vst v63  }
0x2f4: {  	v0 =	vshrl.u32 v0, $0x3;
	v3 =	vmov s21;
	s21 =	simm.s32 $0x5;
	_ =	swait.ge [sflag:s25], $0x2000  }
0x2f5: {  	v6 =	vmov s21;
	s21 =	simm.s32 $0x8;
	v0 =	vshll.u32 v0, v1;
	[sflag:s25] =	ssyncset.done $0x0  }
0x2f6: {  	v3 =	vshrl.u32 v3, $0x3;
	v35 =	vmov s21;
	s21 =	simm.s32 $0xB;
	v6 =	vshrl.u32 v6, $0x3;
	s16 =	simm.s32 @!p0 $0x8;
	[sflag:s25] =	ssyncadd.s32 $0xFFFFE000  }
0x2f7: {  	v3 =	vshll.u32 v3, v1;
	v38 =	vmov s21;
	v44 =	vshrl.u32 v35, $0x3;
	s24 =	simm.s32 $0x3;
	_ =	swait.ge @!p0 [sflag:s16], $0x2000  }
0x2f8: {  	s21 =	simm.s32 $0xD;
	v6 =	vshll.u32 v6, v1;
	v51 =	vbroadcast v3, $0x0;
	s18 =	simm.s32 $0x1;
	v4 =	vmov s24;
	s24 =	simm.s32 $0x6;
	v15 =	vld [tilespmem:$0x1FE40]  }
0x2f9: {  	v40 =	vmov s21;
	v2 =	vmov s18;
	s18 =	simm.s32 $0x4;
	v33 =	vmov s24;
	s24 =	simm.s32 $0x9;
	v14 =	vld [tilespmem:$0x1FE60]  }
0x2fa: {  	v52 =	vshll.u32 v44, v1;
	v5 =	vmov s18;
	s18 =	simm.s32 $0x7;
	v36 =	vmov s24;
	s24 =	simm.s32 $0xC;
	v13 =	vld [tilespmem:$0x1FE00]  }
0x2fb: {  	v2 =	vshrl.u32 v2, $0x3;
	v34 =	vmov s18;
	s18 =	simm.s32 $0xA;
	v39 =	vmov s24;
	s24 =	simm.s32 $0xE;
	v10 =	vld [tilespmem:$0x1FED0]  }
0x2fc: {  	v4 =	vshrl.u32 v4, $0x3;
	v37 =	vmov s18;
	s18 =	sshll.u32 s9, $0x6;
	v41 =	vmov s24;
	[sflag:s16] =	ssyncset.done @!p0 $0x0;
	s24 =	simm.s32 $0xF;
	v11 =	vld [tilespmem:$0x1FEE0]  }
0x2fd: {  	v2 =	vshll.u32 v2, v1;
	v45 =	vshrl.u32 v36, $0x3;
	s21 =	sand.u32 $0x3FFFFFC0, s18;
	v9 =	vld [tilespmem:$0x1FF20];
	[sflag:s16] =	ssyncadd.s32 @!p0 $0xFFFFE000;
	v59 =	vmov s24  }
0x2fe: {  	v46 =	vshrl.u32 v37, $0x3;
	v37 =	vbroadcast v0, $0x0;
	s16 =	simm.s32 $0x4BF0;
	v36 =	vld [tilespmem:s21+$0x15200];
	v60 =	vshrl.u32 v59, $0x3  }
0x2ff: {  	v0 =	vshrl.u32 v40, $0x3;
	v40 =	vshrl.u32 v41, $0x3;
	v62 =	vld [tilespmem:s16+$0xFFFFFC10];
	v41 =	vshll.u32 v60, v1  }
0x300: {  	v5 =	vshrl.u32 v5, $0x3;
	v50 =	vbroadcast v2, $0x0;
	v61 =	vld [tilespmem:s16+$0xFFFFFFD0];
	v53 =	vbroadcast v41, $0x0  }
0x301: {  	v39 =	vshrl.u32 v39, $0x3;
	v54 =	vshll.u32 v45, v1;
	v45 =	vld [tilespmem:s16+$0xFFFFFC50];
	v32 =	vadd.s32 v14, v37  }
0x302: {  	v42 =	vshrl.u32 v33, $0x3;
	v2 =	vshll.u32 v39, v1;
	v35 =	vld [tilespmem:s21+$0x15210];
	v39 =	vadd.s32 v15, v53  }
0x303: {  	v4 =	vshll.u32 v4, v1;
	v43 =	vshrl.u32 v34, $0x3;
	v34 =	vld [tilespmem:s21+$0x15220];
	v3 =	vadd.s32 v13, v50  }
0x304: {  	v5 =	vshll.u32 v5, v1;
	v49 =	vbroadcast v4, $0x0;
	v48 =	vld [tilespmem:s16+$0xFFFFFC90];
	v58 =	vadd.f32 v62, v36  }
0x305: {  	v47 =	vbroadcast v5, $0x0;
	v33 =	vld [tilespmem:s21+$0x15230];
	v4 =	vshll.u32 v40, v1;
	v5 =	vadd.f32 v61, v36  }
0x306: {  	v44 =	vbroadcast v6, $0x0;
	v56 =	vld [tilespmem:s16+$0xFFFFFCD0];
	v40 =	vadd.s32 v10, v51;
	v6 =	vadd.f32 v45, v36;
	[tilespmem:v32+s26+$0x0] =	vst.idx.msk $0xffff, v58  }
0x307: {  	v57 =	vld [tilespmem:s16+$0xFFFFFD10];
	[tilespmem:v39+s26+$0x0] =	vst.idx.msk $0xffff, v5  }
0x308: {  	v12 =	vld [tilespmem:$0x1FF60];
	[tilespmem:v3+s26+$0x0] =	vst.idx.msk $0xffff, v6  }
0x309: {  	v38 =	vshrl.u32 v38, $0x3;
	v5 =	vadd.f32 v48, v36;
	v8 =	vld [tilespmem:$0x1FFA0]  }
0x30a: {  	v38 =	vshll.u32 v38, v1;
	v42 =	vshll.u32 v42, v1;
	v60 =	vld [tilespmem:s16+$0xFFFFFD50]  }
0x30b: {  	v43 =	vshll.u32 v43, v1;
	v59 =	vadd.s32 v11, v49;
	v62 =	vld [tilespmem:s16+$0xFFFFFD90];
	[tilespmem:v40+s26+$0x0] =	vst.idx.msk $0xffff, v5  }
0x30c: {  	v55 =	vshll.u32 v46, v1;
	v41 =	vbroadcast v42, $0x0;
	v61 =	vadd.s32 v9, v47;
	v7 =	vld [tilespmem:$0x1FFE0]  }
0x30d: {  	v45 =	vbroadcast v52, $0x0;
	v48 =	vbroadcast v43, $0x0;
	v43 =	vld [tilespmem:s16+$0xFFFFFE10];
	v39 =	vadd.s32 v12, v44  }
0x30e: {  	v0 =	vshll.u32 v0, v1;
	v32 =	vld [tilespmem:s16+$0xFFFFFDD0];
	v3 =	vadd.f32 v56, v36;
	v6 =	vadd.s32 v8, v41  }
0x30f: {  	v46 =	vbroadcast v54, $0x0;
	v54 =	vadd.s32 v14, v45;
	v58 =	vld [tilespmem:s16+$0xFFFFFFE0];
	v5 =	vadd.f32 v57, v36  }
0x310: {  	v42 =	vbroadcast v55, $0x0;
	v57 =	vadd.s32 v15, v48;
	[tilespmem:v59+s26+$0x0] =	vst.idx.msk $0xffff, v3;
	v3 =	vadd.f32 v60, v36;
	v59 =	vld [tilespmem:s16+$0xFFFFFE50]  }
0x311: {  	v40 =	vbroadcast v2, $0x0;
	v60 =	vld [tilespmem:s16+$0xFFFFFE90];
	[tilespmem:v61+s26+$0x0] =	vst.idx.msk $0xffff, v5;
	v5 =	vadd.f32 v62, v36;
	v52 =	vadd.s32 v7, v53  }
0x312: {  	v55 =	vld [tilespmem:s16+$0xFFFFFED0];
	v2 =	vadd.f32 v43, v36;
	[tilespmem:v39+s26+$0x0] =	vst.idx.msk $0xffff, v3;
	v3 =	vadd.s32 v13, v46;
	v39 =	vbroadcast v38, $0x0  }
0x313: {  	[tilespmem:v6+s26+$0x0] =	vst.idx.msk $0xffff, v5;
	v5 =	vadd.f32 v32, v36;
	v6 =	vadd.s32 v10, v42;
	v32 =	vld [tilespmem:s16+$0xFFFFFF10]  }
0x314: {  	v62 =	vld [tilespmem:s16+$0xFFFFFF50];
	v58 =	vadd.f32 v58, v35;
	[tilespmem:v54+s26+$0x0] =	vst.idx.msk $0xffff, v2;
	v38 =	vbroadcast v0, $0x0;
	v61 =	vadd.s32 v11, v39  }
0x315: {  	v0 =	vadd.f32 v59, v36;
	[tilespmem:v57+s26+$0x0] =	vst.idx.msk $0xffff, v5;
	v5 =	vadd.s32 v9, v40  }
0x316: {  	v43 =	vbroadcast v4, $0x0;
	v4 =	vld [tilespmem:s16+$0xFFFFFC60];
	v2 =	vadd.f32 v60, v36;
	[tilespmem:v52+s26+$0x0] =	vst.idx.msk $0xffff, v58;
	v54 =	vadd.s32 v12, v38  }
0x317: {  	v52 =	vld [tilespmem:s16+$0xFFFFFFF0];
	[tilespmem:v3+s26+$0x0] =	vst.idx.msk $0xffff, v0;
	v0 =	vadd.f32 v55, v36  }
0x318: {  	v57 =	vld [tilespmem:s16+$0xFFFFFF90];
	[tilespmem:v6+s26+$0x0] =	vst.idx.msk $0xffff, v2;
	v2 =	vadd.f32 v32, v36  }
0x319: {  	v11 =	vld [tilespmem:$0x1FEA0];
	[tilespmem:v61+s26+$0x0] =	vst.idx.msk $0xffff, v0;
	v0 =	vadd.f32 v62, v36  }
0x31a: {  	v6 =	vadd.s32 v8, v43;
	v8 =	vld [tilespmem:$0x1FE10];
	[tilespmem:v5+s26+$0x0] =	vst.idx.msk $0xffff, v2  }
0x31b: {  	v10 =	vld [tilespmem:$0x1FEF0];
	[tilespmem:v54+s26+$0x0] =	vst.idx.msk $0xffff, v0  }
0x31c: {  	v3 =	vadd.s32 v63, v53;
	v23 =	vld [tilespmem:$0x1FF30]  }
0x31d: {  	v55 =	vld [tilespmem:s16+$0xFFFFFCA0]  }
0x31e: {  	v32 =	vld [tilespmem:s16+$0xFFFFFCE0];
	v56 =	vadd.s32 v11, v50  }
0x31f: {  	v60 =	vld [tilespmem:s16+$0xFFFFFD20];
	v2 =	vadd.f32 v52, v34;
	v59 =	vadd.s32 v8, v51  }
0x320: {  	v0 =	vadd.f32 v57, v36;
	v5 =	vadd.s32 v10, v49  }
0x321: {  	v4 =	vadd.f32 v4, v35;
	[tilespmem:v3+s26+$0x0] =	vst.idx.msk $0xffff, v2;
	v54 =	vadd.s32 v23, v47  }
0x322: {  	v2 =	vadd.f32 v55, v35;
	v12 =	vld [tilespmem:$0x1FF70];
	[tilespmem:v6+s26+$0x0] =	vst.idx.msk $0xffff, v0  }
0x323: {  	v62 =	vld [tilespmem:s16+$0xFFFFFD60];
	[tilespmem:v56+s26+$0x0] =	vst.idx.msk $0xffff, v4;
	v4 =	vadd.f32 v32, v35  }
0x324: {  	v31 =	vld [tilespmem:$0x1FFB0];
	[tilespmem:v59+s26+$0x0] =	vst.idx.msk $0xffff, v2;
	v2 =	vadd.f32 v60, v35  }
0x325: {  	v9 =	vld [tilespmem:$0x1FFF0];
	[tilespmem:v5+s26+$0x0] =	vst.idx.msk $0xffff, v4  }
0x326: {  	v57 =	vld [tilespmem:s16+$0xFFFFFDA0];
	[tilespmem:v54+s26+$0x0] =	vst.idx.msk $0xffff, v2  }
0x327: {  	v5 =	vadd.s32 v7, v48;
	v7 =	vld [tilespmem:$0x1FE70]  }
0x328: {  	v0 =	vld [tilespmem:s16+$0x0];
	v3 =	vadd.s32 v12, v44  }
0x329: {  	v55 =	vld [tilespmem:s16+$0xFFFFFDE0];
	v6 =	vadd.s32 v31, v41  }
0x32a: {  	v61 =	vld [tilespmem:s16+$0xFFFFFE20];
	v53 =	vadd.s32 v9, v53  }
0x32b: {  	v4 =	vadd.f32 v62, v35;
	v62 =	vld [tilespmem:s16+$0xFFFFFE60]  }
0x32c: {  	v60 =	vld [tilespmem:s16+$0xFFFFFEA0];
	v2 =	vadd.f32 v57, v35;
	v32 =	vadd.s32 v7, v45  }
0x32d: {  	v0 =	vadd.f32 v0, v33;
	[tilespmem:v3+s26+$0x0] =	vst.idx.msk $0xffff, v4;
	v3 =	vadd.s32 v11, v46  }
0x32e: {  	v4 =	vld [tilespmem:s16+$0xFFFFFEE0];
	[tilespmem:v6+s26+$0x0] =	vst.idx.msk $0xffff, v2;
	v2 =	vadd.f32 v55, v35;
	v6 =	vadd.s32 v8, v42  }
0x32f: {  	v56 =	vadd.f32 v61, v35;
	v55 =	vld [tilespmem:s16+$0xFFFFFF20];
	[tilespmem:v53+s26+$0x0] =	vst.idx.msk $0xffff, v0  }
0x330: {  	v58 =	vadd.s32 v10, v39;
	v0 =	vadd.f32 v62, v35;
	[tilespmem:v5+s26+$0x0] =	vst.idx.msk $0xffff, v2  }
0x331: {  	v61 =	vld [tilespmem:s16+$0xFFFFFC20];
	v2 =	vadd.s32 v23, v40;
	[tilespmem:v32+s26+$0x0] =	vst.idx.msk $0xffff, v56;
	v32 =	vadd.f32 v60, v35  }
0x332: {  	v59 =	vld [tilespmem:s16+$0xFFFFFF60];
	[tilespmem:v3+s26+$0x0] =	vst.idx.msk $0xffff, v0  }
0x333: {  	v5 =	vld [tilespmem:s16+$0xFFFFFFA0];
	v0 =	vadd.f32 v4, v35;
	[tilespmem:v6+s26+$0x0] =	vst.idx.msk $0xffff, v32  }
0x334: {  	v60 =	vadd.s32 v12, v38;
	v6 =	vadd.f32 v55, v35;
	v12 =	vld [tilespmem:$0x1FEB0]  }
0x335: {  	v62 =	vld [tilespmem:s16+$0xFFFFFC70];
	v3 =	vadd.s32 v31, v43;
	[tilespmem:v58+s26+$0x0] =	vst.idx.msk $0xffff, v0  }
0x336: {  	v4 =	vadd.s32 v7, v37;
	v16 =	vld [tilespmem:$0x1FE20];
	[tilespmem:v2+s26+$0x0] =	vst.idx.msk $0xffff, v6  }
0x337: {  	v0 =	vadd.f32 v59, v35;
	v20 =	vld [tilespmem:$0x1FF00]  }
0x338: {  	v57 =	vld [tilespmem:s16+$0xFFFFFCB0];
	v2 =	vadd.f32 v5, v35  }
0x339: {  	v32 =	vld [tilespmem:s16+$0xFFFFFCF0];
	v5 =	vadd.f32 v61, v35;
	[tilespmem:v60+s26+$0x0] =	vst.idx.msk $0xffff, v0;
	v53 =	vadd.s32 v12, v50  }
0x33a: {  	v24 =	vld [tilespmem:$0x1FF40];
	[tilespmem:v3+s26+$0x0] =	vst.idx.msk $0xffff, v2  }
0x33b: {  	v59 =	vld [tilespmem:s16+$0xFFFFFD30];
	[tilespmem:v4+s26+$0x0] =	vst.idx.msk $0xffff, v5;
	v58 =	vadd.s32 v16, v51  }
0x33c: {  	v0 =	vadd.f32 v62, v34;
	v28 =	vld [tilespmem:$0x1FF80];
	v6 =	vadd.s32 v20, v49  }
0x33d: {  	v61 =	vld [tilespmem:s16+$0xFFFFFD70]  }
0x33e: {  	v60 =	vld [tilespmem:s16+$0xFFFFFDB0];
	v2 =	vadd.f32 v57, v34;
	[tilespmem:v53+s26+$0x0] =	vst.idx.msk $0xffff, v0  }
0x33f: {  	v0 =	vadd.f32 v32, v34;
	v32 =	vld [tilespmem:$0x1FFC0]  }
0x340: {  	v4 =	vld [tilespmem:s16+$0xFFFFFDF0];
	v62 =	vadd.s32 v24, v47;
	[tilespmem:v58+s26+$0x0] =	vst.idx.msk $0xffff, v2  }
0x341: {  	v57 =	vld [tilespmem:s16+$0xFFFFFE70];
	v3 =	vadd.s32 v28, v44;
	[tilespmem:v6+s26+$0x0] =	vst.idx.msk $0xffff, v0  }
0x342: {  	v8 =	vld [tilespmem:$0x1FE80]  }
0x343: {  	v55 =	vadd.s32 v63, v48;
	v53 =	vld [tilespmem:s16+$0xFFFFFE30];
	v2 =	vadd.f32 v59, v34  }
0x344: {  	v58 =	vld [tilespmem:s16+$0xFFFFFC30];
	v0 =	vadd.f32 v61, v34;
	v5 =	vadd.s32 v32, v41  }
0x345: {  	v52 =	vld [tilespmem:s16+$0xFFFFFC80];
	[tilespmem:v62+s26+$0x0] =	vst.idx.msk $0xffff, v2;
	v2 =	vadd.f32 v60, v34  }
0x346: {  	v62 =	vadd.s32 v12, v46;
	v60 =	vld [tilespmem:s16+$0xFFFFFEF0];
	[tilespmem:v3+s26+$0x0] =	vst.idx.msk $0xffff, v0;
	v0 =	vadd.f32 v4, v34  }
0x347: {  	v61 =	vld [tilespmem:s16+$0xFFFFFEB0];
	v6 =	vadd.s32 v8, v45  }
0x348: {  	v59 =	vld [tilespmem:s16+$0xFFFFFCC0];
	[tilespmem:v55+s26+$0x0] =	vst.idx.msk $0xffff, v0  }
0x349: {  	v3 =	vld [tilespmem:s16+$0xFFFFFF30];
	v0 =	vadd.f32 v57, v34;
	[tilespmem:v5+s26+$0x0] =	vst.idx.msk $0xffff, v2;
	v5 =	vadd.s32 v16, v42  }
0x34a: {  	v4 =	vld [tilespmem:s16+$0xFFFFFF70];
	v2 =	vadd.f32 v53, v34  }
0x34b: {  	v55 =	vadd.s32 v20, v39;
	[tilespmem:v62+s26+$0x0] =	vst.idx.msk $0xffff, v0;
	v0 =	vadd.f32 v60, v34;
	v60 =	vld [tilespmem:s16+$0xFFFFFD00]  }
0x34c: {  	v53 =	vld [tilespmem:s16+$0xFFFFFFB0];
	[tilespmem:v6+s26+$0x0] =	vst.idx.msk $0xffff, v2;
	v2 =	vadd.f32 v61, v34  }
0x34d: {  	v57 =	vadd.s32 v24, v40;
	v13 =	vld [tilespmem:$0x1FEC0]  }
0x34e: {  	v6 =	vadd.s32 v28, v38;
	v62 =	vld [tilespmem:s16+$0xFFFFFE40];
	[tilespmem:v5+s26+$0x0] =	vst.idx.msk $0xffff, v2  }
0x34f: {  	s18 =	simm.s32 $0x10;
	v54 =	vadd.s32 v32, v43;
	v17 =	vld [tilespmem:$0x1FE30]  }
0x350: {  	v3 =	vadd.f32 v3, v34;
	v2 =	vmov s18;
	[tilespmem:v55+s26+$0x0] =	vst.idx.msk $0xffff, v0;
	v55 =	vld [tilespmem:s16+$0xFFFFFD80]  }
0x351: {  	v4 =	vadd.f32 v4, v34;
	v0 =	vshrl.u32 v2, $0x3;
	v2 =	vadd.f32 v58, v34;
	v58 =	vld [tilespmem:s16+$0xFFFFFE00]  }
0x352: {  	v53 =	vadd.f32 v53, v34;
	v21 =	vld [tilespmem:$0x1FF10];
	[tilespmem:v57+s26+$0x0] =	vst.idx.msk $0xffff, v3  }
0x353: {  	v25 =	vld [tilespmem:$0x1FF50];
	[tilespmem:v6+s26+$0x0] =	vst.idx.msk $0xffff, v4  }
0x354: {  	v56 =	vadd.s32 v8, v37;
	v29 =	vld [tilespmem:$0x1FF90];
	[tilespmem:v54+s26+$0x0] =	vst.idx.msk $0xffff, v53  }
0x355: {  	s21 =	simm.s32 $0x11;
	v48 =	vadd.s32 v9, v48;
	v52 =	vadd.f32 v52, v33;
	v50 =	vadd.s32 v13, v50;
	v22 =	vld [tilespmem:$0x1FFD0]  }
0x356: {  	v61 =	vadd.f32 v60, v33;
	v3 =	vmov s21;
	v5 =	vadd.s32 v17, v51;
	v51 =	vld [tilespmem:s16+$0xFFFFFD40]  }
0x357: {  	v0 =	vshll.u32 v0, v1;
	v60 =	vadd.f32 v55, v33;
	v55 =	vld [tilespmem:s16+$0xFFFFFEC0];
	v49 =	vadd.s32 v21, v49  }
0x358: {  	s24 =	simm.s32 $0x12;
	v57 =	vld [tilespmem:s16+$0xFFFFFDC0];
	v6 =	vadd.f32 v59, v33;
	v46 =	vadd.s32 v13, v46;
	v47 =	vadd.s32 v25, v47  }
0x359: {  	s18 =	simm.s32 $0x13;
	v4 =	vmov s24;
	[tilespmem:v56+s26+$0x0] =	vst.idx.msk $0xffff, v2;
	v56 =	vld [tilespmem:s16+$0xFFFFFE80];
	v42 =	vadd.s32 v17, v42;
	v39 =	vadd.s32 v21, v39  }
0x35a: {  	s21 =	simm.s32 $0x14;
	v53 =	vmov s18;
	v59 =	vld [tilespmem:s16+$0xFFFFFF80];
	[tilespmem:v50+s26+$0x0] =	vst.idx.msk $0xffff, v52;
	v40 =	vadd.s32 v25, v40;
	v44 =	vadd.s32 v29, v44  }
0x35b: {  	v2 =	vmov s21;
	s21 =	simm.s32 $0x17;
	v9 =	vld [tilespmem:$0x1FE90];
	v38 =	vadd.s32 v29, v38;
	v51 =	vadd.f32 v51, v33;
	[tilespmem:v5+s26+$0x0] =	vst.idx.msk $0xffff, v6  }
0x35c: {  	s24 =	simm.s32 $0x15;
	v54 =	vmov s21;
	v50 =	vld [tilespmem:s16+$0xFFFFFFC0];
	v41 =	vadd.s32 v22, v41;
	v55 =	vadd.f32 v55, v33;
	[tilespmem:v49+s26+$0x0] =	vst.idx.msk $0xffff, v61  }
0x35d: {  	s18 =	simm.s32 $0x16;
	v52 =	vmov s24;
	v43 =	vadd.s32 v22, v43;
	v6 =	vadd.f32 v57, v33;
	[tilespmem:v47+s26+$0x0] =	vst.idx.msk $0xffff, v51  }
0x35e: {  	s24 =	simm.s32 $0x18;
	v5 =	vmov s18;
	v57 =	vld [tilespmem:s16+$0xFFFFFF00];
	v49 =	vadd.f32 v58, v33;
	v61 =	vadd.f32 v56, v33;
	[tilespmem:v42+s26+$0x0] =	vst.idx.msk $0xffff, v55  }
0x35f: {  	s18 =	simm.s32 $0x19;
	v47 =	vmov s24;
	v51 =	vadd.f32 v62, v33;
	s24 =	simm.s32 $0x1B;
	v62 =	vadd.f32 v59, v33;
	[tilespmem:v44+s26+$0x0] =	vst.idx.msk $0xffff, v60  }
0x360: {  	v58 =	vld [tilespmem:s16+$0xFFFFFF40];
	v45 =	vadd.s32 v9, v45;
	v60 =	vmov s18;
	[tilespmem:v48+s26+$0x0] =	vst.idx.msk $0xffff, v49;
	v56 =	vmov s24  }
0x361: {  	v37 =	vadd.s32 v9, v37;
	v44 =	vshrl.u32 v3, $0x3;
	v3 =	vadd.f32 v50, v33;
	[tilespmem:v41+s26+$0x0] =	vst.idx.msk $0xffff, v6;
	v41 =	vld [tilespmem:s16+$0xFFFFFC40]  }
0x362: {  	s21 =	simm.s32 $0x1A;
	s24 =	simm.s32 $0x1E;
	[tilespmem:v46+s26+$0x0] =	vst.idx.msk $0xffff, v61;
	v50 =	vshrl.u32 v4, $0x3;
	v46 =	vshrl.u32 v54, $0x3;
	v47 =	vshrl.u32 v47, $0x3  }
0x363: {  	s18 =	simm.s32 $0x1C;
	v6 =	vmov s21;
	v61 =	vmov s24;
	[tilespmem:v38+s26+$0x0] =	vst.idx.msk $0xffff, v62;
	v48 =	vadd.f32 v57, v33  }
0x364: {  	s21 =	simm.s32 $0x1D;
	v38 =	vshrl.u32 v60, $0x3;
	v57 =	vmov s18;
	[tilespmem:v43+s26+$0x0] =	vst.idx.msk $0xffff, v3;
	v42 =	vshrl.u32 v6, $0x3  }
0x365: {  	v43 =	vshrl.u32 v56, $0x3;
	v49 =	vadd.f32 v58, v33;
	v58 =	vmov s21;
	[tilespmem:v39+s26+$0x0] =	vst.idx.msk $0xffff, v48  }
0x366: {  	v48 =	vshrl.u32 v52, $0x3;
	v39 =	vshrl.u32 v58, $0x3;
	[tilespmem:v45+s26+$0x0] =	vst.idx.msk $0xffff, v51;
	v4 =	vadd.f32 v41, v33  }
0x367: {  	v45 =	vshrl.u32 v53, $0x3;
	[tilespmem:v40+s26+$0x0] =	vst.idx.msk $0xffff, v49;
	v51 =	vshrl.u32 v2, $0x3;
	v49 =	vshrl.u32 v5, $0x3  }
0x368: {  	s17 =	simm.s32 $0x20;
	s18 =	simm.s32 $0x1F;
	v40 =	vshrl.u32 v61, $0x3;
	v41 =	vshrl.u32 v57, $0x3;
	[tilespmem:v37+s26+$0x0] =	vst.idx.msk $0xffff, v4;
	v37 =	vbroadcast v0, $0x0  }
.LBB2_11:
0x369: {  	v11 =	vld [tilespmem:$0x1FE40]  }
0x36a: {  	v30 =	vld [tilespmem:$0x1FE60]  }
0x36b: {  	v27 =	vld [tilespmem:$0x1FE00]  }
0x36c: {  	v14 =	vld [tilespmem:$0x1FED0]  }
0x36d: {  	v15 =	vld [tilespmem:$0x1FEE0]  }
0x36e: {  	v10 =	vld [tilespmem:$0x1FF20]  }
0x36f: {  	v3 =	vmov s18;
	v19 =	vld [tilespmem:$0x1FF60]  }
0x370: {  	v26 =	vld [tilespmem:$0x1FFA0];
	v3 =	vshrl.u32 v3, $0x3  }
0x371: {  	v0 =	vshll.u32 v44, v1;
	s16 =	sadd.s32 $0x400, s16;
	v18 =	vld [tilespmem:$0x1FFE0];
	v3 =	vshll.u32 v3, v1  }
0x372: {  	v2 =	vshll.u32 v50, v1;
	v4 =	vshll.u32 v45, v1;
	v61 =	vld [tilespmem:s16+$0xFFFFFFD0];
	v52 =	vbroadcast v3, $0x0  }
0x373: {  	v5 =	vshll.u32 v51, v1;
	v6 =	vshll.u32 v48, v1;
	v54 =	vshll.u32 v43, v1;
	v3 =	vld [tilespmem:s16+$0xFFFFFC10]  }
0x374: {  	v43 =	vld [tilespmem:s16+$0xFFFFFC50];
	v50 =	vbroadcast v0, $0x0;
	v0 =	vshll.u32 v41, v1;
	v41 =	vadd.s32 v11, v52  }
0x375: {  	v44 =	vshll.u32 v49, v1;
	v45 =	vshll.u32 v46, v1;
	v56 =	vld [tilespmem:s16+$0xFFFFFC90];
	v55 =	vadd.s32 v30, v37  }
0x376: {  	v46 =	vshll.u32 v47, v1;
	v53 =	vshll.u32 v42, v1;
	v58 =	vld [tilespmem:s16+$0xFFFFFCD0];
	v57 =	vadd.s32 v27, v50  }
0x377: {  	v51 =	vbroadcast v2, $0x0;
	v59 =	vld [tilespmem:s16+$0xFFFFFD10];
	v47 =	vbroadcast v5, $0x0;
	v5 =	vadd.f32 v61, v36  }
0x378: {  	v49 =	vbroadcast v4, $0x0;
	v4 =	vshll.u32 v40, v1;
	v62 =	vld [tilespmem:s16+$0xFFFFFD90];
	v3 =	vadd.f32 v3, v36  }
0x379: {  	v42 =	vbroadcast v6, $0x0;
	v40 =	vadd.s32 v14, v51;
	v61 =	vld [tilespmem:s16+$0xFFFFFD50];
	v6 =	vadd.f32 v43, v36;
	[tilespmem:v41+s26+$0x0] =	vst.idx.msk $0xffff, v5  }
0x37a: {  	v48 =	vbroadcast v45, $0x0;
	v60 =	vadd.s32 v15, v49;
	[tilespmem:v55+s26+$0x0] =	vst.idx.msk $0xffff, v3;
	v3 =	vadd.f32 v56, v36;
	v56 =	vld [tilespmem:s16+$0xFFFFFDD0]  }
0x37b: {  	v43 =	vadd.s32 v10, v47;
	[tilespmem:v57+s26+$0x0] =	vst.idx.msk $0xffff, v6;
	v57 =	vld [tilespmem:s16+$0xFFFFFE10]  }
0x37c: {  	v5 =	vadd.s32 v19, v42;
	v6 =	vadd.f32 v58, v36;
	v58 =	vadd.s32 v11, v48;
	v11 =	vld [tilespmem:$0x1FEA0]  }
0x37d: {  	v2 =	vshll.u32 v39, v1;
	v39 =	vbroadcast v44, $0x0;
	v41 =	vld [tilespmem:s16+$0xFFFFFFE0]  }
0x37e: {  	v38 =	vshll.u32 v38, v1;
	[tilespmem:v40+s26+$0x0] =	vst.idx.msk $0xffff, v3;
	v3 =	vadd.f32 v59, v36;
	v59 =	vld [tilespmem:s16+$0xFFFFFE50]  }
0x37f: {  	v44 =	vbroadcast v46, $0x0;
	v55 =	vadd.s32 v26, v39;
	[tilespmem:v60+s26+$0x0] =	vst.idx.msk $0xffff, v6;
	v6 =	vadd.f32 v61, v36;
	v61 =	vld [tilespmem:s16+$0xFFFFFE90]  }
0x380: {  	v45 =	vbroadcast v38, $0x0;
	v46 =	vadd.s32 v18, v52;
	[tilespmem:v43+s26+$0x0] =	vst.idx.msk $0xffff, v3;
	v3 =	vadd.f32 v62, v36;
	v62 =	vld [tilespmem:s16+$0xFFFFFF10]  }
0x381: {  	v40 =	vbroadcast v54, $0x0;
	v43 =	vbroadcast v53, $0x0;
	[tilespmem:v5+s26+$0x0] =	vst.idx.msk $0xffff, v6;
	v6 =	vld [tilespmem:s16+$0xFFFFFED0]  }
0x382: {  	v53 =	vadd.f32 v41, v35;
	v41 =	vbroadcast v0, $0x0;
	v0 =	vadd.f32 v57, v36;
	v57 =	vld [tilespmem:s16+$0xFFFFFF50]  }
0x383: {  	v60 =	vadd.s32 v30, v44;
	v5 =	vadd.s32 v27, v45;
	v54 =	vadd.s32 v14, v43;
	v14 =	vld [tilespmem:$0x1FEF0]  }
0x384: {  	[tilespmem:v55+s26+$0x0] =	vst.idx.msk $0xffff, v3;
	v3 =	vadd.f32 v56, v36;
	v56 =	vadd.s32 v15, v40;
	v15 =	vld [tilespmem:$0x1FF70]  }
0x385: {  	[tilespmem:v46+s26+$0x0] =	vst.idx.msk $0xffff, v53;
	v46 =	vbroadcast v4, $0x0;
	v4 =	vld [tilespmem:s16+$0xFFFFFC60]  }
0x386: {  	v38 =	vbroadcast v2, $0x0;
	[tilespmem:v58+s26+$0x0] =	vst.idx.msk $0xffff, v3;
	v3 =	vadd.s32 v10, v41;
	v10 =	vld [tilespmem:$0x1FE10]  }
0x387: {  	v55 =	vadd.s32 v11, v50;
	v2 =	vadd.f32 v59, v36;
	v53 =	vld [tilespmem:s16+$0xFFFFFFF0]  }
0x388: {  	v59 =	vld [tilespmem:s16+$0xFFFFFF90];
	[tilespmem:v60+s26+$0x0] =	vst.idx.msk $0xffff, v0;
	v0 =	vadd.f32 v61, v36;
	v58 =	vadd.s32 v19, v38  }
0x389: {  	v60 =	vld [tilespmem:s16+$0xFFFFFCE0];
	[tilespmem:v5+s26+$0x0] =	vst.idx.msk $0xffff, v2;
	v2 =	vadd.f32 v6, v36;
	v5 =	vadd.s32 v63, v52  }
0x38a: {  	v6 =	vld [tilespmem:s16+$0xFFFFFCA0];
	[tilespmem:v54+s26+$0x0] =	vst.idx.msk $0xffff, v0;
	v0 =	vadd.f32 v62, v36;
	v54 =	vadd.s32 v26, v46  }
0x38b: {  	v62 =	vld [tilespmem:s16+$0xFFFFFD20];
	[tilespmem:v56+s26+$0x0] =	vst.idx.msk $0xffff, v2;
	v2 =	vadd.f32 v57, v36;
	v61 =	vadd.s32 v10, v51  }
0x38c: {  	[tilespmem:v3+s26+$0x0] =	vst.idx.msk $0xffff, v0;
	v4 =	vadd.f32 v4, v35;
	v0 =	vadd.f32 v53, v34;
	v53 =	vld [tilespmem:s16+$0xFFFFFD60]  }
0x38d: {  	v3 =	vadd.s32 v14, v49;
	[tilespmem:v58+s26+$0x0] =	vst.idx.msk $0xffff, v2;
	v2 =	vadd.f32 v59, v36;
	v59 =	vld [tilespmem:s16+$0xFFFFFDA0]  }
0x38e: {  	v58 =	vadd.s32 v23, v47;
	[tilespmem:v55+s26+$0x0] =	vst.idx.msk $0xffff, v4;
	v4 =	vadd.f32 v60, v35;
	v60 =	vld [tilespmem:$0x1FFF0]  }
0x38f: {  	v55 =	vld [tilespmem:s16+$0xFFFFFE20];
	[tilespmem:v5+s26+$0x0] =	vst.idx.msk $0xffff, v0;
	v0 =	vadd.f32 v6, v35;
	v5 =	vadd.s32 v15, v42  }
0x390: {  	[tilespmem:v54+s26+$0x0] =	vst.idx.msk $0xffff, v2;
	v6 =	vadd.s32 v31, v39;
	v54 =	vld [tilespmem:s16+$0xFFFFFDE0]  }
0x391: {  	v2 =	vld [tilespmem:s16+$0x0];
	[tilespmem:v61+s26+$0x0] =	vst.idx.msk $0xffff, v0;
	v0 =	vadd.f32 v62, v35;
	v61 =	vadd.s32 v7, v44  }
0x392: {  	[tilespmem:v3+s26+$0x0] =	vst.idx.msk $0xffff, v4;
	v4 =	vadd.s32 v18, v48;
	v3 =	vadd.f32 v53, v35  }
0x393: {  	v53 =	vld [tilespmem:s16+$0xFFFFFE60];
	v52 =	vadd.s32 v60, v52;
	[tilespmem:v58+s26+$0x0] =	vst.idx.msk $0xffff, v0;
	v0 =	vadd.f32 v59, v35  }
0x394: {  	v62 =	vld [tilespmem:s16+$0xFFFFFEA0];
	v55 =	vadd.f32 v55, v35;
	[tilespmem:v5+s26+$0x0] =	vst.idx.msk $0xffff, v3  }
0x395: {  	v3 =	vadd.s32 v11, v45;
	v5 =	vld [tilespmem:s16+$0xFFFFFEE0];
	[tilespmem:v6+s26+$0x0] =	vst.idx.msk $0xffff, v0;
	v0 =	vadd.f32 v54, v35  }
0x396: {  	v2 =	vadd.f32 v2, v33;
	v6 =	vadd.s32 v10, v43;
	v54 =	vld [tilespmem:s16+$0xFFFFFF20];
	[tilespmem:v61+s26+$0x0] =	vst.idx.msk $0xffff, v55  }
0x397: {  	v56 =	vadd.s32 v8, v37;
	v58 =	vadd.s32 v14, v40;
	v59 =	vld [tilespmem:s16+$0xFFFFFF60];
	[tilespmem:v4+s26+$0x0] =	vst.idx.msk $0xffff, v0  }
0x398: {  	v0 =	vadd.f32 v53, v35;
	v4 =	vld [tilespmem:s16+$0xFFFFFFA0];
	[tilespmem:v52+s26+$0x0] =	vst.idx.msk $0xffff, v2;
	v2 =	vadd.s32 v23, v41  }
0x399: {  	v61 =	vadd.f32 v62, v35;
	v55 =	vadd.s32 v15, v38;
	v53 =	vadd.s32 v12, v50;
	v52 =	vld [tilespmem:s16+$0xFFFFFC20]  }
0x39a: {  	v62 =	vld [tilespmem:s16+$0xFFFFFC70];
	[tilespmem:v3+s26+$0x0] =	vst.idx.msk $0xffff, v0;
	v0 =	vadd.f32 v5, v35;
	v3 =	vadd.s32 v31, v46  }
0x39b: {  	v5 =	vadd.s32 v7, v37;
	[tilespmem:v6+s26+$0x0] =	vst.idx.msk $0xffff, v61;
	v6 =	vadd.f32 v54, v35  }
0x39c: {  	v57 =	vld [tilespmem:s16+$0xFFFFFCB0];
	v37 =	vadd.s32 v9, v37;
	[tilespmem:v58+s26+$0x0] =	vst.idx.msk $0xffff, v0;
	v0 =	vadd.f32 v59, v35  }
0x39d: {  	v54 =	vld [tilespmem:s16+$0xFFFFFCF0];
	v58 =	vadd.s32 v16, v51;
	[tilespmem:v2+s26+$0x0] =	vst.idx.msk $0xffff, v6;
	v2 =	vadd.f32 v4, v35  }
0x39e: {  	v59 =	vld [tilespmem:s16+$0xFFFFFD30];
	v4 =	vadd.f32 v52, v35;
	v6 =	vadd.s32 v20, v49;
	[tilespmem:v55+s26+$0x0] =	vst.idx.msk $0xffff, v0  }
0x39f: {  	v61 =	vld [tilespmem:s16+$0xFFFFFD70];
	v0 =	vadd.f32 v62, v34;
	v55 =	vadd.s32 v24, v47;
	[tilespmem:v3+s26+$0x0] =	vst.idx.msk $0xffff, v2  }
0x3a0: {  	v49 =	vadd.s32 v21, v49;
	v47 =	vadd.s32 v25, v47;
	[tilespmem:v5+s26+$0x0] =	vst.idx.msk $0xffff, v4  }
0x3a1: {  	v62 =	vld [tilespmem:s16+$0xFFFFFDB0];
	v2 =	vadd.f32 v57, v34;
	v3 =	vadd.s32 v28, v42;
	[tilespmem:v53+s26+$0x0] =	vst.idx.msk $0xffff, v0  }
0x3a2: {  	v4 =	vld [tilespmem:s16+$0xFFFFFDF0];
	v0 =	vadd.f32 v54, v34;
	v5 =	vadd.s32 v32, v39;
	v54 =	vadd.s32 v63, v48  }
0x3a3: {  	v53 =	vld [tilespmem:s16+$0xFFFFFE30];
	v42 =	vadd.s32 v29, v42;
	[tilespmem:v58+s26+$0x0] =	vst.idx.msk $0xffff, v2;
	v2 =	vadd.f32 v59, v34  }
0x3a4: {  	v57 =	vld [tilespmem:s16+$0xFFFFFE70];
	v48 =	vadd.s32 v60, v48;
	[tilespmem:v6+s26+$0x0] =	vst.idx.msk $0xffff, v0;
	v0 =	vadd.f32 v61, v34  }
0x3a5: {  	v58 =	vld [tilespmem:s16+$0xFFFFFC30];
	v6 =	vadd.s32 v8, v44;
	v44 =	vadd.s32 v9, v44;
	[tilespmem:v55+s26+$0x0] =	vst.idx.msk $0xffff, v2  }
0x3a6: {  	v61 =	vld [tilespmem:s16+$0xFFFFFEB0];
	v2 =	vadd.f32 v62, v34;
	v55 =	vadd.s32 v12, v45;
	v45 =	vadd.s32 v13, v45  }
0x3a7: {  	v62 =	vld [tilespmem:s16+$0xFFFFFEF0];
	[tilespmem:v3+s26+$0x0] =	vst.idx.msk $0xffff, v0;
	v0 =	vadd.f32 v4, v34;
	v3 =	vadd.s32 v16, v43  }
0x3a8: {  	v4 =	vld [tilespmem:s16+$0xFFFFFF30];
	[tilespmem:v5+s26+$0x0] =	vst.idx.msk $0xffff, v2;
	v2 =	vadd.f32 v53, v34;
	v5 =	vadd.s32 v20, v40  }
0x3a9: {  	v53 =	vld [tilespmem:s16+$0xFFFFFF70];
	[tilespmem:v54+s26+$0x0] =	vst.idx.msk $0xffff, v0;
	v0 =	vadd.f32 v57, v34;
	v54 =	vadd.s32 v24, v41  }
0x3aa: {  	v57 =	vld [tilespmem:s16+$0xFFFFFFB0];
	v58 =	vadd.f32 v58, v34;
	v41 =	vadd.s32 v25, v41;
	[tilespmem:v6+s26+$0x0] =	vst.idx.msk $0xffff, v2  }
0x3ab: {  	v2 =	vadd.f32 v61, v34;
	v6 =	vadd.s32 v28, v38;
	v61 =	vld [tilespmem:s16+$0xFFFFFC80];
	[tilespmem:v55+s26+$0x0] =	vst.idx.msk $0xffff, v0  }
0x3ac: {  	v0 =	vadd.f32 v62, v34;
	v55 =	vadd.s32 v32, v46;
	v62 =	vld [tilespmem:s16+$0xFFFFFCC0];
	[tilespmem:v56+s26+$0x0] =	vst.idx.msk $0xffff, v58  }
0x3ad: {  	[tilespmem:v3+s26+$0x0] =	vst.idx.msk $0xffff, v2;
	v2 =	vadd.f32 v4, v34;
	v3 =	vadd.s32 v13, v50;
	v4 =	vld [tilespmem:s16+$0xFFFFFD00]  }
0x3ae: {  	v50 =	vadd.s32 v17, v51;
	v51 =	vld [tilespmem:s16+$0xFFFFFD40];
	[tilespmem:v5+s26+$0x0] =	vst.idx.msk $0xffff, v0;
	v0 =	vadd.f32 v53, v34  }
0x3af: {  	v38 =	vadd.s32 v29, v38;
	v5 =	vmov s17;
	[tilespmem:v54+s26+$0x0] =	vst.idx.msk $0xffff, v2;
	v2 =	vadd.f32 v57, v34;
	v54 =	vld [tilespmem:s16+$0xFFFFFD80]  }
0x3b0: {  	v46 =	vadd.s32 v22, v46;
	v5 =	vshrl.u32 v5, $0x3;
	[tilespmem:v6+s26+$0x0] =	vst.idx.msk $0xffff, v0;
	v6 =	vadd.f32 v61, v33;
	v61 =	vld [tilespmem:s16+$0xFFFFFDC0]  }
0x3b1: {  	s24 =	sadd.s32 $0x1, s17;
	v5 =	vshll.u32 v5, v1;
	[tilespmem:v55+s26+$0x0] =	vst.idx.msk $0xffff, v2;
	v62 =	vadd.f32 v62, v33;
	v55 =	vld [tilespmem:s16+$0xFFFFFE00]  }
0x3b2: {  	s21 =	sadd.s32 $0x2, s17;
	v0 =	vmov s24;
	s24 =	sadd.s32 $0x3, s17;
	[tilespmem:v3+s26+$0x0] =	vst.idx.msk $0xffff, v6;
	v3 =	vadd.f32 v4, v33;
	v4 =	vadd.s32 v22, v39;
	v6 =	vld [tilespmem:s16+$0xFFFFFE40]  }
0x3b3: {  	v2 =	vmov s21;
	v56 =	vmov s24;
	s21 =	sadd.s32 $0x4, s17;
	s24 =	sadd.s32 $0x5, s17;
	v59 =	vadd.f32 v51, v33;
	v51 =	vld [tilespmem:s16+$0xFFFFFE80];
	[tilespmem:v50+s26+$0x0] =	vst.idx.msk $0xffff, v62  }
0x3b4: {  	v60 =	vld [tilespmem:s16+$0xFFFFFEC0];
	v39 =	vmov s21;
	v53 =	vmov s24;
	s24 =	sadd.s32 $0x7, s17;
	[tilespmem:v49+s26+$0x0] =	vst.idx.msk $0xffff, v3;
	v3 =	vadd.f32 v54, v33  }
0x3b5: {  	v52 =	vmov s24;
	s24 =	sadd.s32 $0x9, s17;
	v50 =	vshrl.u32 v2, $0x3;
	[tilespmem:v47+s26+$0x0] =	vst.idx.msk $0xffff, v59;
	v47 =	vld [tilespmem:s16+$0xFFFFFFC0];
	v61 =	vadd.f32 v61, v33  }
0x3b6: {  	s21 =	sadd.s32 $0x6, s17;
	v62 =	vld [tilespmem:s16+$0xFFFFFF00];
	v57 =	vmov s24;
	s24 =	sadd.s32 $0xB, s17;
	[tilespmem:v42+s26+$0x0] =	vst.idx.msk $0xffff, v3;
	v3 =	vadd.f32 v55, v33;
	v42 =	vadd.s32 v17, v43  }
0x3b7: {  	v54 =	vmov s21;
	s21 =	sadd.s32 $0x8, s17;
	v59 =	vmov s24;
	v43 =	vld [tilespmem:s16+$0xFFFFFF40];
	[tilespmem:v4+s26+$0x0] =	vst.idx.msk $0xffff, v61;
	v4 =	vadd.f32 v6, v33  }
0x3b8: {  	v55 =	vmov s21;
	s21 =	sadd.s32 $0xA, s17;
	v6 =	vadd.s32 v21, v40;
	v40 =	vld [tilespmem:s16+$0xFFFFFF80];
	[tilespmem:v48+s26+$0x0] =	vst.idx.msk $0xffff, v3;
	v3 =	vadd.f32 v51, v33  }
0x3b9: {  	s24 =	sadd.s32 $0xD, s17;
	v49 =	vshrl.u32 v54, $0x3;
	v58 =	vmov s21;
	v48 =	vld [tilespmem:s16+$0xFFFFFC40];
	[tilespmem:v44+s26+$0x0] =	vst.idx.msk $0xffff, v4;
	v4 =	vadd.f32 v60, v33  }
0x3ba: {  	v61 =	vmov s24;
	v44 =	vshrl.u32 v0, $0x3;
	v0 =	vadd.f32 v47, v33;
	[tilespmem:v45+s26+$0x0] =	vst.idx.msk $0xffff, v3  }
0x3bb: {  	p2 =	slt.u32 s17, $0x70;
	s21 =	sadd.s32 $0xC, s17;
	v51 =	vshrl.u32 v39, $0x3;
	v39 =	vshrl.u32 v61, $0x3;
	v3 =	vadd.f32 v62, v33;
	[tilespmem:v42+s26+$0x0] =	vst.idx.msk $0xffff, v4  }
.Ltmp4:
0x3bc: {  	v60 =	vmov s21;
	s21 =	sadd.s32 $0xE, s17;
	v47 =	vshrl.u32 v55, $0x3;
	v4 =	vadd.f32 v43, v33;
	[tilespmem:v46+s26+$0x0] =	vst.idx.msk $0xffff, v0;
	(pc) =	sbr.rel @p2 .LBB2_11-.Ltmp4, $4  }
0x3bd: {  	v62 =	vmov s21;
	v45 =	vshrl.u32 v56, $0x3;
	[tilespmem:v6+s26+$0x0] =	vst.idx.msk $0xffff, v3;
	v3 =	vadd.f32 v40, v33  }
0x3be: {  	v46 =	vshrl.u32 v52, $0x3;
	v42 =	vshrl.u32 v58, $0x3;
	[tilespmem:v41+s26+$0x0] =	vst.idx.msk $0xffff, v4;
	v2 =	vadd.f32 v48, v33  }
0x3bf: {  	v43 =	vshrl.u32 v59, $0x3;
	v40 =	vshrl.u32 v62, $0x3;
	v48 =	vshrl.u32 v53, $0x3;
	[tilespmem:v38+s26+$0x0] =	vst.idx.msk $0xffff, v3  }
0x3c0: {  	s18 =	sadd.s32 $0xF, s17;
	s17 =	sadd.s32 $0x10, s17;
	v41 =	vshrl.u32 v60, $0x3;
	v38 =	vshrl.u32 v57, $0x3;
	[tilespmem:v37+s26+$0x0] =	vst.idx.msk $0xffff, v2;
	v37 =	vbroadcast v5, $0x0  }
0x3c1: {  	v11 =	vld [tilespmem:$0x1FE40]  }
0x3c2: {  	v3 =	vmov s18;
	v30 =	vld [tilespmem:$0x1FE60]  }
0x3c3: {  	v27 =	vld [tilespmem:$0x1FE00];
	v3 =	vshrl.u32 v3, $0x3  }
0x3c4: {  	s16 =	sadd.s32 $0x400, s16;
	v14 =	vld [tilespmem:$0x1FED0];
	v3 =	vshll.u32 v3, v1  }
0x3c5: {  	v61 =	vld [tilespmem:s16+$0xFFFFFFD0];
	v3 =	vbroadcast v3, $0x0  }
0x3c6: {  	v0 =	vshll.u32 v44, v1;
	v2 =	vshll.u32 v50, v1;
	v44 =	vshll.u32 v49, v1;
	v62 =	vld [tilespmem:s16+$0xFFFFFC10]  }
0x3c7: {  	v49 =	vshll.u32 v38, v1;
	v18 =	vld [tilespmem:s16+$0xFFFFFC50];
	v38 =	vbroadcast v0, $0x0;
	v52 =	vadd.s32 v11, v3  }
0x3c8: {  	v0 =	vshll.u32 v41, v1;
	v54 =	vld [tilespmem:s16+$0xFFFFFC90];
	v41 =	vbroadcast v2, $0x0;
	v53 =	vadd.s32 v30, v37  }
0x3c9: {  	v15 =	vld [tilespmem:$0x1FEE0];
	v55 =	vadd.s32 v27, v38  }
0x3ca: {  	v56 =	vld [tilespmem:s16+$0xFFFFFCD0];
	v57 =	vadd.s32 v14, v41;
	v19 =	vadd.f32 v61, v36  }
0x3cb: {  	v4 =	vshll.u32 v45, v1;
	v58 =	vld [tilespmem:s16+$0xFFFFFD10];
	v26 =	vadd.f32 v62, v36  }
0x3cc: {  	v5 =	vshll.u32 v51, v1;
	v59 =	vld [tilespmem:s16+$0xFFFFFD50];
	v60 =	vadd.f32 v18, v36;
	[tilespmem:v52+s26+$0x0] =	vst.idx.msk $0xffff, v19  }
0x3cd: {  	v2 =	vshll.u32 v39, v1;
	v39 =	vbroadcast v4, $0x0;
	v61 =	vadd.f32 v54, v36;
	v10 =	vld [tilespmem:$0x1FF20];
	[tilespmem:v53+s26+$0x0] =	vst.idx.msk $0xffff, v26  }
0x3ce: {  	v6 =	vshll.u32 v48, v1;
	v45 =	vshll.u32 v46, v1;
	v19 =	vld [tilespmem:$0x1FF60];
	[tilespmem:v55+s26+$0x0] =	vst.idx.msk $0xffff, v60  }
0x3cf: {  	v46 =	vshll.u32 v47, v1;
	v48 =	vadd.s32 v15, v39;
	v26 =	vld [tilespmem:$0x1FFA0];
	[tilespmem:v57+s26+$0x0] =	vst.idx.msk $0xffff, v61  }
0x3d0: {  	v50 =	vshll.u32 v42, v1;
	v4 =	vshll.u32 v40, v1;
	v40 =	vbroadcast v5, $0x0;
	v18 =	vld [tilespmem:$0x1FFE0]  }
0x3d1: {  	v51 =	vshll.u32 v43, v1;
	v42 =	vbroadcast v6, $0x0;
	v62 =	vadd.f32 v56, v36;
	v56 =	vld [tilespmem:s16+$0xFFFFFDD0]  }
0x3d2: {  	v43 =	vbroadcast v44, $0x0;
	v44 =	vbroadcast v45, $0x0;
	v52 =	vld [tilespmem:s16+$0xFFFFFD90];
	v5 =	vadd.s32 v10, v40  }
0x3d3: {  	v45 =	vbroadcast v46, $0x0;
	v54 =	vld [tilespmem:s16+$0xFFFFFFE0];
	v53 =	vadd.s32 v19, v42  }
0x3d4: {  	v46 =	vbroadcast v49, $0x0;
	[tilespmem:v48+s26+$0x0] =	vst.idx.msk $0xffff, v62;
	v48 =	vadd.f32 v59, v36;
	v59 =	vadd.s32 v11, v44  }
0x3d5: {  	v47 =	vadd.f32 v58, v36;
	v57 =	vld [tilespmem:s16+$0xFFFFFE10];
	v58 =	vadd.s32 v18, v3  }
0x3d6: {  	v6 =	vadd.s32 v27, v46;
	v27 =	vadd.f32 v56, v36;
	v60 =	vld [tilespmem:s16+$0xFFFFFE50];
	v55 =	vadd.s32 v26, v43  }
0x3d7: {  	v61 =	vld [tilespmem:s16+$0xFFFFFE90];
	[tilespmem:v5+s26+$0x0] =	vst.idx.msk $0xffff, v47;
	v5 =	vadd.f32 v52, v36;
	v52 =	vadd.s32 v30, v45;
	v47 =	vbroadcast v50, $0x0  }
0x3d8: {  	v11 =	vadd.f32 v54, v35;
	[tilespmem:v53+s26+$0x0] =	vst.idx.msk $0xffff, v48;
	v53 =	vld [tilespmem:s16+$0xFFFFFED0];
	v48 =	vbroadcast v51, $0x0  }
0x3d9: {  	v49 =	vbroadcast v0, $0x0;
	v62 =	vld [tilespmem:s16+$0xFFFFFF10];
	[tilespmem:v59+s26+$0x0] =	vst.idx.msk $0xffff, v27;
	v30 =	vadd.s32 v14, v47  }
0x3da: {  	v0 =	vadd.f32 v57, v36;
	[tilespmem:v58+s26+$0x0] =	vst.idx.msk $0xffff, v11;
	v11 =	vadd.s32 v15, v48  }
0x3db: {  	v50 =	vbroadcast v2, $0x0;
	v2 =	vadd.f32 v60, v36;
	v60 =	vadd.s32 v10, v49;
	[tilespmem:v55+s26+$0x0] =	vst.idx.msk $0xffff, v5  }
0x3dc: {  	v14 =	vld [tilespmem:s16+$0xFFFFFF50];
	[tilespmem:v52+s26+$0x0] =	vst.idx.msk $0xffff, v0;
	v0 =	vadd.f32 v61, v36  }
0x3dd: {  	[tilespmem:v6+s26+$0x0] =	vst.idx.msk $0xffff, v2;
	v15 =	vadd.f32 v53, v36  }
0x3de: {  	v52 =	vadd.s32 v19, v50;
	v19 =	vadd.f32 v62, v36;
	[tilespmem:v30+s26+$0x0] =	vst.idx.msk $0xffff, v0  }
0x3df: {  	v58 =	vld [tilespmem:s16+$0xFFFFFFF0];
	[tilespmem:v11+s26+$0x0] =	vst.idx.msk $0xffff, v15  }
0x3e0: {  	v11 =	vld [tilespmem:$0x1FEA0];
	[tilespmem:v60+s26+$0x0] =	vst.idx.msk $0xffff, v19  }
0x3e1: {  	v62 =	vadd.f32 v14, v36;
	v14 =	vld [tilespmem:$0x1FE10]  }
0x3e2: {  	v51 =	vbroadcast v4, $0x0;
	v61 =	vld [tilespmem:s16+$0xFFFFFF90]  }
0x3e3: {  	v2 =	vld [tilespmem:s16+$0xFFFFFC60];
	v6 =	vadd.s32 v63, v3  }
0x3e4: {  	v27 =	vadd.s32 v26, v51;
	v0 =	vld [tilespmem:s16+$0xFFFFFCA0]  }
0x3e5: {  	[tilespmem:v52+s26+$0x0] =	vst.idx.msk $0xffff, v62;
	v4 =	vadd.s32 v11, v38  }
0x3e6: {  	v60 =	vadd.f32 v58, v34;
	v15 =	vld [tilespmem:$0x1FEF0];
	v5 =	vadd.s32 v14, v41  }
0x3e7: {  	v10 =	vld [tilespmem:s16+$0xFFFFFD20];
	v61 =	vadd.f32 v61, v36  }
0x3e8: {  	v26 =	vld [tilespmem:s16+$0xFFFFFDA0];
	v2 =	vadd.f32 v2, v35;
	[tilespmem:v6+s26+$0x0] =	vst.idx.msk $0xffff, v60  }
0x3e9: {  	v30 =	vld [tilespmem:s16+$0xFFFFFCE0];
	v0 =	vadd.f32 v0, v35;
	[tilespmem:v27+s26+$0x0] =	vst.idx.msk $0xffff, v61  }
0x3ea: {  	v19 =	vld [tilespmem:$0x1FF70];
	[tilespmem:v4+s26+$0x0] =	vst.idx.msk $0xffff, v2  }
0x3eb: {  	v62 =	vld [tilespmem:s16+$0xFFFFFD60];
	v52 =	vadd.s32 v15, v39;
	[tilespmem:v5+s26+$0x0] =	vst.idx.msk $0xffff, v0  }
0x3ec: {  	v6 =	vadd.s32 v23, v40;
	v0 =	vadd.f32 v10, v35;
	v10 =	vld [tilespmem:$0x1FFF0]  }
0x3ed: {  	v60 =	vld [tilespmem:s16+$0xFFFFFDE0]  }
0x3ee: {  	v54 =	vld [tilespmem:s16+$0x0];
	v2 =	vadd.f32 v30, v35;
	v30 =	vadd.s32 v31, v43  }
0x3ef: {  	v61 =	vld [tilespmem:s16+$0xFFFFFE20];
	v27 =	vadd.s32 v19, v42  }
0x3f0: {  	[tilespmem:v52+s26+$0x0] =	vst.idx.msk $0xffff, v2;
	v2 =	vadd.f32 v62, v35;
	v52 =	vadd.s32 v18, v44;
	v62 =	vld [tilespmem:s16+$0xFFFFFE60]  }
0x3f1: {  	[tilespmem:v6+s26+$0x0] =	vst.idx.msk $0xffff, v0;
	v0 =	vadd.f32 v26, v35;
	v3 =	vadd.s32 v10, v3  }
0x3f2: {  	v18 =	vadd.s32 v7, v45  }
0x3f3: {  	v54 =	vadd.f32 v54, v33;
	[tilespmem:v30+s26+$0x0] =	vst.idx.msk $0xffff, v0;
	v0 =	vadd.f32 v60, v35;
	v60 =	vld [tilespmem:s16+$0xFFFFFF20]  }
0x3f4: {  	v5 =	vadd.f32 v61, v35;
	[tilespmem:v27+s26+$0x0] =	vst.idx.msk $0xffff, v2;
	v2 =	vadd.s32 v11, v46;
	v27 =	vld [tilespmem:s16+$0xFFFFFEE0]  }
0x3f5: {  	v26 =	vld [tilespmem:s16+$0xFFFFFEA0];
	[tilespmem:v52+s26+$0x0] =	vst.idx.msk $0xffff, v0;
	v0 =	vadd.f32 v62, v35;
	v62 =	vadd.s32 v23, v49  }
0x3f6: {  	v11 =	vld [tilespmem:s16+$0xFFFFFFA0];
	[tilespmem:v3+s26+$0x0] =	vst.idx.msk $0xffff, v54;
	v3 =	vadd.s32 v15, v48  }
0x3f7: {  	v30 =	vadd.s32 v14, v47;
	v14 =	vld [tilespmem:s16+$0xFFFFFC20];
	[tilespmem:v18+s26+$0x0] =	vst.idx.msk $0xffff, v5  }
0x3f8: {  	v61 =	vld [tilespmem:s16+$0xFFFFFF60];
	v18 =	vadd.s32 v19, v50;
	v19 =	vadd.s32 v31, v51;
	v55 =	vadd.f32 v60, v35  }
0x3f9: {  	v23 =	vadd.s32 v7, v37;
	[tilespmem:v2+s26+$0x0] =	vst.idx.msk $0xffff, v0;
	v0 =	vld [tilespmem:s16+$0xFFFFFC70];
	v2 =	vadd.f32 v27, v35  }
0x3fa: {  	v15 =	vadd.f32 v26, v35;
	v26 =	vld [tilespmem:s16+$0xFFFFFCB0];
	[tilespmem:v62+s26+$0x0] =	vst.idx.msk $0xffff, v55  }
0x3fb: {  	v53 =	vadd.f32 v11, v35;
	[tilespmem:v3+s26+$0x0] =	vst.idx.msk $0xffff, v2;
	v2 =	vadd.s32 v12, v38;
	v3 =	vld [tilespmem:s16+$0xFFFFFCF0]  }
0x3fc: {  	v27 =	vadd.s32 v16, v41;
	v5 =	vadd.f32 v14, v35;
	[tilespmem:v30+s26+$0x0] =	vst.idx.msk $0xffff, v15;
	v30 =	vld [tilespmem:s16+$0xFFFFFD30]  }
0x3fd: {  	v57 =	vld [tilespmem:s16+$0xFFFFFD70];
	v31 =	vadd.s32 v20, v39;
	v54 =	vadd.f32 v61, v35;
	[tilespmem:v19+s26+$0x0] =	vst.idx.msk $0xffff, v53  }
0x3fe: {  	v58 =	vadd.s32 v24, v40;
	v59 =	vld [tilespmem:s16+$0xFFFFFDB0];
	[tilespmem:v23+s26+$0x0] =	vst.idx.msk $0xffff, v5;
	v0 =	vadd.f32 v0, v34  }
0x3ff: {  	v61 =	vadd.s32 v28, v42;
	v62 =	vld [tilespmem:s16+$0xFFFFFDF0];
	[tilespmem:v18+s26+$0x0] =	vst.idx.msk $0xffff, v54;
	v60 =	vadd.f32 v26, v34  }
0x400: {  	[tilespmem:v2+s26+$0x0] =	vst.idx.msk $0xffff, v0;
	v0 =	vadd.f32 v3, v34;
	v2 =	vadd.s32 v32, v43;
	v3 =	vld [tilespmem:s16+$0xFFFFFE30]  }
0x401: {  	v14 =	vadd.s32 v63, v44;
	v15 =	vld [tilespmem:s16+$0xFFFFFE70];
	[tilespmem:v27+s26+$0x0] =	vst.idx.msk $0xffff, v60;
	v11 =	vadd.f32 v30, v34  }
0x402: {  	v18 =	vadd.s32 v8, v45;
	v19 =	vld [tilespmem:s16+$0xFFFFFEB0];
	[tilespmem:v31+s26+$0x0] =	vst.idx.msk $0xffff, v0;
	v0 =	vadd.f32 v57, v34  }
0x403: {  	v23 =	vadd.f32 v59, v34;
	v26 =	vadd.s32 v12, v46;
	v27 =	vld [tilespmem:s16+$0xFFFFFEF0];
	[tilespmem:v58+s26+$0x0] =	vst.idx.msk $0xffff, v11  }
0x404: {  	v30 =	vadd.s32 v16, v47;
	v31 =	vld [tilespmem:s16+$0xFFFFFF30];
	[tilespmem:v61+s26+$0x0] =	vst.idx.msk $0xffff, v0;
	v0 =	vadd.f32 v62, v34  }
0x405: {  	v57 =	vld [tilespmem:s16+$0xFFFFFF70];
	[tilespmem:v2+s26+$0x0] =	vst.idx.msk $0xffff, v23;
	v2 =	vadd.f32 v3, v34;
	v3 =	vadd.s32 v20, v48  }
0x406: {  	v59 =	vld [tilespmem:s16+$0xFFFFFFB0];
	v58 =	vadd.s32 v24, v49;
	[tilespmem:v14+s26+$0x0] =	vst.idx.msk $0xffff, v0;
	v0 =	vadd.f32 v15, v34  }
0x407: {  	v60 =	vadd.f32 v19, v34;
	v61 =	vadd.s32 v28, v50;
	[tilespmem:v18+s26+$0x0] =	vst.idx.msk $0xffff, v2;
	v2 =	vld [tilespmem:s16+$0xFFFFFC30]  }
0x408: {  	v63 =	vadd.s32 v32, v51;
	v62 =	vadd.f32 v27, v34;
	[tilespmem:v26+s26+$0x0] =	vst.idx.msk $0xffff, v0;
	v0 =	vld [tilespmem:s16+$0xFFFFFC80]  }
0x409: {  	v12 =	vld [tilespmem:s16+$0xFFFFFCC0];
	v11 =	vadd.s32 v8, v37;
	[tilespmem:v30+s26+$0x0] =	vst.idx.msk $0xffff, v60;
	v6 =	vadd.f32 v31, v34  }
0x40a: {  	v14 =	vld [tilespmem:s16+$0xFFFFFD00];
	v4 =	vadd.f32 v57, v34;
	[tilespmem:v3+s26+$0x0] =	vst.idx.msk $0xffff, v62;
	v3 =	vadd.s32 v13, v38  }
0x40b: {  	v16 =	vld [tilespmem:s16+$0xFFFFFD40];
	v15 =	vadd.s32 v17, v41;
	v18 =	vadd.f32 v59, v34;
	[tilespmem:v58+s26+$0x0] =	vst.idx.msk $0xffff, v6  }
0x40c: {  	v19 =	vadd.s32 v21, v39;
	v20 =	vld [tilespmem:s16+$0xFFFFFD80];
	[tilespmem:v61+s26+$0x0] =	vst.idx.msk $0xffff, v4;
	v2 =	vadd.f32 v2, v34  }
0x40d: {  	v23 =	vadd.s32 v25, v40;
	v24 =	vld [tilespmem:s16+$0xFFFFFDC0];
	[tilespmem:v63+s26+$0x0] =	vst.idx.msk $0xffff, v18;
	v0 =	vadd.f32 v0, v33  }
0x40e: {  	v27 =	vld [tilespmem:s16+$0xFFFFFE00];
	v26 =	vadd.s32 v29, v42;
	[tilespmem:v11+s26+$0x0] =	vst.idx.msk $0xffff, v2;
	v2 =	vadd.f32 v12, v33  }
0x40f: {  	v28 =	vld [tilespmem:s16+$0xFFFFFE40];
	[tilespmem:v3+s26+$0x0] =	vst.idx.msk $0xffff, v0;
	v0 =	vadd.f32 v14, v33;
	v3 =	vadd.s32 v22, v43  }
0x410: {  	v30 =	vadd.s32 v10, v44;
	v31 =	vld [tilespmem:s16+$0xFFFFFE80];
	[tilespmem:v15+s26+$0x0] =	vst.idx.msk $0xffff, v2;
	v2 =	vadd.f32 v16, v33  }
0x411: {  	v44 =	vadd.s32 v9, v45;
	v45 =	vld [tilespmem:s16+$0xFFFFFEC0];
	[tilespmem:v19+s26+$0x0] =	vst.idx.msk $0xffff, v0;
	v0 =	vadd.f32 v20, v33  }
0x412: {  	v52 =	vadd.s32 v13, v46;
	v53 =	vld [tilespmem:s16+$0xFFFFFF00];
	[tilespmem:v23+s26+$0x0] =	vst.idx.msk $0xffff, v2;
	v2 =	vadd.f32 v24, v33  }
0x413: {  	v54 =	vadd.s32 v17, v47;
	v55 =	vld [tilespmem:s16+$0xFFFFFF40];
	[tilespmem:v26+s26+$0x0] =	vst.idx.msk $0xffff, v0;
	v0 =	vadd.f32 v27, v33  }
0x414: {  	v56 =	vld [tilespmem:s16+$0xFFFFFF80];
	[tilespmem:v3+s26+$0x0] =	vst.idx.msk $0xffff, v2;
	v2 =	vadd.f32 v28, v33;
	v3 =	vadd.s32 v21, v48  }
0x415: {  	v57 =	vadd.s32 v25, v49;
	v58 =	vld [tilespmem:s16+$0xFFFFFFC0];
	[tilespmem:v30+s26+$0x0] =	vst.idx.msk $0xffff, v0;
	v0 =	vadd.f32 v31, v33  }
0x416: {  	v60 =	vadd.s32 v29, v50;
	v59 =	vadd.f32 v45, v33;
	[tilespmem:v44+s26+$0x0] =	vst.idx.msk $0xffff, v2;
	v2 =	vld [tilespmem:s16+$0xFFFFFC40]  }
0x417: {  	v61 =	vadd.s32 v22, v51;
	[tilespmem:v52+s26+$0x0] =	vst.idx.msk $0xffff, v0;
	v0 =	vadd.f32 v53, v33  }
0x418: {  	[tilespmem:v54+s26+$0x0] =	vst.idx.msk $0xffff, v59;
	v62 =	vadd.s32 v9, v37;
	v63 =	vadd.f32 v55, v33  }
0x419: {  	[tilespmem:v3+s26+$0x0] =	vst.idx.msk $0xffff, v0;
	v0 =	vadd.f32 v56, v33  }
0x41a: {  	s9 =	sshll.u32 s9, $0x12;
	[tilespmem:v57+s26+$0x0] =	vst.idx.msk $0xffff, v63;
	v3 =	vadd.f32 v58, v33  }
0x41b: {  	s9 =	sor.u32 s5, s9;
	[tilespmem:v60+s26+$0x0] =	vst.idx.msk $0xffff, v0;
	v0 =	vadd.f32 v2, v33  }
0x41c: {  	s9 =	sshrl.u32 s9, $0x3;
	[tilespmem:v61+s26+$0x0] =	vst.idx.msk $0xffff, v3  }
0x41d: {  	s17 =	simm.s32 $0xEC00;
	s16 =	sadd.s32 s3, s9;
	[tilespmem:v62+s26+$0x0] =	vst.idx.msk $0xffff, v0  }
0x41e: {  	[hbm4b:s16+s4] =	stream.linear.scatter [tilespmem:s17], [sflag:$0x8], $0x80, $0x38;
	[tilespmem:$0x18400] =	vst v63  }
0x41f: {  	s18 =	simm.s32 $0xEC88;
	s17 =	sadd.s32 $0x10, s16  }
0x420: {  	[hbm4b:s17+s4] =	stream.linear.scatter [tilespmem:s18], [sflag:$0x8], $0x80, $0x38;
	[tilespmem:$0x18400] =	vst v63  }
0x421: {  	s21 =	simm.s32 $0xED10;
	s24 =	sadd.s32 $0x20, s16  }
0x422: {  	[hbm4b:s24+s4] =	stream.linear.scatter [tilespmem:s21], [sflag:$0x8], $0x80, $0x38;
	[tilespmem:$0x18400] =	vst v63  }
0x423: {  	s17 =	simm.s32 $0xED98;
	s18 =	sadd.s32 $0x30, s16  }
0x424: {  	[hbm4b:s18+s4] =	stream.linear.scatter [tilespmem:s17], [sflag:$0x8], $0x80, $0x38;
	[tilespmem:$0x18400] =	vst v63  }
0x425: {  	s21 =	simm.s32 $0xEE20;
	s24 =	sadd.s32 $0x40, s16  }
0x426: {  	[hbm4b:s24+s4] =	stream.linear.scatter [tilespmem:s21], [sflag:$0x8], $0x80, $0x38;
	[tilespmem:$0x18400] =	vst v63  }
0x427: {  	s9 =	simm.s32 $0x440;
	s17 =	simm.s32 $0xEEA8;
	s18 =	sadd.s32 $0x50, s16  }
0x428: {  	[hbm4b:s18+s4] =	stream.linear.scatter [tilespmem:s17], [sflag:$0x8], $0x80, $0x38;
	[tilespmem:$0x18400] =	vst v63  }
0x429: {  	s21 =	simm.s32 $0xEF30;
	s24 =	sadd.s32 $0x60, s16;
	s17 =	simm.s32 $0x2200  }
0x42a: {  	[hbm4b:s24+s4] =	stream.linear.scatter [tilespmem:s21], [sflag:$0x8], $0x80, $0x38;
	[tilespmem:$0x18400] =	vst v63  }
0x42b: {  	s18 =	simm.s32 $0xEFB8;
	s21 =	sadd.s32 $0x70, s16;
	s16 =	sadd.s32 $0x1000, s16  }
.LBB2_13:
0x42c: {  	[hbm4b:s21+s4] =	stream.linear.scatter [tilespmem:s18], [sflag:$0x8], $0x80, $0x38;
	[tilespmem:$0x18400] =	vst v63  }
0x42d: {  	s18 =	smov.u32 s9;
	s9 =	smov.u32 s17  }
0x42e: {  	s24 =	sadd.s32 $0x1100, s17;
	s9 =	sshra.s32 s9, $0x2;
	s21 =	sadd.s32 $0xEC00, s18  }
0x42f: {  	[hbm4b:s16+s4] =	stream.linear.scatter [tilespmem:s21], [sflag:$0x8], $0x80, $0x38;
	[tilespmem:$0x18400] =	vst v63  }
0x430: {  	p2 =	sne.s32 s17, $0x7700;
	s17 =	sadd.s32 $0xEC88, s18;
	s21 =	sadd.s32 $0x10, s16  }
0x431: {  	[hbm4b:s21+s4] =	stream.linear.scatter [tilespmem:s17], [sflag:$0x8], $0x80, $0x38;
	[tilespmem:$0x18400] =	vst v63  }
0x432: {  	s17 =	sadd.s32 $0xED10, s18;
	s21 =	sadd.s32 $0x20, s16  }
0x433: {  	[hbm4b:s21+s4] =	stream.linear.scatter [tilespmem:s17], [sflag:$0x8], $0x80, $0x38;
	[tilespmem:$0x18400] =	vst v63  }
0x434: {  	s17 =	sadd.s32 $0xED98, s18;
	s21 =	sadd.s32 $0x30, s16  }
0x435: {  	[hbm4b:s21+s4] =	stream.linear.scatter [tilespmem:s17], [sflag:$0x8], $0x80, $0x38;
	[tilespmem:$0x18400] =	vst v63  }
0x436: {  	s17 =	sadd.s32 $0xEE20, s18;
	s21 =	sadd.s32 $0x40, s16  }
0x437: {  	[hbm4b:s21+s4] =	stream.linear.scatter [tilespmem:s17], [sflag:$0x8], $0x80, $0x38;
	[tilespmem:$0x18400] =	vst v63  }
.Ltmp5:
0x438: {  	s17 =	sadd.s32 $0xEEA8, s18;
	s21 =	sadd.s32 $0x50, s16;
	(pc) =	sbr.rel @p2 .LBB2_13-.Ltmp5, $4  }
0x439: {  	[hbm4b:s21+s4] =	stream.linear.scatter [tilespmem:s17], [sflag:$0x8], $0x80, $0x38;
	[tilespmem:$0x18400] =	vst v63  }
0x43a: {  	s17 =	sadd.s32 $0xEF30, s18;
	s21 =	sadd.s32 $0x60, s16;
	s18 =	sadd.s32 $0xEFB8, s18  }
0x43b: {  	[hbm4b:s21+s4] =	stream.linear.scatter [tilespmem:s17], [sflag:$0x8], $0x80, $0x38;
	[tilespmem:$0x18400] =	vst v63  }
0x43c: {  	s21 =	sadd.s32 $0x70, s16;
	s16 =	sadd.s32 $0x1000, s16;
	s17 =	smov.u32 s24  }
0x43d: {  	[hbm4b:s21+s4] =	stream.linear.scatter [tilespmem:s18], [sflag:$0x8], $0x80, $0x38;
	[tilespmem:$0x18400] =	vst v63  }
0x43e: {  	s17 =	sadd.s32 $0xEC00, s9  }
0x43f: {  	[hbm4b:s16+s4] =	stream.linear.scatter [tilespmem:s17], [sflag:$0x8], $0x80, $0x38;
	[tilespmem:$0x18400] =	vst v63  }
0x440: {  	s21 =	sadd.s32 $0xEC88, s9;
	s24 =	sadd.s32 $0x10, s16  }
0x441: {  	[hbm4b:s24+s4] =	stream.linear.scatter [tilespmem:s21], [sflag:$0x8], $0x80, $0x38;
	[tilespmem:$0x18400] =	vst v63  }
0x442: {  	s21 =	sadd.s32 $0xED10, s9;
	s24 =	sadd.s32 $0x20, s16  }
0x443: {  	[hbm4b:s24+s4] =	stream.linear.scatter [tilespmem:s21], [sflag:$0x8], $0x80, $0x38;
	[tilespmem:$0x18400] =	vst v63  }
0x444: {  	p2 =	sne.s32 @!p1 s0, $0x7;
	s21 =	sadd.s32 $0xED98, s9;
	s24 =	sadd.s32 $0x30, s16  }
0x445: {  	[hbm4b:s24+s4] =	stream.linear.scatter [tilespmem:s21], [sflag:$0x8], $0x80, $0x38;
	[tilespmem:$0x18400] =	vst v63  }
0x446: {  	p2 =	por p2, p1;
	s21 =	sadd.s32 $0xEE20, s9;
	s24 =	sadd.s32 $0x40, s16  }
0x447: {  	[hbm4b:s24+s4] =	stream.linear.scatter [tilespmem:s21], [sflag:$0x8], $0x80, $0x38;
	[tilespmem:$0x18400] =	vst v63  }
0x448: {  	s0 =	sshrl.u32 @!p2 s11, $0x3;
	s21 =	sadd.s32 $0xEEA8, s9;
	s24 =	sadd.s32 $0x50, s16  }
0x449: {  	[hbm4b:s24+s4] =	stream.linear.scatter [tilespmem:s21], [sflag:$0x8], $0x80, $0x38;
	[tilespmem:$0x18400] =	vst v63  }
0x44a: {  	s0 =	sadd.s32 @!p2 $0x1, s0;
	s21 =	sadd.s32 $0xEF30, s9;
	s24 =	sadd.s32 $0x60, s16  }
0x44b: {  	[hbm4b:s24+s4] =	stream.linear.scatter [tilespmem:s21], [sflag:$0x8], $0x80, $0x38;
	[tilespmem:$0x18400] =	vst v63  }
0x44c: {  	s21 =	sadd.s32 $0xEFB8, s9;
	s9 =	sshll.u32 @!p2 s0, $0xF  }
0x44d: {  	s24 =	sadd.s32 $0x70, s16;
	s9 =	sor.u32 @!p2 s5, s9  }
0x44e: {  	[hbm4b:s24+s4] =	stream.linear.scatter [tilespmem:s21], [sflag:$0x8], $0x80, $0x38;
	[tilespmem:$0x18400] =	vst v63  }
0x44f: {  	s17 =	simm.s32 @!p2 $0x0;
	s0 =	sand.u32 @!p2 $0x1, s0;
	s9 =	sshrl.u32 @!p2 s9, $0x3  }
0x450: {  	s16 =	sshll.u32 @!p2 s0, $0xA;
	s0 =	sadd.s32 @!p2 $0xB, s0;
	s9 =	sadd.s32 @!p2 s1, s9  }
0x451: {  	[tilespmem:s16], [sflag:s0] =	stream.linear.gather @!p2 [hbm4b:s9+s17], $0x400, $0x38;
	[tilespmem:$0x18400] =	vst v63  }
0x452: {  	s0 =	sadd.s32 $0x5, s7  }
0x453: {  	p2 =	seq.s32 s10, $0x27;
	s9 =	sand.u32 $0x7, s0  }
0x454: {  	p3 =	sne.s32 @!p2 s9, $0x0  }
0x455: {  	p3 =	por p2, p3  }
.Ltmp6:
0x456: {  	_ = 	snop;
	(pc) =	sbr.rel @p3 .LBB2_17-.Ltmp6, $1  }
0x457: {  	_ =	sdelay $0x3  }
0x458: {  	s16 =	sshrl.u32 s0, $0x3  }
0x459: {  	s16 =	sand.u32 $0x1, s16  }
0x45a: {  	s16 =	sadd.s32 $0xB, s16  }
0x45b: {  	_ =	swait.ge [sflag:s16], $0x400  }
0x45c: {  	v10 =	vld [tilespmem:$0x1FE00]  }
0x45d: {  	v30 =	vld [tilespmem:$0x1FE40]  }
0x45e: {  	[sflag:s16] =	ssyncset.done $0x0;
	v22 =	vld [tilespmem:$0x1FE50]  }
0x45f: {  	v14 =	vld [tilespmem:$0x1FE60];
	[sflag:s16] =	ssyncadd.s32 $0xFFFFFC00  }
.LBB2_16:
0x460: {  	s16 =	sshll.u32 s0, $0x7  }
0x461: {  	s9 =	sshll.u32 s9, $0x7;
	s16 =	sand.u32 $0x400, s16  }
0x462: {  	s24 =	simm.s32 $0x800;
	s9 =	sor.u32 s9, s16  }
0x463: {  	[tilespmem:s24], [sflag:$0x1] =	stream.indirect.gather [hbm4b:s6+s15], $0x40, s9, s15, $0xb8;
	[tilespmem:$0x18400] =	vst v63  }
.Ltmp7:
0x464: {  	_ = 	snop;
	(pc) =	sbr.rel @!p0 .LBB2_19-.Ltmp7, $4  }
.Ltmp8:
0x465: {  	_ = 	snop;
	(pc) =	sbr.rel @p0 .LBB2_20-.Ltmp8, $4  }
0x466: {  	_ =	swait.ge [sflag:s28], $0x2000  }
0x467: {  	[sflag:s28] =	ssyncset.done $0x0  }
0x468: {  	[sflag:s28] =	ssyncadd.s32 $0xFFFFE000  }
0x469: {  	_ = 	snop  }
.LBB2_17:
0x46a: {  	p3 =	sne.s32 s10, $0x27  }
.Ltmp9:
0x46b: {  	_ = 	snop;
	(pc) =	sbr.rel @p3 .LBB2_16-.Ltmp9, $4  }
0x46c: {  	v10 =	vld [tilespmem:$0x1FE00]  }
0x46d: {  	v30 =	vld [tilespmem:$0x1FE40]  }
0x46e: {  	v22 =	vld [tilespmem:$0x1FE50]  }
0x46f: {  	v14 =	vld [tilespmem:$0x1FE60]  }
0x470: {  	_ =	swait.ge [sflag:s28], $0x2000  }
0x471: {  	[sflag:s28] =	ssyncset.done $0x0  }
0x472: {  	[sflag:s28] =	ssyncadd.s32 $0xFFFFE000  }
.LBB2_19:
0x473: {  	_ =	swait.ge [sflag:s13], $0x2000  }
0x474: {  	[sflag:s13] =	ssyncset.done $0x0  }
0x475: {  	[sflag:s13] =	ssyncadd.s32 $0xFFFFE000  }
.LBB2_20:
0x476: {  	s9 =	simm.s32 $0x0;
	s24 =	simm.s32 $0x1  }
0x477: {  	s16 =	simm.s32 $0x2;
	s17 =	simm.s32 $0x3;
	s18 =	simm.s32 $0x4;
	v0 =	vmov s9;
	v2 =	vmov s24  }
0x478: {  	s21 =	simm.s32 $0x5;
	v3 =	vmov s16;
	v4 =	vmov s17;
	s24 =	simm.s32 $0x6;
	v5 =	vmov s18  }
0x479: {  	v6 =	vmov s21;
	s18 =	simm.s32 $0x7;
	s21 =	simm.s32 $0x8;
	s16 =	simm.s32 $0xA;
	v0 =	vshrl.u32 v0, $0x3;
	v33 =	vmov s24  }
0x47a: {  	s17 =	simm.s32 $0xB;
	v34 =	vmov s18;
	v35 =	vmov s21;
	v37 =	vmov s16  }
0x47b: {  	s24 =	simm.s32 $0x9;
	v38 =	vmov s17;
	v2 =	vshrl.u32 v2, $0x3;
	v3 =	vshrl.u32 v3, $0x3  }
0x47c: {  	s18 =	simm.s32 $0xC;
	s21 =	simm.s32 $0xD;
	v4 =	vshrl.u32 v4, $0x3;
	v5 =	vshrl.u32 v5, $0x3;
	v6 =	vshrl.u32 v6, $0x3;
	s16 =	sshll.u32 s11, $0x6  }
0x47d: {  	v11 =	vld [tilespmem:$0x1FED0];
	v36 =	vmov s24;
	v39 =	vmov s18;
	v40 =	vmov s21;
	s9 =	sand.u32 $0x3FFFFFC0, s16  }
0x47e: {  	v0 =	vshll.u32 v0, v1;
	v42 =	vshrl.u32 v33, $0x3;
	v45 =	vshrl.u32 v36, $0x3;
	v36 =	vld [tilespmem:s9+$0x15200]  }
0x47f: {  	s17 =	simm.s32 $0xF;
	v43 =	vshrl.u32 v34, $0x3;
	v44 =	vshrl.u32 v35, $0x3;
	v46 =	vshrl.u32 v37, $0x3;
	v35 =	vld [tilespmem:s9+$0x15210]  }
0x480: {  	s24 =	simm.s32 $0xE;
	v2 =	vshll.u32 v2, v1;
	v3 =	vshll.u32 v3, v1;
	v60 =	vmov s17;
	v34 =	vld [tilespmem:s9+$0x15220]  }
0x481: {  	v41 =	vmov s24;
	v37 =	vbroadcast v0, $0x0;
	v61 =	vshrl.u32 v60, $0x3;
	v33 =	vld [tilespmem:s9+$0x15230];
	s9 =	simm.s32 $0x6BF0  }
0x482: {  	v0 =	vshrl.u32 v40, $0x3;
	v40 =	vshrl.u32 v41, $0x3;
	v41 =	vshll.u32 v61, v1;
	v63 =	vld [tilespmem:s9+$0xFFFFFC10]  }
0x483: {  	v4 =	vshll.u32 v4, v1;
	v39 =	vshrl.u32 v39, $0x3;
	v62 =	vld [tilespmem:s9+$0xFFFFFFD0];
	v53 =	vbroadcast v41, $0x0  }
0x484: {  	v50 =	vbroadcast v2, $0x0;
	v54 =	vshll.u32 v45, v1;
	v45 =	vld [tilespmem:s9+$0xFFFFFC50];
	v32 =	vadd.s32 v14, v37  }
0x485: {  	v5 =	vshll.u32 v5, v1;
	v2 =	vshll.u32 v39, v1;
	v39 =	vadd.s32 v30, v53  }
0x486: {  	v12 =	vld [tilespmem:$0x1FEE0];
	v6 =	vshll.u32 v6, v1;
	v51 =	vbroadcast v3, $0x0;
	v3 =	vadd.s32 v10, v50  }
0x487: {  	v52 =	vshll.u32 v44, v1;
	v49 =	vbroadcast v4, $0x0;
	v48 =	vld [tilespmem:s9+$0xFFFFFC90];
	v58 =	vadd.f32 v63, v36  }
0x488: {  	v9 =	vld [tilespmem:$0x1FF20];
	v47 =	vbroadcast v5, $0x0;
	v4 =	vshll.u32 v40, v1;
	v5 =	vadd.f32 v62, v36  }
0x489: {  	v44 =	vbroadcast v6, $0x0;
	v56 =	vld [tilespmem:s9+$0xFFFFFCD0];
	v40 =	vadd.s32 v11, v51;
	v6 =	vadd.f32 v45, v36;
	[tilespmem:v32+s29+$0x0] =	vst.idx.msk $0xffff, v58  }
0x48a: {  	v57 =	vld [tilespmem:s9+$0xFFFFFD10];
	[tilespmem:v39+s29+$0x0] =	vst.idx.msk $0xffff, v5  }
0x48b: {  	v13 =	vld [tilespmem:$0x1FF60];
	[tilespmem:v3+s29+$0x0] =	vst.idx.msk $0xffff, v6  }
0x48c: {  	v5 =	vadd.f32 v48, v36;
	v8 =	vld [tilespmem:$0x1FFA0]  }
0x48d: {  	v42 =	vshll.u32 v42, v1;
	v43 =	vshll.u32 v43, v1;
	v60 =	vld [tilespmem:s9+$0xFFFFFD50]  }
0x48e: {  	v38 =	vshrl.u32 v38, $0x3;
	v55 =	vshll.u32 v46, v1;
	v59 =	vadd.s32 v12, v49;
	v62 =	vld [tilespmem:s9+$0xFFFFFD90];
	[tilespmem:v40+s29+$0x0] =	vst.idx.msk $0xffff, v5  }
0x48f: {  	v38 =	vshll.u32 v38, v1;
	v61 =	vadd.s32 v9, v47;
	v41 =	vbroadcast v42, $0x0;
	v7 =	vld [tilespmem:$0x1FFE0]  }
0x490: {  	v45 =	vbroadcast v52, $0x0;
	v48 =	vbroadcast v43, $0x0;
	v43 =	vld [tilespmem:s9+$0xFFFFFE10];
	v39 =	vadd.s32 v13, v44  }
0x491: {  	v0 =	vshll.u32 v0, v1;
	v32 =	vld [tilespmem:s9+$0xFFFFFDD0];
	v3 =	vadd.f32 v56, v36;
	v6 =	vadd.s32 v8, v41  }
0x492: {  	v46 =	vbroadcast v54, $0x0;
	v54 =	vadd.s32 v14, v45;
	v58 =	vld [tilespmem:s9+$0xFFFFFFE0];
	v5 =	vadd.f32 v57, v36  }
0x493: {  	v42 =	vbroadcast v55, $0x0;
	v57 =	vadd.s32 v30, v48;
	[tilespmem:v59+s29+$0x0] =	vst.idx.msk $0xffff, v3;
	v3 =	vadd.f32 v60, v36;
	v59 =	vld [tilespmem:s9+$0xFFFFFE50]  }
0x494: {  	v40 =	vbroadcast v2, $0x0;
	v60 =	vld [tilespmem:s9+$0xFFFFFE90];
	[tilespmem:v61+s29+$0x0] =	vst.idx.msk $0xffff, v5;
	v5 =	vadd.f32 v62, v36;
	v52 =	vadd.s32 v7, v53  }
0x495: {  	v55 =	vld [tilespmem:s9+$0xFFFFFED0];
	v2 =	vadd.f32 v43, v36;
	[tilespmem:v39+s29+$0x0] =	vst.idx.msk $0xffff, v3;
	v3 =	vadd.s32 v10, v46;
	v39 =	vbroadcast v38, $0x0  }
0x496: {  	[tilespmem:v6+s29+$0x0] =	vst.idx.msk $0xffff, v5;
	v5 =	vadd.f32 v32, v36;
	v6 =	vadd.s32 v11, v42;
	v32 =	vld [tilespmem:s9+$0xFFFFFF10]  }
0x497: {  	v62 =	vld [tilespmem:s9+$0xFFFFFF50];
	v58 =	vadd.f32 v58, v35;
	[tilespmem:v54+s29+$0x0] =	vst.idx.msk $0xffff, v2;
	v38 =	vbroadcast v0, $0x0;
	v61 =	vadd.s32 v12, v39  }
0x498: {  	v0 =	vadd.f32 v59, v36;
	[tilespmem:v57+s29+$0x0] =	vst.idx.msk $0xffff, v5;
	v5 =	vadd.s32 v9, v40  }
0x499: {  	v43 =	vbroadcast v4, $0x0;
	v4 =	vld [tilespmem:s9+$0xFFFFFC60];
	v2 =	vadd.f32 v60, v36;
	[tilespmem:v52+s29+$0x0] =	vst.idx.msk $0xffff, v58;
	v54 =	vadd.s32 v13, v38  }
0x49a: {  	v52 =	vld [tilespmem:s9+$0xFFFFFFF0];
	[tilespmem:v3+s29+$0x0] =	vst.idx.msk $0xffff, v0;
	v0 =	vadd.f32 v55, v36  }
0x49b: {  	v57 =	vld [tilespmem:s9+$0xFFFFFF90];
	[tilespmem:v6+s29+$0x0] =	vst.idx.msk $0xffff, v2;
	v2 =	vadd.f32 v32, v36  }
0x49c: {  	v13 =	vld [tilespmem:$0x1FEA0];
	[tilespmem:v61+s29+$0x0] =	vst.idx.msk $0xffff, v0;
	v0 =	vadd.f32 v62, v36  }
0x49d: {  	v6 =	vadd.s32 v8, v43;
	v8 =	vld [tilespmem:$0x1FE10];
	[tilespmem:v5+s29+$0x0] =	vst.idx.msk $0xffff, v2  }
0x49e: {  	v11 =	vld [tilespmem:$0x1FEF0];
	[tilespmem:v54+s29+$0x0] =	vst.idx.msk $0xffff, v0  }
0x49f: {  	v3 =	vadd.s32 v22, v53;
	v23 =	vld [tilespmem:$0x1FF30]  }
0x4a0: {  	v55 =	vld [tilespmem:s9+$0xFFFFFCA0]  }
0x4a1: {  	v32 =	vld [tilespmem:s9+$0xFFFFFCE0];
	v56 =	vadd.s32 v13, v50  }
0x4a2: {  	v60 =	vld [tilespmem:s9+$0xFFFFFD20];
	v2 =	vadd.f32 v52, v34;
	v59 =	vadd.s32 v8, v51  }
0x4a3: {  	v0 =	vadd.f32 v57, v36;
	v5 =	vadd.s32 v11, v49  }
0x4a4: {  	v4 =	vadd.f32 v4, v35;
	[tilespmem:v3+s29+$0x0] =	vst.idx.msk $0xffff, v2;
	v54 =	vadd.s32 v23, v47  }
0x4a5: {  	v2 =	vadd.f32 v55, v35;
	v12 =	vld [tilespmem:$0x1FF70];
	[tilespmem:v6+s29+$0x0] =	vst.idx.msk $0xffff, v0  }
0x4a6: {  	v61 =	vld [tilespmem:s9+$0xFFFFFDA0];
	[tilespmem:v56+s29+$0x0] =	vst.idx.msk $0xffff, v4;
	v4 =	vadd.f32 v32, v35  }
0x4a7: {  	v31 =	vld [tilespmem:$0x1FFB0];
	[tilespmem:v59+s29+$0x0] =	vst.idx.msk $0xffff, v2;
	v2 =	vadd.f32 v60, v35  }
0x4a8: {  	v9 =	vld [tilespmem:$0x1FFF0];
	[tilespmem:v5+s29+$0x0] =	vst.idx.msk $0xffff, v4  }
0x4a9: {  	v52 =	vld [tilespmem:s9+$0xFFFFFD60];
	[tilespmem:v54+s29+$0x0] =	vst.idx.msk $0xffff, v2  }
0x4aa: {  	v5 =	vadd.s32 v7, v48;
	v7 =	vld [tilespmem:$0x1FE70]  }
0x4ab: {  	v0 =	vld [tilespmem:s9+$0x0];
	v3 =	vadd.s32 v12, v44  }
0x4ac: {  	v62 =	vld [tilespmem:s9+$0xFFFFFDE0];
	v6 =	vadd.s32 v31, v41  }
0x4ad: {  	v63 =	vld [tilespmem:s9+$0xFFFFFE20];
	v53 =	vadd.s32 v9, v53  }
0x4ae: {  	v32 =	vld [tilespmem:s9+$0xFFFFFE60];
	v4 =	vadd.f32 v52, v35  }
0x4af: {  	v2 =	vadd.f32 v61, v35;
	v61 =	vld [tilespmem:s9+$0xFFFFFEA0];
	v60 =	vadd.s32 v7, v45  }
0x4b0: {  	v0 =	vadd.f32 v0, v33;
	[tilespmem:v3+s29+$0x0] =	vst.idx.msk $0xffff, v4;
	v3 =	vadd.s32 v13, v46  }
0x4b1: {  	v4 =	vld [tilespmem:s9+$0xFFFFFEE0];
	[tilespmem:v6+s29+$0x0] =	vst.idx.msk $0xffff, v2;
	v2 =	vadd.f32 v62, v35;
	v6 =	vadd.s32 v8, v42  }
0x4b2: {  	v55 =	vld [tilespmem:s9+$0xFFFFFF20];
	v56 =	vadd.f32 v63, v35;
	[tilespmem:v53+s29+$0x0] =	vst.idx.msk $0xffff, v0  }
0x4b3: {  	v58 =	vadd.s32 v11, v39;
	v0 =	vadd.f32 v32, v35;
	[tilespmem:v5+s29+$0x0] =	vst.idx.msk $0xffff, v2  }
0x4b4: {  	v63 =	vld [tilespmem:s9+$0xFFFFFC20];
	v32 =	vadd.f32 v61, v35;
	v2 =	vadd.s32 v23, v40;
	[tilespmem:v60+s29+$0x0] =	vst.idx.msk $0xffff, v56  }
0x4b5: {  	v62 =	vld [tilespmem:s9+$0xFFFFFF60];
	[tilespmem:v3+s29+$0x0] =	vst.idx.msk $0xffff, v0  }
0x4b6: {  	v5 =	vld [tilespmem:s9+$0xFFFFFFA0];
	v0 =	vadd.f32 v4, v35;
	[tilespmem:v6+s29+$0x0] =	vst.idx.msk $0xffff, v32  }
0x4b7: {  	v60 =	vadd.s32 v12, v38;
	v6 =	vadd.f32 v55, v35;
	v12 =	vld [tilespmem:$0x1FEB0]  }
0x4b8: {  	v61 =	vld [tilespmem:s9+$0xFFFFFC70];
	v3 =	vadd.s32 v31, v43;
	[tilespmem:v58+s29+$0x0] =	vst.idx.msk $0xffff, v0  }
0x4b9: {  	v4 =	vadd.s32 v7, v37;
	v16 =	vld [tilespmem:$0x1FE20];
	[tilespmem:v2+s29+$0x0] =	vst.idx.msk $0xffff, v6  }
0x4ba: {  	v0 =	vadd.f32 v62, v35;
	v20 =	vld [tilespmem:$0x1FF00]  }
0x4bb: {  	v57 =	vld [tilespmem:s9+$0xFFFFFCB0];
	v2 =	vadd.f32 v5, v35  }
0x4bc: {  	v32 =	vld [tilespmem:s9+$0xFFFFFCF0];
	v5 =	vadd.f32 v63, v35;
	[tilespmem:v60+s29+$0x0] =	vst.idx.msk $0xffff, v0;
	v53 =	vadd.s32 v12, v50  }
0x4bd: {  	v24 =	vld [tilespmem:$0x1FF40];
	[tilespmem:v3+s29+$0x0] =	vst.idx.msk $0xffff, v2  }
0x4be: {  	v62 =	vld [tilespmem:s9+$0xFFFFFD30];
	[tilespmem:v4+s29+$0x0] =	vst.idx.msk $0xffff, v5;
	v58 =	vadd.s32 v16, v51  }
0x4bf: {  	v0 =	vadd.f32 v61, v34;
	v28 =	vld [tilespmem:$0x1FF80];
	v6 =	vadd.s32 v20, v49  }
0x4c0: {  	v63 =	vld [tilespmem:s9+$0xFFFFFD70]  }
0x4c1: {  	v61 =	vld [tilespmem:s9+$0xFFFFFDB0];
	v2 =	vadd.f32 v57, v34;
	[tilespmem:v53+s29+$0x0] =	vst.idx.msk $0xffff, v0  }
0x4c2: {  	v0 =	vadd.f32 v32, v34;
	v32 =	vld [tilespmem:$0x1FFC0]  }
0x4c3: {  	v4 =	vld [tilespmem:s9+$0xFFFFFDF0];
	v60 =	vadd.s32 v24, v47;
	[tilespmem:v58+s29+$0x0] =	vst.idx.msk $0xffff, v2  }
0x4c4: {  	v3 =	vadd.s32 v28, v44;
	v53 =	vld [tilespmem:s9+$0xFFFFFE30];
	[tilespmem:v6+s29+$0x0] =	vst.idx.msk $0xffff, v0  }
0x4c5: {  	v8 =	vld [tilespmem:$0x1FE80]  }
0x4c6: {  	v55 =	vadd.s32 v22, v48;
	v2 =	vadd.f32 v62, v34;
	v62 =	vld [tilespmem:s9+$0xFFFFFE70]  }
0x4c7: {  	v58 =	vld [tilespmem:s9+$0xFFFFFC30];
	v0 =	vadd.f32 v63, v34;
	v5 =	vadd.s32 v32, v41  }
0x4c8: {  	v52 =	vld [tilespmem:s9+$0xFFFFFC80];
	[tilespmem:v60+s29+$0x0] =	vst.idx.msk $0xffff, v2  }
0x4c9: {  	v63 =	vld [tilespmem:s9+$0xFFFFFEB0];
	v60 =	vadd.s32 v12, v46;
	[tilespmem:v3+s29+$0x0] =	vst.idx.msk $0xffff, v0;
	v0 =	vadd.f32 v4, v34  }
0x4ca: {  	v59 =	vld [tilespmem:s9+$0xFFFFFCC0];
	v2 =	vadd.f32 v61, v34;
	v6 =	vadd.s32 v8, v45  }
0x4cb: {  	v61 =	vld [tilespmem:s9+$0xFFFFFEF0];
	[tilespmem:v55+s29+$0x0] =	vst.idx.msk $0xffff, v0  }
0x4cc: {  	v3 =	vld [tilespmem:s9+$0xFFFFFF30];
	v0 =	vadd.f32 v62, v34;
	[tilespmem:v5+s29+$0x0] =	vst.idx.msk $0xffff, v2;
	v5 =	vadd.s32 v16, v42  }
0x4cd: {  	v4 =	vld [tilespmem:s9+$0xFFFFFF70];
	v2 =	vadd.f32 v53, v34  }
0x4ce: {  	v55 =	vadd.s32 v20, v39;
	[tilespmem:v60+s29+$0x0] =	vst.idx.msk $0xffff, v0;
	v60 =	vld [tilespmem:s9+$0xFFFFFD00]  }
0x4cf: {  	v53 =	vld [tilespmem:s9+$0xFFFFFFB0];
	[tilespmem:v6+s29+$0x0] =	vst.idx.msk $0xffff, v2;
	v2 =	vadd.f32 v63, v34  }
0x4d0: {  	v57 =	vadd.s32 v24, v40;
	v13 =	vld [tilespmem:$0x1FEC0]  }
0x4d1: {  	v0 =	vadd.f32 v61, v34;
	v6 =	vadd.s32 v28, v38;
	v62 =	vld [tilespmem:s9+$0xFFFFFE40];
	[tilespmem:v5+s29+$0x0] =	vst.idx.msk $0xffff, v2  }
0x4d2: {  	s18 =	simm.s32 $0x10;
	v54 =	vadd.s32 v32, v43;
	v17 =	vld [tilespmem:$0x1FE30]  }
0x4d3: {  	v56 =	vadd.s32 v8, v37;
	v3 =	vadd.f32 v3, v34;
	v2 =	vmov s18;
	[tilespmem:v55+s29+$0x0] =	vst.idx.msk $0xffff, v0;
	v55 =	vld [tilespmem:s9+$0xFFFFFD80]  }
0x4d4: {  	v4 =	vadd.f32 v4, v34;
	v0 =	vshrl.u32 v2, $0x3;
	v2 =	vadd.f32 v58, v34;
	v58 =	vld [tilespmem:s9+$0xFFFFFE00]  }
0x4d5: {  	v53 =	vadd.f32 v53, v34;
	v21 =	vld [tilespmem:$0x1FF10];
	[tilespmem:v57+s29+$0x0] =	vst.idx.msk $0xffff, v3  }
0x4d6: {  	v25 =	vld [tilespmem:$0x1FF50];
	[tilespmem:v6+s29+$0x0] =	vst.idx.msk $0xffff, v4  }
0x4d7: {  	v29 =	vld [tilespmem:$0x1FF90];
	[tilespmem:v54+s29+$0x0] =	vst.idx.msk $0xffff, v53  }
0x4d8: {  	s21 =	simm.s32 $0x11;
	v48 =	vadd.s32 v9, v48;
	v52 =	vadd.f32 v52, v33;
	v50 =	vadd.s32 v13, v50;
	v63 =	vld [tilespmem:$0x1FFD0]  }
0x4d9: {  	s24 =	simm.s32 $0x12;
	v3 =	vmov s21;
	v0 =	vshll.u32 v0, v1;
	[tilespmem:v56+s29+$0x0] =	vst.idx.msk $0xffff, v2;
	v56 =	vld [tilespmem:s9+$0xFFFFFE80];
	v5 =	vadd.s32 v17, v51  }
0x4da: {  	v4 =	vmov s24;
	v6 =	vadd.f32 v59, v33;
	v51 =	vld [tilespmem:s9+$0xFFFFFD40];
	v49 =	vadd.s32 v21, v49  }
0x4db: {  	v46 =	vadd.s32 v13, v46;
	v54 =	vadd.f32 v60, v33;
	v60 =	vadd.f32 v55, v33;
	v55 =	vld [tilespmem:s9+$0xFFFFFEC0]  }
0x4dc: {  	s17 =	simm.s32 $0x13;
	v57 =	vld [tilespmem:s9+$0xFFFFFDC0];
	v42 =	vadd.s32 v17, v42;
	v39 =	vadd.s32 v21, v39;
	v47 =	vadd.s32 v25, v47  }
0x4dd: {  	s18 =	simm.s32 $0x14;
	v53 =	vmov s17;
	v59 =	vld [tilespmem:s9+$0xFFFFFF80];
	[tilespmem:v50+s29+$0x0] =	vst.idx.msk $0xffff, v52;
	v40 =	vadd.s32 v25, v40;
	v44 =	vadd.s32 v29, v44  }
0x4de: {  	s21 =	simm.s32 $0x15;
	v2 =	vmov s18;
	v9 =	vld [tilespmem:$0x1FE90];
	v38 =	vadd.s32 v29, v38;
	v61 =	vadd.f32 v56, v33;
	[tilespmem:v5+s29+$0x0] =	vst.idx.msk $0xffff, v6  }
0x4df: {  	s24 =	simm.s32 $0x16;
	v52 =	vmov s21;
	v41 =	vadd.s32 v63, v41;
	v51 =	vadd.f32 v51, v33;
	[tilespmem:v49+s29+$0x0] =	vst.idx.msk $0xffff, v54  }
0x4e0: {  	s17 =	simm.s32 $0x17;
	v50 =	vld [tilespmem:s9+$0xFFFFFFC0];
	v43 =	vadd.s32 v63, v43;
	v5 =	vmov s24;
	v55 =	vadd.f32 v55, v33;
	[tilespmem:v46+s29+$0x0] =	vst.idx.msk $0xffff, v61  }
0x4e1: {  	s18 =	simm.s32 $0x18;
	v6 =	vadd.f32 v57, v33;
	v57 =	vld [tilespmem:s9+$0xFFFFFF00];
	v54 =	vmov s17;
	v49 =	vadd.f32 v58, v33;
	s17 =	simm.s32 $0x1B;
	[tilespmem:v47+s29+$0x0] =	vst.idx.msk $0xffff, v51  }
0x4e2: {  	v47 =	vmov s18;
	v51 =	vadd.f32 v62, v33;
	v56 =	vmov s17;
	[tilespmem:v42+s29+$0x0] =	vst.idx.msk $0xffff, v55  }
0x4e3: {  	s21 =	simm.s32 $0x19;
	v58 =	vld [tilespmem:s9+$0xFFFFFF40];
	v62 =	vadd.f32 v59, v33;
	v46 =	vshrl.u32 v54, $0x3;
	v45 =	vadd.s32 v9, v45;
	[tilespmem:v44+s29+$0x0] =	vst.idx.msk $0xffff, v60  }
0x4e4: {  	v60 =	vmov s21;
	v37 =	vadd.s32 v9, v37;
	v44 =	vshrl.u32 v3, $0x3;
	[tilespmem:v41+s29+$0x0] =	vst.idx.msk $0xffff, v6;
	v41 =	vld [tilespmem:s9+$0xFFFFFC40]  }
0x4e5: {  	s24 =	simm.s32 $0x1A;
	[tilespmem:v48+s29+$0x0] =	vst.idx.msk $0xffff, v49;
	v3 =	vadd.f32 v50, v33;
	v50 =	vshrl.u32 v4, $0x3;
	v47 =	vshrl.u32 v47, $0x3  }
0x4e6: {  	s18 =	simm.s32 $0x1C;
	v6 =	vmov s24;
	s24 =	simm.s32 $0x1E;
	[tilespmem:v38+s29+$0x0] =	vst.idx.msk $0xffff, v62;
	v38 =	vshrl.u32 v60, $0x3;
	v48 =	vadd.f32 v57, v33  }
0x4e7: {  	s21 =	simm.s32 $0x1D;
	v57 =	vmov s18;
	v61 =	vmov s24;
	[tilespmem:v43+s29+$0x0] =	vst.idx.msk $0xffff, v3;
	v42 =	vshrl.u32 v6, $0x3  }
0x4e8: {  	v43 =	vshrl.u32 v56, $0x3;
	v49 =	vadd.f32 v58, v33;
	v58 =	vmov s21;
	[tilespmem:v39+s29+$0x0] =	vst.idx.msk $0xffff, v48  }
0x4e9: {  	v48 =	vshrl.u32 v52, $0x3;
	v39 =	vshrl.u32 v58, $0x3;
	[tilespmem:v45+s29+$0x0] =	vst.idx.msk $0xffff, v51;
	v4 =	vadd.f32 v41, v33  }
0x4ea: {  	v45 =	vshrl.u32 v53, $0x3;
	[tilespmem:v40+s29+$0x0] =	vst.idx.msk $0xffff, v49;
	v51 =	vshrl.u32 v2, $0x3;
	v49 =	vshrl.u32 v5, $0x3  }
0x4eb: {  	s16 =	simm.s32 $0x20;
	s17 =	simm.s32 $0x1F;
	v40 =	vshrl.u32 v61, $0x3;
	v41 =	vshrl.u32 v57, $0x3;
	[tilespmem:v37+s29+$0x0] =	vst.idx.msk $0xffff, v4;
	v37 =	vbroadcast v0, $0x0  }
.LBB2_21:
0x4ec: {  	v19 =	vld [tilespmem:$0x1FED0]  }
0x4ed: {  	v27 =	vld [tilespmem:$0x1FEE0]  }
0x4ee: {  	v15 =	vld [tilespmem:$0x1FF20]  }
0x4ef: {  	v0 =	vshll.u32 v44, v1;
	v2 =	vshll.u32 v50, v1;
	v3 =	vmov s17;
	v11 =	vld [tilespmem:$0x1FF60]  }
0x4f0: {  	v4 =	vshll.u32 v45, v1;
	v5 =	vshll.u32 v51, v1;
	s9 =	sadd.s32 $0x400, s9;
	v26 =	vld [tilespmem:$0x1FFA0];
	v3 =	vshrl.u32 v3, $0x3  }
0x4f1: {  	v54 =	vshll.u32 v43, v1;
	v43 =	vld [tilespmem:s9+$0xFFFFFC50];
	v50 =	vbroadcast v0, $0x0;
	v3 =	vshll.u32 v3, v1  }
0x4f2: {  	v6 =	vshll.u32 v48, v1;
	v44 =	vshll.u32 v49, v1;
	v61 =	vld [tilespmem:s9+$0xFFFFFFD0];
	v52 =	vbroadcast v3, $0x0  }
0x4f3: {  	v45 =	vshll.u32 v46, v1;
	v46 =	vshll.u32 v47, v1;
	v3 =	vld [tilespmem:s9+$0xFFFFFC10];
	v57 =	vadd.s32 v10, v50  }
0x4f4: {  	v53 =	vshll.u32 v42, v1;
	v18 =	vld [tilespmem:$0x1FFE0];
	v0 =	vshll.u32 v41, v1;
	v41 =	vadd.s32 v30, v52  }
0x4f5: {  	v55 =	vadd.s32 v14, v37;
	v56 =	vld [tilespmem:s9+$0xFFFFFC90];
	v51 =	vbroadcast v2, $0x0;
	v49 =	vbroadcast v4, $0x0  }
0x4f6: {  	v58 =	vld [tilespmem:s9+$0xFFFFFCD0];
	v4 =	vshll.u32 v40, v1;
	v42 =	vbroadcast v6, $0x0;
	v6 =	vadd.f32 v43, v36  }
0x4f7: {  	v59 =	vld [tilespmem:s9+$0xFFFFFD10];
	v47 =	vbroadcast v5, $0x0;
	v40 =	vadd.s32 v19, v51;
	v5 =	vadd.f32 v61, v36  }
0x4f8: {  	v60 =	vadd.s32 v27, v49;
	v61 =	vld [tilespmem:s9+$0xFFFFFD50];
	v3 =	vadd.f32 v3, v36;
	[tilespmem:v57+s29+$0x0] =	vst.idx.msk $0xffff, v6  }
0x4f9: {  	v62 =	vld [tilespmem:s9+$0xFFFFFD90];
	v43 =	vadd.s32 v15, v47;
	[tilespmem:v41+s29+$0x0] =	vst.idx.msk $0xffff, v5  }
0x4fa: {  	v2 =	vshll.u32 v39, v1;
	v39 =	vbroadcast v44, $0x0;
	v57 =	vld [tilespmem:s9+$0xFFFFFE10];
	[tilespmem:v55+s29+$0x0] =	vst.idx.msk $0xffff, v3;
	v3 =	vadd.f32 v56, v36  }
0x4fb: {  	v6 =	vadd.f32 v58, v36;
	v5 =	vadd.s32 v11, v42;
	v41 =	vld [tilespmem:s9+$0xFFFFFFE0]  }
0x4fc: {  	v44 =	vbroadcast v46, $0x0;
	v55 =	vadd.s32 v26, v39;
	v56 =	vld [tilespmem:s9+$0xFFFFFDD0];
	[tilespmem:v40+s29+$0x0] =	vst.idx.msk $0xffff, v3;
	v3 =	vadd.f32 v59, v36  }
0x4fd: {  	v48 =	vbroadcast v45, $0x0;
	v46 =	vadd.s32 v18, v52;
	[tilespmem:v60+s29+$0x0] =	vst.idx.msk $0xffff, v6;
	v6 =	vadd.f32 v61, v36;
	v61 =	vld [tilespmem:s9+$0xFFFFFE90]  }
0x4fe: {  	v38 =	vshll.u32 v38, v1;
	v60 =	vadd.s32 v14, v44;
	v59 =	vld [tilespmem:s9+$0xFFFFFE50];
	[tilespmem:v43+s29+$0x0] =	vst.idx.msk $0xffff, v3;
	v43 =	vbroadcast v53, $0x0  }
0x4ff: {  	v45 =	vbroadcast v38, $0x0;
	v58 =	vadd.s32 v30, v48;
	v3 =	vadd.f32 v62, v36;
	v62 =	vld [tilespmem:s9+$0xFFFFFF10]  }
0x500: {  	v40 =	vbroadcast v54, $0x0;
	[tilespmem:v5+s29+$0x0] =	vst.idx.msk $0xffff, v6;
	v6 =	vld [tilespmem:s9+$0xFFFFFED0];
	v53 =	vadd.f32 v41, v35;
	v54 =	vadd.s32 v19, v43  }
0x501: {  	[tilespmem:v55+s29+$0x0] =	vst.idx.msk $0xffff, v3;
	v41 =	vbroadcast v0, $0x0;
	v0 =	vadd.f32 v57, v36;
	v57 =	vld [tilespmem:s9+$0xFFFFFF50]  }
0x502: {  	v38 =	vbroadcast v2, $0x0;
	v5 =	vadd.s32 v10, v45;
	v3 =	vadd.f32 v56, v36;
	v19 =	vld [tilespmem:$0x1FF70];
	[tilespmem:v46+s29+$0x0] =	vst.idx.msk $0xffff, v53  }
0x503: {  	v2 =	vadd.f32 v59, v36;
	v59 =	vld [tilespmem:s9+$0xFFFFFF90];
	[tilespmem:v60+s29+$0x0] =	vst.idx.msk $0xffff, v0;
	v0 =	vadd.f32 v61, v36;
	v46 =	vbroadcast v4, $0x0  }
0x504: {  	[tilespmem:v58+s29+$0x0] =	vst.idx.msk $0xffff, v3;
	v58 =	vadd.s32 v11, v38;
	v11 =	vld [tilespmem:$0x1FE10]  }
0x505: {  	v56 =	vadd.s32 v27, v40;
	[tilespmem:v54+s29+$0x0] =	vst.idx.msk $0xffff, v0;
	v54 =	vadd.s32 v26, v46;
	v26 =	vld [tilespmem:$0x1FEA0]  }
0x506: {  	v3 =	vadd.s32 v15, v41;
	v53 =	vld [tilespmem:s9+$0xFFFFFFF0]  }
0x507: {  	v15 =	vld [tilespmem:$0x1FEF0]  }
0x508: {  	v4 =	vld [tilespmem:s9+$0xFFFFFC60];
	[tilespmem:v5+s29+$0x0] =	vst.idx.msk $0xffff, v2;
	v2 =	vadd.f32 v6, v36;
	v5 =	vadd.s32 v22, v52  }
0x509: {  	v6 =	vld [tilespmem:s9+$0xFFFFFCA0];
	v0 =	vadd.f32 v62, v36  }
0x50a: {  	v60 =	vld [tilespmem:s9+$0xFFFFFCE0];
	[tilespmem:v56+s29+$0x0] =	vst.idx.msk $0xffff, v2;
	v2 =	vadd.f32 v57, v36;
	v55 =	vadd.s32 v26, v50  }
0x50b: {  	v62 =	vld [tilespmem:s9+$0xFFFFFD20];
	v61 =	vadd.s32 v11, v51;
	[tilespmem:v3+s29+$0x0] =	vst.idx.msk $0xffff, v0;
	v0 =	vadd.f32 v53, v34  }
0x50c: {  	v3 =	vadd.s32 v15, v49;
	v53 =	vld [tilespmem:s9+$0xFFFFFD60];
	[tilespmem:v58+s29+$0x0] =	vst.idx.msk $0xffff, v2;
	v2 =	vadd.f32 v59, v36  }
0x50d: {  	v4 =	vadd.f32 v4, v35;
	v58 =	vadd.s32 v23, v47;
	v59 =	vld [tilespmem:s9+$0xFFFFFDA0];
	[tilespmem:v5+s29+$0x0] =	vst.idx.msk $0xffff, v0  }
0x50e: {  	v0 =	vadd.f32 v6, v35;
	v5 =	vadd.s32 v19, v42;
	[tilespmem:v54+s29+$0x0] =	vst.idx.msk $0xffff, v2;
	v54 =	vld [tilespmem:s9+$0xFFFFFDE0]  }
0x50f: {  	v6 =	vadd.s32 v31, v39;
	[tilespmem:v55+s29+$0x0] =	vst.idx.msk $0xffff, v4;
	v4 =	vadd.f32 v60, v35;
	v60 =	vld [tilespmem:$0x1FFF0]  }
0x510: {  	[tilespmem:v61+s29+$0x0] =	vst.idx.msk $0xffff, v0;
	v0 =	vadd.f32 v62, v35;
	v55 =	vld [tilespmem:s9+$0xFFFFFE20]  }
0x511: {  	[tilespmem:v3+s29+$0x0] =	vst.idx.msk $0xffff, v4;
	v3 =	vadd.f32 v53, v35;
	v4 =	vadd.s32 v18, v48;
	v53 =	vld [tilespmem:s9+$0xFFFFFE60]  }
0x512: {  	v2 =	vld [tilespmem:s9+$0x0];
	v61 =	vadd.s32 v7, v44;
	[tilespmem:v58+s29+$0x0] =	vst.idx.msk $0xffff, v0;
	v0 =	vadd.f32 v59, v35  }
0x513: {  	v62 =	vld [tilespmem:s9+$0xFFFFFEA0];
	[tilespmem:v5+s29+$0x0] =	vst.idx.msk $0xffff, v3;
	v3 =	vadd.s32 v26, v45  }
0x514: {  	[tilespmem:v6+s29+$0x0] =	vst.idx.msk $0xffff, v0;
	v0 =	vadd.f32 v54, v35;
	v5 =	vld [tilespmem:s9+$0xFFFFFEE0];
	v52 =	vadd.s32 v60, v52  }
0x515: {  	v59 =	vld [tilespmem:s9+$0xFFFFFF60];
	v6 =	vadd.s32 v11, v43;
	v55 =	vadd.f32 v55, v35  }
0x516: {  	v58 =	vadd.s32 v15, v40;
	v54 =	vld [tilespmem:s9+$0xFFFFFF20];
	[tilespmem:v4+s29+$0x0] =	vst.idx.msk $0xffff, v0;
	v0 =	vadd.f32 v53, v35  }
0x517: {  	v2 =	vadd.f32 v2, v33;
	[tilespmem:v61+s29+$0x0] =	vst.idx.msk $0xffff, v55  }
0x518: {  	v61 =	vadd.f32 v62, v35;
	v55 =	vadd.s32 v19, v38;
	v62 =	vld [tilespmem:s9+$0xFFFFFC70];
	[tilespmem:v3+s29+$0x0] =	vst.idx.msk $0xffff, v0  }
0x519: {  	v4 =	vld [tilespmem:s9+$0xFFFFFFA0];
	v0 =	vadd.f32 v5, v35;
	[tilespmem:v52+s29+$0x0] =	vst.idx.msk $0xffff, v2;
	v2 =	vadd.s32 v23, v41  }
0x51a: {  	v56 =	vadd.s32 v8, v37;
	v53 =	vadd.s32 v12, v50;
	[tilespmem:v6+s29+$0x0] =	vst.idx.msk $0xffff, v61;
	v52 =	vld [tilespmem:s9+$0xFFFFFC20]  }
0x51b: {  	v6 =	vadd.f32 v54, v35;
	v54 =	vld [tilespmem:s9+$0xFFFFFCF0];
	[tilespmem:v58+s29+$0x0] =	vst.idx.msk $0xffff, v0;
	v0 =	vadd.f32 v59, v35  }
0x51c: {  	v57 =	vld [tilespmem:s9+$0xFFFFFCB0];
	v3 =	vadd.s32 v31, v46;
	v5 =	vadd.s32 v7, v37;
	v37 =	vadd.s32 v9, v37  }
0x51d: {  	v58 =	vadd.s32 v16, v51;
	[tilespmem:v55+s29+$0x0] =	vst.idx.msk $0xffff, v0;
	v0 =	vadd.f32 v62, v34  }
0x51e: {  	v59 =	vld [tilespmem:s9+$0xFFFFFD30];
	v55 =	vadd.s32 v24, v47;
	v47 =	vadd.s32 v25, v47;
	[tilespmem:v2+s29+$0x0] =	vst.idx.msk $0xffff, v6  }
0x51f: {  	v61 =	vld [tilespmem:s9+$0xFFFFFD70];
	v2 =	vadd.f32 v4, v35;
	v4 =	vadd.f32 v52, v35;
	v6 =	vadd.s32 v20, v49  }
0x520: {  	[tilespmem:v53+s29+$0x0] =	vst.idx.msk $0xffff, v0;
	v0 =	vadd.f32 v54, v34;
	v54 =	vadd.s32 v22, v48  }
0x521: {  	v62 =	vld [tilespmem:s9+$0xFFFFFDB0];
	v49 =	vadd.s32 v21, v49;
	[tilespmem:v3+s29+$0x0] =	vst.idx.msk $0xffff, v2;
	v2 =	vadd.f32 v57, v34  }
0x522: {  	v48 =	vadd.s32 v60, v48;
	[tilespmem:v5+s29+$0x0] =	vst.idx.msk $0xffff, v4;
	v3 =	vadd.s32 v28, v42;
	v4 =	vld [tilespmem:s9+$0xFFFFFDF0]  }
0x523: {  	v53 =	vld [tilespmem:s9+$0xFFFFFE30];
	v5 =	vadd.s32 v32, v39;
	[tilespmem:v58+s29+$0x0] =	vst.idx.msk $0xffff, v2;
	v2 =	vadd.f32 v59, v34  }
0x524: {  	v57 =	vld [tilespmem:s9+$0xFFFFFE70];
	v42 =	vadd.s32 v29, v42;
	[tilespmem:v6+s29+$0x0] =	vst.idx.msk $0xffff, v0;
	v0 =	vadd.f32 v61, v34  }
0x525: {  	v58 =	vld [tilespmem:s9+$0xFFFFFC30];
	v6 =	vadd.s32 v8, v44;
	v44 =	vadd.s32 v9, v44;
	[tilespmem:v55+s29+$0x0] =	vst.idx.msk $0xffff, v2  }
0x526: {  	v61 =	vld [tilespmem:s9+$0xFFFFFEB0];
	v2 =	vadd.f32 v62, v34;
	v55 =	vadd.s32 v12, v45;
	v45 =	vadd.s32 v13, v45  }
0x527: {  	v62 =	vld [tilespmem:s9+$0xFFFFFEF0];
	[tilespmem:v3+s29+$0x0] =	vst.idx.msk $0xffff, v0;
	v0 =	vadd.f32 v4, v34;
	v3 =	vadd.s32 v16, v43  }
0x528: {  	v4 =	vld [tilespmem:s9+$0xFFFFFF30];
	[tilespmem:v5+s29+$0x0] =	vst.idx.msk $0xffff, v2;
	v2 =	vadd.f32 v53, v34;
	v5 =	vadd.s32 v20, v40  }
0x529: {  	v53 =	vld [tilespmem:s9+$0xFFFFFF70];
	[tilespmem:v54+s29+$0x0] =	vst.idx.msk $0xffff, v0;
	v0 =	vadd.f32 v57, v34;
	v54 =	vadd.s32 v24, v41  }
0x52a: {  	v57 =	vld [tilespmem:s9+$0xFFFFFFB0];
	v58 =	vadd.f32 v58, v34;
	v41 =	vadd.s32 v25, v41;
	[tilespmem:v6+s29+$0x0] =	vst.idx.msk $0xffff, v2  }
0x52b: {  	v2 =	vadd.f32 v61, v34;
	v6 =	vadd.s32 v28, v38;
	v61 =	vld [tilespmem:s9+$0xFFFFFC80];
	[tilespmem:v55+s29+$0x0] =	vst.idx.msk $0xffff, v0  }
0x52c: {  	v0 =	vadd.f32 v62, v34;
	v55 =	vadd.s32 v32, v46;
	v62 =	vld [tilespmem:s9+$0xFFFFFCC0];
	[tilespmem:v56+s29+$0x0] =	vst.idx.msk $0xffff, v58  }
0x52d: {  	[tilespmem:v3+s29+$0x0] =	vst.idx.msk $0xffff, v2;
	v2 =	vadd.f32 v4, v34;
	v3 =	vadd.s32 v13, v50;
	v4 =	vld [tilespmem:s9+$0xFFFFFD00]  }
0x52e: {  	v50 =	vadd.s32 v17, v51;
	v51 =	vld [tilespmem:s9+$0xFFFFFD40];
	[tilespmem:v5+s29+$0x0] =	vst.idx.msk $0xffff, v0;
	v0 =	vadd.f32 v53, v34  }
0x52f: {  	s21 =	sadd.s32 $0x3, s16;
	v38 =	vadd.s32 v29, v38;
	[tilespmem:v54+s29+$0x0] =	vst.idx.msk $0xffff, v2;
	v2 =	vadd.f32 v57, v34;
	v54 =	vld [tilespmem:s9+$0xFFFFFD80]  }
0x530: {  	v56 =	vmov s21;
	v5 =	vmov s16;
	[tilespmem:v6+s29+$0x0] =	vst.idx.msk $0xffff, v0;
	v6 =	vadd.f32 v61, v33;
	v61 =	vld [tilespmem:s9+$0xFFFFFDC0]  }
0x531: {  	s24 =	sadd.s32 $0x1, s16;
	v46 =	vadd.s32 v63, v46;
	v5 =	vshrl.u32 v5, $0x3;
	[tilespmem:v55+s29+$0x0] =	vst.idx.msk $0xffff, v2;
	v62 =	vadd.f32 v62, v33;
	v55 =	vld [tilespmem:s9+$0xFFFFFE00]  }
0x532: {  	s18 =	sadd.s32 $0x2, s16;
	v0 =	vmov s24;
	[tilespmem:v3+s29+$0x0] =	vst.idx.msk $0xffff, v6;
	v3 =	vadd.f32 v4, v33;
	v4 =	vadd.s32 v63, v39;
	v6 =	vld [tilespmem:s9+$0xFFFFFE40]  }
0x533: {  	s24 =	sadd.s32 $0x4, s16;
	v5 =	vshll.u32 v5, v1;
	v2 =	vmov s18;
	s18 =	sadd.s32 $0x5, s16;
	v59 =	vadd.f32 v51, v33;
	v51 =	vld [tilespmem:s9+$0xFFFFFE80];
	[tilespmem:v50+s29+$0x0] =	vst.idx.msk $0xffff, v62  }
0x534: {  	v60 =	vld [tilespmem:s9+$0xFFFFFEC0];
	v39 =	vmov s24;
	v53 =	vmov s18;
	s24 =	sadd.s32 $0x7, s16;
	[tilespmem:v49+s29+$0x0] =	vst.idx.msk $0xffff, v3;
	v3 =	vadd.f32 v54, v33  }
0x535: {  	s21 =	sadd.s32 $0x6, s16;
	v52 =	vmov s24;
	v50 =	vshrl.u32 v2, $0x3;
	[tilespmem:v47+s29+$0x0] =	vst.idx.msk $0xffff, v59;
	v47 =	vld [tilespmem:s9+$0xFFFFFFC0];
	v61 =	vadd.f32 v61, v33  }
0x536: {  	v62 =	vld [tilespmem:s9+$0xFFFFFF00];
	s24 =	sadd.s32 $0xA, s16;
	v54 =	vmov s21;
	s21 =	sadd.s32 $0x9, s16;
	[tilespmem:v42+s29+$0x0] =	vst.idx.msk $0xffff, v3;
	v3 =	vadd.f32 v55, v33;
	v42 =	vadd.s32 v17, v43  }
0x537: {  	s18 =	sadd.s32 $0x8, s16;
	v58 =	vmov s24;
	v57 =	vmov s21;
	v43 =	vld [tilespmem:s9+$0xFFFFFF40];
	[tilespmem:v4+s29+$0x0] =	vst.idx.msk $0xffff, v61;
	v4 =	vadd.f32 v6, v33  }
0x538: {  	v55 =	vmov s18;
	s18 =	sadd.s32 $0xB, s16;
	v6 =	vadd.s32 v21, v40;
	v40 =	vld [tilespmem:s9+$0xFFFFFF80];
	[tilespmem:v48+s29+$0x0] =	vst.idx.msk $0xffff, v3;
	v3 =	vadd.f32 v51, v33  }
0x539: {  	s24 =	sadd.s32 $0xD, s16;
	v49 =	vshrl.u32 v54, $0x3;
	v59 =	vmov s18;
	v48 =	vld [tilespmem:s9+$0xFFFFFC40];
	[tilespmem:v44+s29+$0x0] =	vst.idx.msk $0xffff, v4;
	v4 =	vadd.f32 v60, v33  }
0x53a: {  	v61 =	vmov s24;
	v44 =	vshrl.u32 v0, $0x3;
	v0 =	vadd.f32 v47, v33;
	[tilespmem:v45+s29+$0x0] =	vst.idx.msk $0xffff, v3  }
0x53b: {  	p3 =	slt.u32 s16, $0x70;
	s21 =	sadd.s32 $0xC, s16;
	v51 =	vshrl.u32 v39, $0x3;
	v39 =	vshrl.u32 v61, $0x3;
	v3 =	vadd.f32 v62, v33;
	[tilespmem:v42+s29+$0x0] =	vst.idx.msk $0xffff, v4  }
.Ltmp10:
0x53c: {  	s18 =	sadd.s32 $0xE, s16;
	v60 =	vmov s21;
	v47 =	vshrl.u32 v55, $0x3;
	v4 =	vadd.f32 v43, v33;
	[tilespmem:v46+s29+$0x0] =	vst.idx.msk $0xffff, v0;
	(pc) =	sbr.rel @p3 .LBB2_21-.Ltmp10, $4  }
0x53d: {  	v62 =	vmov s18;
	v45 =	vshrl.u32 v56, $0x3;
	[tilespmem:v6+s29+$0x0] =	vst.idx.msk $0xffff, v3;
	v3 =	vadd.f32 v40, v33  }
0x53e: {  	v46 =	vshrl.u32 v52, $0x3;
	v42 =	vshrl.u32 v58, $0x3;
	[tilespmem:v41+s29+$0x0] =	vst.idx.msk $0xffff, v4;
	v2 =	vadd.f32 v48, v33  }
0x53f: {  	v43 =	vshrl.u32 v59, $0x3;
	v40 =	vshrl.u32 v62, $0x3;
	v48 =	vshrl.u32 v53, $0x3;
	[tilespmem:v38+s29+$0x0] =	vst.idx.msk $0xffff, v3  }
0x540: {  	s17 =	sadd.s32 $0xF, s16;
	s16 =	sadd.s32 $0x10, s16;
	v41 =	vshrl.u32 v60, $0x3;
	v38 =	vshrl.u32 v57, $0x3;
	[tilespmem:v37+s29+$0x0] =	vst.idx.msk $0xffff, v2;
	v37 =	vbroadcast v5, $0x0  }
0x541: {  	v3 =	vmov s17  }
0x542: {  	v3 =	vshrl.u32 v3, $0x3  }
0x543: {  	s9 =	sadd.s32 $0x400, s9;
	v3 =	vshll.u32 v3, v1  }
0x544: {  	v61 =	vld [tilespmem:s9+$0xFFFFFFD0];
	v3 =	vbroadcast v3, $0x0  }
0x545: {  	v0 =	vshll.u32 v44, v1;
	v44 =	vshll.u32 v49, v1;
	v62 =	vld [tilespmem:s9+$0xFFFFFC10]  }
0x546: {  	v49 =	vshll.u32 v38, v1;
	v11 =	vld [tilespmem:s9+$0xFFFFFC50];
	v38 =	vbroadcast v0, $0x0;
	v52 =	vadd.s32 v30, v3  }
0x547: {  	v19 =	vld [tilespmem:$0x1FED0];
	v53 =	vadd.s32 v14, v37  }
0x548: {  	v27 =	vld [tilespmem:$0x1FEE0];
	v55 =	vadd.s32 v10, v38  }
0x549: {  	v2 =	vshll.u32 v50, v1;
	v54 =	vld [tilespmem:s9+$0xFFFFFC90];
	v15 =	vadd.f32 v61, v36  }
0x54a: {  	v0 =	vshll.u32 v41, v1;
	v41 =	vbroadcast v2, $0x0;
	v56 =	vld [tilespmem:s9+$0xFFFFFCD0];
	v18 =	vadd.f32 v62, v36  }
0x54b: {  	v58 =	vld [tilespmem:s9+$0xFFFFFD10];
	v60 =	vadd.f32 v11, v36;
	[tilespmem:v52+s29+$0x0] =	vst.idx.msk $0xffff, v15  }
0x54c: {  	v4 =	vshll.u32 v45, v1;
	v57 =	vadd.s32 v19, v41;
	v15 =	vld [tilespmem:$0x1FF20];
	[tilespmem:v53+s29+$0x0] =	vst.idx.msk $0xffff, v18  }
0x54d: {  	v5 =	vshll.u32 v51, v1;
	v2 =	vshll.u32 v39, v1;
	v39 =	vbroadcast v4, $0x0;
	v11 =	vld [tilespmem:$0x1FF60];
	[tilespmem:v55+s29+$0x0] =	vst.idx.msk $0xffff, v60  }
0x54e: {  	v6 =	vshll.u32 v48, v1;
	v45 =	vshll.u32 v46, v1;
	v4 =	vshll.u32 v40, v1;
	v26 =	vld [tilespmem:$0x1FFA0]  }
0x54f: {  	v40 =	vbroadcast v5, $0x0;
	v59 =	vld [tilespmem:s9+$0xFFFFFD50];
	v48 =	vadd.s32 v27, v39;
	v61 =	vadd.f32 v54, v36  }
0x550: {  	v50 =	vshll.u32 v42, v1;
	v51 =	vshll.u32 v43, v1;
	v42 =	vbroadcast v6, $0x0;
	v52 =	vld [tilespmem:s9+$0xFFFFFD90]  }
0x551: {  	v43 =	vbroadcast v44, $0x0;
	v62 =	vadd.f32 v56, v36;
	v56 =	vld [tilespmem:s9+$0xFFFFFDD0];
	[tilespmem:v57+s29+$0x0] =	vst.idx.msk $0xffff, v61;
	v5 =	vadd.s32 v15, v40  }
0x552: {  	v46 =	vshll.u32 v47, v1;
	v44 =	vbroadcast v45, $0x0;
	v18 =	vld [tilespmem:$0x1FFE0];
	v53 =	vadd.s32 v11, v42  }
0x553: {  	v45 =	vbroadcast v46, $0x0;
	v47 =	vadd.f32 v58, v36;
	v57 =	vld [tilespmem:s9+$0xFFFFFE10];
	v55 =	vadd.s32 v26, v43  }
0x554: {  	v46 =	vbroadcast v49, $0x0;
	v60 =	vld [tilespmem:s9+$0xFFFFFE50];
	[tilespmem:v48+s29+$0x0] =	vst.idx.msk $0xffff, v62;
	v48 =	vadd.f32 v59, v36;
	v59 =	vadd.s32 v30, v44  }
0x555: {  	v54 =	vld [tilespmem:s9+$0xFFFFFFE0];
	v30 =	vadd.f32 v52, v36;
	v52 =	vadd.s32 v14, v45  }
0x556: {  	v6 =	vadd.s32 v10, v46;
	v61 =	vld [tilespmem:s9+$0xFFFFFE90];
	[tilespmem:v5+s29+$0x0] =	vst.idx.msk $0xffff, v47;
	v47 =	vbroadcast v50, $0x0  }
0x557: {  	v14 =	vadd.f32 v56, v36;
	v58 =	vadd.s32 v18, v3;
	[tilespmem:v53+s29+$0x0] =	vst.idx.msk $0xffff, v48;
	v53 =	vld [tilespmem:s9+$0xFFFFFED0];
	v48 =	vbroadcast v51, $0x0  }
0x558: {  	v49 =	vbroadcast v0, $0x0;
	v0 =	vadd.f32 v57, v36;
	[tilespmem:v55+s29+$0x0] =	vst.idx.msk $0xffff, v30;
	v19 =	vadd.s32 v19, v47;
	v30 =	vld [tilespmem:s9+$0xFFFFFF10]  }
0x559: {  	[tilespmem:v59+s29+$0x0] =	vst.idx.msk $0xffff, v14;
	v50 =	vbroadcast v2, $0x0;
	v2 =	vadd.f32 v60, v36;
	v62 =	vadd.s32 v27, v48  }
0x55a: {  	v10 =	vadd.f32 v54, v35;
	[tilespmem:v52+s29+$0x0] =	vst.idx.msk $0xffff, v0;
	v60 =	vadd.s32 v15, v49  }
0x55b: {  	v0 =	vadd.f32 v61, v36;
	[tilespmem:v6+s29+$0x0] =	vst.idx.msk $0xffff, v2  }
0x55c: {  	v61 =	vld [tilespmem:s9+$0xFFFFFF90];
	[tilespmem:v58+s29+$0x0] =	vst.idx.msk $0xffff, v10;
	v14 =	vadd.f32 v53, v36  }
0x55d: {  	v10 =	vld [tilespmem:s9+$0xFFFFFF50];
	[tilespmem:v19+s29+$0x0] =	vst.idx.msk $0xffff, v0;
	v15 =	vadd.f32 v30, v36  }
0x55e: {  	v58 =	vld [tilespmem:s9+$0xFFFFFFF0];
	[tilespmem:v62+s29+$0x0] =	vst.idx.msk $0xffff, v14  }
0x55f: {  	v51 =	vbroadcast v4, $0x0;
	v52 =	vadd.s32 v11, v50;
	v19 =	vld [tilespmem:$0x1FEA0];
	[tilespmem:v60+s29+$0x0] =	vst.idx.msk $0xffff, v15  }
0x560: {  	v6 =	vadd.s32 v22, v3;
	v11 =	vld [tilespmem:$0x1FE10]  }
0x561: {  	v27 =	vadd.s32 v26, v51  }
0x562: {  	v2 =	vld [tilespmem:s9+$0xFFFFFC60];
	v62 =	vadd.f32 v10, v36  }
0x563: {  	v0 =	vld [tilespmem:s9+$0xFFFFFCA0];
	v60 =	vadd.f32 v58, v34  }
0x564: {  	v61 =	vadd.f32 v61, v36;
	[tilespmem:v52+s29+$0x0] =	vst.idx.msk $0xffff, v62;
	v4 =	vadd.s32 v19, v38  }
0x565: {  	v14 =	vld [tilespmem:$0x1FEF0];
	[tilespmem:v6+s29+$0x0] =	vst.idx.msk $0xffff, v60;
	v5 =	vadd.s32 v11, v41  }
0x566: {  	v10 =	vld [tilespmem:s9+$0xFFFFFD20];
	[tilespmem:v27+s29+$0x0] =	vst.idx.msk $0xffff, v61  }
0x567: {  	v2 =	vadd.f32 v2, v35;
	v15 =	vld [tilespmem:$0x1FF70]  }
0x568: {  	v30 =	vld [tilespmem:s9+$0xFFFFFCE0];
	v0 =	vadd.f32 v0, v35  }
0x569: {  	v26 =	vld [tilespmem:s9+$0xFFFFFDA0];
	[tilespmem:v4+s29+$0x0] =	vst.idx.msk $0xffff, v2  }
0x56a: {  	v62 =	vld [tilespmem:s9+$0xFFFFFD60];
	v52 =	vadd.s32 v14, v39;
	[tilespmem:v5+s29+$0x0] =	vst.idx.msk $0xffff, v0  }
0x56b: {  	v6 =	vadd.s32 v23, v40;
	v0 =	vadd.f32 v10, v35;
	v10 =	vld [tilespmem:$0x1FFF0]  }
0x56c: {  	v27 =	vadd.s32 v15, v42  }
0x56d: {  	v60 =	vld [tilespmem:s9+$0xFFFFFDE0];
	v2 =	vadd.f32 v30, v35;
	v30 =	vadd.s32 v31, v43  }
0x56e: {  	v54 =	vld [tilespmem:s9+$0x0]  }
0x56f: {  	v61 =	vld [tilespmem:s9+$0xFFFFFE20];
	[tilespmem:v52+s29+$0x0] =	vst.idx.msk $0xffff, v2;
	v2 =	vadd.f32 v62, v35;
	v52 =	vadd.s32 v18, v44  }
0x570: {  	v62 =	vld [tilespmem:s9+$0xFFFFFE60];
	[tilespmem:v6+s29+$0x0] =	vst.idx.msk $0xffff, v0;
	v0 =	vadd.f32 v26, v35;
	v3 =	vadd.s32 v10, v3  }
0x571: {  	v18 =	vadd.s32 v7, v45;
	v26 =	vld [tilespmem:s9+$0xFFFFFEA0];
	[tilespmem:v27+s29+$0x0] =	vst.idx.msk $0xffff, v2  }
0x572: {  	v2 =	vadd.s32 v19, v46;
	v27 =	vld [tilespmem:s9+$0xFFFFFEE0];
	[tilespmem:v30+s29+$0x0] =	vst.idx.msk $0xffff, v0;
	v0 =	vadd.f32 v60, v35  }
0x573: {  	v54 =	vadd.f32 v54, v33  }
0x574: {  	v5 =	vadd.f32 v61, v35;
	v30 =	vadd.s32 v11, v47;
	v60 =	vld [tilespmem:s9+$0xFFFFFF20];
	[tilespmem:v52+s29+$0x0] =	vst.idx.msk $0xffff, v0  }
0x575: {  	v11 =	vld [tilespmem:s9+$0xFFFFFFA0];
	v0 =	vadd.f32 v62, v35;
	[tilespmem:v3+s29+$0x0] =	vst.idx.msk $0xffff, v54;
	v3 =	vadd.s32 v14, v48  }
0x576: {  	v61 =	vld [tilespmem:s9+$0xFFFFFF60];
	v62 =	vadd.s32 v23, v49;
	[tilespmem:v18+s29+$0x0] =	vst.idx.msk $0xffff, v5;
	v23 =	vadd.s32 v31, v51  }
0x577: {  	v18 =	vadd.f32 v26, v35;
	[tilespmem:v2+s29+$0x0] =	vst.idx.msk $0xffff, v0;
	v2 =	vadd.f32 v27, v35;
	v27 =	vld [tilespmem:s9+$0xFFFFFCB0]  }
0x578: {  	v19 =	vadd.s32 v15, v50;
	v0 =	vld [tilespmem:s9+$0xFFFFFC70]  }
0x579: {  	[tilespmem:v30+s29+$0x0] =	vst.idx.msk $0xffff, v18;
	v55 =	vadd.f32 v60, v35;
	v30 =	vadd.s32 v16, v41;
	v14 =	vld [tilespmem:s9+$0xFFFFFC20]  }
0x57a: {  	v53 =	vadd.f32 v11, v35;
	[tilespmem:v3+s29+$0x0] =	vst.idx.msk $0xffff, v2;
	v2 =	vadd.s32 v12, v38;
	v3 =	vld [tilespmem:s9+$0xFFFFFCF0]  }
0x57b: {  	v31 =	vld [tilespmem:s9+$0xFFFFFD30];
	v26 =	vadd.s32 v7, v37;
	v54 =	vadd.f32 v61, v35;
	[tilespmem:v62+s29+$0x0] =	vst.idx.msk $0xffff, v55  }
0x57c: {  	v57 =	vadd.s32 v20, v39;
	v58 =	vld [tilespmem:s9+$0xFFFFFD70];
	[tilespmem:v23+s29+$0x0] =	vst.idx.msk $0xffff, v53;
	v61 =	vadd.f32 v27, v34  }
0x57d: {  	v59 =	vadd.s32 v24, v40;
	v60 =	vld [tilespmem:s9+$0xFFFFFDB0];
	[tilespmem:v19+s29+$0x0] =	vst.idx.msk $0xffff, v54;
	v0 =	vadd.f32 v0, v34  }
0x57e: {  	v11 =	vld [tilespmem:s9+$0xFFFFFDF0];
	v62 =	vadd.s32 v28, v42;
	[tilespmem:v30+s29+$0x0] =	vst.idx.msk $0xffff, v61;
	v5 =	vadd.f32 v14, v35  }
0x57f: {  	[tilespmem:v2+s29+$0x0] =	vst.idx.msk $0xffff, v0;
	v0 =	vadd.f32 v3, v34;
	v2 =	vadd.s32 v32, v43;
	v3 =	vld [tilespmem:s9+$0xFFFFFE30]  }
0x580: {  	v15 =	vadd.s32 v22, v44;
	v18 =	vld [tilespmem:s9+$0xFFFFFE70];
	v14 =	vadd.f32 v31, v34;
	[tilespmem:v26+s29+$0x0] =	vst.idx.msk $0xffff, v5  }
0x581: {  	v22 =	vld [tilespmem:s9+$0xFFFFFEB0];
	v19 =	vadd.s32 v8, v45;
	[tilespmem:v57+s29+$0x0] =	vst.idx.msk $0xffff, v0;
	v0 =	vadd.f32 v58, v34  }
0x582: {  	v23 =	vadd.f32 v60, v34;
	v27 =	vld [tilespmem:s9+$0xFFFFFEF0];
	[tilespmem:v59+s29+$0x0] =	vst.idx.msk $0xffff, v14;
	v26 =	vadd.s32 v12, v46  }
0x583: {  	v30 =	vadd.s32 v16, v47;
	v31 =	vld [tilespmem:s9+$0xFFFFFF30];
	[tilespmem:v62+s29+$0x0] =	vst.idx.msk $0xffff, v0;
	v0 =	vadd.f32 v11, v34  }
0x584: {  	v57 =	vld [tilespmem:s9+$0xFFFFFF70];
	[tilespmem:v2+s29+$0x0] =	vst.idx.msk $0xffff, v23;
	v2 =	vadd.f32 v3, v34;
	v3 =	vadd.s32 v20, v48  }
0x585: {  	v59 =	vld [tilespmem:s9+$0xFFFFFFB0];
	v58 =	vadd.s32 v24, v49;
	[tilespmem:v15+s29+$0x0] =	vst.idx.msk $0xffff, v0;
	v0 =	vadd.f32 v18, v34  }
0x586: {  	v60 =	vadd.f32 v22, v34;
	v61 =	vadd.s32 v28, v50;
	[tilespmem:v19+s29+$0x0] =	vst.idx.msk $0xffff, v2;
	v2 =	vld [tilespmem:s9+$0xFFFFFC30]  }
0x587: {  	v62 =	vadd.f32 v27, v34;
	v11 =	vadd.s32 v32, v51;
	[tilespmem:v26+s29+$0x0] =	vst.idx.msk $0xffff, v0;
	v0 =	vld [tilespmem:s9+$0xFFFFFC80]  }
0x588: {  	v12 =	vadd.s32 v8, v37;
	v14 =	vld [tilespmem:s9+$0xFFFFFCC0];
	[tilespmem:v30+s29+$0x0] =	vst.idx.msk $0xffff, v60;
	v6 =	vadd.f32 v31, v34  }
0x589: {  	v15 =	vld [tilespmem:s9+$0xFFFFFD00];
	v4 =	vadd.f32 v57, v34;
	[tilespmem:v3+s29+$0x0] =	vst.idx.msk $0xffff, v62;
	v3 =	vadd.s32 v13, v38  }
0x58a: {  	v16 =	vadd.s32 v17, v41;
	v18 =	vld [tilespmem:s9+$0xFFFFFD40];
	[tilespmem:v58+s29+$0x0] =	vst.idx.msk $0xffff, v6;
	v19 =	vadd.f32 v59, v34  }
0x58b: {  	v20 =	vadd.s32 v21, v39;
	v22 =	vld [tilespmem:s9+$0xFFFFFD80];
	[tilespmem:v61+s29+$0x0] =	vst.idx.msk $0xffff, v4;
	v2 =	vadd.f32 v2, v34  }
0x58c: {  	v23 =	vadd.s32 v25, v40;
	v24 =	vld [tilespmem:s9+$0xFFFFFDC0];
	[tilespmem:v11+s29+$0x0] =	vst.idx.msk $0xffff, v19;
	v0 =	vadd.f32 v0, v33  }
0x58d: {  	v27 =	vld [tilespmem:s9+$0xFFFFFE00];
	v26 =	vadd.s32 v29, v42;
	[tilespmem:v12+s29+$0x0] =	vst.idx.msk $0xffff, v2;
	v2 =	vadd.f32 v14, v33  }
0x58e: {  	v28 =	vld [tilespmem:s9+$0xFFFFFE40];
	[tilespmem:v3+s29+$0x0] =	vst.idx.msk $0xffff, v0;
	v0 =	vadd.f32 v15, v33;
	v3 =	vadd.s32 v63, v43  }
0x58f: {  	v30 =	vadd.s32 v10, v44;
	v31 =	vld [tilespmem:s9+$0xFFFFFE80];
	[tilespmem:v16+s29+$0x0] =	vst.idx.msk $0xffff, v2;
	v2 =	vadd.f32 v18, v33  }
0x590: {  	v44 =	vadd.s32 v9, v45;
	v45 =	vld [tilespmem:s9+$0xFFFFFEC0];
	[tilespmem:v20+s29+$0x0] =	vst.idx.msk $0xffff, v0;
	v0 =	vadd.f32 v22, v33  }
0x591: {  	v52 =	vadd.s32 v13, v46;
	v53 =	vld [tilespmem:s9+$0xFFFFFF00];
	[tilespmem:v23+s29+$0x0] =	vst.idx.msk $0xffff, v2;
	v2 =	vadd.f32 v24, v33  }
0x592: {  	v54 =	vadd.s32 v17, v47;
	v55 =	vld [tilespmem:s9+$0xFFFFFF40];
	[tilespmem:v26+s29+$0x0] =	vst.idx.msk $0xffff, v0;
	v0 =	vadd.f32 v27, v33  }
0x593: {  	v56 =	vld [tilespmem:s9+$0xFFFFFF80];
	[tilespmem:v3+s29+$0x0] =	vst.idx.msk $0xffff, v2;
	v2 =	vadd.f32 v28, v33;
	v3 =	vadd.s32 v21, v48  }
0x594: {  	v57 =	vadd.s32 v25, v49;
	v58 =	vld [tilespmem:s9+$0xFFFFFFC0];
	[tilespmem:v30+s29+$0x0] =	vst.idx.msk $0xffff, v0;
	v0 =	vadd.f32 v31, v33  }
0x595: {  	v60 =	vadd.s32 v29, v50;
	v59 =	vadd.f32 v45, v33;
	[tilespmem:v44+s29+$0x0] =	vst.idx.msk $0xffff, v2;
	v2 =	vld [tilespmem:s9+$0xFFFFFC40]  }
0x596: {  	v61 =	vadd.s32 v63, v51;
	[tilespmem:v52+s29+$0x0] =	vst.idx.msk $0xffff, v0;
	v0 =	vadd.f32 v53, v33  }
0x597: {  	[tilespmem:v54+s29+$0x0] =	vst.idx.msk $0xffff, v59;
	v62 =	vadd.s32 v9, v37;
	v63 =	vadd.f32 v55, v33  }
0x598: {  	[tilespmem:v3+s29+$0x0] =	vst.idx.msk $0xffff, v0;
	v0 =	vadd.f32 v56, v33  }
0x599: {  	s16 =	sshll.u32 s11, $0x12;
	[tilespmem:v57+s29+$0x0] =	vst.idx.msk $0xffff, v63;
	v3 =	vadd.f32 v58, v33  }
0x59a: {  	s9 =	sor.u32 s5, s16;
	[tilespmem:v60+s29+$0x0] =	vst.idx.msk $0xffff, v0;
	v0 =	vadd.f32 v2, v33  }
0x59b: {  	s9 =	sshrl.u32 s9, $0x3;
	[tilespmem:v61+s29+$0x0] =	vst.idx.msk $0xffff, v3  }
0x59c: {  	s17 =	simm.s32 $0x10E00;
	s11 =	sadd.s32 s3, s9;
	[tilespmem:v62+s29+$0x0] =	vst.idx.msk $0xffff, v0  }
0x59d: {  	[hbm4b:s11+s4] =	stream.linear.scatter [tilespmem:s17], [sflag:$0x9], $0x80, $0x38;
	[tilespmem:$0x18400] =	vst v63  }
0x59e: {  	s18 =	simm.s32 $0x10E88;
	s16 =	sadd.s32 $0x10, s11  }
0x59f: {  	[hbm4b:s16+s4] =	stream.linear.scatter [tilespmem:s18], [sflag:$0x9], $0x80, $0x38;
	[tilespmem:$0x18400] =	vst v63  }
0x5a0: {  	s21 =	simm.s32 $0x10F10;
	s9 =	simm.s32 $0x440;
	s24 =	sadd.s32 $0x20, s11  }
0x5a1: {  	[hbm4b:s24+s4] =	stream.linear.scatter [tilespmem:s21], [sflag:$0x9], $0x80, $0x38;
	[tilespmem:$0x18400] =	vst v63  }
0x5a2: {  	s17 =	simm.s32 $0x10F98;
	s18 =	sadd.s32 $0x30, s11;
	s16 =	simm.s32 $0x2200  }
0x5a3: {  	[hbm4b:s18+s4] =	stream.linear.scatter [tilespmem:s17], [sflag:$0x9], $0x80, $0x38;
	[tilespmem:$0x18400] =	vst v63  }
0x5a4: {  	s21 =	simm.s32 $0x11020;
	s24 =	sadd.s32 $0x40, s11;
	s17 =	simm.s32 $0x110A8  }
0x5a5: {  	[hbm4b:s24+s4] =	stream.linear.scatter [tilespmem:s21], [sflag:$0x9], $0x80, $0x38;
	[tilespmem:$0x18400] =	vst v63  }
0x5a6: {  	s18 =	sadd.s32 $0x50, s11;
	s21 =	simm.s32 $0x11130;
	s24 =	sadd.s32 $0x60, s11  }
0x5a7: {  	[hbm4b:s18+s4] =	stream.linear.scatter [tilespmem:s17], [sflag:$0x9], $0x80, $0x38;
	[tilespmem:$0x18400] =	vst v63  }
0x5a8: {  	s17 =	simm.s32 $0x111B8;
	s18 =	sadd.s32 $0x70, s11;
	s11 =	sadd.s32 $0x1000, s11  }
0x5a9: {  	[hbm4b:s24+s4] =	stream.linear.scatter [tilespmem:s21], [sflag:$0x9], $0x80, $0x38;
	[tilespmem:$0x18400] =	vst v63  }
.LBB2_23:
0x5aa: {  	[hbm4b:s18+s4] =	stream.linear.scatter [tilespmem:s17], [sflag:$0x9], $0x80, $0x38;
	[tilespmem:$0x18400] =	vst v63  }
0x5ab: {  	s17 =	smov.u32 s9;
	s9 =	smov.u32 s16  }
0x5ac: {  	s21 =	sadd.s32 $0x1100, s16;
	s9 =	sshra.s32 s9, $0x2;
	s18 =	sadd.s32 $0x10E00, s17  }
0x5ad: {  	[hbm4b:s11+s4] =	stream.linear.scatter [tilespmem:s18], [sflag:$0x9], $0x80, $0x38;
	[tilespmem:$0x18400] =	vst v63  }
0x5ae: {  	p3 =	sne.s32 s16, $0x7700;
	s16 =	sadd.s32 $0x10E88, s17;
	s18 =	sadd.s32 $0x10, s11  }
0x5af: {  	[hbm4b:s18+s4] =	stream.linear.scatter [tilespmem:s16], [sflag:$0x9], $0x80, $0x38;
	[tilespmem:$0x18400] =	vst v63  }
0x5b0: {  	s16 =	sadd.s32 $0x10F10, s17;
	s18 =	sadd.s32 $0x20, s11  }
0x5b1: {  	[hbm4b:s18+s4] =	stream.linear.scatter [tilespmem:s16], [sflag:$0x9], $0x80, $0x38;
	[tilespmem:$0x18400] =	vst v63  }
0x5b2: {  	s16 =	sadd.s32 $0x10F98, s17;
	s18 =	sadd.s32 $0x30, s11  }
0x5b3: {  	[hbm4b:s18+s4] =	stream.linear.scatter [tilespmem:s16], [sflag:$0x9], $0x80, $0x38;
	[tilespmem:$0x18400] =	vst v63  }
0x5b4: {  	s16 =	sadd.s32 $0x11020, s17;
	s18 =	sadd.s32 $0x40, s11  }
0x5b5: {  	[hbm4b:s18+s4] =	stream.linear.scatter [tilespmem:s16], [sflag:$0x9], $0x80, $0x38;
	[tilespmem:$0x18400] =	vst v63  }
.Ltmp11:
0x5b6: {  	s16 =	sadd.s32 $0x110A8, s17;
	s18 =	sadd.s32 $0x50, s11;
	(pc) =	sbr.rel @p3 .LBB2_23-.Ltmp11, $4  }
0x5b7: {  	[hbm4b:s18+s4] =	stream.linear.scatter [tilespmem:s16], [sflag:$0x9], $0x80, $0x38;
	[tilespmem:$0x18400] =	vst v63  }
0x5b8: {  	s16 =	sadd.s32 $0x11130, s17;
	s18 =	sadd.s32 $0x60, s11;
	s17 =	sadd.s32 $0x111B8, s17  }
0x5b9: {  	[hbm4b:s18+s4] =	stream.linear.scatter [tilespmem:s16], [sflag:$0x9], $0x80, $0x38;
	[tilespmem:$0x18400] =	vst v63  }
0x5ba: {  	s18 =	sadd.s32 $0x70, s11;
	s11 =	sadd.s32 $0x1000, s11;
	s16 =	smov.u32 s21  }
0x5bb: {  	[hbm4b:s18+s4] =	stream.linear.scatter [tilespmem:s17], [sflag:$0x9], $0x80, $0x38;
	[tilespmem:$0x18400] =	vst v63  }
0x5bc: {  	s16 =	sadd.s32 $0x10E00, s9  }
0x5bd: {  	[hbm4b:s11+s4] =	stream.linear.scatter [tilespmem:s16], [sflag:$0x9], $0x80, $0x38;
	[tilespmem:$0x18400] =	vst v63  }
0x5be: {  	s21 =	sadd.s32 $0x10E88, s9;
	s24 =	sadd.s32 $0x10, s11  }
0x5bf: {  	[hbm4b:s24+s4] =	stream.linear.scatter [tilespmem:s21], [sflag:$0x9], $0x80, $0x38;
	[tilespmem:$0x18400] =	vst v63  }
0x5c0: {  	s17 =	sadd.s32 $0x10F10, s9;
	s18 =	sadd.s32 $0x20, s11  }
0x5c1: {  	[hbm4b:s18+s4] =	stream.linear.scatter [tilespmem:s17], [sflag:$0x9], $0x80, $0x38;
	[tilespmem:$0x18400] =	vst v63  }
0x5c2: {  	s21 =	sadd.s32 $0x10F98, s9;
	s24 =	sadd.s32 $0x30, s11  }
0x5c3: {  	[hbm4b:s24+s4] =	stream.linear.scatter [tilespmem:s21], [sflag:$0x9], $0x80, $0x38;
	[tilespmem:$0x18400] =	vst v63  }
0x5c4: {  	p3 =	sne.s32 @!p1 s14, $0x7;
	s17 =	sadd.s32 $0x11020, s9;
	s18 =	sadd.s32 $0x40, s11  }
0x5c5: {  	[hbm4b:s18+s4] =	stream.linear.scatter [tilespmem:s17], [sflag:$0x9], $0x80, $0x38;
	[tilespmem:$0x18400] =	vst v63  }
0x5c6: {  	p1 =	por p3, p1;
	s21 =	sadd.s32 $0x110A8, s9;
	s24 =	sadd.s32 $0x50, s11  }
0x5c7: {  	[hbm4b:s24+s4] =	stream.linear.scatter [tilespmem:s21], [sflag:$0x9], $0x80, $0x38;
	[tilespmem:$0x18400] =	vst v63  }
0x5c8: {  	s17 =	sadd.s32 $0x11130, s9;
	s21 =	sadd.s32 $0x111B8, s9;
	s9 =	sshrl.u32 @!p1 s2, $0x3  }
0x5c9: {  	s18 =	sadd.s32 $0x60, s11;
	s9 =	sadd.s32 @!p1 $0x1, s9  }
0x5ca: {  	[hbm4b:s18+s4] =	stream.linear.scatter [tilespmem:s17], [sflag:$0x9], $0x80, $0x38;
	[tilespmem:$0x18400] =	vst v63  }
0x5cb: {  	s24 =	sadd.s32 $0x70, s11;
	s11 =	sshll.u32 @!p1 s9, $0xF  }
0x5cc: {  	s11 =	sor.u32 @!p1 s5, s11  }
0x5cd: {  	[hbm4b:s24+s4] =	stream.linear.scatter [tilespmem:s21], [sflag:$0x9], $0x80, $0x38;
	[tilespmem:$0x18400] =	vst v63  }
0x5ce: {  	s16 =	simm.s32 @!p1 $0x0;
	s9 =	sand.u32 @!p1 $0x1, s9;
	s11 =	sshrl.u32 @!p1 s11, $0x3  }
0x5cf: {  	s14 =	sshll.u32 @!p1 s9, $0xA;
	s9 =	sadd.s32 @!p1 $0xB, s9;
	s11 =	sadd.s32 @!p1 s1, s11  }
0x5d0: {  	[tilespmem:s14], [sflag:s9] =	stream.linear.gather @!p1 [hbm4b:s11+s16], $0x400, $0x38;
	[tilespmem:$0x18400] =	vst v63  }
0x5d1: {  	s9 =	sadd.s32 $0x6, s7  }
0x5d2: {  	s7 =	sand.u32 $0x7, s9  }
0x5d3: {  	p1 =	sne.s32 @!p2 s7, $0x0  }
0x5d4: {  	p1 =	por p2, p1  }
.Ltmp12:
0x5d5: {  	_ = 	snop;
	(pc) =	sbr.rel @p1 .LBB2_27-.Ltmp12, $1  }
0x5d6: {  	_ =	sdelay $0x3  }
0x5d7: {  	s11 =	sshrl.u32 s9, $0x3  }
0x5d8: {  	s11 =	sand.u32 $0x1, s11  }
0x5d9: {  	s11 =	sadd.s32 $0xB, s11  }
0x5da: {  	_ =	swait.ge [sflag:s11], $0x400  }
0x5db: {  	v10 =	vld [tilespmem:$0x1FE00]  }
0x5dc: {  	v15 =	vld [tilespmem:$0x1FE40]  }
0x5dd: {  	[sflag:s11] =	ssyncset.done $0x0;
	v23 =	vld [tilespmem:$0x1FE50]  }
0x5de: {  	v31 =	vld [tilespmem:$0x1FE60];
	[sflag:s11] =	ssyncadd.s32 $0xFFFFFC00  }
.LBB2_26:
0x5df: {  	s9 =	sshll.u32 s9, $0x7  }
0x5e0: {  	s7 =	sshll.u32 s7, $0x7;
	s9 =	sand.u32 $0x400, s9  }
0x5e1: {  	s24 =	simm.s32 $0x2800;
	s7 =	sor.u32 s7, s9  }
0x5e2: {  	[tilespmem:s24], [sflag:$0x2] =	stream.indirect.gather [hbm4b:s6+s15], $0x40, s7, s15, $0xb8;
	[tilespmem:$0x18400] =	vst v63  }
.Ltmp13:
0x5e3: {  	_ = 	snop;
	(pc) =	sbr.rel @!p0 .LBB2_29-.Ltmp13, $4  }
.Ltmp14:
0x5e4: {  	_ = 	snop;
	(pc) =	sbr.rel @p0 .LBB2_30-.Ltmp14, $4  }
0x5e5: {  	_ =	swait.ge [sflag:s30], $0x2000  }
0x5e6: {  	[sflag:s30] =	ssyncset.done $0x0  }
0x5e7: {  	[sflag:s30] =	ssyncadd.s32 $0xFFFFE000  }
0x5e8: {  	_ = 	snop  }
.LBB2_27:
0x5e9: {  	p1 =	sne.s32 s10, $0x27  }
.Ltmp15:
0x5ea: {  	_ = 	snop;
	(pc) =	sbr.rel @p1 .LBB2_26-.Ltmp15, $4  }
0x5eb: {  	v10 =	vld [tilespmem:$0x1FE00]  }
0x5ec: {  	v15 =	vld [tilespmem:$0x1FE40]  }
0x5ed: {  	v23 =	vld [tilespmem:$0x1FE50]  }
0x5ee: {  	v31 =	vld [tilespmem:$0x1FE60]  }
0x5ef: {  	_ =	swait.ge [sflag:s30], $0x2000  }
0x5f0: {  	[sflag:s30] =	ssyncset.done $0x0  }
0x5f1: {  	[sflag:s30] =	ssyncadd.s32 $0xFFFFE000  }
.LBB2_29:
0x5f2: {  	_ =	swait.ge [sflag:s8], $0x2000  }
0x5f3: {  	[sflag:s8] =	ssyncset.done $0x0  }
0x5f4: {  	[sflag:s8] =	ssyncadd.s32 $0xFFFFE000  }
.LBB2_30:
0x5f5: {  	s7 =	simm.s32 $0x0  }
0x5f6: {  	s24 =	simm.s32 $0x1;
	s9 =	simm.s32 $0x2;
	s11 =	simm.s32 $0x3;
	v0 =	vmov s7  }
0x5f7: {  	s14 =	simm.s32 $0x4;
	s16 =	simm.s32 $0x5;
	s17 =	simm.s32 $0x6;
	v2 =	vmov s24;
	v3 =	vmov s9;
	v4 =	vmov s11  }
0x5f8: {  	s18 =	simm.s32 $0x7;
	s21 =	simm.s32 $0x8;
	v5 =	vmov s14;
	v6 =	vmov s16;
	v33 =	vmov s17  }
0x5f9: {  	s24 =	simm.s32 $0x9;
	v34 =	vmov s18;
	v35 =	vmov s21;
	s9 =	simm.s32 $0xA;
	s14 =	simm.s32 $0xC;
	v0 =	vshrl.u32 v0, $0x3  }
0x5fa: {  	s16 =	simm.s32 $0xD;
	s17 =	simm.s32 $0xE;
	v36 =	vmov s24;
	v37 =	vmov s9;
	v39 =	vmov s14  }
0x5fb: {  	s18 =	sshll.u32 s2, $0x6;
	v40 =	vmov s16;
	v41 =	vmov s17;
	v2 =	vshrl.u32 v2, $0x3  }
0x5fc: {  	v14 =	vld [tilespmem:$0x1FED0];
	v3 =	vshrl.u32 v3, $0x3;
	v4 =	vshrl.u32 v4, $0x3;
	v5 =	vshrl.u32 v5, $0x3;
	s7 =	sand.u32 $0x3FFFFFC0, s18  }
0x5fd: {  	s21 =	simm.s32 $0xF;
	v6 =	vshrl.u32 v6, $0x3;
	v42 =	vshrl.u32 v33, $0x3;
	v45 =	vshrl.u32 v36, $0x3;
	v36 =	vld [tilespmem:s7+$0x15200]  }
0x5fe: {  	v43 =	vshrl.u32 v34, $0x3;
	v44 =	vshrl.u32 v35, $0x3;
	v60 =	vmov s21;
	v35 =	vld [tilespmem:s7+$0x15210]  }
0x5ff: {  	v0 =	vshll.u32 v0, v1;
	v46 =	vshrl.u32 v37, $0x3;
	v39 =	vshrl.u32 v39, $0x3;
	v34 =	vld [tilespmem:s7+$0x15220]  }
0x600: {  	v2 =	vshll.u32 v2, v1;
	v61 =	vshrl.u32 v60, $0x3;
	v33 =	vld [tilespmem:s7+$0x15230];
	s7 =	simm.s32 $0x8BF0;
	v37 =	vbroadcast v0, $0x0  }
0x601: {  	v0 =	vshrl.u32 v40, $0x3;
	v40 =	vshrl.u32 v41, $0x3;
	v41 =	vshll.u32 v61, v1;
	v63 =	vld [tilespmem:s7+$0xFFFFFC10]  }
0x602: {  	v3 =	vshll.u32 v3, v1;
	v4 =	vshll.u32 v4, v1;
	v62 =	vld [tilespmem:s7+$0xFFFFFFD0];
	v53 =	vbroadcast v41, $0x0  }
0x603: {  	v54 =	vshll.u32 v45, v1;
	v45 =	vld [tilespmem:s7+$0xFFFFFC50];
	v50 =	vbroadcast v2, $0x0;
	v32 =	vadd.s32 v31, v37  }
0x604: {  	v5 =	vshll.u32 v5, v1;
	v2 =	vshll.u32 v39, v1;
	v39 =	vadd.s32 v15, v53  }
0x605: {  	v18 =	vld [tilespmem:$0x1FEE0];
	v6 =	vshll.u32 v6, v1;
	v51 =	vbroadcast v3, $0x0;
	v3 =	vadd.s32 v10, v50  }
0x606: {  	v52 =	vshll.u32 v44, v1;
	v48 =	vld [tilespmem:s7+$0xFFFFFC90];
	v49 =	vbroadcast v4, $0x0;
	v58 =	vadd.f32 v63, v36  }
0x607: {  	v22 =	vld [tilespmem:$0x1FF20];
	v47 =	vbroadcast v5, $0x0;
	v4 =	vshll.u32 v40, v1;
	v5 =	vadd.f32 v62, v36  }
0x608: {  	v56 =	vld [tilespmem:s7+$0xFFFFFCD0];
	v44 =	vbroadcast v6, $0x0;
	v40 =	vadd.s32 v14, v51;
	v6 =	vadd.f32 v45, v36;
	[tilespmem:v32+s31+$0x0] =	vst.idx.msk $0xffff, v58  }
0x609: {  	v57 =	vld [tilespmem:s7+$0xFFFFFD10];
	[tilespmem:v39+s31+$0x0] =	vst.idx.msk $0xffff, v5  }
0x60a: {  	v26 =	vld [tilespmem:$0x1FF60];
	[tilespmem:v3+s31+$0x0] =	vst.idx.msk $0xffff, v6  }
0x60b: {  	s11 =	simm.s32 $0xB;
	v5 =	vadd.f32 v48, v36;
	v30 =	vld [tilespmem:$0x1FFA0]  }
0x60c: {  	v38 =	vmov s11;
	v42 =	vshll.u32 v42, v1;
	v43 =	vshll.u32 v43, v1;
	v60 =	vld [tilespmem:s7+$0xFFFFFD50]  }
0x60d: {  	v38 =	vshrl.u32 v38, $0x3;
	v55 =	vshll.u32 v46, v1;
	v59 =	vadd.s32 v18, v49;
	v62 =	vld [tilespmem:s7+$0xFFFFFD90];
	[tilespmem:v40+s31+$0x0] =	vst.idx.msk $0xffff, v5  }
0x60e: {  	v38 =	vshll.u32 v38, v1;
	v41 =	vbroadcast v42, $0x0;
	v61 =	vadd.s32 v22, v47;
	v19 =	vld [tilespmem:$0x1FFE0]  }
0x60f: {  	v0 =	vshll.u32 v0, v1;
	v45 =	vbroadcast v52, $0x0;
	v32 =	vld [tilespmem:s7+$0xFFFFFE10];
	v39 =	vadd.s32 v26, v44  }
0x610: {  	v48 =	vbroadcast v43, $0x0;
	v3 =	vadd.f32 v56, v36;
	v56 =	vld [tilespmem:s7+$0xFFFFFDD0];
	v6 =	vadd.s32 v30, v41  }
0x611: {  	v46 =	vbroadcast v54, $0x0;
	v54 =	vadd.s32 v31, v45;
	v58 =	vld [tilespmem:s7+$0xFFFFFFE0];
	v5 =	vadd.f32 v57, v36  }
0x612: {  	v42 =	vbroadcast v55, $0x0;
	v57 =	vadd.s32 v15, v48;
	[tilespmem:v59+s31+$0x0] =	vst.idx.msk $0xffff, v3;
	v3 =	vadd.f32 v60, v36;
	v59 =	vld [tilespmem:s7+$0xFFFFFE50]  }
0x613: {  	v40 =	vbroadcast v2, $0x0;
	v60 =	vld [tilespmem:s7+$0xFFFFFE90];
	[tilespmem:v61+s31+$0x0] =	vst.idx.msk $0xffff, v5;
	v5 =	vadd.f32 v62, v36;
	v52 =	vadd.s32 v19, v53  }
0x614: {  	v55 =	vld [tilespmem:s7+$0xFFFFFED0];
	v2 =	vadd.f32 v32, v36;
	[tilespmem:v39+s31+$0x0] =	vst.idx.msk $0xffff, v3;
	v3 =	vadd.s32 v10, v46;
	v39 =	vbroadcast v38, $0x0  }
0x615: {  	[tilespmem:v6+s31+$0x0] =	vst.idx.msk $0xffff, v5;
	v5 =	vadd.f32 v56, v36;
	v6 =	vadd.s32 v14, v42;
	v56 =	vld [tilespmem:s7+$0xFFFFFF10]  }
0x616: {  	v32 =	vld [tilespmem:s7+$0xFFFFFF50];
	v58 =	vadd.f32 v58, v35;
	[tilespmem:v54+s31+$0x0] =	vst.idx.msk $0xffff, v2;
	v38 =	vbroadcast v0, $0x0;
	v61 =	vadd.s32 v18, v39  }
0x617: {  	v0 =	vadd.f32 v59, v36;
	[tilespmem:v57+s31+$0x0] =	vst.idx.msk $0xffff, v5;
	v5 =	vadd.s32 v22, v40  }
0x618: {  	v43 =	vbroadcast v4, $0x0;
	v4 =	vld [tilespmem:s7+$0xFFFFFC60];
	v2 =	vadd.f32 v60, v36;
	[tilespmem:v52+s31+$0x0] =	vst.idx.msk $0xffff, v58;
	v54 =	vadd.s32 v26, v38  }
0x619: {  	v52 =	vld [tilespmem:s7+$0xFFFFFFF0];
	[tilespmem:v3+s31+$0x0] =	vst.idx.msk $0xffff, v0;
	v0 =	vadd.f32 v55, v36  }
0x61a: {  	v57 =	vld [tilespmem:s7+$0xFFFFFF90];
	[tilespmem:v6+s31+$0x0] =	vst.idx.msk $0xffff, v2;
	v2 =	vadd.f32 v56, v36  }
0x61b: {  	v11 =	vld [tilespmem:$0x1FEA0];
	[tilespmem:v61+s31+$0x0] =	vst.idx.msk $0xffff, v0;
	v0 =	vadd.f32 v32, v36  }
0x61c: {  	v8 =	vld [tilespmem:$0x1FE10];
	[tilespmem:v5+s31+$0x0] =	vst.idx.msk $0xffff, v2  }
0x61d: {  	v9 =	vld [tilespmem:$0x1FEF0];
	[tilespmem:v54+s31+$0x0] =	vst.idx.msk $0xffff, v0  }
0x61e: {  	v3 =	vadd.s32 v23, v53;
	v12 =	vld [tilespmem:$0x1FF30]  }
0x61f: {  	v55 =	vld [tilespmem:s7+$0xFFFFFCA0];
	v6 =	vadd.s32 v30, v43  }
0x620: {  	v58 =	vld [tilespmem:s7+$0xFFFFFCE0];
	v56 =	vadd.s32 v11, v50  }
0x621: {  	v60 =	vld [tilespmem:s7+$0xFFFFFD20];
	v2 =	vadd.f32 v52, v34;
	v59 =	vadd.s32 v8, v51  }
0x622: {  	v0 =	vadd.f32 v57, v36;
	v5 =	vadd.s32 v9, v49  }
0x623: {  	v4 =	vadd.f32 v4, v35;
	[tilespmem:v3+s31+$0x0] =	vst.idx.msk $0xffff, v2;
	v54 =	vadd.s32 v12, v47  }
0x624: {  	v2 =	vadd.f32 v55, v35;
	v13 =	vld [tilespmem:$0x1FF70];
	[tilespmem:v6+s31+$0x0] =	vst.idx.msk $0xffff, v0  }
0x625: {  	v32 =	vld [tilespmem:s7+$0xFFFFFD60];
	[tilespmem:v56+s31+$0x0] =	vst.idx.msk $0xffff, v4;
	v4 =	vadd.f32 v58, v35  }
0x626: {  	v16 =	vld [tilespmem:$0x1FFB0];
	[tilespmem:v59+s31+$0x0] =	vst.idx.msk $0xffff, v2;
	v2 =	vadd.f32 v60, v35  }
0x627: {  	v20 =	vld [tilespmem:$0x1FFF0];
	[tilespmem:v5+s31+$0x0] =	vst.idx.msk $0xffff, v4  }
0x628: {  	v61 =	vld [tilespmem:s7+$0xFFFFFDA0];
	[tilespmem:v54+s31+$0x0] =	vst.idx.msk $0xffff, v2  }
0x629: {  	v7 =	vld [tilespmem:$0x1FE70]  }
0x62a: {  	v0 =	vld [tilespmem:s7+$0x0];
	v3 =	vadd.s32 v13, v44  }
0x62b: {  	v62 =	vld [tilespmem:s7+$0xFFFFFDE0];
	v6 =	vadd.s32 v16, v41  }
0x62c: {  	v63 =	vld [tilespmem:s7+$0xFFFFFE20];
	v53 =	vadd.s32 v20, v53  }
0x62d: {  	v4 =	vadd.f32 v32, v35;
	v5 =	vadd.s32 v19, v48;
	v32 =	vld [tilespmem:s7+$0xFFFFFE60]  }
0x62e: {  	v2 =	vadd.f32 v61, v35;
	v61 =	vld [tilespmem:s7+$0xFFFFFEA0];
	v60 =	vadd.s32 v7, v45  }
0x62f: {  	v0 =	vadd.f32 v0, v33;
	[tilespmem:v3+s31+$0x0] =	vst.idx.msk $0xffff, v4;
	v3 =	vadd.s32 v11, v46  }
0x630: {  	v4 =	vld [tilespmem:s7+$0xFFFFFEE0];
	[tilespmem:v6+s31+$0x0] =	vst.idx.msk $0xffff, v2;
	v2 =	vadd.f32 v62, v35;
	v6 =	vadd.s32 v8, v42  }
0x631: {  	v55 =	vld [tilespmem:s7+$0xFFFFFF20];
	v56 =	vadd.f32 v63, v35;
	[tilespmem:v53+s31+$0x0] =	vst.idx.msk $0xffff, v0  }
0x632: {  	v58 =	vadd.s32 v9, v39;
	v0 =	vadd.f32 v32, v35;
	[tilespmem:v5+s31+$0x0] =	vst.idx.msk $0xffff, v2  }
0x633: {  	v63 =	vld [tilespmem:s7+$0xFFFFFC20];
	v32 =	vadd.f32 v61, v35;
	v2 =	vadd.s32 v12, v40;
	[tilespmem:v60+s31+$0x0] =	vst.idx.msk $0xffff, v56  }
0x634: {  	v62 =	vld [tilespmem:s7+$0xFFFFFF60];
	[tilespmem:v3+s31+$0x0] =	vst.idx.msk $0xffff, v0  }
0x635: {  	v5 =	vld [tilespmem:s7+$0xFFFFFFA0];
	v0 =	vadd.f32 v4, v35;
	[tilespmem:v6+s31+$0x0] =	vst.idx.msk $0xffff, v32  }
0x636: {  	v60 =	vadd.s32 v13, v38;
	v6 =	vadd.f32 v55, v35;
	v12 =	vld [tilespmem:$0x1FEB0]  }
0x637: {  	v61 =	vld [tilespmem:s7+$0xFFFFFC70];
	v3 =	vadd.s32 v16, v43;
	[tilespmem:v58+s31+$0x0] =	vst.idx.msk $0xffff, v0  }
0x638: {  	v4 =	vadd.s32 v7, v37;
	v9 =	vld [tilespmem:$0x1FE20];
	[tilespmem:v2+s31+$0x0] =	vst.idx.msk $0xffff, v6  }
0x639: {  	v0 =	vadd.f32 v62, v35;
	v13 =	vld [tilespmem:$0x1FF00]  }
0x63a: {  	v57 =	vld [tilespmem:s7+$0xFFFFFCB0];
	v2 =	vadd.f32 v5, v35  }
0x63b: {  	v32 =	vld [tilespmem:s7+$0xFFFFFCF0];
	v5 =	vadd.f32 v63, v35;
	[tilespmem:v60+s31+$0x0] =	vst.idx.msk $0xffff, v0;
	v53 =	vadd.s32 v12, v50  }
0x63c: {  	v24 =	vld [tilespmem:$0x1FF40];
	[tilespmem:v3+s31+$0x0] =	vst.idx.msk $0xffff, v2  }
0x63d: {  	v62 =	vld [tilespmem:s7+$0xFFFFFD30];
	[tilespmem:v4+s31+$0x0] =	vst.idx.msk $0xffff, v5;
	v58 =	vadd.s32 v9, v51  }
0x63e: {  	v0 =	vadd.f32 v61, v34;
	v28 =	vld [tilespmem:$0x1FF80];
	v6 =	vadd.s32 v13, v49  }
0x63f: {  	v63 =	vld [tilespmem:s7+$0xFFFFFD70]  }
0x640: {  	v61 =	vld [tilespmem:s7+$0xFFFFFDB0];
	v2 =	vadd.f32 v57, v34;
	[tilespmem:v53+s31+$0x0] =	vst.idx.msk $0xffff, v0  }
0x641: {  	v0 =	vadd.f32 v32, v34;
	v32 =	vld [tilespmem:$0x1FFC0]  }
0x642: {  	v4 =	vld [tilespmem:s7+$0xFFFFFDF0];
	v60 =	vadd.s32 v24, v47;
	[tilespmem:v58+s31+$0x0] =	vst.idx.msk $0xffff, v2  }
0x643: {  	v3 =	vadd.s32 v28, v44;
	v53 =	vld [tilespmem:s7+$0xFFFFFE30];
	[tilespmem:v6+s31+$0x0] =	vst.idx.msk $0xffff, v0  }
0x644: {  	v8 =	vld [tilespmem:$0x1FE80]  }
0x645: {  	v55 =	vadd.s32 v23, v48;
	v2 =	vadd.f32 v62, v34;
	v62 =	vld [tilespmem:s7+$0xFFFFFE70]  }
0x646: {  	v58 =	vld [tilespmem:s7+$0xFFFFFC30];
	v0 =	vadd.f32 v63, v34;
	v5 =	vadd.s32 v32, v41  }
0x647: {  	v52 =	vld [tilespmem:s7+$0xFFFFFC80];
	[tilespmem:v60+s31+$0x0] =	vst.idx.msk $0xffff, v2  }
0x648: {  	v63 =	vld [tilespmem:s7+$0xFFFFFEB0];
	v60 =	vadd.s32 v12, v46;
	[tilespmem:v3+s31+$0x0] =	vst.idx.msk $0xffff, v0;
	v0 =	vadd.f32 v4, v34  }
0x649: {  	v59 =	vld [tilespmem:s7+$0xFFFFFCC0];
	v2 =	vadd.f32 v61, v34;
	v6 =	vadd.s32 v8, v45  }
0x64a: {  	v61 =	vld [tilespmem:s7+$0xFFFFFEF0];
	[tilespmem:v55+s31+$0x0] =	vst.idx.msk $0xffff, v0  }
0x64b: {  	v3 =	vld [tilespmem:s7+$0xFFFFFF30];
	v0 =	vadd.f32 v62, v34;
	[tilespmem:v5+s31+$0x0] =	vst.idx.msk $0xffff, v2;
	v5 =	vadd.s32 v9, v42  }
0x64c: {  	v4 =	vld [tilespmem:s7+$0xFFFFFF70];
	v2 =	vadd.f32 v53, v34  }
0x64d: {  	v55 =	vadd.s32 v13, v39;
	[tilespmem:v60+s31+$0x0] =	vst.idx.msk $0xffff, v0;
	v60 =	vld [tilespmem:s7+$0xFFFFFD00]  }
0x64e: {  	v53 =	vld [tilespmem:s7+$0xFFFFFFB0];
	[tilespmem:v6+s31+$0x0] =	vst.idx.msk $0xffff, v2;
	v2 =	vadd.f32 v63, v34  }
0x64f: {  	v57 =	vadd.s32 v24, v40;
	v13 =	vld [tilespmem:$0x1FEC0]  }
0x650: {  	v0 =	vadd.f32 v61, v34;
	v6 =	vadd.s32 v28, v38;
	v62 =	vld [tilespmem:s7+$0xFFFFFE40];
	[tilespmem:v5+s31+$0x0] =	vst.idx.msk $0xffff, v2  }
0x651: {  	s24 =	simm.s32 $0x10;
	v54 =	vadd.s32 v32, v43;
	v17 =	vld [tilespmem:$0x1FE30]  }
0x652: {  	v56 =	vadd.s32 v8, v37;
	v3 =	vadd.f32 v3, v34;
	v2 =	vmov s24;
	[tilespmem:v55+s31+$0x0] =	vst.idx.msk $0xffff, v0;
	v55 =	vld [tilespmem:s7+$0xFFFFFD80]  }
0x653: {  	v4 =	vadd.f32 v4, v34;
	v0 =	vshrl.u32 v2, $0x3;
	v2 =	vadd.f32 v58, v34;
	v58 =	vld [tilespmem:s7+$0xFFFFFE00]  }
0x654: {  	v53 =	vadd.f32 v53, v34;
	v21 =	vld [tilespmem:$0x1FF10];
	[tilespmem:v57+s31+$0x0] =	vst.idx.msk $0xffff, v3  }
0x655: {  	v25 =	vld [tilespmem:$0x1FF50];
	[tilespmem:v6+s31+$0x0] =	vst.idx.msk $0xffff, v4  }
0x656: {  	v29 =	vld [tilespmem:$0x1FF90];
	[tilespmem:v54+s31+$0x0] =	vst.idx.msk $0xffff, v53  }
0x657: {  	s11 =	simm.s32 $0x11;
	v48 =	vadd.s32 v20, v48;
	v52 =	vadd.f32 v52, v33;
	v50 =	vadd.s32 v13, v50;
	v63 =	vld [tilespmem:$0x1FFD0]  }
0x658: {  	s14 =	simm.s32 $0x12;
	v3 =	vmov s11;
	v0 =	vshll.u32 v0, v1;
	[tilespmem:v56+s31+$0x0] =	vst.idx.msk $0xffff, v2;
	v56 =	vld [tilespmem:s7+$0xFFFFFE80];
	v5 =	vadd.s32 v17, v51  }
0x659: {  	v4 =	vmov s14;
	v6 =	vadd.f32 v59, v33;
	v51 =	vld [tilespmem:s7+$0xFFFFFD40];
	v49 =	vadd.s32 v21, v49  }
0x65a: {  	v46 =	vadd.s32 v13, v46;
	v54 =	vadd.f32 v60, v33;
	v60 =	vadd.f32 v55, v33;
	v55 =	vld [tilespmem:s7+$0xFFFFFEC0]  }
0x65b: {  	s16 =	simm.s32 $0x13;
	v57 =	vld [tilespmem:s7+$0xFFFFFDC0];
	v42 =	vadd.s32 v17, v42;
	v39 =	vadd.s32 v21, v39;
	v47 =	vadd.s32 v25, v47  }
0x65c: {  	s17 =	simm.s32 $0x14;
	v53 =	vmov s16;
	v59 =	vld [tilespmem:s7+$0xFFFFFF80];
	[tilespmem:v50+s31+$0x0] =	vst.idx.msk $0xffff, v52;
	v40 =	vadd.s32 v25, v40;
	v44 =	vadd.s32 v29, v44  }
0x65d: {  	s18 =	simm.s32 $0x15;
	v2 =	vmov s17;
	v9 =	vld [tilespmem:$0x1FE90];
	v38 =	vadd.s32 v29, v38;
	v61 =	vadd.f32 v56, v33;
	[tilespmem:v5+s31+$0x0] =	vst.idx.msk $0xffff, v6  }
0x65e: {  	s17 =	simm.s32 $0x1B;
	v52 =	vmov s18;
	v41 =	vadd.s32 v63, v41;
	v51 =	vadd.f32 v51, v33;
	[tilespmem:v49+s31+$0x0] =	vst.idx.msk $0xffff, v54  }
0x65f: {  	s21 =	simm.s32 $0x16;
	s24 =	simm.s32 $0x17;
	v50 =	vld [tilespmem:s7+$0xFFFFFFC0];
	v56 =	vmov s17;
	v43 =	vadd.s32 v63, v43;
	v55 =	vadd.f32 v55, v33;
	[tilespmem:v46+s31+$0x0] =	vst.idx.msk $0xffff, v61  }
0x660: {  	s11 =	simm.s32 $0x18;
	v5 =	vmov s21;
	v6 =	vadd.f32 v57, v33;
	v57 =	vld [tilespmem:s7+$0xFFFFFF00];
	v54 =	vmov s24;
	[tilespmem:v47+s31+$0x0] =	vst.idx.msk $0xffff, v51  }
0x661: {  	v49 =	vadd.f32 v58, v33;
	s24 =	simm.s32 $0x1E;
	v47 =	vmov s11;
	v51 =	vadd.f32 v62, v33;
	[tilespmem:v42+s31+$0x0] =	vst.idx.msk $0xffff, v55  }
0x662: {  	s14 =	simm.s32 $0x19;
	v58 =	vld [tilespmem:s7+$0xFFFFFF40];
	v61 =	vmov s24;
	v62 =	vadd.f32 v59, v33;
	v46 =	vshrl.u32 v54, $0x3;
	[tilespmem:v44+s31+$0x0] =	vst.idx.msk $0xffff, v60  }
0x663: {  	v45 =	vadd.s32 v9, v45;
	v60 =	vmov s14;
	v37 =	vadd.s32 v9, v37;
	[tilespmem:v41+s31+$0x0] =	vst.idx.msk $0xffff, v6;
	v41 =	vld [tilespmem:s7+$0xFFFFFC40]  }
0x664: {  	s16 =	simm.s32 $0x1A;
	[tilespmem:v48+s31+$0x0] =	vst.idx.msk $0xffff, v49;
	v44 =	vshrl.u32 v3, $0x3;
	v3 =	vadd.f32 v50, v33;
	v50 =	vshrl.u32 v4, $0x3  }
0x665: {  	s18 =	simm.s32 $0x1C;
	v47 =	vshrl.u32 v47, $0x3;
	v6 =	vmov s16;
	[tilespmem:v38+s31+$0x0] =	vst.idx.msk $0xffff, v62;
	v48 =	vadd.f32 v57, v33  }
0x666: {  	s21 =	simm.s32 $0x1D;
	v38 =	vshrl.u32 v60, $0x3;
	v57 =	vmov s18;
	[tilespmem:v43+s31+$0x0] =	vst.idx.msk $0xffff, v3;
	v42 =	vshrl.u32 v6, $0x3  }
0x667: {  	v43 =	vshrl.u32 v56, $0x3;
	v49 =	vadd.f32 v58, v33;
	v58 =	vmov s21;
	[tilespmem:v39+s31+$0x0] =	vst.idx.msk $0xffff, v48  }
0x668: {  	v48 =	vshrl.u32 v52, $0x3;
	v39 =	vshrl.u32 v58, $0x3;
	[tilespmem:v45+s31+$0x0] =	vst.idx.msk $0xffff, v51;
	v4 =	vadd.f32 v41, v33  }
0x669: {  	v45 =	vshrl.u32 v53, $0x3;
	[tilespmem:v40+s31+$0x0] =	vst.idx.msk $0xffff, v49;
	v51 =	vshrl.u32 v2, $0x3;
	v49 =	vshrl.u32 v5, $0x3  }
0x66a: {  	s9 =	simm.s32 $0x20;
	s11 =	simm.s32 $0x1F;
	v40 =	vshrl.u32 v61, $0x3;
	v41 =	vshrl.u32 v57, $0x3;
	[tilespmem:v37+s31+$0x0] =	vst.idx.msk $0xffff, v4;
	v37 =	vbroadcast v0, $0x0  }
.LBB2_31:
0x66b: {  	v0 =	vshll.u32 v44, v1;
	v2 =	vshll.u32 v50, v1;
	v3 =	vmov s11;
	v27 =	vld [tilespmem:$0x1FF30]  }
0x66c: {  	v4 =	vshll.u32 v45, v1;
	v5 =	vshll.u32 v51, v1;
	s7 =	sadd.s32 $0x400, s7;
	v16 =	vld [tilespmem:$0x1FF70];
	v3 =	vshrl.u32 v3, $0x3  }
0x66d: {  	v54 =	vshll.u32 v43, v1;
	v43 =	vld [tilespmem:s7+$0xFFFFFC50];
	v50 =	vbroadcast v0, $0x0;
	v3 =	vshll.u32 v3, v1  }
0x66e: {  	v6 =	vshll.u32 v48, v1;
	v44 =	vshll.u32 v49, v1;
	v61 =	vld [tilespmem:s7+$0xFFFFFFD0];
	v52 =	vbroadcast v3, $0x0  }
0x66f: {  	v45 =	vshll.u32 v46, v1;
	v46 =	vshll.u32 v47, v1;
	v3 =	vld [tilespmem:s7+$0xFFFFFC10];
	v57 =	vadd.s32 v10, v50  }
0x670: {  	v53 =	vshll.u32 v42, v1;
	v0 =	vshll.u32 v41, v1;
	v56 =	vld [tilespmem:s7+$0xFFFFFC90];
	v41 =	vadd.s32 v15, v52  }
0x671: {  	v55 =	vadd.s32 v31, v37;
	v51 =	vbroadcast v2, $0x0;
	v58 =	vld [tilespmem:s7+$0xFFFFFCD0];
	v49 =	vbroadcast v4, $0x0  }
0x672: {  	v4 =	vshll.u32 v40, v1;
	v59 =	vld [tilespmem:s7+$0xFFFFFD10];
	v42 =	vbroadcast v6, $0x0;
	v6 =	vadd.f32 v43, v36  }
0x673: {  	v47 =	vbroadcast v5, $0x0;
	v62 =	vld [tilespmem:s7+$0xFFFFFD90];
	v40 =	vadd.s32 v14, v51;
	v5 =	vadd.f32 v61, v36  }
0x674: {  	v60 =	vadd.s32 v18, v49;
	v61 =	vld [tilespmem:s7+$0xFFFFFD50];
	v3 =	vadd.f32 v3, v36;
	[tilespmem:v57+s31+$0x0] =	vst.idx.msk $0xffff, v6  }
0x675: {  	v2 =	vshll.u32 v39, v1;
	v43 =	vadd.s32 v22, v47;
	v57 =	vld [tilespmem:s7+$0xFFFFFE10];
	[tilespmem:v41+s31+$0x0] =	vst.idx.msk $0xffff, v5  }
0x676: {  	v39 =	vbroadcast v44, $0x0;
	[tilespmem:v55+s31+$0x0] =	vst.idx.msk $0xffff, v3;
	v3 =	vadd.f32 v56, v36;
	v5 =	vadd.s32 v26, v42;
	v56 =	vld [tilespmem:s7+$0xFFFFFDD0]  }
0x677: {  	v38 =	vshll.u32 v38, v1;
	v6 =	vadd.f32 v58, v36;
	v41 =	vld [tilespmem:s7+$0xFFFFFFE0]  }
0x678: {  	v44 =	vbroadcast v46, $0x0;
	v55 =	vadd.s32 v30, v39;
	[tilespmem:v40+s31+$0x0] =	vst.idx.msk $0xffff, v3;
	v3 =	vadd.f32 v59, v36;
	v59 =	vld [tilespmem:s7+$0xFFFFFE50]  }
0x679: {  	v48 =	vbroadcast v45, $0x0;
	v46 =	vadd.s32 v19, v52;
	[tilespmem:v60+s31+$0x0] =	vst.idx.msk $0xffff, v6;
	v6 =	vadd.f32 v61, v36;
	v61 =	vld [tilespmem:s7+$0xFFFFFE90]  }
0x67a: {  	v45 =	vbroadcast v38, $0x0;
	v60 =	vadd.s32 v31, v44;
	[tilespmem:v43+s31+$0x0] =	vst.idx.msk $0xffff, v3;
	v3 =	vadd.f32 v62, v36;
	v62 =	vld [tilespmem:s7+$0xFFFFFF10]  }
0x67b: {  	v38 =	vbroadcast v2, $0x0;
	v58 =	vadd.s32 v15, v48;
	v43 =	vbroadcast v53, $0x0;
	[tilespmem:v5+s31+$0x0] =	vst.idx.msk $0xffff, v6;
	v6 =	vld [tilespmem:s7+$0xFFFFFED0]  }
0x67c: {  	v53 =	vadd.f32 v41, v35;
	v41 =	vbroadcast v0, $0x0;
	v0 =	vadd.f32 v57, v36;
	v57 =	vld [tilespmem:s7+$0xFFFFFF50]  }
0x67d: {  	v40 =	vbroadcast v54, $0x0;
	v5 =	vadd.s32 v10, v45;
	[tilespmem:v55+s31+$0x0] =	vst.idx.msk $0xffff, v3;
	v2 =	vadd.f32 v59, v36;
	v59 =	vld [tilespmem:s7+$0xFFFFFF90]  }
0x67e: {  	v3 =	vadd.f32 v56, v36;
	v54 =	vadd.s32 v14, v43;
	[tilespmem:v46+s31+$0x0] =	vst.idx.msk $0xffff, v53;
	v46 =	vbroadcast v4, $0x0;
	v4 =	vld [tilespmem:s7+$0xFFFFFC60]  }
0x67f: {  	v56 =	vadd.s32 v18, v40;
	[tilespmem:v60+s31+$0x0] =	vst.idx.msk $0xffff, v0;
	v60 =	vld [tilespmem:s7+$0xFFFFFCE0]  }
0x680: {  	[tilespmem:v58+s31+$0x0] =	vst.idx.msk $0xffff, v3;
	v3 =	vadd.s32 v22, v41;
	v0 =	vadd.f32 v61, v36;
	v61 =	vld [tilespmem:$0x1FE10]  }
0x681: {  	v58 =	vadd.s32 v26, v38;
	v53 =	vld [tilespmem:s7+$0xFFFFFFF0]  }
0x682: {  	v55 =	vadd.s32 v11, v50;
	[tilespmem:v5+s31+$0x0] =	vst.idx.msk $0xffff, v2;
	v2 =	vadd.f32 v6, v36;
	v6 =	vld [tilespmem:s7+$0xFFFFFCA0]  }
0x683: {  	v5 =	vadd.s32 v23, v52;
	[tilespmem:v54+s31+$0x0] =	vst.idx.msk $0xffff, v0;
	v0 =	vadd.f32 v62, v36;
	v62 =	vld [tilespmem:$0x1FEF0]  }
0x684: {  	v20 =	vld [tilespmem:$0x1FFF0];
	v54 =	vadd.s32 v30, v46;
	[tilespmem:v56+s31+$0x0] =	vst.idx.msk $0xffff, v2;
	v2 =	vadd.f32 v57, v36  }
0x685: {  	v57 =	vld [tilespmem:s7+$0xFFFFFD20];
	v56 =	vadd.s32 v61, v51;
	[tilespmem:v3+s31+$0x0] =	vst.idx.msk $0xffff, v0;
	v4 =	vadd.f32 v4, v35  }
0x686: {  	v0 =	vadd.f32 v53, v34;
	v53 =	vld [tilespmem:s7+$0xFFFFFD60];
	[tilespmem:v58+s31+$0x0] =	vst.idx.msk $0xffff, v2;
	v2 =	vadd.f32 v59, v36  }
0x687: {  	v58 =	vadd.s32 v27, v47;
	[tilespmem:v55+s31+$0x0] =	vst.idx.msk $0xffff, v4;
	v4 =	vadd.f32 v60, v35;
	v60 =	vld [tilespmem:$0x1FFB0]  }
0x688: {  	v59 =	vld [tilespmem:s7+$0xFFFFFDA0];
	v3 =	vadd.s32 v62, v49;
	[tilespmem:v5+s31+$0x0] =	vst.idx.msk $0xffff, v0;
	v0 =	vadd.f32 v6, v35  }
0x689: {  	v55 =	vld [tilespmem:s7+$0xFFFFFE20];
	[tilespmem:v54+s31+$0x0] =	vst.idx.msk $0xffff, v2  }
0x68a: {  	v5 =	vadd.s32 v16, v42;
	v2 =	vld [tilespmem:s7+$0x0];
	[tilespmem:v56+s31+$0x0] =	vst.idx.msk $0xffff, v0;
	v0 =	vadd.f32 v57, v35  }
0x68b: {  	v54 =	vld [tilespmem:s7+$0xFFFFFDE0];
	v56 =	vadd.s32 v7, v44  }
0x68c: {  	v52 =	vadd.s32 v20, v52;
	v57 =	vld [tilespmem:s7+$0xFFFFFEA0];
	v6 =	vadd.s32 v60, v39;
	[tilespmem:v58+s31+$0x0] =	vst.idx.msk $0xffff, v0  }
0x68d: {  	v0 =	vadd.f32 v59, v35;
	v59 =	vld [tilespmem:s7+$0xFFFFFF60];
	[tilespmem:v3+s31+$0x0] =	vst.idx.msk $0xffff, v4;
	v3 =	vadd.f32 v53, v35  }
0x68e: {  	v55 =	vadd.f32 v55, v35;
	v4 =	vadd.s32 v19, v48;
	v53 =	vld [tilespmem:s7+$0xFFFFFE60]  }
0x68f: {  	v2 =	vadd.f32 v2, v33;
	[tilespmem:v5+s31+$0x0] =	vst.idx.msk $0xffff, v3;
	v5 =	vld [tilespmem:s7+$0xFFFFFEE0]  }
0x690: {  	v3 =	vadd.s32 v11, v45;
	[tilespmem:v56+s31+$0x0] =	vst.idx.msk $0xffff, v55;
	v55 =	vadd.s32 v16, v38;
	v16 =	vld [tilespmem:$0x1FE20]  }
0x691: {  	[tilespmem:v6+s31+$0x0] =	vst.idx.msk $0xffff, v0;
	v0 =	vadd.f32 v54, v35;
	v6 =	vadd.s32 v61, v43;
	v54 =	vld [tilespmem:s7+$0xFFFFFF20]  }
0x692: {  	v58 =	vadd.s32 v62, v40;
	[tilespmem:v52+s31+$0x0] =	vst.idx.msk $0xffff, v2;
	v52 =	vld [tilespmem:s7+$0xFFFFFC20]  }
0x693: {  	v2 =	vadd.s32 v27, v41;
	[tilespmem:v4+s31+$0x0] =	vst.idx.msk $0xffff, v0;
	v0 =	vadd.f32 v53, v35;
	v4 =	vld [tilespmem:s7+$0xFFFFFFA0]  }
0x694: {  	v56 =	vadd.s32 v8, v37;
	v27 =	vld [tilespmem:$0x1FF00];
	v61 =	vadd.f32 v57, v35;
	v53 =	vadd.s32 v12, v50  }
0x695: {  	v62 =	vld [tilespmem:s7+$0xFFFFFC70];
	[tilespmem:v3+s31+$0x0] =	vst.idx.msk $0xffff, v0;
	v0 =	vadd.f32 v5, v35;
	v3 =	vadd.s32 v60, v46  }
0x696: {  	v5 =	vadd.s32 v7, v37;
	[tilespmem:v6+s31+$0x0] =	vst.idx.msk $0xffff, v61;
	v6 =	vadd.f32 v54, v35  }
0x697: {  	v57 =	vld [tilespmem:s7+$0xFFFFFCB0];
	v37 =	vadd.s32 v9, v37;
	[tilespmem:v58+s31+$0x0] =	vst.idx.msk $0xffff, v0;
	v0 =	vadd.f32 v59, v35  }
0x698: {  	v54 =	vld [tilespmem:s7+$0xFFFFFCF0];
	v58 =	vadd.s32 v16, v51;
	[tilespmem:v2+s31+$0x0] =	vst.idx.msk $0xffff, v6;
	v2 =	vadd.f32 v4, v35  }
0x699: {  	v60 =	vld [tilespmem:s7+$0xFFFFFD30];
	v4 =	vadd.f32 v52, v35;
	v6 =	vadd.s32 v27, v49;
	[tilespmem:v55+s31+$0x0] =	vst.idx.msk $0xffff, v0  }
0x69a: {  	v61 =	vld [tilespmem:s7+$0xFFFFFD70];
	v49 =	vadd.s32 v21, v49;
	v0 =	vadd.f32 v62, v34;
	[tilespmem:v3+s31+$0x0] =	vst.idx.msk $0xffff, v2  }
0x69b: {  	v55 =	vadd.s32 v24, v47;
	v47 =	vadd.s32 v25, v47;
	[tilespmem:v5+s31+$0x0] =	vst.idx.msk $0xffff, v4  }
0x69c: {  	v62 =	vld [tilespmem:s7+$0xFFFFFDB0];
	v2 =	vadd.f32 v57, v34;
	v3 =	vadd.s32 v28, v42;
	v5 =	vadd.s32 v32, v39  }
0x69d: {  	v4 =	vld [tilespmem:s7+$0xFFFFFDF0];
	v42 =	vadd.s32 v29, v42;
	[tilespmem:v53+s31+$0x0] =	vst.idx.msk $0xffff, v0;
	v0 =	vadd.f32 v54, v34  }
0x69e: {  	v53 =	vld [tilespmem:s7+$0xFFFFFE30];
	v54 =	vadd.s32 v23, v48;
	[tilespmem:v58+s31+$0x0] =	vst.idx.msk $0xffff, v2;
	v2 =	vadd.f32 v60, v34  }
0x69f: {  	v48 =	vadd.s32 v20, v48;
	v60 =	vld [tilespmem:s7+$0xFFFFFE70];
	[tilespmem:v6+s31+$0x0] =	vst.idx.msk $0xffff, v0;
	v0 =	vadd.f32 v61, v34  }
0x6a0: {  	v6 =	vadd.s32 v8, v44;
	v61 =	vld [tilespmem:s7+$0xFFFFFEB0];
	v44 =	vadd.s32 v9, v44;
	[tilespmem:v55+s31+$0x0] =	vst.idx.msk $0xffff, v2  }
0x6a1: {  	v2 =	vadd.f32 v62, v34;
	v55 =	vadd.s32 v12, v45;
	v62 =	vld [tilespmem:s7+$0xFFFFFEF0];
	v45 =	vadd.s32 v13, v45  }
0x6a2: {  	[tilespmem:v3+s31+$0x0] =	vst.idx.msk $0xffff, v0;
	v0 =	vadd.f32 v4, v34;
	v3 =	vadd.s32 v16, v43;
	v4 =	vld [tilespmem:s7+$0xFFFFFF30]  }
0x6a3: {  	[tilespmem:v5+s31+$0x0] =	vst.idx.msk $0xffff, v2;
	v2 =	vadd.f32 v53, v34;
	v5 =	vadd.s32 v27, v40;
	v53 =	vld [tilespmem:s7+$0xFFFFFF70]  }
0x6a4: {  	v57 =	vld [tilespmem:s7+$0xFFFFFFB0];
	[tilespmem:v54+s31+$0x0] =	vst.idx.msk $0xffff, v0;
	v0 =	vadd.f32 v60, v34;
	v54 =	vadd.s32 v24, v41  }
0x6a5: {  	v60 =	vld [tilespmem:s7+$0xFFFFFC30];
	[tilespmem:v6+s31+$0x0] =	vst.idx.msk $0xffff, v2;
	v2 =	vadd.f32 v61, v34;
	v6 =	vadd.s32 v28, v38  }
0x6a6: {  	v61 =	vld [tilespmem:s7+$0xFFFFFC80];
	[tilespmem:v55+s31+$0x0] =	vst.idx.msk $0xffff, v0;
	v0 =	vadd.f32 v62, v34;
	v55 =	vadd.s32 v32, v46  }
0x6a7: {  	v41 =	vadd.s32 v25, v41;
	v62 =	vld [tilespmem:s7+$0xFFFFFCC0];
	[tilespmem:v3+s31+$0x0] =	vst.idx.msk $0xffff, v2;
	v2 =	vadd.f32 v4, v34  }
0x6a8: {  	v3 =	vadd.s32 v13, v50;
	v4 =	vld [tilespmem:s7+$0xFFFFFD00];
	[tilespmem:v5+s31+$0x0] =	vst.idx.msk $0xffff, v0;
	v0 =	vadd.f32 v53, v34  }
0x6a9: {  	v50 =	vadd.s32 v17, v51;
	v51 =	vld [tilespmem:s7+$0xFFFFFD40];
	[tilespmem:v54+s31+$0x0] =	vst.idx.msk $0xffff, v2;
	v2 =	vadd.f32 v57, v34  }
0x6aa: {  	v38 =	vadd.s32 v29, v38;
	v58 =	vadd.f32 v60, v34;
	v60 =	vld [tilespmem:s7+$0xFFFFFD80];
	[tilespmem:v6+s31+$0x0] =	vst.idx.msk $0xffff, v0  }
0x6ab: {  	s18 =	sadd.s32 $0x5, s9;
	v46 =	vadd.s32 v63, v46;
	v5 =	vmov s9;
	v6 =	vadd.f32 v61, v33;
	v61 =	vld [tilespmem:s7+$0xFFFFFDC0];
	[tilespmem:v55+s31+$0x0] =	vst.idx.msk $0xffff, v2  }
0x6ac: {  	s21 =	sadd.s32 $0x6, s9;
	v53 =	vmov s18;
	v5 =	vshrl.u32 v5, $0x3;
	[tilespmem:v56+s31+$0x0] =	vst.idx.msk $0xffff, v58;
	v62 =	vadd.f32 v62, v33;
	v55 =	vld [tilespmem:s7+$0xFFFFFE00]  }
0x6ad: {  	s24 =	sadd.s32 $0x1, s9;
	v54 =	vmov s21;
	[tilespmem:v3+s31+$0x0] =	vst.idx.msk $0xffff, v6;
	v3 =	vadd.f32 v4, v33;
	v4 =	vadd.s32 v63, v39;
	v6 =	vld [tilespmem:s7+$0xFFFFFE40]  }
0x6ae: {  	s14 =	sadd.s32 $0x2, s9;
	s16 =	sadd.s32 $0x3, s9;
	v0 =	vmov s24;
	v5 =	vshll.u32 v5, v1;
	v59 =	vadd.f32 v51, v33;
	v51 =	vld [tilespmem:s7+$0xFFFFFE80];
	[tilespmem:v50+s31+$0x0] =	vst.idx.msk $0xffff, v62  }
0x6af: {  	s17 =	sadd.s32 $0x4, s9;
	s24 =	sadd.s32 $0x7, s9;
	v2 =	vmov s14;
	v56 =	vmov s16;
	[tilespmem:v49+s31+$0x0] =	vst.idx.msk $0xffff, v3;
	v3 =	vadd.f32 v60, v33;
	v60 =	vld [tilespmem:s7+$0xFFFFFEC0]  }
0x6b0: {  	v52 =	vmov s24;
	s16 =	sadd.s32 $0x9, s9;
	v39 =	vmov s17;
	[tilespmem:v47+s31+$0x0] =	vst.idx.msk $0xffff, v59;
	v47 =	vld [tilespmem:s7+$0xFFFFFFC0];
	v61 =	vadd.f32 v61, v33  }
0x6b1: {  	v57 =	vmov s16;
	s17 =	sadd.s32 $0xA, s9;
	v62 =	vld [tilespmem:s7+$0xFFFFFF00];
	[tilespmem:v42+s31+$0x0] =	vst.idx.msk $0xffff, v3;
	v3 =	vadd.f32 v55, v33;
	v42 =	vadd.s32 v17, v43  }
0x6b2: {  	s18 =	sadd.s32 $0xB, s9;
	v58 =	vmov s17;
	v50 =	vshrl.u32 v2, $0x3;
	v43 =	vld [tilespmem:s7+$0xFFFFFF40];
	[tilespmem:v4+s31+$0x0] =	vst.idx.msk $0xffff, v61;
	v4 =	vadd.f32 v6, v33  }
0x6b3: {  	s14 =	sadd.s32 $0x8, s9;
	v59 =	vmov s18;
	v6 =	vadd.s32 v21, v40;
	v40 =	vld [tilespmem:s7+$0xFFFFFF80];
	[tilespmem:v48+s31+$0x0] =	vst.idx.msk $0xffff, v3;
	v3 =	vadd.f32 v51, v33  }
0x6b4: {  	s24 =	sadd.s32 $0xD, s9;
	v49 =	vshrl.u32 v54, $0x3;
	v55 =	vmov s14;
	v48 =	vld [tilespmem:s7+$0xFFFFFC40];
	[tilespmem:v44+s31+$0x0] =	vst.idx.msk $0xffff, v4;
	v4 =	vadd.f32 v60, v33  }
0x6b5: {  	v61 =	vmov s24;
	v44 =	vshrl.u32 v0, $0x3;
	v0 =	vadd.f32 v47, v33;
	[tilespmem:v45+s31+$0x0] =	vst.idx.msk $0xffff, v3  }
0x6b6: {  	p0 =	slt.u32 s9, $0x70;
	s21 =	sadd.s32 $0xC, s9;
	v51 =	vshrl.u32 v39, $0x3;
	v39 =	vshrl.u32 v61, $0x3;
	v3 =	vadd.f32 v62, v33;
	[tilespmem:v42+s31+$0x0] =	vst.idx.msk $0xffff, v4  }
.Ltmp16:
0x6b7: {  	s14 =	sadd.s32 $0xE, s9;
	v60 =	vmov s21;
	v47 =	vshrl.u32 v55, $0x3;
	v4 =	vadd.f32 v43, v33;
	[tilespmem:v46+s31+$0x0] =	vst.idx.msk $0xffff, v0;
	(pc) =	sbr.rel @p0 .LBB2_31-.Ltmp16, $4  }
0x6b8: {  	v62 =	vmov s14;
	v45 =	vshrl.u32 v56, $0x3;
	[tilespmem:v6+s31+$0x0] =	vst.idx.msk $0xffff, v3;
	v3 =	vadd.f32 v40, v33  }
0x6b9: {  	v46 =	vshrl.u32 v52, $0x3;
	v42 =	vshrl.u32 v58, $0x3;
	[tilespmem:v41+s31+$0x0] =	vst.idx.msk $0xffff, v4;
	v2 =	vadd.f32 v48, v33  }
0x6ba: {  	v43 =	vshrl.u32 v59, $0x3;
	v40 =	vshrl.u32 v62, $0x3;
	v48 =	vshrl.u32 v53, $0x3;
	[tilespmem:v38+s31+$0x0] =	vst.idx.msk $0xffff, v3  }
0x6bb: {  	s11 =	sadd.s32 $0xF, s9;
	s9 =	sadd.s32 $0x10, s9;
	v41 =	vshrl.u32 v60, $0x3;
	v38 =	vshrl.u32 v57, $0x3;
	[tilespmem:v37+s31+$0x0] =	vst.idx.msk $0xffff, v2;
	v37 =	vbroadcast v5, $0x0  }
0x6bc: {  	v0 =	vshll.u32 v44, v1  }
0x6bd: {  	v2 =	vshll.u32 v50, v1;
	v3 =	vmov s11;
	v4 =	vshll.u32 v45, v1;
	s7 =	sadd.s32 $0x400, s7  }
0x6be: {  	v5 =	vshll.u32 v51, v1;
	v6 =	vshll.u32 v48, v1;
	v44 =	vshll.u32 v49, v1;
	v62 =	vld [tilespmem:s7+$0xFFFFFFD0]  }
0x6bf: {  	v45 =	vshll.u32 v46, v1;
	v49 =	vshll.u32 v38, v1;
	v3 =	vshrl.u32 v3, $0x3;
	v60 =	vld [tilespmem:s7+$0xFFFFFC10]  }
0x6c0: {  	v50 =	vshll.u32 v42, v1;
	v61 =	vld [tilespmem:s7+$0xFFFFFC50];
	v38 =	vbroadcast v0, $0x0;
	v3 =	vshll.u32 v3, v1  }
0x6c1: {  	v0 =	vshll.u32 v41, v1;
	v53 =	vadd.s32 v31, v37;
	v3 =	vbroadcast v3, $0x0  }
0x6c2: {  	v41 =	vbroadcast v2, $0x0;
	v2 =	vshll.u32 v39, v1;
	v55 =	vadd.s32 v10, v38  }
0x6c3: {  	v56 =	vld [tilespmem:s7+$0xFFFFFCD0];
	v39 =	vbroadcast v4, $0x0;
	v4 =	vshll.u32 v40, v1;
	v52 =	vadd.s32 v15, v3  }
0x6c4: {  	v54 =	vld [tilespmem:s7+$0xFFFFFC90];
	v40 =	vbroadcast v5, $0x0;
	v5 =	vadd.f32 v62, v36;
	v62 =	vadd.f32 v60, v36  }
0x6c5: {  	v59 =	vld [tilespmem:s7+$0xFFFFFD50];
	v42 =	vbroadcast v6, $0x0;
	v48 =	vadd.s32 v18, v39;
	v60 =	vadd.f32 v61, v36  }
0x6c6: {  	v46 =	vshll.u32 v47, v1;
	v58 =	vld [tilespmem:s7+$0xFFFFFD10];
	v57 =	vadd.s32 v14, v41;
	[tilespmem:v53+s31+$0x0] =	vst.idx.msk $0xffff, v62  }
0x6c7: {  	v51 =	vshll.u32 v43, v1;
	v43 =	vbroadcast v44, $0x0;
	v53 =	vadd.s32 v26, v42;
	[tilespmem:v55+s31+$0x0] =	vst.idx.msk $0xffff, v60;
	v60 =	vld [tilespmem:s7+$0xFFFFFE50]  }
0x6c8: {  	v44 =	vbroadcast v45, $0x0;
	v62 =	vadd.f32 v56, v36;
	[tilespmem:v52+s31+$0x0] =	vst.idx.msk $0xffff, v5;
	v5 =	vadd.s32 v22, v40;
	v52 =	vld [tilespmem:s7+$0xFFFFFD90]  }
0x6c9: {  	v45 =	vbroadcast v46, $0x0;
	v46 =	vbroadcast v49, $0x0;
	v61 =	vadd.f32 v54, v36;
	v54 =	vld [tilespmem:s7+$0xFFFFFFE0]  }
0x6ca: {  	v55 =	vadd.s32 v30, v43;
	v56 =	vld [tilespmem:s7+$0xFFFFFDD0];
	[tilespmem:v48+s31+$0x0] =	vst.idx.msk $0xffff, v62;
	v48 =	vadd.f32 v59, v36  }
0x6cb: {  	v6 =	vadd.s32 v10, v46;
	v47 =	vadd.f32 v58, v36;
	[tilespmem:v57+s31+$0x0] =	vst.idx.msk $0xffff, v61;
	v57 =	vld [tilespmem:s7+$0xFFFFFE10]  }
0x6cc: {  	v58 =	vadd.s32 v19, v3;
	v59 =	vadd.s32 v15, v44;
	[tilespmem:v53+s31+$0x0] =	vst.idx.msk $0xffff, v48;
	v48 =	vbroadcast v51, $0x0  }
0x6cd: {  	v61 =	vld [tilespmem:s7+$0xFFFFFE90];
	[tilespmem:v5+s31+$0x0] =	vst.idx.msk $0xffff, v47;
	v5 =	vadd.f32 v52, v36;
	v52 =	vadd.s32 v31, v45;
	v47 =	vbroadcast v50, $0x0  }
0x6ce: {  	v53 =	vld [tilespmem:s7+$0xFFFFFED0];
	v50 =	vbroadcast v2, $0x0;
	v2 =	vadd.f32 v60, v36;
	v62 =	vadd.f32 v54, v35  }
0x6cf: {  	v49 =	vbroadcast v0, $0x0;
	[tilespmem:v55+s31+$0x0] =	vst.idx.msk $0xffff, v5;
	v5 =	vadd.f32 v56, v36;
	v54 =	vadd.s32 v14, v47;
	v14 =	vld [tilespmem:s7+$0xFFFFFF10]  }
0x6d0: {  	v0 =	vadd.f32 v57, v36;
	v56 =	vadd.s32 v18, v48;
	[tilespmem:v6+s31+$0x0] =	vst.idx.msk $0xffff, v2  }
0x6d1: {  	[tilespmem:v59+s31+$0x0] =	vst.idx.msk $0xffff, v5;
	v5 =	vadd.s32 v22, v49  }
0x6d2: {  	[tilespmem:v52+s31+$0x0] =	vst.idx.msk $0xffff, v0;
	v0 =	vadd.f32 v61, v36  }
0x6d3: {  	v57 =	vld [tilespmem:s7+$0xFFFFFF50];
	v51 =	vbroadcast v4, $0x0;
	[tilespmem:v58+s31+$0x0] =	vst.idx.msk $0xffff, v62;
	v4 =	vadd.f32 v53, v36  }
0x6d4: {  	v2 =	vld [tilespmem:s7+$0xFFFFFC60];
	[tilespmem:v54+s31+$0x0] =	vst.idx.msk $0xffff, v0;
	v14 =	vadd.f32 v14, v36  }
0x6d5: {  	v58 =	vld [tilespmem:s7+$0xFFFFFFF0];
	[tilespmem:v56+s31+$0x0] =	vst.idx.msk $0xffff, v4  }
0x6d6: {  	v62 =	vld [tilespmem:s7+$0xFFFFFF90];
	v52 =	vadd.s32 v26, v50;
	[tilespmem:v5+s31+$0x0] =	vst.idx.msk $0xffff, v14  }
0x6d7: {  	v6 =	vadd.s32 v23, v3;
	v15 =	vld [tilespmem:$0x1FE10]  }
0x6d8: {  	v54 =	vadd.s32 v30, v51  }
0x6d9: {  	v60 =	vadd.f32 v57, v36;
	v4 =	vadd.s32 v11, v38  }
0x6da: {  	v0 =	vld [tilespmem:s7+$0xFFFFFCA0];
	v61 =	vadd.f32 v58, v34  }
0x6db: {  	v55 =	vld [tilespmem:s7+$0xFFFFFCE0];
	v62 =	vadd.f32 v62, v36;
	[tilespmem:v52+s31+$0x0] =	vst.idx.msk $0xffff, v60  }
0x6dc: {  	v2 =	vadd.f32 v2, v35;
	v10 =	vld [tilespmem:$0x1FEF0];
	[tilespmem:v6+s31+$0x0] =	vst.idx.msk $0xffff, v61;
	v5 =	vadd.s32 v15, v41  }
0x6dd: {  	v14 =	vld [tilespmem:$0x1FF30];
	[tilespmem:v54+s31+$0x0] =	vst.idx.msk $0xffff, v62  }
0x6de: {  	v18 =	vld [tilespmem:$0x1FF70];
	[tilespmem:v4+s31+$0x0] =	vst.idx.msk $0xffff, v2  }
0x6df: {  	v0 =	vadd.f32 v0, v35;
	v31 =	vld [tilespmem:$0x1FFB0]  }
0x6e0: {  	v53 =	vld [tilespmem:s7+$0xFFFFFD20]  }
0x6e1: {  	v61 =	vld [tilespmem:s7+$0xFFFFFDA0];
	v52 =	vadd.s32 v10, v39;
	[tilespmem:v5+s31+$0x0] =	vst.idx.msk $0xffff, v0  }
0x6e2: {  	v60 =	vadd.s32 v14, v40;
	v22 =	vld [tilespmem:$0x1FFF0]  }
0x6e3: {  	v56 =	vld [tilespmem:s7+$0xFFFFFD60]  }
0x6e4: {  	v2 =	vadd.f32 v55, v35;
	v55 =	vld [tilespmem:s7+$0xFFFFFDE0];
	v4 =	vadd.s32 v31, v43  }
0x6e5: {  	v54 =	vld [tilespmem:s7+$0x0];
	v62 =	vadd.s32 v18, v42;
	v0 =	vadd.f32 v53, v35  }
0x6e6: {  	[tilespmem:v52+s31+$0x0] =	vst.idx.msk $0xffff, v2;
	v52 =	vadd.s32 v19, v44  }
0x6e7: {  	v5 =	vld [tilespmem:s7+$0xFFFFFE20];
	[tilespmem:v60+s31+$0x0] =	vst.idx.msk $0xffff, v0;
	v0 =	vadd.f32 v61, v35;
	v3 =	vadd.s32 v22, v3  }
0x6e8: {  	v53 =	vld [tilespmem:s7+$0xFFFFFE60];
	v2 =	vadd.f32 v56, v35  }
0x6e9: {  	v60 =	vadd.s32 v7, v45;
	v61 =	vld [tilespmem:s7+$0xFFFFFEA0];
	[tilespmem:v4+s31+$0x0] =	vst.idx.msk $0xffff, v0;
	v0 =	vadd.f32 v55, v35  }
0x6ea: {  	v54 =	vadd.f32 v54, v33;
	[tilespmem:v62+s31+$0x0] =	vst.idx.msk $0xffff, v2;
	v2 =	vadd.s32 v11, v46;
	v55 =	vld [tilespmem:s7+$0xFFFFFF20]  }
0x6eb: {  	v62 =	vld [tilespmem:s7+$0xFFFFFEE0];
	v4 =	vadd.s32 v15, v47;
	[tilespmem:v52+s31+$0x0] =	vst.idx.msk $0xffff, v0  }
0x6ec: {  	v5 =	vadd.f32 v5, v35;
	v52 =	vadd.s32 v14, v49;
	[tilespmem:v3+s31+$0x0] =	vst.idx.msk $0xffff, v54;
	v54 =	vld [tilespmem:s7+$0xFFFFFF60]  }
0x6ed: {  	v0 =	vadd.f32 v53, v35;
	v3 =	vadd.s32 v10, v48  }
0x6ee: {  	[tilespmem:v60+s31+$0x0] =	vst.idx.msk $0xffff, v5;
	v60 =	vadd.f32 v61, v35;
	v61 =	vadd.s32 v18, v50  }
0x6ef: {  	[tilespmem:v2+s31+$0x0] =	vst.idx.msk $0xffff, v0;
	v55 =	vadd.f32 v55, v35  }
0x6f0: {  	v2 =	vadd.f32 v62, v35;
	[tilespmem:v4+s31+$0x0] =	vst.idx.msk $0xffff, v60  }
0x6f1: {  	v53 =	vld [tilespmem:s7+$0xFFFFFFA0];
	[tilespmem:v52+s31+$0x0] =	vst.idx.msk $0xffff, v55;
	v54 =	vadd.f32 v54, v35  }
0x6f2: {  	v5 =	vld [tilespmem:s7+$0xFFFFFC20];
	[tilespmem:v3+s31+$0x0] =	vst.idx.msk $0xffff, v2  }
0x6f3: {  	v4 =	vadd.s32 v7, v37;
	v7 =	vld [tilespmem:$0x1FE20];
	[tilespmem:v61+s31+$0x0] =	vst.idx.msk $0xffff, v54  }
0x6f4: {  	v20 =	vld [tilespmem:$0x1FF00]  }
0x6f5: {  	v0 =	vld [tilespmem:s7+$0xFFFFFC70];
	v62 =	vadd.s32 v31, v51  }
0x6f6: {  	v6 =	vld [tilespmem:s7+$0xFFFFFCB0]  }
0x6f7: {  	v2 =	vadd.s32 v12, v38;
	v3 =	vld [tilespmem:s7+$0xFFFFFCF0]  }
0x6f8: {  	v58 =	vld [tilespmem:s7+$0xFFFFFD30];
	v53 =	vadd.f32 v53, v35;
	v57 =	vadd.s32 v7, v41  }
0x6f9: {  	v60 =	vld [tilespmem:s7+$0xFFFFFD70];
	v5 =	vadd.f32 v5, v35;
	v59 =	vadd.s32 v20, v39  }
0x6fa: {  	v0 =	vadd.f32 v0, v34;
	v61 =	vadd.s32 v24, v40;
	[tilespmem:v62+s31+$0x0] =	vst.idx.msk $0xffff, v53;
	v62 =	vld [tilespmem:s7+$0xFFFFFDB0]  }
0x6fb: {  	[tilespmem:v4+s31+$0x0] =	vst.idx.msk $0xffff, v5;
	v4 =	vadd.f32 v6, v34;
	v5 =	vadd.s32 v28, v42;
	v6 =	vld [tilespmem:s7+$0xFFFFFDF0]  }
0x6fc: {  	[tilespmem:v2+s31+$0x0] =	vst.idx.msk $0xffff, v0;
	v0 =	vadd.f32 v3, v34;
	v2 =	vadd.s32 v32, v43;
	v3 =	vld [tilespmem:s7+$0xFFFFFE30]  }
0x6fd: {  	[tilespmem:v57+s31+$0x0] =	vst.idx.msk $0xffff, v4;
	v4 =	vadd.f32 v58, v34;
	v57 =	vadd.s32 v23, v44;
	v58 =	vld [tilespmem:s7+$0xFFFFFE70]  }
0x6fe: {  	[tilespmem:v59+s31+$0x0] =	vst.idx.msk $0xffff, v0;
	v0 =	vadd.f32 v60, v34;
	v59 =	vadd.s32 v8, v45;
	v60 =	vld [tilespmem:s7+$0xFFFFFEB0]  }
0x6ff: {  	[tilespmem:v61+s31+$0x0] =	vst.idx.msk $0xffff, v4;
	v4 =	vadd.f32 v62, v34;
	v61 =	vadd.s32 v12, v46;
	v62 =	vld [tilespmem:s7+$0xFFFFFEF0]  }
0x700: {  	v12 =	vld [tilespmem:s7+$0xFFFFFF30];
	[tilespmem:v5+s31+$0x0] =	vst.idx.msk $0xffff, v0;
	v0 =	vadd.f32 v6, v34;
	v5 =	vadd.s32 v7, v47  }
0x701: {  	[tilespmem:v2+s31+$0x0] =	vst.idx.msk $0xffff, v4;
	v2 =	vadd.f32 v3, v34;
	v3 =	vadd.s32 v20, v48;
	v4 =	vld [tilespmem:s7+$0xFFFFFF70]  }
0x702: {  	v55 =	vld [tilespmem:s7+$0xFFFFFFB0];
	[tilespmem:v57+s31+$0x0] =	vst.idx.msk $0xffff, v0;
	v0 =	vadd.f32 v58, v34;
	v57 =	vadd.s32 v24, v49  }
0x703: {  	[tilespmem:v59+s31+$0x0] =	vst.idx.msk $0xffff, v2;
	v2 =	vld [tilespmem:s7+$0xFFFFFC30];
	v58 =	vadd.f32 v60, v34;
	v59 =	vadd.s32 v28, v50  }
0x704: {  	v60 =	vadd.f32 v62, v34;
	[tilespmem:v61+s31+$0x0] =	vst.idx.msk $0xffff, v0;
	v0 =	vld [tilespmem:s7+$0xFFFFFC80];
	v61 =	vadd.s32 v32, v51  }
0x705: {  	v62 =	vld [tilespmem:s7+$0xFFFFFCC0];
	v6 =	vadd.f32 v12, v34;
	[tilespmem:v5+s31+$0x0] =	vst.idx.msk $0xffff, v58;
	v5 =	vadd.s32 v8, v37  }
0x706: {  	v12 =	vld [tilespmem:s7+$0xFFFFFD00];
	[tilespmem:v3+s31+$0x0] =	vst.idx.msk $0xffff, v60;
	v3 =	vadd.s32 v13, v38;
	v4 =	vadd.f32 v4, v34  }
0x707: {  	v56 =	vadd.s32 v17, v41;
	v58 =	vadd.f32 v55, v34;
	[tilespmem:v57+s31+$0x0] =	vst.idx.msk $0xffff, v6;
	v57 =	vld [tilespmem:s7+$0xFFFFFD40]  }
0x708: {  	[tilespmem:v59+s31+$0x0] =	vst.idx.msk $0xffff, v4;
	v2 =	vadd.f32 v2, v34;
	v4 =	vadd.s32 v21, v39;
	v59 =	vld [tilespmem:s7+$0xFFFFFD80]  }
0x709: {  	v60 =	vadd.s32 v25, v40;
	[tilespmem:v61+s31+$0x0] =	vst.idx.msk $0xffff, v58;
	v0 =	vadd.f32 v0, v33;
	v61 =	vld [tilespmem:s7+$0xFFFFFDC0]  }
0x70a: {  	[tilespmem:v5+s31+$0x0] =	vst.idx.msk $0xffff, v2;
	v2 =	vadd.f32 v62, v33;
	v5 =	vadd.s32 v29, v42;
	v62 =	vld [tilespmem:s7+$0xFFFFFE00]  }
0x70b: {  	[tilespmem:v3+s31+$0x0] =	vst.idx.msk $0xffff, v0;
	v0 =	vadd.f32 v12, v33;
	v3 =	vadd.s32 v63, v43;
	v12 =	vld [tilespmem:s7+$0xFFFFFE40]  }
0x70c: {  	v52 =	vadd.s32 v22, v44;
	v53 =	vld [tilespmem:s7+$0xFFFFFE80];
	[tilespmem:v56+s31+$0x0] =	vst.idx.msk $0xffff, v2;
	v2 =	vadd.f32 v57, v33  }
0x70d: {  	v54 =	vld [tilespmem:s7+$0xFFFFFEC0];
	[tilespmem:v4+s31+$0x0] =	vst.idx.msk $0xffff, v0;
	v0 =	vadd.f32 v59, v33;
	v4 =	vadd.s32 v9, v45  }
0x70e: {  	v55 =	vadd.s32 v13, v46;
	v56 =	vld [tilespmem:s7+$0xFFFFFF00];
	[tilespmem:v60+s31+$0x0] =	vst.idx.msk $0xffff, v2;
	v2 =	vadd.f32 v61, v33  }
0x70f: {  	v57 =	vld [tilespmem:s7+$0xFFFFFF40];
	[tilespmem:v5+s31+$0x0] =	vst.idx.msk $0xffff, v0;
	v0 =	vadd.f32 v62, v33;
	v5 =	vadd.s32 v17, v47  }
0x710: {  	v58 =	vld [tilespmem:s7+$0xFFFFFF80];
	[tilespmem:v3+s31+$0x0] =	vst.idx.msk $0xffff, v2;
	v2 =	vadd.f32 v12, v33;
	v3 =	vadd.s32 v21, v48  }
0x711: {  	v59 =	vadd.s32 v25, v49;
	v60 =	vld [tilespmem:s7+$0xFFFFFFC0];
	[tilespmem:v52+s31+$0x0] =	vst.idx.msk $0xffff, v0;
	v0 =	vadd.f32 v53, v33  }
0x712: {  	v61 =	vadd.s32 v29, v50;
	[tilespmem:v4+s31+$0x0] =	vst.idx.msk $0xffff, v2;
	v2 =	vld [tilespmem:s7+$0xFFFFFC40];
	v4 =	vadd.f32 v54, v33  }
0x713: {  	v62 =	vadd.s32 v63, v51;
	[tilespmem:v55+s31+$0x0] =	vst.idx.msk $0xffff, v0;
	v0 =	vadd.f32 v56, v33  }
0x714: {  	[tilespmem:v5+s31+$0x0] =	vst.idx.msk $0xffff, v4;
	v4 =	vadd.s32 v9, v37;
	v5 =	vadd.f32 v57, v33  }
0x715: {  	[tilespmem:v3+s31+$0x0] =	vst.idx.msk $0xffff, v0;
	v0 =	vadd.f32 v58, v33  }
0x716: {  	s2 =	sshll.u32 s2, $0x12;
	v3 =	vadd.f32 v60, v33;
	[tilespmem:v59+s31+$0x0] =	vst.idx.msk $0xffff, v5  }
0x717: {  	s2 =	sor.u32 s5, s2;
	[tilespmem:v61+s31+$0x0] =	vst.idx.msk $0xffff, v0;
	v0 =	vadd.f32 v2, v33  }
0x718: {  	s2 =	sshrl.u32 s2, $0x3;
	[tilespmem:v62+s31+$0x0] =	vst.idx.msk $0xffff, v3  }
0x719: {  	s17 =	simm.s32 $0x13000;
	s7 =	sadd.s32 s3, s2;
	[tilespmem:v4+s31+$0x0] =	vst.idx.msk $0xffff, v0  }
0x71a: {  	[hbm4b:s7+s4] =	stream.linear.scatter [tilespmem:s17], [sflag:$0xA], $0x80, $0x38;
	[tilespmem:$0x18400] =	vst v63  }
0x71b: {  	s18 =	simm.s32 $0x13088;
	s9 =	sadd.s32 $0x10, s7  }
0x71c: {  	[hbm4b:s9+s4] =	stream.linear.scatter [tilespmem:s18], [sflag:$0xA], $0x80, $0x38;
	[tilespmem:$0x18400] =	vst v63  }
0x71d: {  	s21 =	simm.s32 $0x13110;
	s14 =	simm.s32 $0x13220;
	s24 =	sadd.s32 $0x20, s7  }
0x71e: {  	[hbm4b:s24+s4] =	stream.linear.scatter [tilespmem:s21], [sflag:$0xA], $0x80, $0x38;
	[tilespmem:$0x18400] =	vst v63  }
0x71f: {  	s2 =	simm.s32 $0x440;
	s11 =	sadd.s32 $0x30, s7;
	s9 =	simm.s32 $0x13198  }
0x720: {  	[hbm4b:s11+s4] =	stream.linear.scatter [tilespmem:s9], [sflag:$0xA], $0x80, $0x38;
	[tilespmem:$0x18400] =	vst v63  }
0x721: {  	s16 =	sadd.s32 $0x40, s7;
	s17 =	simm.s32 $0x132A8;
	s18 =	sadd.s32 $0x50, s7  }
0x722: {  	[hbm4b:s16+s4] =	stream.linear.scatter [tilespmem:s14], [sflag:$0xA], $0x80, $0x38;
	[tilespmem:$0x18400] =	vst v63  }
0x723: {  	s21 =	simm.s32 $0x13330;
	s24 =	sadd.s32 $0x60, s7;
	s9 =	simm.s32 $0x2200  }
0x724: {  	[hbm4b:s18+s4] =	stream.linear.scatter [tilespmem:s17], [sflag:$0xA], $0x80, $0x38;
	[tilespmem:$0x18400] =	vst v63  }
0x725: {  	v19 =	vmov v10;
	s11 =	simm.s32 $0x133B8;
	s14 =	sadd.s32 $0x70, s7;
	s7 =	sadd.s32 $0x1000, s7  }
0x726: {  	v10 =	vmovc v63;
	v23 =	vmovc v14;
	v17 =	vmov v25;
	v2 =	vmov v22;
	v3 =	vmov v18;
	[hbm4b:s24+s4] =	stream.linear.scatter [tilespmem:s21], [sflag:$0xA], $0x80, $0x38;
	[tilespmem:$0x18400] =	vst v63  }
.LBB2_33:
0x727: {  	[hbm4b:s14+s4] =	stream.linear.scatter [tilespmem:s11], [sflag:$0xA], $0x80, $0x38;
	[tilespmem:$0x18400] =	vst v63  }
0x728: {  	s11 =	smov.u32 s2;
	s2 =	smov.u32 s9  }
0x729: {  	s16 =	sadd.s32 $0x1100, s9;
	s2 =	sshra.s32 s2, $0x2;
	s14 =	sadd.s32 $0x13000, s11  }
0x72a: {  	[hbm4b:s7+s4] =	stream.linear.scatter [tilespmem:s14], [sflag:$0xA], $0x80, $0x38;
	[tilespmem:$0x18400] =	vst v63  }
0x72b: {  	p0 =	sne.s32 s9, $0x7700;
	s9 =	sadd.s32 $0x13088, s11;
	s14 =	sadd.s32 $0x10, s7  }
0x72c: {  	[hbm4b:s14+s4] =	stream.linear.scatter [tilespmem:s9], [sflag:$0xA], $0x80, $0x38;
	[tilespmem:$0x18400] =	vst v63  }
0x72d: {  	s9 =	sadd.s32 $0x13110, s11;
	s14 =	sadd.s32 $0x20, s7  }
0x72e: {  	[hbm4b:s14+s4] =	stream.linear.scatter [tilespmem:s9], [sflag:$0xA], $0x80, $0x38;
	[tilespmem:$0x18400] =	vst v63  }
0x72f: {  	s9 =	sadd.s32 $0x13198, s11;
	s14 =	sadd.s32 $0x30, s7  }
0x730: {  	[hbm4b:s14+s4] =	stream.linear.scatter [tilespmem:s9], [sflag:$0xA], $0x80, $0x38;
	[tilespmem:$0x18400] =	vst v63  }
0x731: {  	s9 =	sadd.s32 $0x13220, s11;
	s14 =	sadd.s32 $0x40, s7  }
0x732: {  	[hbm4b:s14+s4] =	stream.linear.scatter [tilespmem:s9], [sflag:$0xA], $0x80, $0x38;
	[tilespmem:$0x18400] =	vst v63  }
.Ltmp17:
0x733: {  	s9 =	sadd.s32 $0x132A8, s11;
	s14 =	sadd.s32 $0x50, s7;
	(pc) =	sbr.rel @p0 .LBB2_33-.Ltmp17, $4  }
0x734: {  	[hbm4b:s14+s4] =	stream.linear.scatter [tilespmem:s9], [sflag:$0xA], $0x80, $0x38;
	[tilespmem:$0x18400] =	vst v63  }
0x735: {  	s9 =	sadd.s32 $0x13330, s11;
	s14 =	sadd.s32 $0x60, s7;
	s11 =	sadd.s32 $0x133B8, s11  }
0x736: {  	[hbm4b:s14+s4] =	stream.linear.scatter [tilespmem:s9], [sflag:$0xA], $0x80, $0x38;
	[tilespmem:$0x18400] =	vst v63  }
0x737: {  	s14 =	sadd.s32 $0x70, s7;
	s7 =	sadd.s32 $0x1000, s7;
	s9 =	smov.u32 s16  }
0x738: {  	[hbm4b:s14+s4] =	stream.linear.scatter [tilespmem:s11], [sflag:$0xA], $0x80, $0x38;
	[tilespmem:$0x18400] =	vst v63  }
0x739: {  	s9 =	sadd.s32 $0x13000, s2;
	s21 =	sadd.s32 $0x13088, s2  }
0x73a: {  	s24 =	sadd.s32 $0x10, s7;
	s14 =	sadd.s32 $0x13110, s2;
	p0 =	sgt.u32 s10, $0x23  }
0x73b: {  	[hbm4b:s7+s4] =	stream.linear.scatter [tilespmem:s9], [sflag:$0xA], $0x80, $0x38;
	[tilespmem:$0x18400] =	vst v63  }
0x73c: {  	s16 =	sadd.s32 $0x20, s7;
	s17 =	sadd.s32 $0x13198, s2;
	p1 =	sne.s32 @!p0 s12, $0x7  }
0x73d: {  	[hbm4b:s24+s4] =	stream.linear.scatter [tilespmem:s21], [sflag:$0xA], $0x80, $0x38;
	[tilespmem:$0x18400] =	vst v63  }
0x73e: {  	s18 =	sadd.s32 $0x30, s7;
	s10 =	sadd.s32 $0x1, s10;
	p0 =	por p1, p0  }
0x73f: {  	[hbm4b:s16+s4] =	stream.linear.scatter [tilespmem:s14], [sflag:$0xA], $0x80, $0x38;
	[tilespmem:$0x18400] =	vst v63  }
0x740: {  	s0 =	sshrl.u32 @!p0 s0, $0x3;
	s21 =	sadd.s32 $0x13220, s2;
	s24 =	sadd.s32 $0x40, s7  }
0x741: {  	[hbm4b:s18+s4] =	stream.linear.scatter [tilespmem:s17], [sflag:$0xA], $0x80, $0x38;
	[tilespmem:$0x18400] =	vst v63  }
0x742: {  	s0 =	sadd.s32 @!p0 $0x1, s0;
	s14 =	sadd.s32 $0x132A8, s2;
	s16 =	sadd.s32 $0x50, s7  }
0x743: {  	[hbm4b:s24+s4] =	stream.linear.scatter [tilespmem:s21], [sflag:$0xA], $0x80, $0x38;
	[tilespmem:$0x18400] =	vst v63  }
0x744: {  	s17 =	sadd.s32 $0x13330, s2;
	s21 =	sadd.s32 $0x133B8, s2;
	s2 =	sshll.u32 @!p0 s0, $0xF  }
0x745: {  	v7 =	vld [tilespmem:$0x1FE70];
	[hbm4b:s16+s4] =	stream.linear.scatter [tilespmem:s14], [sflag:$0xA], $0x80, $0x38  }
0x746: {  	v8 =	vld [tilespmem:$0x1FE80];
	s9 =	simm.s32 @!p0 $0x0;
	s18 =	sadd.s32 $0x60, s7;
	s2 =	sor.u32 @!p0 s5, s2  }
0x747: {  	v9 =	vld [tilespmem:$0x1FE90];
	[hbm4b:s18+s4] =	stream.linear.scatter [tilespmem:s17], [sflag:$0xA], $0x80, $0x38  }
0x748: {  	v11 =	vld [tilespmem:$0x1FEA0];
	s24 =	sadd.s32 $0x70, s7;
	s0 =	sand.u32 @!p0 $0x1, s0;
	s2 =	sshrl.u32 @!p0 s2, $0x3  }
0x749: {  	v12 =	vld [tilespmem:$0x1FEB0];
	[hbm4b:s24+s4] =	stream.linear.scatter [tilespmem:s21], [sflag:$0xA], $0x80, $0x38  }
0x74a: {  	v13 =	vld [tilespmem:$0x1FEC0];
	s7 =	sshll.u32 @!p0 s0, $0xA;
	s0 =	sadd.s32 @!p0 $0xB, s0;
	s2 =	sadd.s32 @!p0 s1, s2  }
0x74b: {  	v0 =	vld [tilespmem:$0x1FED0];
	[tilespmem:s7], [sflag:s0] =	stream.linear.gather @!p0 [hbm4b:s2+s9], $0x400, $0x38  }
0x74c: {  	v18 =	vld [tilespmem:$0x1FEE0];
	p0 =	sne.s32 s10, $0x28  }
.Ltmp18:
0x74d: {  	v22 =	vld [tilespmem:$0x1FF20];
	(pc) =	sbr.rel @p0 .LBB2_2-.Ltmp18, $4  }
0x74e: {  	v26 =	vld [tilespmem:$0x1FF60]  }
0x74f: {  	v30 =	vld [tilespmem:$0x1FFA0]  }
0x750: {  	v6 =	vld [tilespmem:$0x1FFE0]  }
0x751: {  	v4 =	vld [tilespmem:$0x1FE60]  }
0x752: {  	s0 =	simm.s32 $0x6  }
0x753: {  	_ =	swait.ge [sflag:s0], $0x2000  }
0x754: {  	[sflag:s0] =	ssyncset.done $0x0  }
0x755: {  	s18 =	simm.s32 $0x7;
	[sflag:s0] =	ssyncadd.s32 $0xFFFFE000  }
0x756: {  	_ =	swait.ge [sflag:s18], $0x2000  }
0x757: {  	[sflag:s18] =	ssyncset.done $0x0  }
0x758: {  	s21 =	simm.s32 $0x8;
	[sflag:s18] =	ssyncadd.s32 $0xFFFFE000  }
0x759: {  	_ =	swait.ge [sflag:s21], $0x2000  }
0x75a: {  	[sflag:s21] =	ssyncset.done $0x0  }
0x75b: {  	[sflag:s21] =	ssyncadd.s32 $0xFFFFE000  }
0x75c: {  	_ =	swait.ge [sflag:s13], $0x2000  }
0x75d: {  	[sflag:s13] =	ssyncset.done $0x0  }
0x75e: {  	[sflag:s13] =	ssyncadd.s32 $0xFFFFE000  }
0x75f: {  	_ =	swait.ge [sflag:s8], $0x2000  }
0x760: {  	s2 =	rddreg [dreg:$0x8]  }
0x761: {  	s24 =	rddreg [dreg:$0x7];
	s2 =	sadd.s32 $0x1, s2  }
0x762: {  	p0 =	sne.s32 s2, s24  }
.Ltmp19:
0x763: {  	_ = 	snop;
	(pc) =	sbr.rel @p0 .LBB2_1-.Ltmp19, $3  }
0x764: {  	_ =	sdelay $0x1  }
0x765: {  	[sflag:s8] =	ssyncset.done $0x0  }
0x766: {  	[sflag:s8] =	ssyncadd.s32 $0xFFFFE000  }
0x767: {  	_ =	sfence.sel $0x180000  }
0x768: {  	[bflag:$0x0] =	sbarrier.arrive $0xFFFF  }
0x769: {  	_ =	strace $0x90000047  }
0x76a: {  	s0 =	stileid.u32;
	[bflag:$0x2] =	sbarrier.arrive $0xFFFF  }
0x76b: {  	p0 =	sne.s32 s0, $0x0;
	s0 =	rddreg [dreg:$0x3]  }
0x76c: {  	s0 =	sadd.s32 @!p0 $0x100000, s0  }
0x76d: {  	[sflag:s0] =	ssyncadd.tile.s32 @!p0 $0x1;
	_ =	shalt  }
.Lfunc_end2:
_tile_overlayer_lowered:
.L_overlay_start_2:
0x76e: {  	(tag) =	ssettag $0x2  }
0x76f: {  	s0 =	rddreg [dreg:$0x0];
	s2 =	stileid.u32  }
0x770: {  	s1 =	rddreg [dreg:$0x1];
	p0 =	sne.s32 s2, $0x0  }
0x771: {  	s3 =	rddreg [dreg:$0x2];
	[bflag:$0x3] =	sbarrier.arrive $0xFFFF;
	s2 =	simm.s32 @!p0 $0x1C0D  }
0x772: {  	[timem:s3], [sflag:s2] =	dma.local @!p0 [hbm:s0], s1  }
0x773: {  	s0 =	simm.s32 @!p0 $0xD  }
0x774: {  	_ =	swait.ge @!p0 [sflag:s0], s1  }
0x775: {  	s1 =	ssub.s32 @!p0 $0x0, s1;
	[sflag:s0] =	ssyncset.done @!p0 $0x0  }
0x776: {  	[sflag:s0] =	ssyncadd.s32 @!p0 s1  }
0x777: {  	[bflag:$0x3] =	sbarrier.arrive $0xFFFF  }
0x778: {  	_ =	shalt  }

</sc_bundles>
